<compile_context>
chip_gen: v7x
topology: tpu7x:2x2x1
jax: 0.10.2.dev20260603
libtpu: 0.0.44.dev20260713+nightly
codegen_flags: <defaults>
</compile_context>

<pallas_src>
import functools

import jax
import jax.numpy as jnp
from jax import lax
from jax.experimental import pallas as pl
from jax.experimental.pallas import tpu as pltpu
from jax.experimental.pallas import tpu_sc as plsc


def kernel(tokenized_prompts, token_embedding, ctx):
    n_cls, ctx_len = tokenized_prompts.shape
    _, d = token_embedding.shape
    n_ctx = ctx.shape[0]

    NC, NS = 2, 16
    NW = NC * NS
    chunk = (-(-n_cls // NW) + 7) // 8 * 8

    mesh = plsc.VectorSubcoreMesh(
        core_axis_name="c", subcore_axis_name="s", num_cores=NC, num_subcores=NS
    )

    @functools.partial(
        pl.kernel,
        out_type=jax.ShapeDtypeStruct((ctx_len * n_cls, d), jnp.float32),
        mesh=mesh,
        scratch_types=[
            pltpu.VMEM((chunk, ctx_len), jnp.int32),
            pltpu.VMEM((3, ctx_len, d), jnp.float32),
            pltpu.VMEM((n_ctx, d), jnp.float32),
            pltpu.VMEM((3, ctx_len), jnp.int32),
            pltpu.SemaphoreType.DMA((3,)),
            pltpu.SemaphoreType.DMA((3,)),
        ],
    )
    def _k(tp_hbm, table_hbm, ctx_hbm, out_hbm, idx_v, rows_v, ctx_v, rid_v, sem, sem2):
        w = lax.axis_index("s") * NC + lax.axis_index("c")
        start = w * chunk
        cnt = jnp.clip(n_cls - start, 0, chunk)
        stage = jnp.minimum(start, n_cls - chunk)
        off = start - stage
        pltpu.sync_copy(ctx_hbm, ctx_v)
        pltpu.sync_copy(tp_hbm.at[pl.ds(stage, chunk)], idx_v)

        iota16 = lax.iota(jnp.int32, 16)

        def gather(j, b):
            return pltpu.make_async_copy(
                table_hbm.at[idx_v.at[off + j]], rows_v.at[b], sem.at[b]
            )

        def scatter(j, b):
            return pltpu.make_async_copy(
                rows_v.at[b], out_hbm.at[rid_v.at[b]], sem2.at[b]
            )

        @pl.when(cnt > 0)
        def _run():
            gather(0, 0).start()

            @pl.when(cnt > 1)
            def _():
                gather(1, 1).start()

            def body(j, carry):
                b = lax.rem(j, 3)
                c_abs = start + j
                gather(j, b).wait()
                for r in range(n_ctx):
                    for k in range(d // 16):
                        rows_v[b, 1 + r, pl.ds(16 * k, 16)] = ctx_v[r, pl.ds(16 * k, 16)]
                for k0 in range(0, ctx_len - 16, 16):
                    rid_v[b, pl.ds(k0, 16)] = (k0 + iota16) * n_cls + c_abs
                k0 = ctx_len - 16
                rid_v[b, pl.ds(k0, 16)] = (k0 + iota16) * n_cls + c_abs
                scatter(j, b).start()

                @pl.when(j + 2 < cnt)
                def _():
                    bn = lax.rem(j + 2, 3)

                    @pl.when(j > 0)
                    def _():
                        scatter(j - 1, bn).wait()

                    gather(j + 2, bn).start()

                return carry

            lax.fori_loop(0, cnt, body, 0)

            @pl.when(cnt > 2)
            def _():
                scatter(cnt - 3, lax.rem(cnt - 3, 3)).wait()

            @pl.when(cnt > 1)
            def _():
                scatter(cnt - 2, lax.rem(cnt - 2, 3)).wait()

            scatter(cnt - 1, lax.rem(cnt - 1, 3)).wait()

    res = _k(tokenized_prompts, token_embedding, ctx)
    return res.reshape(ctx_len, n_cls, d).transpose(1, 0, 2)

# --- scband reference (transcript-rebuilt; emitter-appended) ---
"""Pipeline reference for scband-prompt-learner-81415400063642 (READ-ONLY COPY).

The authoritative reference and input builder live on the scoring server;
editing this copy changes nothing except your own understanding.
"""

import jax, jax.numpy as jnp
import numpy as np

N_CTX = 4  # number of learnable context tokens ('a video of action')

def setup_inputs(seed: int = 0) -> dict:
    key = jax.random.key(seed)
    k1, k2, k3 = jax.random.split(key, 3)
    n_cls, ctx_len, vocab, d_model = 1000, 77, 49408, 512
    tokenized_prompts = jax.random.randint(k1, (n_cls, ctx_len), 0, vocab, dtype=jnp.int32)
    token_embedding = jax.random.normal(k2, (vocab, d_model), dtype=jnp.float32)
    ctx = jax.random.normal(k3, (N_CTX, d_model), dtype=jnp.float32)
    return {"tokenized_prompts": tokenized_prompts, "token_embedding": token_embedding, "ctx": ctx}

def reference(tokenized_prompts, token_embedding, ctx):
    # embedding = model.text.token_embedding(tokenized_prompts)  (no_grad in original)
    embedding = jnp.take(token_embedding, tokenized_prompts, axis=0)  # [n_cls, 77, d]
    prefix = embedding[:, :1, :]                  # SOS token embedding  [n_cls, 1, d]
    suffix = embedding[:, 1 + N_CTX:, :]          # class tokens + EOS   [n_cls, 77-1-n_ctx, d]
    n_cls = tokenized_prompts.shape[0]
    # ctx.dim() == 2 -> unsqueeze(0).expand(n_cls, -1, -1)
    ctx_exp = jnp.broadcast_to(ctx[None, :, :], (n_cls, N_CTX, ctx.shape[-1]))
    prompts = jnp.concatenate([prefix, ctx_exp, suffix], axis=1)  # [n_cls, 77, d]
    return prompts

if __name__ == "__main__":
    import jax
    _d = setup_inputs()
    print(jax.jit(kernel)(*tuple(_d.values())))

</pallas_src>

<mosaic_0001>
#map = affine_map<(d0, d1) -> (0, 0)>
module attributes {stable_mosaic.version = 14 : i64} {
  func.func @_k(%arg0: i32, %arg1: i32, %arg2: memref<1000x77xi32, #tpu.memory_space<hbm>>, %arg3: memref<49408x512xf32, #tpu.memory_space<hbm>>, %arg4: memref<4x512xf32, #tpu.memory_space<hbm>>, %arg5: memref<77000x512xf32, #tpu.memory_space<hbm>>, %arg6: memref<32x77xi32, #tpu.memory_space<vmem>>, %arg7: memref<3x77x512xf32, #tpu.memory_space<vmem>>, %arg8: memref<4x512xf32, #tpu.memory_space<vmem>>, %arg9: memref<3x77xi32, #tpu.memory_space<vmem>>, %arg10: memref<3x!tpu.dma_semaphore, #tpu.memory_space<semaphore_mem>>, %arg11: memref<3x!tpu.dma_semaphore, #tpu.memory_space<semaphore_mem>>) attributes {dimension_semantics = [#tpu.dimension_semantics<core_parallel>, #tpu.dimension_semantics<subcore_parallel>], iteration_bounds = array<i64: 2, 16>, scalar_prefetch = 0 : i64, scratch_operands = 6 : i64, tpu.core_type = #tpu.core_type<sc_vector_subcore>, window_params = [{transform_indices = #map}, {transform_indices = #map}, {transform_indices = #map}, {transform_indices = #map}]} {
    %mul3A = arith.constant 2 : i32
    %mul3A_0 = arith.muli %arg1, %mul3A : i32
    %add3A = arith.addi %mul3A_0, %arg0 : i32
    %mul3A_1 = arith.constant 32 : i32
    %mul3A_2 = arith.muli %add3A, %mul3A_1 : i32
    %sub3A = arith.constant 1000 : i32
    %sub3A_3 = arith.subi %sub3A, %mul3A_2 : i32
    %jit3A = arith.constant 0 : i32
    %jit3A_4 = arith.constant 32 : i32
    %max3A = arith.maxsi %jit3A, %sub3A_3 : i32
    %min3A = arith.minsi %jit3A_4, %max3A : i32
    %min3A_5 = arith.constant 968 : i32
    %min3A_6 = arith.minsi %mul3A_2, %min3A_5 : i32
    %sub3A_7 = arith.subi %mul3A_2, %min3A_6 : i32
    "tpu.region"() ({
      %run_scoped3A = tpu.sem_alloc : memref<!tpu.dma_semaphore, #tpu.memory_space<semaphore_mem>>
      tpu.enqueue_dma source(%arg4 : memref<4x512xf32, #tpu.memory_space<hbm>>) target(%arg8 : memref<4x512xf32, #tpu.memory_space<vmem>>) target_semaphore(%run_scoped3A : memref<!tpu.dma_semaphore, #tpu.memory_space<semaphore_mem>>)
      tpu.wait_dma2 semaphore(%run_scoped3A : memref<!tpu.dma_semaphore, #tpu.memory_space<semaphore_mem>>) src(%arg4 : memref<4x512xf32, #tpu.memory_space<hbm>>) dst(%arg8 : memref<4x512xf32, #tpu.memory_space<vmem>>)
      tpu.yield
    }) : () -> ()
    "tpu.region"() ({
      %run_scoped3A = tpu.sem_alloc : memref<!tpu.dma_semaphore, #tpu.memory_space<semaphore_mem>>
      %dma_start3A = arith.constant 0 : i32
      %dma_start3A_10 = tpu.memref_slice %arg2[%min3A_6, %dma_start3A] : memref<1000x77xi32, #tpu.memory_space<hbm>> -> memref<32x77xi32, #tpu.memory_space<hbm>>
      %dma_start3A_11 = arith.constant 0 : i32
      %dma_start3A_12 = tpu.memref_slice %arg2[%min3A_6, %dma_start3A_11] : memref<1000x77xi32, #tpu.memory_space<hbm>> -> memref<32x77xi32, #tpu.memory_space<hbm>>
      tpu.enqueue_dma source(%dma_start3A_12 : memref<32x77xi32, #tpu.memory_space<hbm>>) target(%arg6 : memref<32x77xi32, #tpu.memory_space<vmem>>) target_semaphore(%run_scoped3A : memref<!tpu.dma_semaphore, #tpu.memory_space<semaphore_mem>>)
      %dma_wait3A = arith.constant 0 : i32
      %dma_wait3A_13 = tpu.memref_slice %arg2[%min3A_6, %dma_wait3A] : memref<1000x77xi32, #tpu.memory_space<hbm>> -> memref<32x77xi32, #tpu.memory_space<hbm>>
      %dma_wait3A_14 = arith.constant 0 : i32
      %dma_wait3A_15 = tpu.memref_slice %arg2[%min3A_6, %dma_wait3A_14] : memref<1000x77xi32, #tpu.memory_space<hbm>> -> memref<32x77xi32, #tpu.memory_space<hbm>>
      tpu.wait_dma2 semaphore(%run_scoped3A : memref<!tpu.dma_semaphore, #tpu.memory_space<semaphore_mem>>) src(%dma_wait3A_15 : memref<32x77xi32, #tpu.memory_space<hbm>>) dst(%arg6 : memref<32x77xi32, #tpu.memory_space<vmem>>)
      tpu.yield
    }) : () -> ()
    %iota3A = tpu.iota {dimensions = array<i32: 0>} : vector<16xi32>
    %gt3A = arith.constant 0 : i32
    %gt3A_8 = arith.cmpi sgt, %min3A, %gt3A : i32
    %convert_element_type3A = arith.extui %gt3A_8 : i1 to i32
    %cond3A = arith.constant 0 : i32
    %cond3A_9 = arith.cmpi ne, %convert_element_type3A, %cond3A : i32
    scf.if %cond3A_9 {
      %add3A_10 = arith.constant 0 : i32
      %add3A_11 = arith.addi %sub3A_7, %add3A_10 : i32
      %dma_start3A = arith.constant 0 : i32
      %dma_start3A_12 = arith.constant 0 : i32
      %dma_start3A_13 = arith.constant 0 : i32
      %dma_start3A_14 = arith.constant 0 : i32
      %dma_start3A_15 = tpu.memref_slice %arg7[%dma_start3A, %dma_start3A_13, %dma_start3A_14] : memref<3x77x512xf32, #tpu.memory_space<vmem>> -> memref<1x77x512xf32, #tpu.memory_space<vmem>>
      %dma_start3A_16 = tpu.memref_squeeze %dma_start3A_15 : memref<1x77x512xf32, #tpu.memory_space<vmem>> -> memref<77x512xf32, #tpu.memory_space<vmem>>
      %dma_start3A_17 = arith.constant 0 : i32
      %dma_start3A_18 = tpu.memref_slice %arg6[%add3A_11, %dma_start3A_17] : memref<32x77xi32, #tpu.memory_space<vmem>> -> memref<1x77xi32, #tpu.memory_space<vmem>>
      %dma_start3A_19 = tpu.memref_squeeze %dma_start3A_18 : memref<1x77xi32, #tpu.memory_space<vmem>> -> memref<77xi32, #tpu.memory_space<vmem>>
      %dma_start3A_20 = arith.constant 0 : i32
      %dma_start3A_21 = arith.constant 0 : i32
      %dma_start3A_22 = tpu.memref_slice %arg3[%dma_start3A_20, %dma_start3A_21] : memref<49408x512xf32, #tpu.memory_space<hbm>> -> memref<49408x512xf32, #tpu.memory_space<hbm>>
      %dma_start3A_23 = tpu.memref_slice %arg10[%dma_start3A_12] : memref<3x!tpu.dma_semaphore, #tpu.memory_space<semaphore_mem>> -> memref<1x!tpu.dma_semaphore, #tpu.memory_space<semaphore_mem>>
      %dma_start3A_24 = tpu.memref_squeeze %dma_start3A_23 : memref<1x!tpu.dma_semaphore, #tpu.memory_space<semaphore_mem>> -> memref<!tpu.dma_semaphore, #tpu.memory_space<semaphore_mem>>
      tpu.enqueue_indirect_dma source(%dma_start3A_22 : memref<49408x512xf32, #tpu.memory_space<hbm>>) target(%dma_start3A_16 : memref<77x512xf32, #tpu.memory_space<vmem>>) offsets(%dma_start3A_19 : memref<77xi32, #tpu.memory_space<vmem>>) semaphore(%dma_start3A_24 : memref<!tpu.dma_semaphore, #tpu.memory_space<semaphore_mem>>)
      %gt3A_25 = arith.constant 1 : i32
      %gt3A_26 = arith.cmpi sgt, %min3A, %gt3A_25 : i32
      %convert_element_type3A_27 = arith.extui %gt3A_26 : i1 to i32
      %cond3A_28 = arith.constant 0 : i32
      %cond3A_29 = arith.cmpi ne, %convert_element_type3A_27, %cond3A_28 : i32
      scf.if %cond3A_29 {
        %add3A_65 = arith.constant 1 : i32
        %add3A_66 = arith.addi %sub3A_7, %add3A_65 : i32
        %dma_start3A_67 = arith.constant 1 : i32
        %dma_start3A_68 = arith.constant 1 : i32
        %dma_start3A_69 = arith.constant 0 : i32
        %dma_start3A_70 = arith.constant 0 : i32
        %dma_start3A_71 = tpu.memref_slice %arg7[%dma_start3A_67, %dma_start3A_69, %dma_start3A_70] : memref<3x77x512xf32, #tpu.memory_space<vmem>> -> memref<1x77x512xf32, #tpu.memory_space<vmem>>
        %dma_start3A_72 = tpu.memref_squeeze %dma_start3A_71 : memref<1x77x512xf32, #tpu.memory_space<vmem>> -> memref<77x512xf32, #tpu.memory_space<vmem>>
        %dma_start3A_73 = arith.constant 0 : i32
        %dma_start3A_74 = tpu.memref_slice %arg6[%add3A_66, %dma_start3A_73] : memref<32x77xi32, #tpu.memory_space<vmem>> -> memref<1x77xi32, #tpu.memory_space<vmem>>
        %dma_start3A_75 = tpu.memref_squeeze %dma_start3A_74 : memref<1x77xi32, #tpu.memory_space<vmem>> -> memref<77xi32, #tpu.memory_space<vmem>>
        %dma_start3A_76 = arith.constant 0 : i32
        %dma_start3A_77 = arith.constant 0 : i32
        %dma_start3A_78 = tpu.memref_slice %arg3[%dma_start3A_76, %dma_start3A_77] : memref<49408x512xf32, #tpu.memory_space<hbm>> -> memref<49408x512xf32, #tpu.memory_space<hbm>>
        %dma_start3A_79 = tpu.memref_slice %arg10[%dma_start3A_68] : memref<3x!tpu.dma_semaphore, #tpu.memory_space<semaphore_mem>> -> memref<1x!tpu.dma_semaphore, #tpu.memory_space<semaphore_mem>>
        %dma_start3A_80 = tpu.memref_squeeze %dma_start3A_79 : memref<1x!tpu.dma_semaphore, #tpu.memory_space<semaphore_mem>> -> memref<!tpu.dma_semaphore, #tpu.memory_space<semaphore_mem>>
        tpu.enqueue_indirect_dma source(%dma_start3A_78 : memref<49408x512xf32, #tpu.memory_space<hbm>>) target(%dma_start3A_72 : memref<77x512xf32, #tpu.memory_space<vmem>>) offsets(%dma_start3A_75 : memref<77xi32, #tpu.memory_space<vmem>>) semaphore(%dma_start3A_80 : memref<!tpu.dma_semaphore, #tpu.memory_space<semaphore_mem>>)
      } else {
      }
      %while3A = arith.constant 0 : i32
      %while3A_30 = arith.constant 0 : i32
      %while3A_31 = arith.subi %min3A, %while3A_30 : i32
      %while3A_32 = arith.addi %while3A_30, %while3A_31 : i32
      %while3A_33 = arith.constant 1 : i32
      %while3A_34 = arith.divsi %while3A_31, %while3A_33 : i32
      %while3A_35 = arith.muli %while3A_34, %while3A_33 : i32
      %while3A_36 = arith.addi %while3A_30, %while3A_35 : i32
      %while3A_37 = arith.constant 1 : i32
      scf.for %while3A_65 = %while3A_30 to %while3A_36 step %while3A_37  : i32 {
        %rem3A_66 = arith.constant 3 : i32
        %rem3A_67 = arith.remsi %while3A_65, %rem3A_66 : i32
        %add3A_68 = arith.addi %mul3A_2, %while3A_65 : i32
        %add3A_69 = arith.addi %sub3A_7, %while3A_65 : i32
        %dma_wait3A_70 = arith.constant 0 : i32
        %dma_wait3A_71 = arith.constant 0 : i32
        %dma_wait3A_72 = tpu.memref_slice %arg7[%rem3A_67, %dma_wait3A_70, %dma_wait3A_71] : memref<3x77x512xf32, #tpu.memory_space<vmem>> -> memref<1x77x512xf32, #tpu.memory_space<vmem>>
        %dma_wait3A_73 = tpu.memref_squeeze %dma_wait3A_72 : memref<1x77x512xf32, #tpu.memory_space<vmem>> -> memref<77x512xf32, #tpu.memory_space<vmem>>
        %dma_wait3A_74 = arith.constant 0 : i32
        %dma_wait3A_75 = tpu.memref_slice %arg6[%add3A_69, %dma_wait3A_74] : memref<32x77xi32, #tpu.memory_space<vmem>> -> memref<1x77xi32, #tpu.memory_space<vmem>>
        %dma_wait3A_76 = tpu.memref_squeeze %dma_wait3A_75 : memref<1x77xi32, #tpu.memory_space<vmem>> -> memref<77xi32, #tpu.memory_space<vmem>>
        %dma_wait3A_77 = arith.constant 0 : i32
        %dma_wait3A_78 = arith.constant 0 : i32
        %dma_wait3A_79 = tpu.memref_slice %arg3[%dma_wait3A_77, %dma_wait3A_78] : memref<49408x512xf32, #tpu.memory_space<hbm>> -> memref<49408x512xf32, #tpu.memory_space<hbm>>
        %dma_wait3A_80 = tpu.memref_slice %arg10[%rem3A_67] : memref<3x!tpu.dma_semaphore, #tpu.memory_space<semaphore_mem>> -> memref<1x!tpu.dma_semaphore, #tpu.memory_space<semaphore_mem>>
        %dma_wait3A_81 = tpu.memref_squeeze %dma_wait3A_80 : memref<1x!tpu.dma_semaphore, #tpu.memory_space<semaphore_mem>> -> memref<!tpu.dma_semaphore, #tpu.memory_space<semaphore_mem>>
        tpu.wait_indirect_dma semaphore(%dma_wait3A_81 : memref<!tpu.dma_semaphore, #tpu.memory_space<semaphore_mem>>) src(%dma_wait3A_79 : memref<49408x512xf32, #tpu.memory_space<hbm>>) dst(%dma_wait3A_73 : memref<77x512xf32, #tpu.memory_space<vmem>>)
        %get3A = arith.constant 0 : i32
        %get3A_82 = arith.index_cast %get3A : i32 to index
        %get3A_83 = arith.constant 0 : index
        %get3A_84 = tpu.vector_load %arg8[%get3A_82, %get3A_83] {strides = array<i32>} : memref<4x512xf32, #tpu.memory_space<vmem>>, vector<1x16xf32>,
        %get3A_85 = vector.shape_cast %get3A_84 : vector<1x16xf32> to vector<16xf32>
        %swap3A = arith.constant 1 : i32
        %swap3A_86 = arith.index_cast %rem3A_67 : i32 to index
        %swap3A_87 = arith.index_cast %swap3A : i32 to index
        %swap3A_88 = arith.constant 0 : index
        %swap3A_89 = tpu.vector_load %arg7[%swap3A_86, %swap3A_87, %swap3A_88] {strides = array<i32>} : memref<3x77x512xf32, #tpu.memory_space<vmem>>, vector<1x1x16xf32>,
        %swap3A_90 = vector.shape_cast %swap3A_89 : vector<1x1x16xf32> to vector<16xf32>
        %swap3A_91 = vector.shape_cast %get3A_85 : vector<16xf32> to vector<1x1x16xf32>
        tpu.vector_store %arg7[%swap3A_86, %swap3A_87, %swap3A_88], %swap3A_91 {strides = array<i32>} : memref<3x77x512xf32, #tpu.memory_space<vmem>>, vector<1x1x16xf32>,
        %get3A_92 = arith.constant 0 : i32
        %get3A_93 = arith.index_cast %get3A_92 : i32 to index
        %get3A_94 = arith.constant 16 : index
        %get3A_95 = tpu.vector_load %arg8[%get3A_93, %get3A_94] {strides = array<i32>} : memref<4x512xf32, #tpu.memory_space<vmem>>, vector<1x16xf32>,
        %get3A_96 = vector.shape_cast %get3A_95 : vector<1x16xf32> to vector<16xf32>
        %swap3A_97 = arith.constant 1 : i32
        %swap3A_98 = arith.index_cast %rem3A_67 : i32 to index
        %swap3A_99 = arith.index_cast %swap3A_97 : i32 to index
        %swap3A_100 = arith.constant 16 : index
        %swap3A_101 = tpu.vector_load %arg7[%swap3A_98, %swap3A_99, %swap3A_100] {strides = array<i32>} : memref<3x77x512xf32, #tpu.memory_space<vmem>>, vector<1x1x16xf32>,
        %swap3A_102 = vector.shape_cast %swap3A_101 : vector<1x1x16xf32> to vector<16xf32>
        %swap3A_103 = vector.shape_cast %get3A_96 : vector<16xf32> to vector<1x1x16xf32>
        tpu.vector_store %arg7[%swap3A_98, %swap3A_99, %swap3A_100], %swap3A_103 {strides = array<i32>} : memref<3x77x512xf32, #tpu.memory_space<vmem>>, vector<1x1x16xf32>,
        %get3A_104 = arith.constant 0 : i32
        %get3A_105 = arith.index_cast %get3A_104 : i32 to index
        %get3A_106 = arith.constant 32 : index
        %get3A_107 = tpu.vector_load %arg8[%get3A_105, %get3A_106] {strides = array<i32>} : memref<4x512xf32, #tpu.memory_space<vmem>>, vector<1x16xf32>,
        %get3A_108 = vector.shape_cast %get3A_107 : vector<1x16xf32> to vector<16xf32>
        %swap3A_109 = arith.constant 1 : i32
        %swap3A_110 = arith.index_cast %rem3A_67 : i32 to index
        %swap3A_111 = arith.index_cast %swap3A_109 : i32 to index
        %swap3A_112 = arith.constant 32 : index
        %swap3A_113 = tpu.vector_load %arg7[%swap3A_110, %swap3A_111, %swap3A_112] {strides = array<i32>} : memref<3x77x512xf32, #tpu.memory_space<vmem>>, vector<1x1x16xf32>,
        %swap3A_114 = vector.shape_cast %swap3A_113 : vector<1x1x16xf32> to vector<16xf32>
        %swap3A_115 = vector.shape_cast %get3A_108 : vector<16xf32> to vector<1x1x16xf32>
        tpu.vector_store %arg7[%swap3A_110, %swap3A_111, %swap3A_112], %swap3A_115 {strides = array<i32>} : memref<3x77x512xf32, #tpu.memory_space<vmem>>, vector<1x1x16xf32>,
        %get3A_116 = arith.constant 0 : i32
        %get3A_117 = arith.index_cast %get3A_116 : i32 to index
        %get3A_118 = arith.constant 48 : index
        %get3A_119 = tpu.vector_load %arg8[%get3A_117, %get3A_118] {strides = array<i32>} : memref<4x512xf32, #tpu.memory_space<vmem>>, vector<1x16xf32>,
        %get3A_120 = vector.shape_cast %get3A_119 : vector<1x16xf32> to vector<16xf32>
        %swap3A_121 = arith.constant 1 : i32
        %swap3A_122 = arith.index_cast %rem3A_67 : i32 to index
        %swap3A_123 = arith.index_cast %swap3A_121 : i32 to index
        %swap3A_124 = arith.constant 48 : index
        %swap3A_125 = tpu.vector_load %arg7[%swap3A_122, %swap3A_123, %swap3A_124] {strides = array<i32>} : memref<3x77x512xf32, #tpu.memory_space<vmem>>, vector<1x1x16xf32>,
        %swap3A_126 = vector.shape_cast %swap3A_125 : vector<1x1x16xf32> to vector<16xf32>
        %swap3A_127 = vector.shape_cast %get3A_120 : vector<16xf32> to vector<1x1x16xf32>
        tpu.vector_store %arg7[%swap3A_122, %swap3A_123, %swap3A_124], %swap3A_127 {strides = array<i32>} : memref<3x77x512xf32, #tpu.memory_space<vmem>>, vector<1x1x16xf32>,
        %get3A_128 = arith.constant 0 : i32
        %get3A_129 = arith.index_cast %get3A_128 : i32 to index
        %get3A_130 = arith.constant 64 : index
        %get3A_131 = tpu.vector_load %arg8[%get3A_129, %get3A_130] {strides = array<i32>} : memref<4x512xf32, #tpu.memory_space<vmem>>, vector<1x16xf32>,
        %get3A_132 = vector.shape_cast %get3A_131 : vector<1x16xf32> to vector<16xf32>
        %swap3A_133 = arith.constant 1 : i32
        %swap3A_134 = arith.index_cast %rem3A_67 : i32 to index
        %swap3A_135 = arith.index_cast %swap3A_133 : i32 to index
        %swap3A_136 = arith.constant 64 : index
        %swap3A_137 = tpu.vector_load %arg7[%swap3A_134, %swap3A_135, %swap3A_136] {strides = array<i32>} : memref<3x77x512xf32, #tpu.memory_space<vmem>>, vector<1x1x16xf32>,
        %swap3A_138 = vector.shape_cast %swap3A_137 : vector<1x1x16xf32> to vector<16xf32>
        %swap3A_139 = vector.shape_cast %get3A_132 : vector<16xf32> to vector<1x1x16xf32>
        tpu.vector_store %arg7[%swap3A_134, %swap3A_135, %swap3A_136], %swap3A_139 {strides = array<i32>} : memref<3x77x512xf32, #tpu.memory_space<vmem>>, vector<1x1x16xf32>,
        %get3A_140 = arith.constant 0 : i32
        %get3A_141 = arith.index_cast %get3A_140 : i32 to index
        %get3A_142 = arith.constant 80 : index
        %get3A_143 = tpu.vector_load %arg8[%get3A_141, %get3A_142] {strides = array<i32>} : memref<4x512xf32, #tpu.memory_space<vmem>>, vector<1x16xf32>,
        %get3A_144 = vector.shape_cast %get3A_143 : vector<1x16xf32> to vector<16xf32>
        %swap3A_145 = arith.constant 1 : i32
        %swap3A_146 = arith.index_cast %rem3A_67 : i32 to index
        %swap3A_147 = arith.index_cast %swap3A_145 : i32 to index
        %swap3A_148 = arith.constant 80 : index
        %swap3A_149 = tpu.vector_load %arg7[%swap3A_146, %swap3A_147, %swap3A_148] {strides = array<i32>} : memref<3x77x512xf32, #tpu.memory_space<vmem>>, vector<1x1x16xf32>,
        %swap3A_150 = vector.shape_cast %swap3A_149 : vector<1x1x16xf32> to vector<16xf32>
        %swap3A_151 = vector.shape_cast %get3A_144 : vector<16xf32> to vector<1x1x16xf32>
        tpu.vector_store %arg7[%swap3A_146, %swap3A_147, %swap3A_148], %swap3A_151 {strides = array<i32>} : memref<3x77x512xf32, #tpu.memory_space<vmem>>, vector<1x1x16xf32>,
        %get3A_152 = arith.constant 0 : i32
        %get3A_153 = arith.index_cast %get3A_152 : i32 to index
        %get3A_154 = arith.constant 96 : index
        %get3A_155 = tpu.vector_load %arg8[%get3A_153, %get3A_154] {strides = array<i32>} : memref<4x512xf32, #tpu.memory_space<vmem>>, vector<1x16xf32>,
        %get3A_156 = vector.shape_cast %get3A_155 : vector<1x16xf32> to vector<16xf32>
        %swap3A_157 = arith.constant 1 : i32
        %swap3A_158 = arith.index_cast %rem3A_67 : i32 to index
        %swap3A_159 = arith.index_cast %swap3A_157 : i32 to index
        %swap3A_160 = arith.constant 96 : index
        %swap3A_161 = tpu.vector_load %arg7[%swap3A_158, %swap3A_159, %swap3A_160] {strides = array<i32>} : memref<3x77x512xf32, #tpu.memory_space<vmem>>, vector<1x1x16xf32>,
        %swap3A_162 = vector.shape_cast %swap3A_161 : vector<1x1x16xf32> to vector<16xf32>
        %swap3A_163 = vector.shape_cast %get3A_156 : vector<16xf32> to vector<1x1x16xf32>
        tpu.vector_store %arg7[%swap3A_158, %swap3A_159, %swap3A_160], %swap3A_163 {strides = array<i32>} : memref<3x77x512xf32, #tpu.memory_space<vmem>>, vector<1x1x16xf32>,
        %get3A_164 = arith.constant 0 : i32
        %get3A_165 = arith.index_cast %get3A_164 : i32 to index
        %get3A_166 = arith.constant 112 : index
        %get3A_167 = tpu.vector_load %arg8[%get3A_165, %get3A_166] {strides = array<i32>} : memref<4x512xf32, #tpu.memory_space<vmem>>, vector<1x16xf32>,
        %get3A_168 = vector.shape_cast %get3A_167 : vector<1x16xf32> to vector<16xf32>
        %swap3A_169 = arith.constant 1 : i32
        %swap3A_170 = arith.index_cast %rem3A_67 : i32 to index
        %swap3A_171 = arith.index_cast %swap3A_169 : i32 to index
        %swap3A_172 = arith.constant 112 : index
        %swap3A_173 = tpu.vector_load %arg7[%swap3A_170, %swap3A_171, %swap3A_172] {strides = array<i32>} : memref<3x77x512xf32, #tpu.memory_space<vmem>>, vector<1x1x16xf32>,
        %swap3A_174 = vector.shape_cast %swap3A_173 : vector<1x1x16xf32> to vector<16xf32>
        %swap3A_175 = vector.shape_cast %get3A_168 : vector<16xf32> to vector<1x1x16xf32>
        tpu.vector_store %arg7[%swap3A_170, %swap3A_171, %swap3A_172], %swap3A_175 {strides = array<i32>} : memref<3x77x512xf32, #tpu.memory_space<vmem>>, vector<1x1x16xf32>,
        %get3A_176 = arith.constant 0 : i32
        %get3A_177 = arith.index_cast %get3A_176 : i32 to index
        %get3A_178 = arith.constant 128 : index
        %get3A_179 = tpu.vector_load %arg8[%get3A_177, %get3A_178] {strides = array<i32>} : memref<4x512xf32, #tpu.memory_space<vmem>>, vector<1x16xf32>,
        %get3A_180 = vector.shape_cast %get3A_179 : vector<1x16xf32> to vector<16xf32>
        %swap3A_181 = arith.constant 1 : i32
        %swap3A_182 = arith.index_cast %rem3A_67 : i32 to index
        %swap3A_183 = arith.index_cast %swap3A_181 : i32 to index
        %swap3A_184 = arith.constant 128 : index
        %swap3A_185 = tpu.vector_load %arg7[%swap3A_182, %swap3A_183, %swap3A_184] {strides = array<i32>} : memref<3x77x512xf32, #tpu.memory_space<vmem>>, vector<1x1x16xf32>,
        %swap3A_186 = vector.shape_cast %swap3A_185 : vector<1x1x16xf32> to vector<16xf32>
        %swap3A_187 = vector.shape_cast %get3A_180 : vector<16xf32> to vector<1x1x16xf32>
        tpu.vector_store %arg7[%swap3A_182, %swap3A_183, %swap3A_184], %swap3A_187 {strides = array<i32>} : memref<3x77x512xf32, #tpu.memory_space<vmem>>, vector<1x1x16xf32>,
        %get3A_188 = arith.constant 0 : i32
        %get3A_189 = arith.index_cast %get3A_188 : i32 to index
        %get3A_190 = arith.constant 144 : index
        %get3A_191 = tpu.vector_load %arg8[%get3A_189, %get3A_190] {strides = array<i32>} : memref<4x512xf32, #tpu.memory_space<vmem>>, vector<1x16xf32>,
        %get3A_192 = vector.shape_cast %get3A_191 : vector<1x16xf32> to vector<16xf32>
        %swap3A_193 = arith.constant 1 : i32
        %swap3A_194 = arith.index_cast %rem3A_67 : i32 to index
        %swap3A_195 = arith.index_cast %swap3A_193 : i32 to index
        %swap3A_196 = arith.constant 144 : index
        %swap3A_197 = tpu.vector_load %arg7[%swap3A_194, %swap3A_195, %swap3A_196] {strides = array<i32>} : memref<3x77x512xf32, #tpu.memory_space<vmem>>, vector<1x1x16xf32>,
        %swap3A_198 = vector.shape_cast %swap3A_197 : vector<1x1x16xf32> to vector<16xf32>
        %swap3A_199 = vector.shape_cast %get3A_192 : vector<16xf32> to vector<1x1x16xf32>
        tpu.vector_store %arg7[%swap3A_194, %swap3A_195, %swap3A_196], %swap3A_199 {strides = array<i32>} : memref<3x77x512xf32, #tpu.memory_space<vmem>>, vector<1x1x16xf32>,
        %get3A_200 = arith.constant 0 : i32
        %get3A_201 = arith.index_cast %get3A_200 : i32 to index
        %get3A_202 = arith.constant 160 : index
        %get3A_203 = tpu.vector_load %arg8[%get3A_201, %get3A_202] {strides = array<i32>} : memref<4x512xf32, #tpu.memory_space<vmem>>, vector<1x16xf32>,
        %get3A_204 = vector.shape_cast %get3A_203 : vector<1x16xf32> to vector<16xf32>
        %swap3A_205 = arith.constant 1 : i32
        %swap3A_206 = arith.index_cast %rem3A_67 : i32 to index
        %swap3A_207 = arith.index_cast %swap3A_205 : i32 to index
        %swap3A_208 = arith.constant 160 : index
        %swap3A_209 = tpu.vector_load %arg7[%swap3A_206, %swap3A_207, %swap3A_208] {strides = array<i32>} : memref<3x77x512xf32, #tpu.memory_space<vmem>>, vector<1x1x16xf32>,
        %swap3A_210 = vector.shape_cast %swap3A_209 : vector<1x1x16xf32> to vector<16xf32>
        %swap3A_211 = vector.shape_cast %get3A_204 : vector<16xf32> to vector<1x1x16xf32>
        tpu.vector_store %arg7[%swap3A_206, %swap3A_207, %swap3A_208], %swap3A_211 {strides = array<i32>} : memref<3x77x512xf32, #tpu.memory_space<vmem>>, vector<1x1x16xf32>,
        %get3A_212 = arith.constant 0 : i32
        %get3A_213 = arith.index_cast %get3A_212 : i32 to index
        %get3A_214 = arith.constant 176 : index
        %get3A_215 = tpu.vector_load %arg8[%get3A_213, %get3A_214] {strides = array<i32>} : memref<4x512xf32, #tpu.memory_space<vmem>>, vector<1x16xf32>,
        %get3A_216 = vector.shape_cast %get3A_215 : vector<1x16xf32> to vector<16xf32>
        %swap3A_217 = arith.constant 1 : i32
        %swap3A_218 = arith.index_cast %rem3A_67 : i32 to index
        %swap3A_219 = arith.index_cast %swap3A_217 : i32 to index
        %swap3A_220 = arith.constant 176 : index
        %swap3A_221 = tpu.vector_load %arg7[%swap3A_218, %swap3A_219, %swap3A_220] {strides = array<i32>} : memref<3x77x512xf32, #tpu.memory_space<vmem>>, vector<1x1x16xf32>,
        %swap3A_222 = vector.shape_cast %swap3A_221 : vector<1x1x16xf32> to vector<16xf32>
        %swap3A_223 = vector.shape_cast %get3A_216 : vector<16xf32> to vector<1x1x16xf32>
        tpu.vector_store %arg7[%swap3A_218, %swap3A_219, %swap3A_220], %swap3A_223 {strides = array<i32>} : memref<3x77x512xf32, #tpu.memory_space<vmem>>, vector<1x1x16xf32>,
        %get3A_224 = arith.constant 0 : i32
        %get3A_225 = arith.index_cast %get3A_224 : i32 to index
        %get3A_226 = arith.constant 192 : index
        %get3A_227 = tpu.vector_load %arg8[%get3A_225, %get3A_226] {strides = array<i32>} : memref<4x512xf32, #tpu.memory_space<vmem>>, vector<1x16xf32>,
        %get3A_228 = vector.shape_cast %get3A_227 : vector<1x16xf32> to vector<16xf32>
        %swap3A_229 = arith.constant 1 : i32
        %swap3A_230 = arith.index_cast %rem3A_67 : i32 to index
        %swap3A_231 = arith.index_cast %swap3A_229 : i32 to index
        %swap3A_232 = arith.constant 192 : index
        %swap3A_233 = tpu.vector_load %arg7[%swap3A_230, %swap3A_231, %swap3A_232] {strides = array<i32>} : memref<3x77x512xf32, #tpu.memory_space<vmem>>, vector<1x1x16xf32>,
        %swap3A_234 = vector.shape_cast %swap3A_233 : vector<1x1x16xf32> to vector<16xf32>
        %swap3A_235 = vector.shape_cast %get3A_228 : vector<16xf32> to vector<1x1x16xf32>
        tpu.vector_store %arg7[%swap3A_230, %swap3A_231, %swap3A_232], %swap3A_235 {strides = array<i32>} : memref<3x77x512xf32, #tpu.memory_space<vmem>>, vector<1x1x16xf32>,
        %get3A_236 = arith.constant 0 : i32
        %get3A_237 = arith.index_cast %get3A_236 : i32 to index
        %get3A_238 = arith.constant 208 : index
        %get3A_239 = tpu.vector_load %arg8[%get3A_237, %get3A_238] {strides = array<i32>} : memref<4x512xf32, #tpu.memory_space<vmem>>, vector<1x16xf32>,
        %get3A_240 = vector.shape_cast %get3A_239 : vector<1x16xf32> to vector<16xf32>
        %swap3A_241 = arith.constant 1 : i32
        %swap3A_242 = arith.index_cast %rem3A_67 : i32 to index
        %swap3A_243 = arith.index_cast %swap3A_241 : i32 to index
        %swap3A_244 = arith.constant 208 : index
        %swap3A_245 = tpu.vector_load %arg7[%swap3A_242, %swap3A_243, %swap3A_244] {strides = array<i32>} : memref<3x77x512xf32, #tpu.memory_space<vmem>>, vector<1x1x16xf32>,
        %swap3A_246 = vector.shape_cast %swap3A_245 : vector<1x1x16xf32> to vector<16xf32>
        %swap3A_247 = vector.shape_cast %get3A_240 : vector<16xf32> to vector<1x1x16xf32>
        tpu.vector_store %arg7[%swap3A_242, %swap3A_243, %swap3A_244], %swap3A_247 {strides = array<i32>} : memref<3x77x512xf32, #tpu.memory_space<vmem>>, vector<1x1x16xf32>,
        %get3A_248 = arith.constant 0 : i32
        %get3A_249 = arith.index_cast %get3A_248 : i32 to index
        %get3A_250 = arith.constant 224 : index
        %get3A_251 = tpu.vector_load %arg8[%get3A_249, %get3A_250] {strides = array<i32>} : memref<4x512xf32, #tpu.memory_space<vmem>>, vector<1x16xf32>,
        %get3A_252 = vector.shape_cast %get3A_251 : vector<1x16xf32> to vector<16xf32>
        %swap3A_253 = arith.constant 1 : i32
        %swap3A_254 = arith.index_cast %rem3A_67 : i32 to index
        %swap3A_255 = arith.index_cast %swap3A_253 : i32 to index
        %swap3A_256 = arith.constant 224 : index
        %swap3A_257 = tpu.vector_load %arg7[%swap3A_254, %swap3A_255, %swap3A_256] {strides = array<i32>} : memref<3x77x512xf32, #tpu.memory_space<vmem>>, vector<1x1x16xf32>,
        %swap3A_258 = vector.shape_cast %swap3A_257 : vector<1x1x16xf32> to vector<16xf32>
        %swap3A_259 = vector.shape_cast %get3A_252 : vector<16xf32> to vector<1x1x16xf32>
        tpu.vector_store %arg7[%swap3A_254, %swap3A_255, %swap3A_256], %swap3A_259 {strides = array<i32>} : memref<3x77x512xf32, #tpu.memory_space<vmem>>, vector<1x1x16xf32>,
        %get3A_260 = arith.constant 0 : i32
        %get3A_261 = arith.index_cast %get3A_260 : i32 to index
        %get3A_262 = arith.constant 240 : index
        %get3A_263 = tpu.vector_load %arg8[%get3A_261, %get3A_262] {strides = array<i32>} : memref<4x512xf32, #tpu.memory_space<vmem>>, vector<1x16xf32>,
        %get3A_264 = vector.shape_cast %get3A_263 : vector<1x16xf32> to vector<16xf32>
        %swap3A_265 = arith.constant 1 : i32
        %swap3A_266 = arith.index_cast %rem3A_67 : i32 to index
        %swap3A_267 = arith.index_cast %swap3A_265 : i32 to index
        %swap3A_268 = arith.constant 240 : index
        %swap3A_269 = tpu.vector_load %arg7[%swap3A_266, %swap3A_267, %swap3A_268] {strides = array<i32>} : memref<3x77x512xf32, #tpu.memory_space<vmem>>, vector<1x1x16xf32>,
        %swap3A_270 = vector.shape_cast %swap3A_269 : vector<1x1x16xf32> to vector<16xf32>
        %swap3A_271 = vector.shape_cast %get3A_264 : vector<16xf32> to vector<1x1x16xf32>
        tpu.vector_store %arg7[%swap3A_266, %swap3A_267, %swap3A_268], %swap3A_271 {strides = array<i32>} : memref<3x77x512xf32, #tpu.memory_space<vmem>>, vector<1x1x16xf32>,
        %get3A_272 = arith.constant 0 : i32
        %get3A_273 = arith.index_cast %get3A_272 : i32 to index
        %get3A_274 = arith.constant 256 : index
        %get3A_275 = tpu.vector_load %arg8[%get3A_273, %get3A_274] {strides = array<i32>} : memref<4x512xf32, #tpu.memory_space<vmem>>, vector<1x16xf32>,
        %get3A_276 = vector.shape_cast %get3A_275 : vector<1x16xf32> to vector<16xf32>
        %swap3A_277 = arith.constant 1 : i32
        %swap3A_278 = arith.index_cast %rem3A_67 : i32 to index
        %swap3A_279 = arith.index_cast %swap3A_277 : i32 to index
        %swap3A_280 = arith.constant 256 : index
        %swap3A_281 = tpu.vector_load %arg7[%swap3A_278, %swap3A_279, %swap3A_280] {strides = array<i32>} : memref<3x77x512xf32, #tpu.memory_space<vmem>>, vector<1x1x16xf32>,
        %swap3A_282 = vector.shape_cast %swap3A_281 : vector<1x1x16xf32> to vector<16xf32>
        %swap3A_283 = vector.shape_cast %get3A_276 : vector<16xf32> to vector<1x1x16xf32>
        tpu.vector_store %arg7[%swap3A_278, %swap3A_279, %swap3A_280], %swap3A_283 {strides = array<i32>} : memref<3x77x512xf32, #tpu.memory_space<vmem>>, vector<1x1x16xf32>,
        %get3A_284 = arith.constant 0 : i32
        %get3A_285 = arith.index_cast %get3A_284 : i32 to index
        %get3A_286 = arith.constant 272 : index
        %get3A_287 = tpu.vector_load %arg8[%get3A_285, %get3A_286] {strides = array<i32>} : memref<4x512xf32, #tpu.memory_space<vmem>>, vector<1x16xf32>,
        %get3A_288 = vector.shape_cast %get3A_287 : vector<1x16xf32> to vector<16xf32>
        %swap3A_289 = arith.constant 1 : i32
        %swap3A_290 = arith.index_cast %rem3A_67 : i32 to index
        %swap3A_291 = arith.index_cast %swap3A_289 : i32 to index
        %swap3A_292 = arith.constant 272 : index
        %swap3A_293 = tpu.vector_load %arg7[%swap3A_290, %swap3A_291, %swap3A_292] {strides = array<i32>} : memref<3x77x512xf32, #tpu.memory_space<vmem>>, vector<1x1x16xf32>,
        %swap3A_294 = vector.shape_cast %swap3A_293 : vector<1x1x16xf32> to vector<16xf32>
        %swap3A_295 = vector.shape_cast %get3A_288 : vector<16xf32> to vector<1x1x16xf32>
        tpu.vector_store %arg7[%swap3A_290, %swap3A_291, %swap3A_292], %swap3A_295 {strides = array<i32>} : memref<3x77x512xf32, #tpu.memory_space<vmem>>, vector<1x1x16xf32>,
        %get3A_296 = arith.constant 0 : i32
        %get3A_297 = arith.index_cast %get3A_296 : i32 to index
        %get3A_298 = arith.constant 288 : index
        %get3A_299 = tpu.vector_load %arg8[%get3A_297, %get3A_298] {strides = array<i32>} : memref<4x512xf32, #tpu.memory_space<vmem>>, vector<1x16xf32>,
        %get3A_300 = vector.shape_cast %get3A_299 : vector<1x16xf32> to vector<16xf32>
        %swap3A_301 = arith.constant 1 : i32
        %swap3A_302 = arith.index_cast %rem3A_67 : i32 to index
        %swap3A_303 = arith.index_cast %swap3A_301 : i32 to index
        %swap3A_304 = arith.constant 288 : index
        %swap3A_305 = tpu.vector_load %arg7[%swap3A_302, %swap3A_303, %swap3A_304] {strides = array<i32>} : memref<3x77x512xf32, #tpu.memory_space<vmem>>, vector<1x1x16xf32>,
        %swap3A_306 = vector.shape_cast %swap3A_305 : vector<1x1x16xf32> to vector<16xf32>
        %swap3A_307 = vector.shape_cast %get3A_300 : vector<16xf32> to vector<1x1x16xf32>
        tpu.vector_store %arg7[%swap3A_302, %swap3A_303, %swap3A_304], %swap3A_307 {strides = array<i32>} : memref<3x77x512xf32, #tpu.memory_space<vmem>>, vector<1x1x16xf32>,
        %get3A_308 = arith.constant 0 : i32
        %get3A_309 = arith.index_cast %get3A_308 : i32 to index
        %get3A_310 = arith.constant 304 : index
        %get3A_311 = tpu.vector_load %arg8[%get3A_309, %get3A_310] {strides = array<i32>} : memref<4x512xf32, #tpu.memory_space<vmem>>, vector<1x16xf32>,
        %get3A_312 = vector.shape_cast %get3A_311 : vector<1x16xf32> to vector<16xf32>
        %swap3A_313 = arith.constant 1 : i32
        %swap3A_314 = arith.index_cast %rem3A_67 : i32 to index
        %swap3A_315 = arith.index_cast %swap3A_313 : i32 to index
        %swap3A_316 = arith.constant 304 : index
        %swap3A_317 = tpu.vector_load %arg7[%swap3A_314, %swap3A_315, %swap3A_316] {strides = array<i32>} : memref<3x77x512xf32, #tpu.memory_space<vmem>>, vector<1x1x16xf32>,
        %swap3A_318 = vector.shape_cast %swap3A_317 : vector<1x1x16xf32> to vector<16xf32>
        %swap3A_319 = vector.shape_cast %get3A_312 : vector<16xf32> to vector<1x1x16xf32>
        tpu.vector_store %arg7[%swap3A_314, %swap3A_315, %swap3A_316], %swap3A_319 {strides = array<i32>} : memref<3x77x512xf32, #tpu.memory_space<vmem>>, vector<1x1x16xf32>,
        %get3A_320 = arith.constant 0 : i32
        %get3A_321 = arith.index_cast %get3A_320 : i32 to index
        %get3A_322 = arith.constant 320 : index
        %get3A_323 = tpu.vector_load %arg8[%get3A_321, %get3A_322] {strides = array<i32>} : memref<4x512xf32, #tpu.memory_space<vmem>>, vector<1x16xf32>,
        %get3A_324 = vector.shape_cast %get3A_323 : vector<1x16xf32> to vector<16xf32>
        %swap3A_325 = arith.constant 1 : i32
        %swap3A_326 = arith.index_cast %rem3A_67 : i32 to index
        %swap3A_327 = arith.index_cast %swap3A_325 : i32 to index
        %swap3A_328 = arith.constant 320 : index
        %swap3A_329 = tpu.vector_load %arg7[%swap3A_326, %swap3A_327, %swap3A_328] {strides = array<i32>} : memref<3x77x512xf32, #tpu.memory_space<vmem>>, vector<1x1x16xf32>,
        %swap3A_330 = vector.shape_cast %swap3A_329 : vector<1x1x16xf32> to vector<16xf32>
        %swap3A_331 = vector.shape_cast %get3A_324 : vector<16xf32> to vector<1x1x16xf32>
        tpu.vector_store %arg7[%swap3A_326, %swap3A_327, %swap3A_328], %swap3A_331 {strides = array<i32>} : memref<3x77x512xf32, #tpu.memory_space<vmem>>, vector<1x1x16xf32>,
        %get3A_332 = arith.constant 0 : i32
        %get3A_333 = arith.index_cast %get3A_332 : i32 to index
        %get3A_334 = arith.constant 336 : index
        %get3A_335 = tpu.vector_load %arg8[%get3A_333, %get3A_334] {strides = array<i32>} : memref<4x512xf32, #tpu.memory_space<vmem>>, vector<1x16xf32>,
        %get3A_336 = vector.shape_cast %get3A_335 : vector<1x16xf32> to vector<16xf32>
        %swap3A_337 = arith.constant 1 : i32
        %swap3A_338 = arith.index_cast %rem3A_67 : i32 to index
        %swap3A_339 = arith.index_cast %swap3A_337 : i32 to index
        %swap3A_340 = arith.constant 336 : index
        %swap3A_341 = tpu.vector_load %arg7[%swap3A_338, %swap3A_339, %swap3A_340] {strides = array<i32>} : memref<3x77x512xf32, #tpu.memory_space<vmem>>, vector<1x1x16xf32>,
        %swap3A_342 = vector.shape_cast %swap3A_341 : vector<1x1x16xf32> to vector<16xf32>
        %swap3A_343 = vector.shape_cast %get3A_336 : vector<16xf32> to vector<1x1x16xf32>
        tpu.vector_store %arg7[%swap3A_338, %swap3A_339, %swap3A_340], %swap3A_343 {strides = array<i32>} : memref<3x77x512xf32, #tpu.memory_space<vmem>>, vector<1x1x16xf32>,
        %get3A_344 = arith.constant 0 : i32
        %get3A_345 = arith.index_cast %get3A_344 : i32 to index
        %get3A_346 = arith.constant 352 : index
        %get3A_347 = tpu.vector_load %arg8[%get3A_345, %get3A_346] {strides = array<i32>} : memref<4x512xf32, #tpu.memory_space<vmem>>, vector<1x16xf32>,
        %get3A_348 = vector.shape_cast %get3A_347 : vector<1x16xf32> to vector<16xf32>
        %swap3A_349 = arith.constant 1 : i32
        %swap3A_350 = arith.index_cast %rem3A_67 : i32 to index
        %swap3A_351 = arith.index_cast %swap3A_349 : i32 to index
        %swap3A_352 = arith.constant 352 : index
        %swap3A_353 = tpu.vector_load %arg7[%swap3A_350, %swap3A_351, %swap3A_352] {strides = array<i32>} : memref<3x77x512xf32, #tpu.memory_space<vmem>>, vector<1x1x16xf32>,
        %swap3A_354 = vector.shape_cast %swap3A_353 : vector<1x1x16xf32> to vector<16xf32>
        %swap3A_355 = vector.shape_cast %get3A_348 : vector<16xf32> to vector<1x1x16xf32>
        tpu.vector_store %arg7[%swap3A_350, %swap3A_351, %swap3A_352], %swap3A_355 {strides = array<i32>} : memref<3x77x512xf32, #tpu.memory_space<vmem>>, vector<1x1x16xf32>,
        %get3A_356 = arith.constant 0 : i32
        %get3A_357 = arith.index_cast %get3A_356 : i32 to index
        %get3A_358 = arith.constant 368 : index
        %get3A_359 = tpu.vector_load %arg8[%get3A_357, %get3A_358] {strides = array<i32>} : memref<4x512xf32, #tpu.memory_space<vmem>>, vector<1x16xf32>,
        %get3A_360 = vector.shape_cast %get3A_359 : vector<1x16xf32> to vector<16xf32>
        %swap3A_361 = arith.constant 1 : i32
        %swap3A_362 = arith.index_cast %rem3A_67 : i32 to index
        %swap3A_363 = arith.index_cast %swap3A_361 : i32 to index
        %swap3A_364 = arith.constant 368 : index
        %swap3A_365 = tpu.vector_load %arg7[%swap3A_362, %swap3A_363, %swap3A_364] {strides = array<i32>} : memref<3x77x512xf32, #tpu.memory_space<vmem>>, vector<1x1x16xf32>,
        %swap3A_366 = vector.shape_cast %swap3A_365 : vector<1x1x16xf32> to vector<16xf32>
        %swap3A_367 = vector.shape_cast %get3A_360 : vector<16xf32> to vector<1x1x16xf32>
        tpu.vector_store %arg7[%swap3A_362, %swap3A_363, %swap3A_364], %swap3A_367 {strides = array<i32>} : memref<3x77x512xf32, #tpu.memory_space<vmem>>, vector<1x1x16xf32>,
        %get3A_368 = arith.constant 0 : i32
        %get3A_369 = arith.index_cast %get3A_368 : i32 to index
        %get3A_370 = arith.constant 384 : index
        %get3A_371 = tpu.vector_load %arg8[%get3A_369, %get3A_370] {strides = array<i32>} : memref<4x512xf32, #tpu.memory_space<vmem>>, vector<1x16xf32>,
        %get3A_372 = vector.shape_cast %get3A_371 : vector<1x16xf32> to vector<16xf32>
        %swap3A_373 = arith.constant 1 : i32
        %swap3A_374 = arith.index_cast %rem3A_67 : i32 to index
        %swap3A_375 = arith.index_cast %swap3A_373 : i32 to index
        %swap3A_376 = arith.constant 384 : index
        %swap3A_377 = tpu.vector_load %arg7[%swap3A_374, %swap3A_375, %swap3A_376] {strides = array<i32>} : memref<3x77x512xf32, #tpu.memory_space<vmem>>, vector<1x1x16xf32>,
        %swap3A_378 = vector.shape_cast %swap3A_377 : vector<1x1x16xf32> to vector<16xf32>
        %swap3A_379 = vector.shape_cast %get3A_372 : vector<16xf32> to vector<1x1x16xf32>
        tpu.vector_store %arg7[%swap3A_374, %swap3A_375, %swap3A_376], %swap3A_379 {strides = array<i32>} : memref<3x77x512xf32, #tpu.memory_space<vmem>>, vector<1x1x16xf32>,
        %get3A_380 = arith.constant 0 : i32
        %get3A_381 = arith.index_cast %get3A_380 : i32 to index
        %get3A_382 = arith.constant 400 : index
        %get3A_383 = tpu.vector_load %arg8[%get3A_381, %get3A_382] {strides = array<i32>} : memref<4x512xf32, #tpu.memory_space<vmem>>, vector<1x16xf32>,
        %get3A_384 = vector.shape_cast %get3A_383 : vector<1x16xf32> to vector<16xf32>
        %swap3A_385 = arith.constant 1 : i32
        %swap3A_386 = arith.index_cast %rem3A_67 : i32 to index
        %swap3A_387 = arith.index_cast %swap3A_385 : i32 to index
        %swap3A_388 = arith.constant 400 : index
        %swap3A_389 = tpu.vector_load %arg7[%swap3A_386, %swap3A_387, %swap3A_388] {strides = array<i32>} : memref<3x77x512xf32, #tpu.memory_space<vmem>>, vector<1x1x16xf32>,
        %swap3A_390 = vector.shape_cast %swap3A_389 : vector<1x1x16xf32> to vector<16xf32>
        %swap3A_391 = vector.shape_cast %get3A_384 : vector<16xf32> to vector<1x1x16xf32>
        tpu.vector_store %arg7[%swap3A_386, %swap3A_387, %swap3A_388], %swap3A_391 {strides = array<i32>} : memref<3x77x512xf32, #tpu.memory_space<vmem>>, vector<1x1x16xf32>,
        %get3A_392 = arith.constant 0 : i32
        %get3A_393 = arith.index_cast %get3A_392 : i32 to index
        %get3A_394 = arith.constant 416 : index
        %get3A_395 = tpu.vector_load %arg8[%get3A_393, %get3A_394] {strides = array<i32>} : memref<4x512xf32, #tpu.memory_space<vmem>>, vector<1x16xf32>,
        %get3A_396 = vector.shape_cast %get3A_395 : vector<1x16xf32> to vector<16xf32>
        %swap3A_397 = arith.constant 1 : i32
        %swap3A_398 = arith.index_cast %rem3A_67 : i32 to index
        %swap3A_399 = arith.index_cast %swap3A_397 : i32 to index
        %swap3A_400 = arith.constant 416 : index
        %swap3A_401 = tpu.vector_load %arg7[%swap3A_398, %swap3A_399, %swap3A_400] {strides = array<i32>} : memref<3x77x512xf32, #tpu.memory_space<vmem>>, vector<1x1x16xf32>,
        %swap3A_402 = vector.shape_cast %swap3A_401 : vector<1x1x16xf32> to vector<16xf32>
        %swap3A_403 = vector.shape_cast %get3A_396 : vector<16xf32> to vector<1x1x16xf32>
        tpu.vector_store %arg7[%swap3A_398, %swap3A_399, %swap3A_400], %swap3A_403 {strides = array<i32>} : memref<3x77x512xf32, #tpu.memory_space<vmem>>, vector<1x1x16xf32>,
        %get3A_404 = arith.constant 0 : i32
        %get3A_405 = arith.index_cast %get3A_404 : i32 to index
        %get3A_406 = arith.constant 432 : index
        %get3A_407 = tpu.vector_load %arg8[%get3A_405, %get3A_406] {strides = array<i32>} : memref<4x512xf32, #tpu.memory_space<vmem>>, vector<1x16xf32>,
        %get3A_408 = vector.shape_cast %get3A_407 : vector<1x16xf32> to vector<16xf32>
        %swap3A_409 = arith.constant 1 : i32
        %swap3A_410 = arith.index_cast %rem3A_67 : i32 to index
        %swap3A_411 = arith.index_cast %swap3A_409 : i32 to index
        %swap3A_412 = arith.constant 432 : index
        %swap3A_413 = tpu.vector_load %arg7[%swap3A_410, %swap3A_411, %swap3A_412] {strides = array<i32>} : memref<3x77x512xf32, #tpu.memory_space<vmem>>, vector<1x1x16xf32>,
        %swap3A_414 = vector.shape_cast %swap3A_413 : vector<1x1x16xf32> to vector<16xf32>
        %swap3A_415 = vector.shape_cast %get3A_408 : vector<16xf32> to vector<1x1x16xf32>
        tpu.vector_store %arg7[%swap3A_410, %swap3A_411, %swap3A_412], %swap3A_415 {strides = array<i32>} : memref<3x77x512xf32, #tpu.memory_space<vmem>>, vector<1x1x16xf32>,
        %get3A_416 = arith.constant 0 : i32
        %get3A_417 = arith.index_cast %get3A_416 : i32 to index
        %get3A_418 = arith.constant 448 : index
        %get3A_419 = tpu.vector_load %arg8[%get3A_417, %get3A_418] {strides = array<i32>} : memref<4x512xf32, #tpu.memory_space<vmem>>, vector<1x16xf32>,
        %get3A_420 = vector.shape_cast %get3A_419 : vector<1x16xf32> to vector<16xf32>
        %swap3A_421 = arith.constant 1 : i32
        %swap3A_422 = arith.index_cast %rem3A_67 : i32 to index
        %swap3A_423 = arith.index_cast %swap3A_421 : i32 to index
        %swap3A_424 = arith.constant 448 : index
        %swap3A_425 = tpu.vector_load %arg7[%swap3A_422, %swap3A_423, %swap3A_424] {strides = array<i32>} : memref<3x77x512xf32, #tpu.memory_space<vmem>>, vector<1x1x16xf32>,
        %swap3A_426 = vector.shape_cast %swap3A_425 : vector<1x1x16xf32> to vector<16xf32>
        %swap3A_427 = vector.shape_cast %get3A_420 : vector<16xf32> to vector<1x1x16xf32>
        tpu.vector_store %arg7[%swap3A_422, %swap3A_423, %swap3A_424], %swap3A_427 {strides = array<i32>} : memref<3x77x512xf32, #tpu.memory_space<vmem>>, vector<1x1x16xf32>,
        %get3A_428 = arith.constant 0 : i32
        %get3A_429 = arith.index_cast %get3A_428 : i32 to index
        %get3A_430 = arith.constant 464 : index
        %get3A_431 = tpu.vector_load %arg8[%get3A_429, %get3A_430] {strides = array<i32>} : memref<4x512xf32, #tpu.memory_space<vmem>>, vector<1x16xf32>,
        %get3A_432 = vector.shape_cast %get3A_431 : vector<1x16xf32> to vector<16xf32>
        %swap3A_433 = arith.constant 1 : i32
        %swap3A_434 = arith.index_cast %rem3A_67 : i32 to index
        %swap3A_435 = arith.index_cast %swap3A_433 : i32 to index
        %swap3A_436 = arith.constant 464 : index
        %swap3A_437 = tpu.vector_load %arg7[%swap3A_434, %swap3A_435, %swap3A_436] {strides = array<i32>} : memref<3x77x512xf32, #tpu.memory_space<vmem>>, vector<1x1x16xf32>,
        %swap3A_438 = vector.shape_cast %swap3A_437 : vector<1x1x16xf32> to vector<16xf32>
        %swap3A_439 = vector.shape_cast %get3A_432 : vector<16xf32> to vector<1x1x16xf32>
        tpu.vector_store %arg7[%swap3A_434, %swap3A_435, %swap3A_436], %swap3A_439 {strides = array<i32>} : memref<3x77x512xf32, #tpu.memory_space<vmem>>, vector<1x1x16xf32>,
        %get3A_440 = arith.constant 0 : i32
        %get3A_441 = arith.index_cast %get3A_440 : i32 to index
        %get3A_442 = arith.constant 480 : index
        %get3A_443 = tpu.vector_load %arg8[%get3A_441, %get3A_442] {strides = array<i32>} : memref<4x512xf32, #tpu.memory_space<vmem>>, vector<1x16xf32>,
        %get3A_444 = vector.shape_cast %get3A_443 : vector<1x16xf32> to vector<16xf32>
        %swap3A_445 = arith.constant 1 : i32
        %swap3A_446 = arith.index_cast %rem3A_67 : i32 to index
        %swap3A_447 = arith.index_cast %swap3A_445 : i32 to index
        %swap3A_448 = arith.constant 480 : index
        %swap3A_449 = tpu.vector_load %arg7[%swap3A_446, %swap3A_447, %swap3A_448] {strides = array<i32>} : memref<3x77x512xf32, #tpu.memory_space<vmem>>, vector<1x1x16xf32>,
        %swap3A_450 = vector.shape_cast %swap3A_449 : vector<1x1x16xf32> to vector<16xf32>
        %swap3A_451 = vector.shape_cast %get3A_444 : vector<16xf32> to vector<1x1x16xf32>
        tpu.vector_store %arg7[%swap3A_446, %swap3A_447, %swap3A_448], %swap3A_451 {strides = array<i32>} : memref<3x77x512xf32, #tpu.memory_space<vmem>>, vector<1x1x16xf32>,
        %get3A_452 = arith.constant 0 : i32
        %get3A_453 = arith.index_cast %get3A_452 : i32 to index
        %get3A_454 = arith.constant 496 : index
        %get3A_455 = tpu.vector_load %arg8[%get3A_453, %get3A_454] {strides = array<i32>} : memref<4x512xf32, #tpu.memory_space<vmem>>, vector<1x16xf32>,
        %get3A_456 = vector.shape_cast %get3A_455 : vector<1x16xf32> to vector<16xf32>
        %swap3A_457 = arith.constant 1 : i32
        %swap3A_458 = arith.index_cast %rem3A_67 : i32 to index
        %swap3A_459 = arith.index_cast %swap3A_457 : i32 to index
        %swap3A_460 = arith.constant 496 : index
        %swap3A_461 = tpu.vector_load %arg7[%swap3A_458, %swap3A_459, %swap3A_460] {strides = array<i32>} : memref<3x77x512xf32, #tpu.memory_space<vmem>>, vector<1x1x16xf32>,
        %swap3A_462 = vector.shape_cast %swap3A_461 : vector<1x1x16xf32> to vector<16xf32>
        %swap3A_463 = vector.shape_cast %get3A_456 : vector<16xf32> to vector<1x1x16xf32>
        tpu.vector_store %arg7[%swap3A_458, %swap3A_459, %swap3A_460], %swap3A_463 {strides = array<i32>} : memref<3x77x512xf32, #tpu.memory_space<vmem>>, vector<1x1x16xf32>,
        %get3A_464 = arith.constant 1 : i32
        %get3A_465 = arith.index_cast %get3A_464 : i32 to index
        %get3A_466 = arith.constant 0 : index
        %get3A_467 = tpu.vector_load %arg8[%get3A_465, %get3A_466] {strides = array<i32>} : memref<4x512xf32, #tpu.memory_space<vmem>>, vector<1x16xf32>,
        %get3A_468 = vector.shape_cast %get3A_467 : vector<1x16xf32> to vector<16xf32>
        %swap3A_469 = arith.constant 2 : i32
        %swap3A_470 = arith.index_cast %rem3A_67 : i32 to index
        %swap3A_471 = arith.index_cast %swap3A_469 : i32 to index
        %swap3A_472 = arith.constant 0 : index
        %swap3A_473 = tpu.vector_load %arg7[%swap3A_470, %swap3A_471, %swap3A_472] {strides = array<i32>} : memref<3x77x512xf32, #tpu.memory_space<vmem>>, vector<1x1x16xf32>,
        %swap3A_474 = vector.shape_cast %swap3A_473 : vector<1x1x16xf32> to vector<16xf32>
        %swap3A_475 = vector.shape_cast %get3A_468 : vector<16xf32> to vector<1x1x16xf32>
        tpu.vector_store %arg7[%swap3A_470, %swap3A_471, %swap3A_472], %swap3A_475 {strides = array<i32>} : memref<3x77x512xf32, #tpu.memory_space<vmem>>, vector<1x1x16xf32>,
        %get3A_476 = arith.constant 1 : i32
        %get3A_477 = arith.index_cast %get3A_476 : i32 to index
        %get3A_478 = arith.constant 16 : index
        %get3A_479 = tpu.vector_load %arg8[%get3A_477, %get3A_478] {strides = array<i32>} : memref<4x512xf32, #tpu.memory_space<vmem>>, vector<1x16xf32>,
        %get3A_480 = vector.shape_cast %get3A_479 : vector<1x16xf32> to vector<16xf32>
        %swap3A_481 = arith.constant 2 : i32
        %swap3A_482 = arith.index_cast %rem3A_67 : i32 to index
        %swap3A_483 = arith.index_cast %swap3A_481 : i32 to index
        %swap3A_484 = arith.constant 16 : index
        %swap3A_485 = tpu.vector_load %arg7[%swap3A_482, %swap3A_483, %swap3A_484] {strides = array<i32>} : memref<3x77x512xf32, #tpu.memory_space<vmem>>, vector<1x1x16xf32>,
        %swap3A_486 = vector.shape_cast %swap3A_485 : vector<1x1x16xf32> to vector<16xf32>
        %swap3A_487 = vector.shape_cast %get3A_480 : vector<16xf32> to vector<1x1x16xf32>
        tpu.vector_store %arg7[%swap3A_482, %swap3A_483, %swap3A_484], %swap3A_487 {strides = array<i32>} : memref<3x77x512xf32, #tpu.memory_space<vmem>>, vector<1x1x16xf32>,
        %get3A_488 = arith.constant 1 : i32
        %get3A_489 = arith.index_cast %get3A_488 : i32 to index
        %get3A_490 = arith.constant 32 : index
        %get3A_491 = tpu.vector_load %arg8[%get3A_489, %get3A_490] {strides = array<i32>} : memref<4x512xf32, #tpu.memory_space<vmem>>, vector<1x16xf32>,
        %get3A_492 = vector.shape_cast %get3A_491 : vector<1x16xf32> to vector<16xf32>
        %swap3A_493 = arith.constant 2 : i32
        %swap3A_494 = arith.index_cast %rem3A_67 : i32 to index
        %swap3A_495 = arith.index_cast %swap3A_493 : i32 to index
        %swap3A_496 = arith.constant 32 : index
        %swap3A_497 = tpu.vector_load %arg7[%swap3A_494, %swap3A_495, %swap3A_496] {strides = array<i32>} : memref<3x77x512xf32, #tpu.memory_space<vmem>>, vector<1x1x16xf32>,
        %swap3A_498 = vector.shape_cast %swap3A_497 : vector<1x1x16xf32> to vector<16xf32>
        %swap3A_499 = vector.shape_cast %get3A_492 : vector<16xf32> to vector<1x1x16xf32>
        tpu.vector_store %arg7[%swap3A_494, %swap3A_495, %swap3A_496], %swap3A_499 {strides = array<i32>} : memref<3x77x512xf32, #tpu.memory_space<vmem>>, vector<1x1x16xf32>,
        %get3A_500 = arith.constant 1 : i32
        %get3A_501 = arith.index_cast %get3A_500 : i32 to index
        %get3A_502 = arith.constant 48 : index
        %get3A_503 = tpu.vector_load %arg8[%get3A_501, %get3A_502] {strides = array<i32>} : memref<4x512xf32, #tpu.memory_space<vmem>>, vector<1x16xf32>,
        %get3A_504 = vector.shape_cast %get3A_503 : vector<1x16xf32> to vector<16xf32>
        %swap3A_505 = arith.constant 2 : i32
        %swap3A_506 = arith.index_cast %rem3A_67 : i32 to index
        %swap3A_507 = arith.index_cast %swap3A_505 : i32 to index
        %swap3A_508 = arith.constant 48 : index
        %swap3A_509 = tpu.vector_load %arg7[%swap3A_506, %swap3A_507, %swap3A_508] {strides = array<i32>} : memref<3x77x512xf32, #tpu.memory_space<vmem>>, vector<1x1x16xf32>,
        %swap3A_510 = vector.shape_cast %swap3A_509 : vector<1x1x16xf32> to vector<16xf32>
        %swap3A_511 = vector.shape_cast %get3A_504 : vector<16xf32> to vector<1x1x16xf32>
        tpu.vector_store %arg7[%swap3A_506, %swap3A_507, %swap3A_508], %swap3A_511 {strides = array<i32>} : memref<3x77x512xf32, #tpu.memory_space<vmem>>, vector<1x1x16xf32>,
        %get3A_512 = arith.constant 1 : i32
        %get3A_513 = arith.index_cast %get3A_512 : i32 to index
        %get3A_514 = arith.constant 64 : index
        %get3A_515 = tpu.vector_load %arg8[%get3A_513, %get3A_514] {strides = array<i32>} : memref<4x512xf32, #tpu.memory_space<vmem>>, vector<1x16xf32>,
        %get3A_516 = vector.shape_cast %get3A_515 : vector<1x16xf32> to vector<16xf32>
        %swap3A_517 = arith.constant 2 : i32
        %swap3A_518 = arith.index_cast %rem3A_67 : i32 to index
        %swap3A_519 = arith.index_cast %swap3A_517 : i32 to index
        %swap3A_520 = arith.constant 64 : index
        %swap3A_521 = tpu.vector_load %arg7[%swap3A_518, %swap3A_519, %swap3A_520] {strides = array<i32>} : memref<3x77x512xf32, #tpu.memory_space<vmem>>, vector<1x1x16xf32>,
        %swap3A_522 = vector.shape_cast %swap3A_521 : vector<1x1x16xf32> to vector<16xf32>
        %swap3A_523 = vector.shape_cast %get3A_516 : vector<16xf32> to vector<1x1x16xf32>
        tpu.vector_store %arg7[%swap3A_518, %swap3A_519, %swap3A_520], %swap3A_523 {strides = array<i32>} : memref<3x77x512xf32, #tpu.memory_space<vmem>>, vector<1x1x16xf32>,
        %get3A_524 = arith.constant 1 : i32
        %get3A_525 = arith.index_cast %get3A_524 : i32 to index
        %get3A_526 = arith.constant 80 : index
        %get3A_527 = tpu.vector_load %arg8[%get3A_525, %get3A_526] {strides = array<i32>} : memref<4x512xf32, #tpu.memory_space<vmem>>, vector<1x16xf32>,
        %get3A_528 = vector.shape_cast %get3A_527 : vector<1x16xf32> to vector<16xf32>
        %swap3A_529 = arith.constant 2 : i32
        %swap3A_530 = arith.index_cast %rem3A_67 : i32 to index
        %swap3A_531 = arith.index_cast %swap3A_529 : i32 to index
        %swap3A_532 = arith.constant 80 : index
        %swap3A_533 = tpu.vector_load %arg7[%swap3A_530, %swap3A_531, %swap3A_532] {strides = array<i32>} : memref<3x77x512xf32, #tpu.memory_space<vmem>>, vector<1x1x16xf32>,
        %swap3A_534 = vector.shape_cast %swap3A_533 : vector<1x1x16xf32> to vector<16xf32>
        %swap3A_535 = vector.shape_cast %get3A_528 : vector<16xf32> to vector<1x1x16xf32>
        tpu.vector_store %arg7[%swap3A_530, %swap3A_531, %swap3A_532], %swap3A_535 {strides = array<i32>} : memref<3x77x512xf32, #tpu.memory_space<vmem>>, vector<1x1x16xf32>,
        %get3A_536 = arith.constant 1 : i32
        %get3A_537 = arith.index_cast %get3A_536 : i32 to index
        %get3A_538 = arith.constant 96 : index
        %get3A_539 = tpu.vector_load %arg8[%get3A_537, %get3A_538] {strides = array<i32>} : memref<4x512xf32, #tpu.memory_space<vmem>>, vector<1x16xf32>,
        %get3A_540 = vector.shape_cast %get3A_539 : vector<1x16xf32> to vector<16xf32>
        %swap3A_541 = arith.constant 2 : i32
        %swap3A_542 = arith.index_cast %rem3A_67 : i32 to index
        %swap3A_543 = arith.index_cast %swap3A_541 : i32 to index
        %swap3A_544 = arith.constant 96 : index
        %swap3A_545 = tpu.vector_load %arg7[%swap3A_542, %swap3A_543, %swap3A_544] {strides = array<i32>} : memref<3x77x512xf32, #tpu.memory_space<vmem>>, vector<1x1x16xf32>,
        %swap3A_546 = vector.shape_cast %swap3A_545 : vector<1x1x16xf32> to vector<16xf32>
        %swap3A_547 = vector.shape_cast %get3A_540 : vector<16xf32> to vector<1x1x16xf32>
        tpu.vector_store %arg7[%swap3A_542, %swap3A_543, %swap3A_544], %swap3A_547 {strides = array<i32>} : memref<3x77x512xf32, #tpu.memory_space<vmem>>, vector<1x1x16xf32>,
        %get3A_548 = arith.constant 1 : i32
        %get3A_549 = arith.index_cast %get3A_548 : i32 to index
        %get3A_550 = arith.constant 112 : index
        %get3A_551 = tpu.vector_load %arg8[%get3A_549, %get3A_550] {strides = array<i32>} : memref<4x512xf32, #tpu.memory_space<vmem>>, vector<1x16xf32>,
        %get3A_552 = vector.shape_cast %get3A_551 : vector<1x16xf32> to vector<16xf32>
        %swap3A_553 = arith.constant 2 : i32
        %swap3A_554 = arith.index_cast %rem3A_67 : i32 to index
        %swap3A_555 = arith.index_cast %swap3A_553 : i32 to index
        %swap3A_556 = arith.constant 112 : index
        %swap3A_557 = tpu.vector_load %arg7[%swap3A_554, %swap3A_555, %swap3A_556] {strides = array<i32>} : memref<3x77x512xf32, #tpu.memory_space<vmem>>, vector<1x1x16xf32>,
        %swap3A_558 = vector.shape_cast %swap3A_557 : vector<1x1x16xf32> to vector<16xf32>
        %swap3A_559 = vector.shape_cast %get3A_552 : vector<16xf32> to vector<1x1x16xf32>
        tpu.vector_store %arg7[%swap3A_554, %swap3A_555, %swap3A_556], %swap3A_559 {strides = array<i32>} : memref<3x77x512xf32, #tpu.memory_space<vmem>>, vector<1x1x16xf32>,
        %get3A_560 = arith.constant 1 : i32
        %get3A_561 = arith.index_cast %get3A_560 : i32 to index
        %get3A_562 = arith.constant 128 : index
        %get3A_563 = tpu.vector_load %arg8[%get3A_561, %get3A_562] {strides = array<i32>} : memref<4x512xf32, #tpu.memory_space<vmem>>, vector<1x16xf32>,
        %get3A_564 = vector.shape_cast %get3A_563 : vector<1x16xf32> to vector<16xf32>
        %swap3A_565 = arith.constant 2 : i32
        %swap3A_566 = arith.index_cast %rem3A_67 : i32 to index
        %swap3A_567 = arith.index_cast %swap3A_565 : i32 to index
        %swap3A_568 = arith.constant 128 : index
        %swap3A_569 = tpu.vector_load %arg7[%swap3A_566, %swap3A_567, %swap3A_568] {strides = array<i32>} : memref<3x77x512xf32, #tpu.memory_space<vmem>>, vector<1x1x16xf32>,
        %swap3A_570 = vector.shape_cast %swap3A_569 : vector<1x1x16xf32> to vector<16xf32>
        %swap3A_571 = vector.shape_cast %get3A_564 : vector<16xf32> to vector<1x1x16xf32>
        tpu.vector_store %arg7[%swap3A_566, %swap3A_567, %swap3A_568], %swap3A_571 {strides = array<i32>} : memref<3x77x512xf32, #tpu.memory_space<vmem>>, vector<1x1x16xf32>,
        %get3A_572 = arith.constant 1 : i32
        %get3A_573 = arith.index_cast %get3A_572 : i32 to index
        %get3A_574 = arith.constant 144 : index
        %get3A_575 = tpu.vector_load %arg8[%get3A_573, %get3A_574] {strides = array<i32>} : memref<4x512xf32, #tpu.memory_space<vmem>>, vector<1x16xf32>,
        %get3A_576 = vector.shape_cast %get3A_575 : vector<1x16xf32> to vector<16xf32>
        %swap3A_577 = arith.constant 2 : i32
        %swap3A_578 = arith.index_cast %rem3A_67 : i32 to index
        %swap3A_579 = arith.index_cast %swap3A_577 : i32 to index
        %swap3A_580 = arith.constant 144 : index
        %swap3A_581 = tpu.vector_load %arg7[%swap3A_578, %swap3A_579, %swap3A_580] {strides = array<i32>} : memref<3x77x512xf32, #tpu.memory_space<vmem>>, vector<1x1x16xf32>,
        %swap3A_582 = vector.shape_cast %swap3A_581 : vector<1x1x16xf32> to vector<16xf32>
        %swap3A_583 = vector.shape_cast %get3A_576 : vector<16xf32> to vector<1x1x16xf32>
        tpu.vector_store %arg7[%swap3A_578, %swap3A_579, %swap3A_580], %swap3A_583 {strides = array<i32>} : memref<3x77x512xf32, #tpu.memory_space<vmem>>, vector<1x1x16xf32>,
        %get3A_584 = arith.constant 1 : i32
        %get3A_585 = arith.index_cast %get3A_584 : i32 to index
        %get3A_586 = arith.constant 160 : index
        %get3A_587 = tpu.vector_load %arg8[%get3A_585, %get3A_586] {strides = array<i32>} : memref<4x512xf32, #tpu.memory_space<vmem>>, vector<1x16xf32>,
        %get3A_588 = vector.shape_cast %get3A_587 : vector<1x16xf32> to vector<16xf32>
        %swap3A_589 = arith.constant 2 : i32
        %swap3A_590 = arith.index_cast %rem3A_67 : i32 to index
        %swap3A_591 = arith.index_cast %swap3A_589 : i32 to index
        %swap3A_592 = arith.constant 160 : index
        %swap3A_593 = tpu.vector_load %arg7[%swap3A_590, %swap3A_591, %swap3A_592] {strides = array<i32>} : memref<3x77x512xf32, #tpu.memory_space<vmem>>, vector<1x1x16xf32>,
        %swap3A_594 = vector.shape_cast %swap3A_593 : vector<1x1x16xf32> to vector<16xf32>
        %swap3A_595 = vector.shape_cast %get3A_588 : vector<16xf32> to vector<1x1x16xf32>
        tpu.vector_store %arg7[%swap3A_590, %swap3A_591, %swap3A_592], %swap3A_595 {strides = array<i32>} : memref<3x77x512xf32, #tpu.memory_space<vmem>>, vector<1x1x16xf32>,
        %get3A_596 = arith.constant 1 : i32
        %get3A_597 = arith.index_cast %get3A_596 : i32 to index
        %get3A_598 = arith.constant 176 : index
        %get3A_599 = tpu.vector_load %arg8[%get3A_597, %get3A_598] {strides = array<i32>} : memref<4x512xf32, #tpu.memory_space<vmem>>, vector<1x16xf32>,
        %get3A_600 = vector.shape_cast %get3A_599 : vector<1x16xf32> to vector<16xf32>
        %swap3A_601 = arith.constant 2 : i32
        %swap3A_602 = arith.index_cast %rem3A_67 : i32 to index
        %swap3A_603 = arith.index_cast %swap3A_601 : i32 to index
        %swap3A_604 = arith.constant 176 : index
        %swap3A_605 = tpu.vector_load %arg7[%swap3A_602, %swap3A_603, %swap3A_604] {strides = array<i32>} : memref<3x77x512xf32, #tpu.memory_space<vmem>>, vector<1x1x16xf32>,
        %swap3A_606 = vector.shape_cast %swap3A_605 : vector<1x1x16xf32> to vector<16xf32>
        %swap3A_607 = vector.shape_cast %get3A_600 : vector<16xf32> to vector<1x1x16xf32>
        tpu.vector_store %arg7[%swap3A_602, %swap3A_603, %swap3A_604], %swap3A_607 {strides = array<i32>} : memref<3x77x512xf32, #tpu.memory_space<vmem>>, vector<1x1x16xf32>,
        %get3A_608 = arith.constant 1 : i32
        %get3A_609 = arith.index_cast %get3A_608 : i32 to index
        %get3A_610 = arith.constant 192 : index
        %get3A_611 = tpu.vector_load %arg8[%get3A_609, %get3A_610] {strides = array<i32>} : memref<4x512xf32, #tpu.memory_space<vmem>>, vector<1x16xf32>,
        %get3A_612 = vector.shape_cast %get3A_611 : vector<1x16xf32> to vector<16xf32>
        %swap3A_613 = arith.constant 2 : i32
        %swap3A_614 = arith.index_cast %rem3A_67 : i32 to index
        %swap3A_615 = arith.index_cast %swap3A_613 : i32 to index
        %swap3A_616 = arith.constant 192 : index
        %swap3A_617 = tpu.vector_load %arg7[%swap3A_614, %swap3A_615, %swap3A_616] {strides = array<i32>} : memref<3x77x512xf32, #tpu.memory_space<vmem>>, vector<1x1x16xf32>,
        %swap3A_618 = vector.shape_cast %swap3A_617 : vector<1x1x16xf32> to vector<16xf32>
        %swap3A_619 = vector.shape_cast %get3A_612 : vector<16xf32> to vector<1x1x16xf32>
        tpu.vector_store %arg7[%swap3A_614, %swap3A_615, %swap3A_616], %swap3A_619 {strides = array<i32>} : memref<3x77x512xf32, #tpu.memory_space<vmem>>, vector<1x1x16xf32>,
        %get3A_620 = arith.constant 1 : i32
        %get3A_621 = arith.index_cast %get3A_620 : i32 to index
        %get3A_622 = arith.constant 208 : index
        %get3A_623 = tpu.vector_load %arg8[%get3A_621, %get3A_622] {strides = array<i32>} : memref<4x512xf32, #tpu.memory_space<vmem>>, vector<1x16xf32>,
        %get3A_624 = vector.shape_cast %get3A_623 : vector<1x16xf32> to vector<16xf32>
        %swap3A_625 = arith.constant 2 : i32
        %swap3A_626 = arith.index_cast %rem3A_67 : i32 to index
        %swap3A_627 = arith.index_cast %swap3A_625 : i32 to index
        %swap3A_628 = arith.constant 208 : index
        %swap3A_629 = tpu.vector_load %arg7[%swap3A_626, %swap3A_627, %swap3A_628] {strides = array<i32>} : memref<3x77x512xf32, #tpu.memory_space<vmem>>, vector<1x1x16xf32>,
        %swap3A_630 = vector.shape_cast %swap3A_629 : vector<1x1x16xf32> to vector<16xf32>
        %swap3A_631 = vector.shape_cast %get3A_624 : vector<16xf32> to vector<1x1x16xf32>
        tpu.vector_store %arg7[%swap3A_626, %swap3A_627, %swap3A_628], %swap3A_631 {strides = array<i32>} : memref<3x77x512xf32, #tpu.memory_space<vmem>>, vector<1x1x16xf32>,
        %get3A_632 = arith.constant 1 : i32
        %get3A_633 = arith.index_cast %get3A_632 : i32 to index
        %get3A_634 = arith.constant 224 : index
        %get3A_635 = tpu.vector_load %arg8[%get3A_633, %get3A_634] {strides = array<i32>} : memref<4x512xf32, #tpu.memory_space<vmem>>, vector<1x16xf32>,
        %get3A_636 = vector.shape_cast %get3A_635 : vector<1x16xf32> to vector<16xf32>
        %swap3A_637 = arith.constant 2 : i32
        %swap3A_638 = arith.index_cast %rem3A_67 : i32 to index
        %swap3A_639 = arith.index_cast %swap3A_637 : i32 to index
        %swap3A_640 = arith.constant 224 : index
        %swap3A_641 = tpu.vector_load %arg7[%swap3A_638, %swap3A_639, %swap3A_640] {strides = array<i32>} : memref<3x77x512xf32, #tpu.memory_space<vmem>>, vector<1x1x16xf32>,
        %swap3A_642 = vector.shape_cast %swap3A_641 : vector<1x1x16xf32> to vector<16xf32>
        %swap3A_643 = vector.shape_cast %get3A_636 : vector<16xf32> to vector<1x1x16xf32>
        tpu.vector_store %arg7[%swap3A_638, %swap3A_639, %swap3A_640], %swap3A_643 {strides = array<i32>} : memref<3x77x512xf32, #tpu.memory_space<vmem>>, vector<1x1x16xf32>,
        %get3A_644 = arith.constant 1 : i32
        %get3A_645 = arith.index_cast %get3A_644 : i32 to index
        %get3A_646 = arith.constant 240 : index
        %get3A_647 = tpu.vector_load %arg8[%get3A_645, %get3A_646] {strides = array<i32>} : memref<4x512xf32, #tpu.memory_space<vmem>>, vector<1x16xf32>,
        %get3A_648 = vector.shape_cast %get3A_647 : vector<1x16xf32> to vector<16xf32>
        %swap3A_649 = arith.constant 2 : i32
        %swap3A_650 = arith.index_cast %rem3A_67 : i32 to index
        %swap3A_651 = arith.index_cast %swap3A_649 : i32 to index
        %swap3A_652 = arith.constant 240 : index
        %swap3A_653 = tpu.vector_load %arg7[%swap3A_650, %swap3A_651, %swap3A_652] {strides = array<i32>} : memref<3x77x512xf32, #tpu.memory_space<vmem>>, vector<1x1x16xf32>,
        %swap3A_654 = vector.shape_cast %swap3A_653 : vector<1x1x16xf32> to vector<16xf32>
        %swap3A_655 = vector.shape_cast %get3A_648 : vector<16xf32> to vector<1x1x16xf32>
        tpu.vector_store %arg7[%swap3A_650, %swap3A_651, %swap3A_652], %swap3A_655 {strides = array<i32>} : memref<3x77x512xf32, #tpu.memory_space<vmem>>, vector<1x1x16xf32>,
        %get3A_656 = arith.constant 1 : i32
        %get3A_657 = arith.index_cast %get3A_656 : i32 to index
        %get3A_658 = arith.constant 256 : index
        %get3A_659 = tpu.vector_load %arg8[%get3A_657, %get3A_658] {strides = array<i32>} : memref<4x512xf32, #tpu.memory_space<vmem>>, vector<1x16xf32>,
        %get3A_660 = vector.shape_cast %get3A_659 : vector<1x16xf32> to vector<16xf32>
        %swap3A_661 = arith.constant 2 : i32
        %swap3A_662 = arith.index_cast %rem3A_67 : i32 to index
        %swap3A_663 = arith.index_cast %swap3A_661 : i32 to index
        %swap3A_664 = arith.constant 256 : index
        %swap3A_665 = tpu.vector_load %arg7[%swap3A_662, %swap3A_663, %swap3A_664] {strides = array<i32>} : memref<3x77x512xf32, #tpu.memory_space<vmem>>, vector<1x1x16xf32>,
        %swap3A_666 = vector.shape_cast %swap3A_665 : vector<1x1x16xf32> to vector<16xf32>
        %swap3A_667 = vector.shape_cast %get3A_660 : vector<16xf32> to vector<1x1x16xf32>
        tpu.vector_store %arg7[%swap3A_662, %swap3A_663, %swap3A_664], %swap3A_667 {strides = array<i32>} : memref<3x77x512xf32, #tpu.memory_space<vmem>>, vector<1x1x16xf32>,
        %get3A_668 = arith.constant 1 : i32
        %get3A_669 = arith.index_cast %get3A_668 : i32 to index
        %get3A_670 = arith.constant 272 : index
        %get3A_671 = tpu.vector_load %arg8[%get3A_669, %get3A_670] {strides = array<i32>} : memref<4x512xf32, #tpu.memory_space<vmem>>, vector<1x16xf32>,
        %get3A_672 = vector.shape_cast %get3A_671 : vector<1x16xf32> to vector<16xf32>
        %swap3A_673 = arith.constant 2 : i32
        %swap3A_674 = arith.index_cast %rem3A_67 : i32 to index
        %swap3A_675 = arith.index_cast %swap3A_673 : i32 to index
        %swap3A_676 = arith.constant 272 : index
        %swap3A_677 = tpu.vector_load %arg7[%swap3A_674, %swap3A_675, %swap3A_676] {strides = array<i32>} : memref<3x77x512xf32, #tpu.memory_space<vmem>>, vector<1x1x16xf32>,
        %swap3A_678 = vector.shape_cast %swap3A_677 : vector<1x1x16xf32> to vector<16xf32>
        %swap3A_679 = vector.shape_cast %get3A_672 : vector<16xf32> to vector<1x1x16xf32>
        tpu.vector_store %arg7[%swap3A_674, %swap3A_675, %swap3A_676], %swap3A_679 {strides = array<i32>} : memref<3x77x512xf32, #tpu.memory_space<vmem>>, vector<1x1x16xf32>,
        %get3A_680 = arith.constant 1 : i32
        %get3A_681 = arith.index_cast %get3A_680 : i32 to index
        %get3A_682 = arith.constant 288 : index
        %get3A_683 = tpu.vector_load %arg8[%get3A_681, %get3A_682] {strides = array<i32>} : memref<4x512xf32, #tpu.memory_space<vmem>>, vector<1x16xf32>,
        %get3A_684 = vector.shape_cast %get3A_683 : vector<1x16xf32> to vector<16xf32>
        %swap3A_685 = arith.constant 2 : i32
        %swap3A_686 = arith.index_cast %rem3A_67 : i32 to index
        %swap3A_687 = arith.index_cast %swap3A_685 : i32 to index
        %swap3A_688 = arith.constant 288 : index
        %swap3A_689 = tpu.vector_load %arg7[%swap3A_686, %swap3A_687, %swap3A_688] {strides = array<i32>} : memref<3x77x512xf32, #tpu.memory_space<vmem>>, vector<1x1x16xf32>,
        %swap3A_690 = vector.shape_cast %swap3A_689 : vector<1x1x16xf32> to vector<16xf32>
        %swap3A_691 = vector.shape_cast %get3A_684 : vector<16xf32> to vector<1x1x16xf32>
        tpu.vector_store %arg7[%swap3A_686, %swap3A_687, %swap3A_688], %swap3A_691 {strides = array<i32>} : memref<3x77x512xf32, #tpu.memory_space<vmem>>, vector<1x1x16xf32>,
        %get3A_692 = arith.constant 1 : i32
        %get3A_693 = arith.index_cast %get3A_692 : i32 to index
        %get3A_694 = arith.constant 304 : index
        %get3A_695 = tpu.vector_load %arg8[%get3A_693, %get3A_694] {strides = array<i32>} : memref<4x512xf32, #tpu.memory_space<vmem>>, vector<1x16xf32>,
        %get3A_696 = vector.shape_cast %get3A_695 : vector<1x16xf32> to vector<16xf32>
        %swap3A_697 = arith.constant 2 : i32
        %swap3A_698 = arith.index_cast %rem3A_67 : i32 to index
        %swap3A_699 = arith.index_cast %swap3A_697 : i32 to index
        %swap3A_700 = arith.constant 304 : index
        %swap3A_701 = tpu.vector_load %arg7[%swap3A_698, %swap3A_699, %swap3A_700] {strides = array<i32>} : memref<3x77x512xf32, #tpu.memory_space<vmem>>, vector<1x1x16xf32>,
        %swap3A_702 = vector.shape_cast %swap3A_701 : vector<1x1x16xf32> to vector<16xf32>
        %swap3A_703 = vector.shape_cast %get3A_696 : vector<16xf32> to vector<1x1x16xf32>
        tpu.vector_store %arg7[%swap3A_698, %swap3A_699, %swap3A_700], %swap3A_703 {strides = array<i32>} : memref<3x77x512xf32, #tpu.memory_space<vmem>>, vector<1x1x16xf32>,
        %get3A_704 = arith.constant 1 : i32
        %get3A_705 = arith.index_cast %get3A_704 : i32 to index
        %get3A_706 = arith.constant 320 : index
        %get3A_707 = tpu.vector_load %arg8[%get3A_705, %get3A_706] {strides = array<i32>} : memref<4x512xf32, #tpu.memory_space<vmem>>, vector<1x16xf32>,
        %get3A_708 = vector.shape_cast %get3A_707 : vector<1x16xf32> to vector<16xf32>
        %swap3A_709 = arith.constant 2 : i32
        %swap3A_710 = arith.index_cast %rem3A_67 : i32 to index
        %swap3A_711 = arith.index_cast %swap3A_709 : i32 to index
        %swap3A_712 = arith.constant 320 : index
        %swap3A_713 = tpu.vector_load %arg7[%swap3A_710, %swap3A_711, %swap3A_712] {strides = array<i32>} : memref<3x77x512xf32, #tpu.memory_space<vmem>>, vector<1x1x16xf32>,
        %swap3A_714 = vector.shape_cast %swap3A_713 : vector<1x1x16xf32> to vector<16xf32>
        %swap3A_715 = vector.shape_cast %get3A_708 : vector<16xf32> to vector<1x1x16xf32>
        tpu.vector_store %arg7[%swap3A_710, %swap3A_711, %swap3A_712], %swap3A_715 {strides = array<i32>} : memref<3x77x512xf32, #tpu.memory_space<vmem>>, vector<1x1x16xf32>,
        %get3A_716 = arith.constant 1 : i32
        %get3A_717 = arith.index_cast %get3A_716 : i32 to index
        %get3A_718 = arith.constant 336 : index
        %get3A_719 = tpu.vector_load %arg8[%get3A_717, %get3A_718] {strides = array<i32>} : memref<4x512xf32, #tpu.memory_space<vmem>>, vector<1x16xf32>,
        %get3A_720 = vector.shape_cast %get3A_719 : vector<1x16xf32> to vector<16xf32>
        %swap3A_721 = arith.constant 2 : i32
        %swap3A_722 = arith.index_cast %rem3A_67 : i32 to index
        %swap3A_723 = arith.index_cast %swap3A_721 : i32 to index
        %swap3A_724 = arith.constant 336 : index
        %swap3A_725 = tpu.vector_load %arg7[%swap3A_722, %swap3A_723, %swap3A_724] {strides = array<i32>} : memref<3x77x512xf32, #tpu.memory_space<vmem>>, vector<1x1x16xf32>,
        %swap3A_726 = vector.shape_cast %swap3A_725 : vector<1x1x16xf32> to vector<16xf32>
        %swap3A_727 = vector.shape_cast %get3A_720 : vector<16xf32> to vector<1x1x16xf32>
        tpu.vector_store %arg7[%swap3A_722, %swap3A_723, %swap3A_724], %swap3A_727 {strides = array<i32>} : memref<3x77x512xf32, #tpu.memory_space<vmem>>, vector<1x1x16xf32>,
        %get3A_728 = arith.constant 1 : i32
        %get3A_729 = arith.index_cast %get3A_728 : i32 to index
        %get3A_730 = arith.constant 352 : index
        %get3A_731 = tpu.vector_load %arg8[%get3A_729, %get3A_730] {strides = array<i32>} : memref<4x512xf32, #tpu.memory_space<vmem>>, vector<1x16xf32>,
        %get3A_732 = vector.shape_cast %get3A_731 : vector<1x16xf32> to vector<16xf32>
        %swap3A_733 = arith.constant 2 : i32
        %swap3A_734 = arith.index_cast %rem3A_67 : i32 to index
        %swap3A_735 = arith.index_cast %swap3A_733 : i32 to index
        %swap3A_736 = arith.constant 352 : index
        %swap3A_737 = tpu.vector_load %arg7[%swap3A_734, %swap3A_735, %swap3A_736] {strides = array<i32>} : memref<3x77x512xf32, #tpu.memory_space<vmem>>, vector<1x1x16xf32>,
        %swap3A_738 = vector.shape_cast %swap3A_737 : vector<1x1x16xf32> to vector<16xf32>
        %swap3A_739 = vector.shape_cast %get3A_732 : vector<16xf32> to vector<1x1x16xf32>
        tpu.vector_store %arg7[%swap3A_734, %swap3A_735, %swap3A_736], %swap3A_739 {strides = array<i32>} : memref<3x77x512xf32, #tpu.memory_space<vmem>>, vector<1x1x16xf32>,
        %get3A_740 = arith.constant 1 : i32
        %get3A_741 = arith.index_cast %get3A_740 : i32 to index
        %get3A_742 = arith.constant 368 : index
        %get3A_743 = tpu.vector_load %arg8[%get3A_741, %get3A_742] {strides = array<i32>} : memref<4x512xf32, #tpu.memory_space<vmem>>, vector<1x16xf32>,
        %get3A_744 = vector.shape_cast %get3A_743 : vector<1x16xf32> to vector<16xf32>
        %swap3A_745 = arith.constant 2 : i32
        %swap3A_746 = arith.index_cast %rem3A_67 : i32 to index
        %swap3A_747 = arith.index_cast %swap3A_745 : i32 to index
        %swap3A_748 = arith.constant 368 : index
        %swap3A_749 = tpu.vector_load %arg7[%swap3A_746, %swap3A_747, %swap3A_748] {strides = array<i32>} : memref<3x77x512xf32, #tpu.memory_space<vmem>>, vector<1x1x16xf32>,
        %swap3A_750 = vector.shape_cast %swap3A_749 : vector<1x1x16xf32> to vector<16xf32>
        %swap3A_751 = vector.shape_cast %get3A_744 : vector<16xf32> to vector<1x1x16xf32>
        tpu.vector_store %arg7[%swap3A_746, %swap3A_747, %swap3A_748], %swap3A_751 {strides = array<i32>} : memref<3x77x512xf32, #tpu.memory_space<vmem>>, vector<1x1x16xf32>,
        %get3A_752 = arith.constant 1 : i32
        %get3A_753 = arith.index_cast %get3A_752 : i32 to index
        %get3A_754 = arith.constant 384 : index
        %get3A_755 = tpu.vector_load %arg8[%get3A_753, %get3A_754] {strides = array<i32>} : memref<4x512xf32, #tpu.memory_space<vmem>>, vector<1x16xf32>,
        %get3A_756 = vector.shape_cast %get3A_755 : vector<1x16xf32> to vector<16xf32>
        %swap3A_757 = arith.constant 2 : i32
        %swap3A_758 = arith.index_cast %rem3A_67 : i32 to index
        %swap3A_759 = arith.index_cast %swap3A_757 : i32 to index
        %swap3A_760 = arith.constant 384 : index
        %swap3A_761 = tpu.vector_load %arg7[%swap3A_758, %swap3A_759, %swap3A_760] {strides = array<i32>} : memref<3x77x512xf32, #tpu.memory_space<vmem>>, vector<1x1x16xf32>,
        %swap3A_762 = vector.shape_cast %swap3A_761 : vector<1x1x16xf32> to vector<16xf32>
        %swap3A_763 = vector.shape_cast %get3A_756 : vector<16xf32> to vector<1x1x16xf32>
        tpu.vector_store %arg7[%swap3A_758, %swap3A_759, %swap3A_760], %swap3A_763 {strides = array<i32>} : memref<3x77x512xf32, #tpu.memory_space<vmem>>, vector<1x1x16xf32>,
        %get3A_764 = arith.constant 1 : i32
        %get3A_765 = arith.index_cast %get3A_764 : i32 to index
        %get3A_766 = arith.constant 400 : index
        %get3A_767 = tpu.vector_load %arg8[%get3A_765, %get3A_766] {strides = array<i32>} : memref<4x512xf32, #tpu.memory_space<vmem>>, vector<1x16xf32>,
        %get3A_768 = vector.shape_cast %get3A_767 : vector<1x16xf32> to vector<16xf32>
        %swap3A_769 = arith.constant 2 : i32
        %swap3A_770 = arith.index_cast %rem3A_67 : i32 to index
        %swap3A_771 = arith.index_cast %swap3A_769 : i32 to index
        %swap3A_772 = arith.constant 400 : index
        %swap3A_773 = tpu.vector_load %arg7[%swap3A_770, %swap3A_771, %swap3A_772] {strides = array<i32>} : memref<3x77x512xf32, #tpu.memory_space<vmem>>, vector<1x1x16xf32>,
        %swap3A_774 = vector.shape_cast %swap3A_773 : vector<1x1x16xf32> to vector<16xf32>
        %swap3A_775 = vector.shape_cast %get3A_768 : vector<16xf32> to vector<1x1x16xf32>
        tpu.vector_store %arg7[%swap3A_770, %swap3A_771, %swap3A_772], %swap3A_775 {strides = array<i32>} : memref<3x77x512xf32, #tpu.memory_space<vmem>>, vector<1x1x16xf32>,
        %get3A_776 = arith.constant 1 : i32
        %get3A_777 = arith.index_cast %get3A_776 : i32 to index
        %get3A_778 = arith.constant 416 : index
        %get3A_779 = tpu.vector_load %arg8[%get3A_777, %get3A_778] {strides = array<i32>} : memref<4x512xf32, #tpu.memory_space<vmem>>, vector<1x16xf32>,
        %get3A_780 = vector.shape_cast %get3A_779 : vector<1x16xf32> to vector<16xf32>
        %swap3A_781 = arith.constant 2 : i32
        %swap3A_782 = arith.index_cast %rem3A_67 : i32 to index
        %swap3A_783 = arith.index_cast %swap3A_781 : i32 to index
        %swap3A_784 = arith.constant 416 : index
        %swap3A_785 = tpu.vector_load %arg7[%swap3A_782, %swap3A_783, %swap3A_784] {strides = array<i32>} : memref<3x77x512xf32, #tpu.memory_space<vmem>>, vector<1x1x16xf32>,
        %swap3A_786 = vector.shape_cast %swap3A_785 : vector<1x1x16xf32> to vector<16xf32>
        %swap3A_787 = vector.shape_cast %get3A_780 : vector<16xf32> to vector<1x1x16xf32>
        tpu.vector_store %arg7[%swap3A_782, %swap3A_783, %swap3A_784], %swap3A_787 {strides = array<i32>} : memref<3x77x512xf32, #tpu.memory_space<vmem>>, vector<1x1x16xf32>,
        %get3A_788 = arith.constant 1 : i32
        %get3A_789 = arith.index_cast %get3A_788 : i32 to index
        %get3A_790 = arith.constant 432 : index
        %get3A_791 = tpu.vector_load %arg8[%get3A_789, %get3A_790] {strides = array<i32>} : memref<4x512xf32, #tpu.memory_space<vmem>>, vector<1x16xf32>,
        %get3A_792 = vector.shape_cast %get3A_791 : vector<1x16xf32> to vector<16xf32>
        %swap3A_793 = arith.constant 2 : i32
        %swap3A_794 = arith.index_cast %rem3A_67 : i32 to index
        %swap3A_795 = arith.index_cast %swap3A_793 : i32 to index
        %swap3A_796 = arith.constant 432 : index
        %swap3A_797 = tpu.vector_load %arg7[%swap3A_794, %swap3A_795, %swap3A_796] {strides = array<i32>} : memref<3x77x512xf32, #tpu.memory_space<vmem>>, vector<1x1x16xf32>,
        %swap3A_798 = vector.shape_cast %swap3A_797 : vector<1x1x16xf32> to vector<16xf32>
        %swap3A_799 = vector.shape_cast %get3A_792 : vector<16xf32> to vector<1x1x16xf32>
        tpu.vector_store %arg7[%swap3A_794, %swap3A_795, %swap3A_796], %swap3A_799 {strides = array<i32>} : memref<3x77x512xf32, #tpu.memory_space<vmem>>, vector<1x1x16xf32>,
        %get3A_800 = arith.constant 1 : i32
        %get3A_801 = arith.index_cast %get3A_800 : i32 to index
        %get3A_802 = arith.constant 448 : index
        %get3A_803 = tpu.vector_load %arg8[%get3A_801, %get3A_802] {strides = array<i32>} : memref<4x512xf32, #tpu.memory_space<vmem>>, vector<1x16xf32>,
        %get3A_804 = vector.shape_cast %get3A_803 : vector<1x16xf32> to vector<16xf32>
        %swap3A_805 = arith.constant 2 : i32
        %swap3A_806 = arith.index_cast %rem3A_67 : i32 to index
        %swap3A_807 = arith.index_cast %swap3A_805 : i32 to index
        %swap3A_808 = arith.constant 448 : index
        %swap3A_809 = tpu.vector_load %arg7[%swap3A_806, %swap3A_807, %swap3A_808] {strides = array<i32>} : memref<3x77x512xf32, #tpu.memory_space<vmem>>, vector<1x1x16xf32>,
        %swap3A_810 = vector.shape_cast %swap3A_809 : vector<1x1x16xf32> to vector<16xf32>
        %swap3A_811 = vector.shape_cast %get3A_804 : vector<16xf32> to vector<1x1x16xf32>
        tpu.vector_store %arg7[%swap3A_806, %swap3A_807, %swap3A_808], %swap3A_811 {strides = array<i32>} : memref<3x77x512xf32, #tpu.memory_space<vmem>>, vector<1x1x16xf32>,
        %get3A_812 = arith.constant 1 : i32
        %get3A_813 = arith.index_cast %get3A_812 : i32 to index
        %get3A_814 = arith.constant 464 : index
        %get3A_815 = tpu.vector_load %arg8[%get3A_813, %get3A_814] {strides = array<i32>} : memref<4x512xf32, #tpu.memory_space<vmem>>, vector<1x16xf32>,
        %get3A_816 = vector.shape_cast %get3A_815 : vector<1x16xf32> to vector<16xf32>
        %swap3A_817 = arith.constant 2 : i32
        %swap3A_818 = arith.index_cast %rem3A_67 : i32 to index
        %swap3A_819 = arith.index_cast %swap3A_817 : i32 to index
        %swap3A_820 = arith.constant 464 : index
        %swap3A_821 = tpu.vector_load %arg7[%swap3A_818, %swap3A_819, %swap3A_820] {strides = array<i32>} : memref<3x77x512xf32, #tpu.memory_space<vmem>>, vector<1x1x16xf32>,
        %swap3A_822 = vector.shape_cast %swap3A_821 : vector<1x1x16xf32> to vector<16xf32>
        %swap3A_823 = vector.shape_cast %get3A_816 : vector<16xf32> to vector<1x1x16xf32>
        tpu.vector_store %arg7[%swap3A_818, %swap3A_819, %swap3A_820], %swap3A_823 {strides = array<i32>} : memref<3x77x512xf32, #tpu.memory_space<vmem>>, vector<1x1x16xf32>,
        %get3A_824 = arith.constant 1 : i32
        %get3A_825 = arith.index_cast %get3A_824 : i32 to index
        %get3A_826 = arith.constant 480 : index
        %get3A_827 = tpu.vector_load %arg8[%get3A_825, %get3A_826] {strides = array<i32>} : memref<4x512xf32, #tpu.memory_space<vmem>>, vector<1x16xf32>,
        %get3A_828 = vector.shape_cast %get3A_827 : vector<1x16xf32> to vector<16xf32>
        %swap3A_829 = arith.constant 2 : i32
        %swap3A_830 = arith.index_cast %rem3A_67 : i32 to index
        %swap3A_831 = arith.index_cast %swap3A_829 : i32 to index
        %swap3A_832 = arith.constant 480 : index
        %swap3A_833 = tpu.vector_load %arg7[%swap3A_830, %swap3A_831, %swap3A_832] {strides = array<i32>} : memref<3x77x512xf32, #tpu.memory_space<vmem>>, vector<1x1x16xf32>,
        %swap3A_834 = vector.shape_cast %swap3A_833 : vector<1x1x16xf32> to vector<16xf32>
        %swap3A_835 = vector.shape_cast %get3A_828 : vector<16xf32> to vector<1x1x16xf32>
        tpu.vector_store %arg7[%swap3A_830, %swap3A_831, %swap3A_832], %swap3A_835 {strides = array<i32>} : memref<3x77x512xf32, #tpu.memory_space<vmem>>, vector<1x1x16xf32>,
        %get3A_836 = arith.constant 1 : i32
        %get3A_837 = arith.index_cast %get3A_836 : i32 to index
        %get3A_838 = arith.constant 496 : index
        %get3A_839 = tpu.vector_load %arg8[%get3A_837, %get3A_838] {strides = array<i32>} : memref<4x512xf32, #tpu.memory_space<vmem>>, vector<1x16xf32>,
        %get3A_840 = vector.shape_cast %get3A_839 : vector<1x16xf32> to vector<16xf32>
        %swap3A_841 = arith.constant 2 : i32
        %swap3A_842 = arith.index_cast %rem3A_67 : i32 to index
        %swap3A_843 = arith.index_cast %swap3A_841 : i32 to index
        %swap3A_844 = arith.constant 496 : index
        %swap3A_845 = tpu.vector_load %arg7[%swap3A_842, %swap3A_843, %swap3A_844] {strides = array<i32>} : memref<3x77x512xf32, #tpu.memory_space<vmem>>, vector<1x1x16xf32>,
        %swap3A_846 = vector.shape_cast %swap3A_845 : vector<1x1x16xf32> to vector<16xf32>
        %swap3A_847 = vector.shape_cast %get3A_840 : vector<16xf32> to vector<1x1x16xf32>
        tpu.vector_store %arg7[%swap3A_842, %swap3A_843, %swap3A_844], %swap3A_847 {strides = array<i32>} : memref<3x77x512xf32, #tpu.memory_space<vmem>>, vector<1x1x16xf32>,
        %get3A_848 = arith.constant 2 : i32
        %get3A_849 = arith.index_cast %get3A_848 : i32 to index
        %get3A_850 = arith.constant 0 : index
        %get3A_851 = tpu.vector_load %arg8[%get3A_849, %get3A_850] {strides = array<i32>} : memref<4x512xf32, #tpu.memory_space<vmem>>, vector<1x16xf32>,
        %get3A_852 = vector.shape_cast %get3A_851 : vector<1x16xf32> to vector<16xf32>
        %swap3A_853 = arith.constant 3 : i32
        %swap3A_854 = arith.index_cast %rem3A_67 : i32 to index
        %swap3A_855 = arith.index_cast %swap3A_853 : i32 to index
        %swap3A_856 = arith.constant 0 : index
        %swap3A_857 = tpu.vector_load %arg7[%swap3A_854, %swap3A_855, %swap3A_856] {strides = array<i32>} : memref<3x77x512xf32, #tpu.memory_space<vmem>>, vector<1x1x16xf32>,
        %swap3A_858 = vector.shape_cast %swap3A_857 : vector<1x1x16xf32> to vector<16xf32>
        %swap3A_859 = vector.shape_cast %get3A_852 : vector<16xf32> to vector<1x1x16xf32>
        tpu.vector_store %arg7[%swap3A_854, %swap3A_855, %swap3A_856], %swap3A_859 {strides = array<i32>} : memref<3x77x512xf32, #tpu.memory_space<vmem>>, vector<1x1x16xf32>,
        %get3A_860 = arith.constant 2 : i32
        %get3A_861 = arith.index_cast %get3A_860 : i32 to index
        %get3A_862 = arith.constant 16 : index
        %get3A_863 = tpu.vector_load %arg8[%get3A_861, %get3A_862] {strides = array<i32>} : memref<4x512xf32, #tpu.memory_space<vmem>>, vector<1x16xf32>,
        %get3A_864 = vector.shape_cast %get3A_863 : vector<1x16xf32> to vector<16xf32>
        %swap3A_865 = arith.constant 3 : i32
        %swap3A_866 = arith.index_cast %rem3A_67 : i32 to index
        %swap3A_867 = arith.index_cast %swap3A_865 : i32 to index
        %swap3A_868 = arith.constant 16 : index
        %swap3A_869 = tpu.vector_load %arg7[%swap3A_866, %swap3A_867, %swap3A_868] {strides = array<i32>} : memref<3x77x512xf32, #tpu.memory_space<vmem>>, vector<1x1x16xf32>,
        %swap3A_870 = vector.shape_cast %swap3A_869 : vector<1x1x16xf32> to vector<16xf32>
        %swap3A_871 = vector.shape_cast %get3A_864 : vector<16xf32> to vector<1x1x16xf32>
        tpu.vector_store %arg7[%swap3A_866, %swap3A_867, %swap3A_868], %swap3A_871 {strides = array<i32>} : memref<3x77x512xf32, #tpu.memory_space<vmem>>, vector<1x1x16xf32>,
        %get3A_872 = arith.constant 2 : i32
        %get3A_873 = arith.index_cast %get3A_872 : i32 to index
        %get3A_874 = arith.constant 32 : index
        %get3A_875 = tpu.vector_load %arg8[%get3A_873, %get3A_874] {strides = array<i32>} : memref<4x512xf32, #tpu.memory_space<vmem>>, vector<1x16xf32>,
        %get3A_876 = vector.shape_cast %get3A_875 : vector<1x16xf32> to vector<16xf32>
        %swap3A_877 = arith.constant 3 : i32
        %swap3A_878 = arith.index_cast %rem3A_67 : i32 to index
        %swap3A_879 = arith.index_cast %swap3A_877 : i32 to index
        %swap3A_880 = arith.constant 32 : index
        %swap3A_881 = tpu.vector_load %arg7[%swap3A_878, %swap3A_879, %swap3A_880] {strides = array<i32>} : memref<3x77x512xf32, #tpu.memory_space<vmem>>, vector<1x1x16xf32>,
        %swap3A_882 = vector.shape_cast %swap3A_881 : vector<1x1x16xf32> to vector<16xf32>
        %swap3A_883 = vector.shape_cast %get3A_876 : vector<16xf32> to vector<1x1x16xf32>
        tpu.vector_store %arg7[%swap3A_878, %swap3A_879, %swap3A_880], %swap3A_883 {strides = array<i32>} : memref<3x77x512xf32, #tpu.memory_space<vmem>>, vector<1x1x16xf32>,
        %get3A_884 = arith.constant 2 : i32
        %get3A_885 = arith.index_cast %get3A_884 : i32 to index
        %get3A_886 = arith.constant 48 : index
        %get3A_887 = tpu.vector_load %arg8[%get3A_885, %get3A_886] {strides = array<i32>} : memref<4x512xf32, #tpu.memory_space<vmem>>, vector<1x16xf32>,
        %get3A_888 = vector.shape_cast %get3A_887 : vector<1x16xf32> to vector<16xf32>
        %swap3A_889 = arith.constant 3 : i32
        %swap3A_890 = arith.index_cast %rem3A_67 : i32 to index
        %swap3A_891 = arith.index_cast %swap3A_889 : i32 to index
        %swap3A_892 = arith.constant 48 : index
        %swap3A_893 = tpu.vector_load %arg7[%swap3A_890, %swap3A_891, %swap3A_892] {strides = array<i32>} : memref<3x77x512xf32, #tpu.memory_space<vmem>>, vector<1x1x16xf32>,
        %swap3A_894 = vector.shape_cast %swap3A_893 : vector<1x1x16xf32> to vector<16xf32>
        %swap3A_895 = vector.shape_cast %get3A_888 : vector<16xf32> to vector<1x1x16xf32>
        tpu.vector_store %arg7[%swap3A_890, %swap3A_891, %swap3A_892], %swap3A_895 {strides = array<i32>} : memref<3x77x512xf32, #tpu.memory_space<vmem>>, vector<1x1x16xf32>,
        %get3A_896 = arith.constant 2 : i32
        %get3A_897 = arith.index_cast %get3A_896 : i32 to index
        %get3A_898 = arith.constant 64 : index
        %get3A_899 = tpu.vector_load %arg8[%get3A_897, %get3A_898] {strides = array<i32>} : memref<4x512xf32, #tpu.memory_space<vmem>>, vector<1x16xf32>,
        %get3A_900 = vector.shape_cast %get3A_899 : vector<1x16xf32> to vector<16xf32>
        %swap3A_901 = arith.constant 3 : i32
        %swap3A_902 = arith.index_cast %rem3A_67 : i32 to index
        %swap3A_903 = arith.index_cast %swap3A_901 : i32 to index
        %swap3A_904 = arith.constant 64 : index
        %swap3A_905 = tpu.vector_load %arg7[%swap3A_902, %swap3A_903, %swap3A_904] {strides = array<i32>} : memref<3x77x512xf32, #tpu.memory_space<vmem>>, vector<1x1x16xf32>,
        %swap3A_906 = vector.shape_cast %swap3A_905 : vector<1x1x16xf32> to vector<16xf32>
        %swap3A_907 = vector.shape_cast %get3A_900 : vector<16xf32> to vector<1x1x16xf32>
        tpu.vector_store %arg7[%swap3A_902, %swap3A_903, %swap3A_904], %swap3A_907 {strides = array<i32>} : memref<3x77x512xf32, #tpu.memory_space<vmem>>, vector<1x1x16xf32>,
        %get3A_908 = arith.constant 2 : i32
        %get3A_909 = arith.index_cast %get3A_908 : i32 to index
        %get3A_910 = arith.constant 80 : index
        %get3A_911 = tpu.vector_load %arg8[%get3A_909, %get3A_910] {strides = array<i32>} : memref<4x512xf32, #tpu.memory_space<vmem>>, vector<1x16xf32>,
        %get3A_912 = vector.shape_cast %get3A_911 : vector<1x16xf32> to vector<16xf32>
        %swap3A_913 = arith.constant 3 : i32
        %swap3A_914 = arith.index_cast %rem3A_67 : i32 to index
        %swap3A_915 = arith.index_cast %swap3A_913 : i32 to index
        %swap3A_916 = arith.constant 80 : index
        %swap3A_917 = tpu.vector_load %arg7[%swap3A_914, %swap3A_915, %swap3A_916] {strides = array<i32>} : memref<3x77x512xf32, #tpu.memory_space<vmem>>, vector<1x1x16xf32>,
        %swap3A_918 = vector.shape_cast %swap3A_917 : vector<1x1x16xf32> to vector<16xf32>
        %swap3A_919 = vector.shape_cast %get3A_912 : vector<16xf32> to vector<1x1x16xf32>
        tpu.vector_store %arg7[%swap3A_914, %swap3A_915, %swap3A_916], %swap3A_919 {strides = array<i32>} : memref<3x77x512xf32, #tpu.memory_space<vmem>>, vector<1x1x16xf32>,
        %get3A_920 = arith.constant 2 : i32
        %get3A_921 = arith.index_cast %get3A_920 : i32 to index
        %get3A_922 = arith.constant 96 : index
        %get3A_923 = tpu.vector_load %arg8[%get3A_921, %get3A_922] {strides = array<i32>} : memref<4x512xf32, #tpu.memory_space<vmem>>, vector<1x16xf32>,
        %get3A_924 = vector.shape_cast %get3A_923 : vector<1x16xf32> to vector<16xf32>
        %swap3A_925 = arith.constant 3 : i32
        %swap3A_926 = arith.index_cast %rem3A_67 : i32 to index
        %swap3A_927 = arith.index_cast %swap3A_925 : i32 to index
        %swap3A_928 = arith.constant 96 : index
        %swap3A_929 = tpu.vector_load %arg7[%swap3A_926, %swap3A_927, %swap3A_928] {strides = array<i32>} : memref<3x77x512xf32, #tpu.memory_space<vmem>>, vector<1x1x16xf32>,
        %swap3A_930 = vector.shape_cast %swap3A_929 : vector<1x1x16xf32> to vector<16xf32>
        %swap3A_931 = vector.shape_cast %get3A_924 : vector<16xf32> to vector<1x1x16xf32>
        tpu.vector_store %arg7[%swap3A_926, %swap3A_927, %swap3A_928], %swap3A_931 {strides = array<i32>} : memref<3x77x512xf32, #tpu.memory_space<vmem>>, vector<1x1x16xf32>,
        %get3A_932 = arith.constant 2 : i32
        %get3A_933 = arith.index_cast %get3A_932 : i32 to index
        %get3A_934 = arith.constant 112 : index
        %get3A_935 = tpu.vector_load %arg8[%get3A_933, %get3A_934] {strides = array<i32>} : memref<4x512xf32, #tpu.memory_space<vmem>>, vector<1x16xf32>,
        %get3A_936 = vector.shape_cast %get3A_935 : vector<1x16xf32> to vector<16xf32>
        %swap3A_937 = arith.constant 3 : i32
        %swap3A_938 = arith.index_cast %rem3A_67 : i32 to index
        %swap3A_939 = arith.index_cast %swap3A_937 : i32 to index
        %swap3A_940 = arith.constant 112 : index
        %swap3A_941 = tpu.vector_load %arg7[%swap3A_938, %swap3A_939, %swap3A_940] {strides = array<i32>} : memref<3x77x512xf32, #tpu.memory_space<vmem>>, vector<1x1x16xf32>,
        %swap3A_942 = vector.shape_cast %swap3A_941 : vector<1x1x16xf32> to vector<16xf32>
        %swap3A_943 = vector.shape_cast %get3A_936 : vector<16xf32> to vector<1x1x16xf32>
        tpu.vector_store %arg7[%swap3A_938, %swap3A_939, %swap3A_940], %swap3A_943 {strides = array<i32>} : memref<3x77x512xf32, #tpu.memory_space<vmem>>, vector<1x1x16xf32>,
        %get3A_944 = arith.constant 2 : i32
        %get3A_945 = arith.index_cast %get3A_944 : i32 to index
        %get3A_946 = arith.constant 128 : index
        %get3A_947 = tpu.vector_load %arg8[%get3A_945, %get3A_946] {strides = array<i32>} : memref<4x512xf32, #tpu.memory_space<vmem>>, vector<1x16xf32>,
        %get3A_948 = vector.shape_cast %get3A_947 : vector<1x16xf32> to vector<16xf32>
        %swap3A_949 = arith.constant 3 : i32
        %swap3A_950 = arith.index_cast %rem3A_67 : i32 to index
        %swap3A_951 = arith.index_cast %swap3A_949 : i32 to index
        %swap3A_952 = arith.constant 128 : index
        %swap3A_953 = tpu.vector_load %arg7[%swap3A_950, %swap3A_951, %swap3A_952] {strides = array<i32>} : memref<3x77x512xf32, #tpu.memory_space<vmem>>, vector<1x1x16xf32>,
        %swap3A_954 = vector.shape_cast %swap3A_953 : vector<1x1x16xf32> to vector<16xf32>
        %swap3A_955 = vector.shape_cast %get3A_948 : vector<16xf32> to vector<1x1x16xf32>
        tpu.vector_store %arg7[%swap3A_950, %swap3A_951, %swap3A_952], %swap3A_955 {strides = array<i32>} : memref<3x77x512xf32, #tpu.memory_space<vmem>>, vector<1x1x16xf32>,
        %get3A_956 = arith.constant 2 : i32
        %get3A_957 = arith.index_cast %get3A_956 : i32 to index
        %get3A_958 = arith.constant 144 : index
        %get3A_959 = tpu.vector_load %arg8[%get3A_957, %get3A_958] {strides = array<i32>} : memref<4x512xf32, #tpu.memory_space<vmem>>, vector<1x16xf32>,
        %get3A_960 = vector.shape_cast %get3A_959 : vector<1x16xf32> to vector<16xf32>
        %swap3A_961 = arith.constant 3 : i32
        %swap3A_962 = arith.index_cast %rem3A_67 : i32 to index
        %swap3A_963 = arith.index_cast %swap3A_961 : i32 to index
        %swap3A_964 = arith.constant 144 : index
        %swap3A_965 = tpu.vector_load %arg7[%swap3A_962, %swap3A_963, %swap3A_964] {strides = array<i32>} : memref<3x77x512xf32, #tpu.memory_space<vmem>>, vector<1x1x16xf32>,
        %swap3A_966 = vector.shape_cast %swap3A_965 : vector<1x1x16xf32> to vector<16xf32>
        %swap3A_967 = vector.shape_cast %get3A_960 : vector<16xf32> to vector<1x1x16xf32>
        tpu.vector_store %arg7[%swap3A_962, %swap3A_963, %swap3A_964], %swap3A_967 {strides = array<i32>} : memref<3x77x512xf32, #tpu.memory_space<vmem>>, vector<1x1x16xf32>,
        %get3A_968 = arith.constant 2 : i32
        %get3A_969 = arith.index_cast %get3A_968 : i32 to index
        %get3A_970 = arith.constant 160 : index
        %get3A_971 = tpu.vector_load %arg8[%get3A_969, %get3A_970] {strides = array<i32>} : memref<4x512xf32, #tpu.memory_space<vmem>>, vector<1x16xf32>,
        %get3A_972 = vector.shape_cast %get3A_971 : vector<1x16xf32> to vector<16xf32>
        %swap3A_973 = arith.constant 3 : i32
        %swap3A_974 = arith.index_cast %rem3A_67 : i32 to index
        %swap3A_975 = arith.index_cast %swap3A_973 : i32 to index
        %swap3A_976 = arith.constant 160 : index
        %swap3A_977 = tpu.vector_load %arg7[%swap3A_974, %swap3A_975, %swap3A_976] {strides = array<i32>} : memref<3x77x512xf32, #tpu.memory_space<vmem>>, vector<1x1x16xf32>,
        %swap3A_978 = vector.shape_cast %swap3A_977 : vector<1x1x16xf32> to vector<16xf32>
        %swap3A_979 = vector.shape_cast %get3A_972 : vector<16xf32> to vector<1x1x16xf32>
        tpu.vector_store %arg7[%swap3A_974, %swap3A_975, %swap3A_976], %swap3A_979 {strides = array<i32>} : memref<3x77x512xf32, #tpu.memory_space<vmem>>, vector<1x1x16xf32>,
        %get3A_980 = arith.constant 2 : i32
        %get3A_981 = arith.index_cast %get3A_980 : i32 to index
        %get3A_982 = arith.constant 176 : index
        %get3A_983 = tpu.vector_load %arg8[%get3A_981, %get3A_982] {strides = array<i32>} : memref<4x512xf32, #tpu.memory_space<vmem>>, vector<1x16xf32>,
        %get3A_984 = vector.shape_cast %get3A_983 : vector<1x16xf32> to vector<16xf32>
        %swap3A_985 = arith.constant 3 : i32
        %swap3A_986 = arith.index_cast %rem3A_67 : i32 to index
        %swap3A_987 = arith.index_cast %swap3A_985 : i32 to index
        %swap3A_988 = arith.constant 176 : index
        %swap3A_989 = tpu.vector_load %arg7[%swap3A_986, %swap3A_987, %swap3A_988] {strides = array<i32>} : memref<3x77x512xf32, #tpu.memory_space<vmem>>, vector<1x1x16xf32>,
        %swap3A_990 = vector.shape_cast %swap3A_989 : vector<1x1x16xf32> to vector<16xf32>
        %swap3A_991 = vector.shape_cast %get3A_984 : vector<16xf32> to vector<1x1x16xf32>
        tpu.vector_store %arg7[%swap3A_986, %swap3A_987, %swap3A_988], %swap3A_991 {strides = array<i32>} : memref<3x77x512xf32, #tpu.memory_space<vmem>>, vector<1x1x16xf32>,
        %get3A_992 = arith.constant 2 : i32
        %get3A_993 = arith.index_cast %get3A_992 : i32 to index
        %get3A_994 = arith.constant 192 : index
        %get3A_995 = tpu.vector_load %arg8[%get3A_993, %get3A_994] {strides = array<i32>} : memref<4x512xf32, #tpu.memory_space<vmem>>, vector<1x16xf32>,
        %get3A_996 = vector.shape_cast %get3A_995 : vector<1x16xf32> to vector<16xf32>
        %swap3A_997 = arith.constant 3 : i32
        %swap3A_998 = arith.index_cast %rem3A_67 : i32 to index
        %swap3A_999 = arith.index_cast %swap3A_997 : i32 to index
        %swap3A_1000 = arith.constant 192 : index
        %swap3A_1001 = tpu.vector_load %arg7[%swap3A_998, %swap3A_999, %swap3A_1000] {strides = array<i32>} : memref<3x77x512xf32, #tpu.memory_space<vmem>>, vector<1x1x16xf32>,
        %swap3A_1002 = vector.shape_cast %swap3A_1001 : vector<1x1x16xf32> to vector<16xf32>
        %swap3A_1003 = vector.shape_cast %get3A_996 : vector<16xf32> to vector<1x1x16xf32>
        tpu.vector_store %arg7[%swap3A_998, %swap3A_999, %swap3A_1000], %swap3A_1003 {strides = array<i32>} : memref<3x77x512xf32, #tpu.memory_space<vmem>>, vector<1x1x16xf32>,
        %get3A_1004 = arith.constant 2 : i32
        %get3A_1005 = arith.index_cast %get3A_1004 : i32 to index
        %get3A_1006 = arith.constant 208 : index
        %get3A_1007 = tpu.vector_load %arg8[%get3A_1005, %get3A_1006] {strides = array<i32>} : memref<4x512xf32, #tpu.memory_space<vmem>>, vector<1x16xf32>,
        %get3A_1008 = vector.shape_cast %get3A_1007 : vector<1x16xf32> to vector<16xf32>
        %swap3A_1009 = arith.constant 3 : i32
        %swap3A_1010 = arith.index_cast %rem3A_67 : i32 to index
        %swap3A_1011 = arith.index_cast %swap3A_1009 : i32 to index
        %swap3A_1012 = arith.constant 208 : index
        %swap3A_1013 = tpu.vector_load %arg7[%swap3A_1010, %swap3A_1011, %swap3A_1012] {strides = array<i32>} : memref<3x77x512xf32, #tpu.memory_space<vmem>>, vector<1x1x16xf32>,
        %swap3A_1014 = vector.shape_cast %swap3A_1013 : vector<1x1x16xf32> to vector<16xf32>
        %swap3A_1015 = vector.shape_cast %get3A_1008 : vector<16xf32> to vector<1x1x16xf32>
        tpu.vector_store %arg7[%swap3A_1010, %swap3A_1011, %swap3A_1012], %swap3A_1015 {strides = array<i32>} : memref<3x77x512xf32, #tpu.memory_space<vmem>>, vector<1x1x16xf32>,
        %get3A_1016 = arith.constant 2 : i32
        %get3A_1017 = arith.index_cast %get3A_1016 : i32 to index
        %get3A_1018 = arith.constant 224 : index
        %get3A_1019 = tpu.vector_load %arg8[%get3A_1017, %get3A_1018] {strides = array<i32>} : memref<4x512xf32, #tpu.memory_space<vmem>>, vector<1x16xf32>,
        %get3A_1020 = vector.shape_cast %get3A_1019 : vector<1x16xf32> to vector<16xf32>
        %swap3A_1021 = arith.constant 3 : i32
        %swap3A_1022 = arith.index_cast %rem3A_67 : i32 to index
        %swap3A_1023 = arith.index_cast %swap3A_1021 : i32 to index
        %swap3A_1024 = arith.constant 224 : index
        %swap3A_1025 = tpu.vector_load %arg7[%swap3A_1022, %swap3A_1023, %swap3A_1024] {strides = array<i32>} : memref<3x77x512xf32, #tpu.memory_space<vmem>>, vector<1x1x16xf32>,
        %swap3A_1026 = vector.shape_cast %swap3A_1025 : vector<1x1x16xf32> to vector<16xf32>
        %swap3A_1027 = vector.shape_cast %get3A_1020 : vector<16xf32> to vector<1x1x16xf32>
        tpu.vector_store %arg7[%swap3A_1022, %swap3A_1023, %swap3A_1024], %swap3A_1027 {strides = array<i32>} : memref<3x77x512xf32, #tpu.memory_space<vmem>>, vector<1x1x16xf32>,
        %get3A_1028 = arith.constant 2 : i32
        %get3A_1029 = arith.index_cast %get3A_1028 : i32 to index
        %get3A_1030 = arith.constant 240 : index
        %get3A_1031 = tpu.vector_load %arg8[%get3A_1029, %get3A_1030] {strides = array<i32>} : memref<4x512xf32, #tpu.memory_space<vmem>>, vector<1x16xf32>,
        %get3A_1032 = vector.shape_cast %get3A_1031 : vector<1x16xf32> to vector<16xf32>
        %swap3A_1033 = arith.constant 3 : i32
        %swap3A_1034 = arith.index_cast %rem3A_67 : i32 to index
        %swap3A_1035 = arith.index_cast %swap3A_1033 : i32 to index
        %swap3A_1036 = arith.constant 240 : index
        %swap3A_1037 = tpu.vector_load %arg7[%swap3A_1034, %swap3A_1035, %swap3A_1036] {strides = array<i32>} : memref<3x77x512xf32, #tpu.memory_space<vmem>>, vector<1x1x16xf32>,
        %swap3A_1038 = vector.shape_cast %swap3A_1037 : vector<1x1x16xf32> to vector<16xf32>
        %swap3A_1039 = vector.shape_cast %get3A_1032 : vector<16xf32> to vector<1x1x16xf32>
        tpu.vector_store %arg7[%swap3A_1034, %swap3A_1035, %swap3A_1036], %swap3A_1039 {strides = array<i32>} : memref<3x77x512xf32, #tpu.memory_space<vmem>>, vector<1x1x16xf32>,
        %get3A_1040 = arith.constant 2 : i32
        %get3A_1041 = arith.index_cast %get3A_1040 : i32 to index
        %get3A_1042 = arith.constant 256 : index
        %get3A_1043 = tpu.vector_load %arg8[%get3A_1041, %get3A_1042] {strides = array<i32>} : memref<4x512xf32, #tpu.memory_space<vmem>>, vector<1x16xf32>,
        %get3A_1044 = vector.shape_cast %get3A_1043 : vector<1x16xf32> to vector<16xf32>
        %swap3A_1045 = arith.constant 3 : i32
        %swap3A_1046 = arith.index_cast %rem3A_67 : i32 to index
        %swap3A_1047 = arith.index_cast %swap3A_1045 : i32 to index
        %swap3A_1048 = arith.constant 256 : index
        %swap3A_1049 = tpu.vector_load %arg7[%swap3A_1046, %swap3A_1047, %swap3A_1048] {strides = array<i32>} : memref<3x77x512xf32, #tpu.memory_space<vmem>>, vector<1x1x16xf32>,
        %swap3A_1050 = vector.shape_cast %swap3A_1049 : vector<1x1x16xf32> to vector<16xf32>
        %swap3A_1051 = vector.shape_cast %get3A_1044 : vector<16xf32> to vector<1x1x16xf32>
        tpu.vector_store %arg7[%swap3A_1046, %swap3A_1047, %swap3A_1048], %swap3A_1051 {strides = array<i32>} : memref<3x77x512xf32, #tpu.memory_space<vmem>>, vector<1x1x16xf32>,
        %get3A_1052 = arith.constant 2 : i32
        %get3A_1053 = arith.index_cast %get3A_1052 : i32 to index
        %get3A_1054 = arith.constant 272 : index
        %get3A_1055 = tpu.vector_load %arg8[%get3A_1053, %get3A_1054] {strides = array<i32>} : memref<4x512xf32, #tpu.memory_space<vmem>>, vector<1x16xf32>,
        %get3A_1056 = vector.shape_cast %get3A_1055 : vector<1x16xf32> to vector<16xf32>
        %swap3A_1057 = arith.constant 3 : i32
        %swap3A_1058 = arith.index_cast %rem3A_67 : i32 to index
        %swap3A_1059 = arith.index_cast %swap3A_1057 : i32 to index
        %swap3A_1060 = arith.constant 272 : index
        %swap3A_1061 = tpu.vector_load %arg7[%swap3A_1058, %swap3A_1059, %swap3A_1060] {strides = array<i32>} : memref<3x77x512xf32, #tpu.memory_space<vmem>>, vector<1x1x16xf32>,
        %swap3A_1062 = vector.shape_cast %swap3A_1061 : vector<1x1x16xf32> to vector<16xf32>
        %swap3A_1063 = vector.shape_cast %get3A_1056 : vector<16xf32> to vector<1x1x16xf32>
        tpu.vector_store %arg7[%swap3A_1058, %swap3A_1059, %swap3A_1060], %swap3A_1063 {strides = array<i32>} : memref<3x77x512xf32, #tpu.memory_space<vmem>>, vector<1x1x16xf32>,
        %get3A_1064 = arith.constant 2 : i32
        %get3A_1065 = arith.index_cast %get3A_1064 : i32 to index
        %get3A_1066 = arith.constant 288 : index
        %get3A_1067 = tpu.vector_load %arg8[%get3A_1065, %get3A_1066] {strides = array<i32>} : memref<4x512xf32, #tpu.memory_space<vmem>>, vector<1x16xf32>,
        %get3A_1068 = vector.shape_cast %get3A_1067 : vector<1x16xf32> to vector<16xf32>
        %swap3A_1069 = arith.constant 3 : i32
        %swap3A_1070 = arith.index_cast %rem3A_67 : i32 to index
        %swap3A_1071 = arith.index_cast %swap3A_1069 : i32 to index
        %swap3A_1072 = arith.constant 288 : index
        %swap3A_1073 = tpu.vector_load %arg7[%swap3A_1070, %swap3A_1071, %swap3A_1072] {strides = array<i32>} : memref<3x77x512xf32, #tpu.memory_space<vmem>>, vector<1x1x16xf32>,
        %swap3A_1074 = vector.shape_cast %swap3A_1073 : vector<1x1x16xf32> to vector<16xf32>
        %swap3A_1075 = vector.shape_cast %get3A_1068 : vector<16xf32> to vector<1x1x16xf32>
        tpu.vector_store %arg7[%swap3A_1070, %swap3A_1071, %swap3A_1072], %swap3A_1075 {strides = array<i32>} : memref<3x77x512xf32, #tpu.memory_space<vmem>>, vector<1x1x16xf32>,
        %get3A_1076 = arith.constant 2 : i32
        %get3A_1077 = arith.index_cast %get3A_1076 : i32 to index
        %get3A_1078 = arith.constant 304 : index
        %get3A_1079 = tpu.vector_load %arg8[%get3A_1077, %get3A_1078] {strides = array<i32>} : memref<4x512xf32, #tpu.memory_space<vmem>>, vector<1x16xf32>,
        %get3A_1080 = vector.shape_cast %get3A_1079 : vector<1x16xf32> to vector<16xf32>
        %swap3A_1081 = arith.constant 3 : i32
        %swap3A_1082 = arith.index_cast %rem3A_67 : i32 to index
        %swap3A_1083 = arith.index_cast %swap3A_1081 : i32 to index
        %swap3A_1084 = arith.constant 304 : index
        %swap3A_1085 = tpu.vector_load %arg7[%swap3A_1082, %swap3A_1083, %swap3A_1084] {strides = array<i32>} : memref<3x77x512xf32, #tpu.memory_space<vmem>>, vector<1x1x16xf32>,
        %swap3A_1086 = vector.shape_cast %swap3A_1085 : vector<1x1x16xf32> to vector<16xf32>
        %swap3A_1087 = vector.shape_cast %get3A_1080 : vector<16xf32> to vector<1x1x16xf32>
        tpu.vector_store %arg7[%swap3A_1082, %swap3A_1083, %swap3A_1084], %swap3A_1087 {strides = array<i32>} : memref<3x77x512xf32, #tpu.memory_space<vmem>>, vector<1x1x16xf32>,
        %get3A_1088 = arith.constant 2 : i32
        %get3A_1089 = arith.index_cast %get3A_1088 : i32 to index
        %get3A_1090 = arith.constant 320 : index
        %get3A_1091 = tpu.vector_load %arg8[%get3A_1089, %get3A_1090] {strides = array<i32>} : memref<4x512xf32, #tpu.memory_space<vmem>>, vector<1x16xf32>,
        %get3A_1092 = vector.shape_cast %get3A_1091 : vector<1x16xf32> to vector<16xf32>
        %swap3A_1093 = arith.constant 3 : i32
        %swap3A_1094 = arith.index_cast %rem3A_67 : i32 to index
        %swap3A_1095 = arith.index_cast %swap3A_1093 : i32 to index
        %swap3A_1096 = arith.constant 320 : index
        %swap3A_1097 = tpu.vector_load %arg7[%swap3A_1094, %swap3A_1095, %swap3A_1096] {strides = array<i32>} : memref<3x77x512xf32, #tpu.memory_space<vmem>>, vector<1x1x16xf32>,
        %swap3A_1098 = vector.shape_cast %swap3A_1097 : vector<1x1x16xf32> to vector<16xf32>
        %swap3A_1099 = vector.shape_cast %get3A_1092 : vector<16xf32> to vector<1x1x16xf32>
        tpu.vector_store %arg7[%swap3A_1094, %swap3A_1095, %swap3A_1096], %swap3A_1099 {strides = array<i32>} : memref<3x77x512xf32, #tpu.memory_space<vmem>>, vector<1x1x16xf32>,
        %get3A_1100 = arith.constant 2 : i32
        %get3A_1101 = arith.index_cast %get3A_1100 : i32 to index
        %get3A_1102 = arith.constant 336 : index
        %get3A_1103 = tpu.vector_load %arg8[%get3A_1101, %get3A_1102] {strides = array<i32>} : memref<4x512xf32, #tpu.memory_space<vmem>>, vector<1x16xf32>,
        %get3A_1104 = vector.shape_cast %get3A_1103 : vector<1x16xf32> to vector<16xf32>
        %swap3A_1105 = arith.constant 3 : i32
        %swap3A_1106 = arith.index_cast %rem3A_67 : i32 to index
        %swap3A_1107 = arith.index_cast %swap3A_1105 : i32 to index
        %swap3A_1108 = arith.constant 336 : index
        %swap3A_1109 = tpu.vector_load %arg7[%swap3A_1106, %swap3A_1107, %swap3A_1108] {strides = array<i32>} : memref<3x77x512xf32, #tpu.memory_space<vmem>>, vector<1x1x16xf32>,
        %swap3A_1110 = vector.shape_cast %swap3A_1109 : vector<1x1x16xf32> to vector<16xf32>
        %swap3A_1111 = vector.shape_cast %get3A_1104 : vector<16xf32> to vector<1x1x16xf32>
        tpu.vector_store %arg7[%swap3A_1106, %swap3A_1107, %swap3A_1108], %swap3A_1111 {strides = array<i32>} : memref<3x77x512xf32, #tpu.memory_space<vmem>>, vector<1x1x16xf32>,
        %get3A_1112 = arith.constant 2 : i32
        %get3A_1113 = arith.index_cast %get3A_1112 : i32 to index
        %get3A_1114 = arith.constant 352 : index
        %get3A_1115 = tpu.vector_load %arg8[%get3A_1113, %get3A_1114] {strides = array<i32>} : memref<4x512xf32, #tpu.memory_space<vmem>>, vector<1x16xf32>,
        %get3A_1116 = vector.shape_cast %get3A_1115 : vector<1x16xf32> to vector<16xf32>
        %swap3A_1117 = arith.constant 3 : i32
        %swap3A_1118 = arith.index_cast %rem3A_67 : i32 to index
        %swap3A_1119 = arith.index_cast %swap3A_1117 : i32 to index
        %swap3A_1120 = arith.constant 352 : index
        %swap3A_1121 = tpu.vector_load %arg7[%swap3A_1118, %swap3A_1119, %swap3A_1120] {strides = array<i32>} : memref<3x77x512xf32, #tpu.memory_space<vmem>>, vector<1x1x16xf32>,
        %swap3A_1122 = vector.shape_cast %swap3A_1121 : vector<1x1x16xf32> to vector<16xf32>
        %swap3A_1123 = vector.shape_cast %get3A_1116 : vector<16xf32> to vector<1x1x16xf32>
        tpu.vector_store %arg7[%swap3A_1118, %swap3A_1119, %swap3A_1120], %swap3A_1123 {strides = array<i32>} : memref<3x77x512xf32, #tpu.memory_space<vmem>>, vector<1x1x16xf32>,
        %get3A_1124 = arith.constant 2 : i32
        %get3A_1125 = arith.index_cast %get3A_1124 : i32 to index
        %get3A_1126 = arith.constant 368 : index
        %get3A_1127 = tpu.vector_load %arg8[%get3A_1125, %get3A_1126] {strides = array<i32>} : memref<4x512xf32, #tpu.memory_space<vmem>>, vector<1x16xf32>,
        %get3A_1128 = vector.shape_cast %get3A_1127 : vector<1x16xf32> to vector<16xf32>
        %swap3A_1129 = arith.constant 3 : i32
        %swap3A_1130 = arith.index_cast %rem3A_67 : i32 to index
        %swap3A_1131 = arith.index_cast %swap3A_1129 : i32 to index
        %swap3A_1132 = arith.constant 368 : index
        %swap3A_1133 = tpu.vector_load %arg7[%swap3A_1130, %swap3A_1131, %swap3A_1132] {strides = array<i32>} : memref<3x77x512xf32, #tpu.memory_space<vmem>>, vector<1x1x16xf32>,
        %swap3A_1134 = vector.shape_cast %swap3A_1133 : vector<1x1x16xf32> to vector<16xf32>
        %swap3A_1135 = vector.shape_cast %get3A_1128 : vector<16xf32> to vector<1x1x16xf32>
        tpu.vector_store %arg7[%swap3A_1130, %swap3A_1131, %swap3A_1132], %swap3A_1135 {strides = array<i32>} : memref<3x77x512xf32, #tpu.memory_space<vmem>>, vector<1x1x16xf32>,
        %get3A_1136 = arith.constant 2 : i32
        %get3A_1137 = arith.index_cast %get3A_1136 : i32 to index
        %get3A_1138 = arith.constant 384 : index
        %get3A_1139 = tpu.vector_load %arg8[%get3A_1137, %get3A_1138] {strides = array<i32>} : memref<4x512xf32, #tpu.memory_space<vmem>>, vector<1x16xf32>,
        %get3A_1140 = vector.shape_cast %get3A_1139 : vector<1x16xf32> to vector<16xf32>
        %swap3A_1141 = arith.constant 3 : i32
        %swap3A_1142 = arith.index_cast %rem3A_67 : i32 to index
        %swap3A_1143 = arith.index_cast %swap3A_1141 : i32 to index
        %swap3A_1144 = arith.constant 384 : index
        %swap3A_1145 = tpu.vector_load %arg7[%swap3A_1142, %swap3A_1143, %swap3A_1144] {strides = array<i32>} : memref<3x77x512xf32, #tpu.memory_space<vmem>>, vector<1x1x16xf32>,
        %swap3A_1146 = vector.shape_cast %swap3A_1145 : vector<1x1x16xf32> to vector<16xf32>
        %swap3A_1147 = vector.shape_cast %get3A_1140 : vector<16xf32> to vector<1x1x16xf32>
        tpu.vector_store %arg7[%swap3A_1142, %swap3A_1143, %swap3A_1144], %swap3A_1147 {strides = array<i32>} : memref<3x77x512xf32, #tpu.memory_space<vmem>>, vector<1x1x16xf32>,
        %get3A_1148 = arith.constant 2 : i32
        %get3A_1149 = arith.index_cast %get3A_1148 : i32 to index
        %get3A_1150 = arith.constant 400 : index
        %get3A_1151 = tpu.vector_load %arg8[%get3A_1149, %get3A_1150] {strides = array<i32>} : memref<4x512xf32, #tpu.memory_space<vmem>>, vector<1x16xf32>,
        %get3A_1152 = vector.shape_cast %get3A_1151 : vector<1x16xf32> to vector<16xf32>
        %swap3A_1153 = arith.constant 3 : i32
        %swap3A_1154 = arith.index_cast %rem3A_67 : i32 to index
        %swap3A_1155 = arith.index_cast %swap3A_1153 : i32 to index
        %swap3A_1156 = arith.constant 400 : index
        %swap3A_1157 = tpu.vector_load %arg7[%swap3A_1154, %swap3A_1155, %swap3A_1156] {strides = array<i32>} : memref<3x77x512xf32, #tpu.memory_space<vmem>>, vector<1x1x16xf32>,
        %swap3A_1158 = vector.shape_cast %swap3A_1157 : vector<1x1x16xf32> to vector<16xf32>
        %swap3A_1159 = vector.shape_cast %get3A_1152 : vector<16xf32> to vector<1x1x16xf32>
        tpu.vector_store %arg7[%swap3A_1154, %swap3A_1155, %swap3A_1156], %swap3A_1159 {strides = array<i32>} : memref<3x77x512xf32, #tpu.memory_space<vmem>>, vector<1x1x16xf32>,
        %get3A_1160 = arith.constant 2 : i32
        %get3A_1161 = arith.index_cast %get3A_1160 : i32 to index
        %get3A_1162 = arith.constant 416 : index
        %get3A_1163 = tpu.vector_load %arg8[%get3A_1161, %get3A_1162] {strides = array<i32>} : memref<4x512xf32, #tpu.memory_space<vmem>>, vector<1x16xf32>,
        %get3A_1164 = vector.shape_cast %get3A_1163 : vector<1x16xf32> to vector<16xf32>
        %swap3A_1165 = arith.constant 3 : i32
        %swap3A_1166 = arith.index_cast %rem3A_67 : i32 to index
        %swap3A_1167 = arith.index_cast %swap3A_1165 : i32 to index
        %swap3A_1168 = arith.constant 416 : index
        %swap3A_1169 = tpu.vector_load %arg7[%swap3A_1166, %swap3A_1167, %swap3A_1168] {strides = array<i32>} : memref<3x77x512xf32, #tpu.memory_space<vmem>>, vector<1x1x16xf32>,
        %swap3A_1170 = vector.shape_cast %swap3A_1169 : vector<1x1x16xf32> to vector<16xf32>
        %swap3A_1171 = vector.shape_cast %get3A_1164 : vector<16xf32> to vector<1x1x16xf32>
        tpu.vector_store %arg7[%swap3A_1166, %swap3A_1167, %swap3A_1168], %swap3A_1171 {strides = array<i32>} : memref<3x77x512xf32, #tpu.memory_space<vmem>>, vector<1x1x16xf32>,
        %get3A_1172 = arith.constant 2 : i32
        %get3A_1173 = arith.index_cast %get3A_1172 : i32 to index
        %get3A_1174 = arith.constant 432 : index
        %get3A_1175 = tpu.vector_load %arg8[%get3A_1173, %get3A_1174] {strides = array<i32>} : memref<4x512xf32, #tpu.memory_space<vmem>>, vector<1x16xf32>,
        %get3A_1176 = vector.shape_cast %get3A_1175 : vector<1x16xf32> to vector<16xf32>
        %swap3A_1177 = arith.constant 3 : i32
        %swap3A_1178 = arith.index_cast %rem3A_67 : i32 to index
        %swap3A_1179 = arith.index_cast %swap3A_1177 : i32 to index
        %swap3A_1180 = arith.constant 432 : index
        %swap3A_1181 = tpu.vector_load %arg7[%swap3A_1178, %swap3A_1179, %swap3A_1180] {strides = array<i32>} : memref<3x77x512xf32, #tpu.memory_space<vmem>>, vector<1x1x16xf32>,
        %swap3A_1182 = vector.shape_cast %swap3A_1181 : vector<1x1x16xf32> to vector<16xf32>
        %swap3A_1183 = vector.shape_cast %get3A_1176 : vector<16xf32> to vector<1x1x16xf32>
        tpu.vector_store %arg7[%swap3A_1178, %swap3A_1179, %swap3A_1180], %swap3A_1183 {strides = array<i32>} : memref<3x77x512xf32, #tpu.memory_space<vmem>>, vector<1x1x16xf32>,
        %get3A_1184 = arith.constant 2 : i32
        %get3A_1185 = arith.index_cast %get3A_1184 : i32 to index
        %get3A_1186 = arith.constant 448 : index
        %get3A_1187 = tpu.vector_load %arg8[%get3A_1185, %get3A_1186] {strides = array<i32>} : memref<4x512xf32, #tpu.memory_space<vmem>>, vector<1x16xf32>,
        %get3A_1188 = vector.shape_cast %get3A_1187 : vector<1x16xf32> to vector<16xf32>
        %swap3A_1189 = arith.constant 3 : i32
        %swap3A_1190 = arith.index_cast %rem3A_67 : i32 to index
        %swap3A_1191 = arith.index_cast %swap3A_1189 : i32 to index
        %swap3A_1192 = arith.constant 448 : index
        %swap3A_1193 = tpu.vector_load %arg7[%swap3A_1190, %swap3A_1191, %swap3A_1192] {strides = array<i32>} : memref<3x77x512xf32, #tpu.memory_space<vmem>>, vector<1x1x16xf32>,
        %swap3A_1194 = vector.shape_cast %swap3A_1193 : vector<1x1x16xf32> to vector<16xf32>
        %swap3A_1195 = vector.shape_cast %get3A_1188 : vector<16xf32> to vector<1x1x16xf32>
        tpu.vector_store %arg7[%swap3A_1190, %swap3A_1191, %swap3A_1192], %swap3A_1195 {strides = array<i32>} : memref<3x77x512xf32, #tpu.memory_space<vmem>>, vector<1x1x16xf32>,
        %get3A_1196 = arith.constant 2 : i32
        %get3A_1197 = arith.index_cast %get3A_1196 : i32 to index
        %get3A_1198 = arith.constant 464 : index
        %get3A_1199 = tpu.vector_load %arg8[%get3A_1197, %get3A_1198] {strides = array<i32>} : memref<4x512xf32, #tpu.memory_space<vmem>>, vector<1x16xf32>,
        %get3A_1200 = vector.shape_cast %get3A_1199 : vector<1x16xf32> to vector<16xf32>
        %swap3A_1201 = arith.constant 3 : i32
        %swap3A_1202 = arith.index_cast %rem3A_67 : i32 to index
        %swap3A_1203 = arith.index_cast %swap3A_1201 : i32 to index
        %swap3A_1204 = arith.constant 464 : index
        %swap3A_1205 = tpu.vector_load %arg7[%swap3A_1202, %swap3A_1203, %swap3A_1204] {strides = array<i32>} : memref<3x77x512xf32, #tpu.memory_space<vmem>>, vector<1x1x16xf32>,
        %swap3A_1206 = vector.shape_cast %swap3A_1205 : vector<1x1x16xf32> to vector<16xf32>
        %swap3A_1207 = vector.shape_cast %get3A_1200 : vector<16xf32> to vector<1x1x16xf32>
        tpu.vector_store %arg7[%swap3A_1202, %swap3A_1203, %swap3A_1204], %swap3A_1207 {strides = array<i32>} : memref<3x77x512xf32, #tpu.memory_space<vmem>>, vector<1x1x16xf32>,
        %get3A_1208 = arith.constant 2 : i32
        %get3A_1209 = arith.index_cast %get3A_1208 : i32 to index
        %get3A_1210 = arith.constant 480 : index
        %get3A_1211 = tpu.vector_load %arg8[%get3A_1209, %get3A_1210] {strides = array<i32>} : memref<4x512xf32, #tpu.memory_space<vmem>>, vector<1x16xf32>,
        %get3A_1212 = vector.shape_cast %get3A_1211 : vector<1x16xf32> to vector<16xf32>
        %swap3A_1213 = arith.constant 3 : i32
        %swap3A_1214 = arith.index_cast %rem3A_67 : i32 to index
        %swap3A_1215 = arith.index_cast %swap3A_1213 : i32 to index
        %swap3A_1216 = arith.constant 480 : index
        %swap3A_1217 = tpu.vector_load %arg7[%swap3A_1214, %swap3A_1215, %swap3A_1216] {strides = array<i32>} : memref<3x77x512xf32, #tpu.memory_space<vmem>>, vector<1x1x16xf32>,
        %swap3A_1218 = vector.shape_cast %swap3A_1217 : vector<1x1x16xf32> to vector<16xf32>
        %swap3A_1219 = vector.shape_cast %get3A_1212 : vector<16xf32> to vector<1x1x16xf32>
        tpu.vector_store %arg7[%swap3A_1214, %swap3A_1215, %swap3A_1216], %swap3A_1219 {strides = array<i32>} : memref<3x77x512xf32, #tpu.memory_space<vmem>>, vector<1x1x16xf32>,
        %get3A_1220 = arith.constant 2 : i32
        %get3A_1221 = arith.index_cast %get3A_1220 : i32 to index
        %get3A_1222 = arith.constant 496 : index
        %get3A_1223 = tpu.vector_load %arg8[%get3A_1221, %get3A_1222] {strides = array<i32>} : memref<4x512xf32, #tpu.memory_space<vmem>>, vector<1x16xf32>,
        %get3A_1224 = vector.shape_cast %get3A_1223 : vector<1x16xf32> to vector<16xf32>
        %swap3A_1225 = arith.constant 3 : i32
        %swap3A_1226 = arith.index_cast %rem3A_67 : i32 to index
        %swap3A_1227 = arith.index_cast %swap3A_1225 : i32 to index
        %swap3A_1228 = arith.constant 496 : index
        %swap3A_1229 = tpu.vector_load %arg7[%swap3A_1226, %swap3A_1227, %swap3A_1228] {strides = array<i32>} : memref<3x77x512xf32, #tpu.memory_space<vmem>>, vector<1x1x16xf32>,
        %swap3A_1230 = vector.shape_cast %swap3A_1229 : vector<1x1x16xf32> to vector<16xf32>
        %swap3A_1231 = vector.shape_cast %get3A_1224 : vector<16xf32> to vector<1x1x16xf32>
        tpu.vector_store %arg7[%swap3A_1226, %swap3A_1227, %swap3A_1228], %swap3A_1231 {strides = array<i32>} : memref<3x77x512xf32, #tpu.memory_space<vmem>>, vector<1x1x16xf32>,
        %get3A_1232 = arith.constant 3 : i32
        %get3A_1233 = arith.index_cast %get3A_1232 : i32 to index
        %get3A_1234 = arith.constant 0 : index
        %get3A_1235 = tpu.vector_load %arg8[%get3A_1233, %get3A_1234] {strides = array<i32>} : memref<4x512xf32, #tpu.memory_space<vmem>>, vector<1x16xf32>,
        %get3A_1236 = vector.shape_cast %get3A_1235 : vector<1x16xf32> to vector<16xf32>
        %swap3A_1237 = arith.constant 4 : i32
        %swap3A_1238 = arith.index_cast %rem3A_67 : i32 to index
        %swap3A_1239 = arith.index_cast %swap3A_1237 : i32 to index
        %swap3A_1240 = arith.constant 0 : index
        %swap3A_1241 = tpu.vector_load %arg7[%swap3A_1238, %swap3A_1239, %swap3A_1240] {strides = array<i32>} : memref<3x77x512xf32, #tpu.memory_space<vmem>>, vector<1x1x16xf32>,
        %swap3A_1242 = vector.shape_cast %swap3A_1241 : vector<1x1x16xf32> to vector<16xf32>
        %swap3A_1243 = vector.shape_cast %get3A_1236 : vector<16xf32> to vector<1x1x16xf32>
        tpu.vector_store %arg7[%swap3A_1238, %swap3A_1239, %swap3A_1240], %swap3A_1243 {strides = array<i32>} : memref<3x77x512xf32, #tpu.memory_space<vmem>>, vector<1x1x16xf32>,
        %get3A_1244 = arith.constant 3 : i32
        %get3A_1245 = arith.index_cast %get3A_1244 : i32 to index
        %get3A_1246 = arith.constant 16 : index
        %get3A_1247 = tpu.vector_load %arg8[%get3A_1245, %get3A_1246] {strides = array<i32>} : memref<4x512xf32, #tpu.memory_space<vmem>>, vector<1x16xf32>,
        %get3A_1248 = vector.shape_cast %get3A_1247 : vector<1x16xf32> to vector<16xf32>
        %swap3A_1249 = arith.constant 4 : i32
        %swap3A_1250 = arith.index_cast %rem3A_67 : i32 to index
        %swap3A_1251 = arith.index_cast %swap3A_1249 : i32 to index
        %swap3A_1252 = arith.constant 16 : index
        %swap3A_1253 = tpu.vector_load %arg7[%swap3A_1250, %swap3A_1251, %swap3A_1252] {strides = array<i32>} : memref<3x77x512xf32, #tpu.memory_space<vmem>>, vector<1x1x16xf32>,
        %swap3A_1254 = vector.shape_cast %swap3A_1253 : vector<1x1x16xf32> to vector<16xf32>
        %swap3A_1255 = vector.shape_cast %get3A_1248 : vector<16xf32> to vector<1x1x16xf32>
        tpu.vector_store %arg7[%swap3A_1250, %swap3A_1251, %swap3A_1252], %swap3A_1255 {strides = array<i32>} : memref<3x77x512xf32, #tpu.memory_space<vmem>>, vector<1x1x16xf32>,
        %get3A_1256 = arith.constant 3 : i32
        %get3A_1257 = arith.index_cast %get3A_1256 : i32 to index
        %get3A_1258 = arith.constant 32 : index
        %get3A_1259 = tpu.vector_load %arg8[%get3A_1257, %get3A_1258] {strides = array<i32>} : memref<4x512xf32, #tpu.memory_space<vmem>>, vector<1x16xf32>,
        %get3A_1260 = vector.shape_cast %get3A_1259 : vector<1x16xf32> to vector<16xf32>
        %swap3A_1261 = arith.constant 4 : i32
        %swap3A_1262 = arith.index_cast %rem3A_67 : i32 to index
        %swap3A_1263 = arith.index_cast %swap3A_1261 : i32 to index
        %swap3A_1264 = arith.constant 32 : index
        %swap3A_1265 = tpu.vector_load %arg7[%swap3A_1262, %swap3A_1263, %swap3A_1264] {strides = array<i32>} : memref<3x77x512xf32, #tpu.memory_space<vmem>>, vector<1x1x16xf32>,
        %swap3A_1266 = vector.shape_cast %swap3A_1265 : vector<1x1x16xf32> to vector<16xf32>
        %swap3A_1267 = vector.shape_cast %get3A_1260 : vector<16xf32> to vector<1x1x16xf32>
        tpu.vector_store %arg7[%swap3A_1262, %swap3A_1263, %swap3A_1264], %swap3A_1267 {strides = array<i32>} : memref<3x77x512xf32, #tpu.memory_space<vmem>>, vector<1x1x16xf32>,
        %get3A_1268 = arith.constant 3 : i32
        %get3A_1269 = arith.index_cast %get3A_1268 : i32 to index
        %get3A_1270 = arith.constant 48 : index
        %get3A_1271 = tpu.vector_load %arg8[%get3A_1269, %get3A_1270] {strides = array<i32>} : memref<4x512xf32, #tpu.memory_space<vmem>>, vector<1x16xf32>,
        %get3A_1272 = vector.shape_cast %get3A_1271 : vector<1x16xf32> to vector<16xf32>
        %swap3A_1273 = arith.constant 4 : i32
        %swap3A_1274 = arith.index_cast %rem3A_67 : i32 to index
        %swap3A_1275 = arith.index_cast %swap3A_1273 : i32 to index
        %swap3A_1276 = arith.constant 48 : index
        %swap3A_1277 = tpu.vector_load %arg7[%swap3A_1274, %swap3A_1275, %swap3A_1276] {strides = array<i32>} : memref<3x77x512xf32, #tpu.memory_space<vmem>>, vector<1x1x16xf32>,
        %swap3A_1278 = vector.shape_cast %swap3A_1277 : vector<1x1x16xf32> to vector<16xf32>
        %swap3A_1279 = vector.shape_cast %get3A_1272 : vector<16xf32> to vector<1x1x16xf32>
        tpu.vector_store %arg7[%swap3A_1274, %swap3A_1275, %swap3A_1276], %swap3A_1279 {strides = array<i32>} : memref<3x77x512xf32, #tpu.memory_space<vmem>>, vector<1x1x16xf32>,
        %get3A_1280 = arith.constant 3 : i32
        %get3A_1281 = arith.index_cast %get3A_1280 : i32 to index
        %get3A_1282 = arith.constant 64 : index
        %get3A_1283 = tpu.vector_load %arg8[%get3A_1281, %get3A_1282] {strides = array<i32>} : memref<4x512xf32, #tpu.memory_space<vmem>>, vector<1x16xf32>,
        %get3A_1284 = vector.shape_cast %get3A_1283 : vector<1x16xf32> to vector<16xf32>
        %swap3A_1285 = arith.constant 4 : i32
        %swap3A_1286 = arith.index_cast %rem3A_67 : i32 to index
        %swap3A_1287 = arith.index_cast %swap3A_1285 : i32 to index
        %swap3A_1288 = arith.constant 64 : index
        %swap3A_1289 = tpu.vector_load %arg7[%swap3A_1286, %swap3A_1287, %swap3A_1288] {strides = array<i32>} : memref<3x77x512xf32, #tpu.memory_space<vmem>>, vector<1x1x16xf32>,
        %swap3A_1290 = vector.shape_cast %swap3A_1289 : vector<1x1x16xf32> to vector<16xf32>
        %swap3A_1291 = vector.shape_cast %get3A_1284 : vector<16xf32> to vector<1x1x16xf32>
        tpu.vector_store %arg7[%swap3A_1286, %swap3A_1287, %swap3A_1288], %swap3A_1291 {strides = array<i32>} : memref<3x77x512xf32, #tpu.memory_space<vmem>>, vector<1x1x16xf32>,
        %get3A_1292 = arith.constant 3 : i32
        %get3A_1293 = arith.index_cast %get3A_1292 : i32 to index
        %get3A_1294 = arith.constant 80 : index
        %get3A_1295 = tpu.vector_load %arg8[%get3A_1293, %get3A_1294] {strides = array<i32>} : memref<4x512xf32, #tpu.memory_space<vmem>>, vector<1x16xf32>,
        %get3A_1296 = vector.shape_cast %get3A_1295 : vector<1x16xf32> to vector<16xf32>
        %swap3A_1297 = arith.constant 4 : i32
        %swap3A_1298 = arith.index_cast %rem3A_67 : i32 to index
        %swap3A_1299 = arith.index_cast %swap3A_1297 : i32 to index
        %swap3A_1300 = arith.constant 80 : index
        %swap3A_1301 = tpu.vector_load %arg7[%swap3A_1298, %swap3A_1299, %swap3A_1300] {strides = array<i32>} : memref<3x77x512xf32, #tpu.memory_space<vmem>>, vector<1x1x16xf32>,
        %swap3A_1302 = vector.shape_cast %swap3A_1301 : vector<1x1x16xf32> to vector<16xf32>
        %swap3A_1303 = vector.shape_cast %get3A_1296 : vector<16xf32> to vector<1x1x16xf32>
        tpu.vector_store %arg7[%swap3A_1298, %swap3A_1299, %swap3A_1300], %swap3A_1303 {strides = array<i32>} : memref<3x77x512xf32, #tpu.memory_space<vmem>>, vector<1x1x16xf32>,
        %get3A_1304 = arith.constant 3 : i32
        %get3A_1305 = arith.index_cast %get3A_1304 : i32 to index
        %get3A_1306 = arith.constant 96 : index
        %get3A_1307 = tpu.vector_load %arg8[%get3A_1305, %get3A_1306] {strides = array<i32>} : memref<4x512xf32, #tpu.memory_space<vmem>>, vector<1x16xf32>,
        %get3A_1308 = vector.shape_cast %get3A_1307 : vector<1x16xf32> to vector<16xf32>
        %swap3A_1309 = arith.constant 4 : i32
        %swap3A_1310 = arith.index_cast %rem3A_67 : i32 to index
        %swap3A_1311 = arith.index_cast %swap3A_1309 : i32 to index
        %swap3A_1312 = arith.constant 96 : index
        %swap3A_1313 = tpu.vector_load %arg7[%swap3A_1310, %swap3A_1311, %swap3A_1312] {strides = array<i32>} : memref<3x77x512xf32, #tpu.memory_space<vmem>>, vector<1x1x16xf32>,
        %swap3A_1314 = vector.shape_cast %swap3A_1313 : vector<1x1x16xf32> to vector<16xf32>
        %swap3A_1315 = vector.shape_cast %get3A_1308 : vector<16xf32> to vector<1x1x16xf32>
        tpu.vector_store %arg7[%swap3A_1310, %swap3A_1311, %swap3A_1312], %swap3A_1315 {strides = array<i32>} : memref<3x77x512xf32, #tpu.memory_space<vmem>>, vector<1x1x16xf32>,
        %get3A_1316 = arith.constant 3 : i32
        %get3A_1317 = arith.index_cast %get3A_1316 : i32 to index
        %get3A_1318 = arith.constant 112 : index
        %get3A_1319 = tpu.vector_load %arg8[%get3A_1317, %get3A_1318] {strides = array<i32>} : memref<4x512xf32, #tpu.memory_space<vmem>>, vector<1x16xf32>,
        %get3A_1320 = vector.shape_cast %get3A_1319 : vector<1x16xf32> to vector<16xf32>
        %swap3A_1321 = arith.constant 4 : i32
        %swap3A_1322 = arith.index_cast %rem3A_67 : i32 to index
        %swap3A_1323 = arith.index_cast %swap3A_1321 : i32 to index
        %swap3A_1324 = arith.constant 112 : index
        %swap3A_1325 = tpu.vector_load %arg7[%swap3A_1322, %swap3A_1323, %swap3A_1324] {strides = array<i32>} : memref<3x77x512xf32, #tpu.memory_space<vmem>>, vector<1x1x16xf32>,
        %swap3A_1326 = vector.shape_cast %swap3A_1325 : vector<1x1x16xf32> to vector<16xf32>
        %swap3A_1327 = vector.shape_cast %get3A_1320 : vector<16xf32> to vector<1x1x16xf32>
        tpu.vector_store %arg7[%swap3A_1322, %swap3A_1323, %swap3A_1324], %swap3A_1327 {strides = array<i32>} : memref<3x77x512xf32, #tpu.memory_space<vmem>>, vector<1x1x16xf32>,
        %get3A_1328 = arith.constant 3 : i32
        %get3A_1329 = arith.index_cast %get3A_1328 : i32 to index
        %get3A_1330 = arith.constant 128 : index
        %get3A_1331 = tpu.vector_load %arg8[%get3A_1329, %get3A_1330] {strides = array<i32>} : memref<4x512xf32, #tpu.memory_space<vmem>>, vector<1x16xf32>,
        %get3A_1332 = vector.shape_cast %get3A_1331 : vector<1x16xf32> to vector<16xf32>
        %swap3A_1333 = arith.constant 4 : i32
        %swap3A_1334 = arith.index_cast %rem3A_67 : i32 to index
        %swap3A_1335 = arith.index_cast %swap3A_1333 : i32 to index
        %swap3A_1336 = arith.constant 128 : index
        %swap3A_1337 = tpu.vector_load %arg7[%swap3A_1334, %swap3A_1335, %swap3A_1336] {strides = array<i32>} : memref<3x77x512xf32, #tpu.memory_space<vmem>>, vector<1x1x16xf32>,
        %swap3A_1338 = vector.shape_cast %swap3A_1337 : vector<1x1x16xf32> to vector<16xf32>
        %swap3A_1339 = vector.shape_cast %get3A_1332 : vector<16xf32> to vector<1x1x16xf32>
        tpu.vector_store %arg7[%swap3A_1334, %swap3A_1335, %swap3A_1336], %swap3A_1339 {strides = array<i32>} : memref<3x77x512xf32, #tpu.memory_space<vmem>>, vector<1x1x16xf32>,
        %get3A_1340 = arith.constant 3 : i32
        %get3A_1341 = arith.index_cast %get3A_1340 : i32 to index
        %get3A_1342 = arith.constant 144 : index
        %get3A_1343 = tpu.vector_load %arg8[%get3A_1341, %get3A_1342] {strides = array<i32>} : memref<4x512xf32, #tpu.memory_space<vmem>>, vector<1x16xf32>,
        %get3A_1344 = vector.shape_cast %get3A_1343 : vector<1x16xf32> to vector<16xf32>
        %swap3A_1345 = arith.constant 4 : i32
        %swap3A_1346 = arith.index_cast %rem3A_67 : i32 to index
        %swap3A_1347 = arith.index_cast %swap3A_1345 : i32 to index
        %swap3A_1348 = arith.constant 144 : index
        %swap3A_1349 = tpu.vector_load %arg7[%swap3A_1346, %swap3A_1347, %swap3A_1348] {strides = array<i32>} : memref<3x77x512xf32, #tpu.memory_space<vmem>>, vector<1x1x16xf32>,
        %swap3A_1350 = vector.shape_cast %swap3A_1349 : vector<1x1x16xf32> to vector<16xf32>
        %swap3A_1351 = vector.shape_cast %get3A_1344 : vector<16xf32> to vector<1x1x16xf32>
        tpu.vector_store %arg7[%swap3A_1346, %swap3A_1347, %swap3A_1348], %swap3A_1351 {strides = array<i32>} : memref<3x77x512xf32, #tpu.memory_space<vmem>>, vector<1x1x16xf32>,
        %get3A_1352 = arith.constant 3 : i32
        %get3A_1353 = arith.index_cast %get3A_1352 : i32 to index
        %get3A_1354 = arith.constant 160 : index
        %get3A_1355 = tpu.vector_load %arg8[%get3A_1353, %get3A_1354] {strides = array<i32>} : memref<4x512xf32, #tpu.memory_space<vmem>>, vector<1x16xf32>,
        %get3A_1356 = vector.shape_cast %get3A_1355 : vector<1x16xf32> to vector<16xf32>
        %swap3A_1357 = arith.constant 4 : i32
        %swap3A_1358 = arith.index_cast %rem3A_67 : i32 to index
        %swap3A_1359 = arith.index_cast %swap3A_1357 : i32 to index
        %swap3A_1360 = arith.constant 160 : index
        %swap3A_1361 = tpu.vector_load %arg7[%swap3A_1358, %swap3A_1359, %swap3A_1360] {strides = array<i32>} : memref<3x77x512xf32, #tpu.memory_space<vmem>>, vector<1x1x16xf32>,
        %swap3A_1362 = vector.shape_cast %swap3A_1361 : vector<1x1x16xf32> to vector<16xf32>
        %swap3A_1363 = vector.shape_cast %get3A_1356 : vector<16xf32> to vector<1x1x16xf32>
        tpu.vector_store %arg7[%swap3A_1358, %swap3A_1359, %swap3A_1360], %swap3A_1363 {strides = array<i32>} : memref<3x77x512xf32, #tpu.memory_space<vmem>>, vector<1x1x16xf32>,
        %get3A_1364 = arith.constant 3 : i32
        %get3A_1365 = arith.index_cast %get3A_1364 : i32 to index
        %get3A_1366 = arith.constant 176 : index
        %get3A_1367 = tpu.vector_load %arg8[%get3A_1365, %get3A_1366] {strides = array<i32>} : memref<4x512xf32, #tpu.memory_space<vmem>>, vector<1x16xf32>,
        %get3A_1368 = vector.shape_cast %get3A_1367 : vector<1x16xf32> to vector<16xf32>
        %swap3A_1369 = arith.constant 4 : i32
        %swap3A_1370 = arith.index_cast %rem3A_67 : i32 to index
        %swap3A_1371 = arith.index_cast %swap3A_1369 : i32 to index
        %swap3A_1372 = arith.constant 176 : index
        %swap3A_1373 = tpu.vector_load %arg7[%swap3A_1370, %swap3A_1371, %swap3A_1372] {strides = array<i32>} : memref<3x77x512xf32, #tpu.memory_space<vmem>>, vector<1x1x16xf32>,
        %swap3A_1374 = vector.shape_cast %swap3A_1373 : vector<1x1x16xf32> to vector<16xf32>
        %swap3A_1375 = vector.shape_cast %get3A_1368 : vector<16xf32> to vector<1x1x16xf32>
        tpu.vector_store %arg7[%swap3A_1370, %swap3A_1371, %swap3A_1372], %swap3A_1375 {strides = array<i32>} : memref<3x77x512xf32, #tpu.memory_space<vmem>>, vector<1x1x16xf32>,
        %get3A_1376 = arith.constant 3 : i32
        %get3A_1377 = arith.index_cast %get3A_1376 : i32 to index
        %get3A_1378 = arith.constant 192 : index
        %get3A_1379 = tpu.vector_load %arg8[%get3A_1377, %get3A_1378] {strides = array<i32>} : memref<4x512xf32, #tpu.memory_space<vmem>>, vector<1x16xf32>,
        %get3A_1380 = vector.shape_cast %get3A_1379 : vector<1x16xf32> to vector<16xf32>
        %swap3A_1381 = arith.constant 4 : i32
        %swap3A_1382 = arith.index_cast %rem3A_67 : i32 to index
        %swap3A_1383 = arith.index_cast %swap3A_1381 : i32 to index
        %swap3A_1384 = arith.constant 192 : index
        %swap3A_1385 = tpu.vector_load %arg7[%swap3A_1382, %swap3A_1383, %swap3A_1384] {strides = array<i32>} : memref<3x77x512xf32, #tpu.memory_space<vmem>>, vector<1x1x16xf32>,
        %swap3A_1386 = vector.shape_cast %swap3A_1385 : vector<1x1x16xf32> to vector<16xf32>
        %swap3A_1387 = vector.shape_cast %get3A_1380 : vector<16xf32> to vector<1x1x16xf32>
        tpu.vector_store %arg7[%swap3A_1382, %swap3A_1383, %swap3A_1384], %swap3A_1387 {strides = array<i32>} : memref<3x77x512xf32, #tpu.memory_space<vmem>>, vector<1x1x16xf32>,
        %get3A_1388 = arith.constant 3 : i32
        %get3A_1389 = arith.index_cast %get3A_1388 : i32 to index
        %get3A_1390 = arith.constant 208 : index
        %get3A_1391 = tpu.vector_load %arg8[%get3A_1389, %get3A_1390] {strides = array<i32>} : memref<4x512xf32, #tpu.memory_space<vmem>>, vector<1x16xf32>,
        %get3A_1392 = vector.shape_cast %get3A_1391 : vector<1x16xf32> to vector<16xf32>
        %swap3A_1393 = arith.constant 4 : i32
        %swap3A_1394 = arith.index_cast %rem3A_67 : i32 to index
        %swap3A_1395 = arith.index_cast %swap3A_1393 : i32 to index
        %swap3A_1396 = arith.constant 208 : index
        %swap3A_1397 = tpu.vector_load %arg7[%swap3A_1394, %swap3A_1395, %swap3A_1396] {strides = array<i32>} : memref<3x77x512xf32, #tpu.memory_space<vmem>>, vector<1x1x16xf32>,
        %swap3A_1398 = vector.shape_cast %swap3A_1397 : vector<1x1x16xf32> to vector<16xf32>
        %swap3A_1399 = vector.shape_cast %get3A_1392 : vector<16xf32> to vector<1x1x16xf32>
        tpu.vector_store %arg7[%swap3A_1394, %swap3A_1395, %swap3A_1396], %swap3A_1399 {strides = array<i32>} : memref<3x77x512xf32, #tpu.memory_space<vmem>>, vector<1x1x16xf32>,
        %get3A_1400 = arith.constant 3 : i32
        %get3A_1401 = arith.index_cast %get3A_1400 : i32 to index
        %get3A_1402 = arith.constant 224 : index
        %get3A_1403 = tpu.vector_load %arg8[%get3A_1401, %get3A_1402] {strides = array<i32>} : memref<4x512xf32, #tpu.memory_space<vmem>>, vector<1x16xf32>,
        %get3A_1404 = vector.shape_cast %get3A_1403 : vector<1x16xf32> to vector<16xf32>
        %swap3A_1405 = arith.constant 4 : i32
        %swap3A_1406 = arith.index_cast %rem3A_67 : i32 to index
        %swap3A_1407 = arith.index_cast %swap3A_1405 : i32 to index
        %swap3A_1408 = arith.constant 224 : index
        %swap3A_1409 = tpu.vector_load %arg7[%swap3A_1406, %swap3A_1407, %swap3A_1408] {strides = array<i32>} : memref<3x77x512xf32, #tpu.memory_space<vmem>>, vector<1x1x16xf32>,
        %swap3A_1410 = vector.shape_cast %swap3A_1409 : vector<1x1x16xf32> to vector<16xf32>
        %swap3A_1411 = vector.shape_cast %get3A_1404 : vector<16xf32> to vector<1x1x16xf32>
        tpu.vector_store %arg7[%swap3A_1406, %swap3A_1407, %swap3A_1408], %swap3A_1411 {strides = array<i32>} : memref<3x77x512xf32, #tpu.memory_space<vmem>>, vector<1x1x16xf32>,
        %get3A_1412 = arith.constant 3 : i32
        %get3A_1413 = arith.index_cast %get3A_1412 : i32 to index
        %get3A_1414 = arith.constant 240 : index
        %get3A_1415 = tpu.vector_load %arg8[%get3A_1413, %get3A_1414] {strides = array<i32>} : memref<4x512xf32, #tpu.memory_space<vmem>>, vector<1x16xf32>,
        %get3A_1416 = vector.shape_cast %get3A_1415 : vector<1x16xf32> to vector<16xf32>
        %swap3A_1417 = arith.constant 4 : i32
        %swap3A_1418 = arith.index_cast %rem3A_67 : i32 to index
        %swap3A_1419 = arith.index_cast %swap3A_1417 : i32 to index
        %swap3A_1420 = arith.constant 240 : index
        %swap3A_1421 = tpu.vector_load %arg7[%swap3A_1418, %swap3A_1419, %swap3A_1420] {strides = array<i32>} : memref<3x77x512xf32, #tpu.memory_space<vmem>>, vector<1x1x16xf32>,
        %swap3A_1422 = vector.shape_cast %swap3A_1421 : vector<1x1x16xf32> to vector<16xf32>
        %swap3A_1423 = vector.shape_cast %get3A_1416 : vector<16xf32> to vector<1x1x16xf32>
        tpu.vector_store %arg7[%swap3A_1418, %swap3A_1419, %swap3A_1420], %swap3A_1423 {strides = array<i32>} : memref<3x77x512xf32, #tpu.memory_space<vmem>>, vector<1x1x16xf32>,
        %get3A_1424 = arith.constant 3 : i32
        %get3A_1425 = arith.index_cast %get3A_1424 : i32 to index
        %get3A_1426 = arith.constant 256 : index
        %get3A_1427 = tpu.vector_load %arg8[%get3A_1425, %get3A_1426] {strides = array<i32>} : memref<4x512xf32, #tpu.memory_space<vmem>>, vector<1x16xf32>,
        %get3A_1428 = vector.shape_cast %get3A_1427 : vector<1x16xf32> to vector<16xf32>
        %swap3A_1429 = arith.constant 4 : i32
        %swap3A_1430 = arith.index_cast %rem3A_67 : i32 to index
        %swap3A_1431 = arith.index_cast %swap3A_1429 : i32 to index
        %swap3A_1432 = arith.constant 256 : index
        %swap3A_1433 = tpu.vector_load %arg7[%swap3A_1430, %swap3A_1431, %swap3A_1432] {strides = array<i32>} : memref<3x77x512xf32, #tpu.memory_space<vmem>>, vector<1x1x16xf32>,
        %swap3A_1434 = vector.shape_cast %swap3A_1433 : vector<1x1x16xf32> to vector<16xf32>
        %swap3A_1435 = vector.shape_cast %get3A_1428 : vector<16xf32> to vector<1x1x16xf32>
        tpu.vector_store %arg7[%swap3A_1430, %swap3A_1431, %swap3A_1432], %swap3A_1435 {strides = array<i32>} : memref<3x77x512xf32, #tpu.memory_space<vmem>>, vector<1x1x16xf32>,
        %get3A_1436 = arith.constant 3 : i32
        %get3A_1437 = arith.index_cast %get3A_1436 : i32 to index
        %get3A_1438 = arith.constant 272 : index
        %get3A_1439 = tpu.vector_load %arg8[%get3A_1437, %get3A_1438] {strides = array<i32>} : memref<4x512xf32, #tpu.memory_space<vmem>>, vector<1x16xf32>,
        %get3A_1440 = vector.shape_cast %get3A_1439 : vector<1x16xf32> to vector<16xf32>
        %swap3A_1441 = arith.constant 4 : i32
        %swap3A_1442 = arith.index_cast %rem3A_67 : i32 to index
        %swap3A_1443 = arith.index_cast %swap3A_1441 : i32 to index
        %swap3A_1444 = arith.constant 272 : index
        %swap3A_1445 = tpu.vector_load %arg7[%swap3A_1442, %swap3A_1443, %swap3A_1444] {strides = array<i32>} : memref<3x77x512xf32, #tpu.memory_space<vmem>>, vector<1x1x16xf32>,
        %swap3A_1446 = vector.shape_cast %swap3A_1445 : vector<1x1x16xf32> to vector<16xf32>
        %swap3A_1447 = vector.shape_cast %get3A_1440 : vector<16xf32> to vector<1x1x16xf32>
        tpu.vector_store %arg7[%swap3A_1442, %swap3A_1443, %swap3A_1444], %swap3A_1447 {strides = array<i32>} : memref<3x77x512xf32, #tpu.memory_space<vmem>>, vector<1x1x16xf32>,
        %get3A_1448 = arith.constant 3 : i32
        %get3A_1449 = arith.index_cast %get3A_1448 : i32 to index
        %get3A_1450 = arith.constant 288 : index
        %get3A_1451 = tpu.vector_load %arg8[%get3A_1449, %get3A_1450] {strides = array<i32>} : memref<4x512xf32, #tpu.memory_space<vmem>>, vector<1x16xf32>,
        %get3A_1452 = vector.shape_cast %get3A_1451 : vector<1x16xf32> to vector<16xf32>
        %swap3A_1453 = arith.constant 4 : i32
        %swap3A_1454 = arith.index_cast %rem3A_67 : i32 to index
        %swap3A_1455 = arith.index_cast %swap3A_1453 : i32 to index
        %swap3A_1456 = arith.constant 288 : index
        %swap3A_1457 = tpu.vector_load %arg7[%swap3A_1454, %swap3A_1455, %swap3A_1456] {strides = array<i32>} : memref<3x77x512xf32, #tpu.memory_space<vmem>>, vector<1x1x16xf32>,
        %swap3A_1458 = vector.shape_cast %swap3A_1457 : vector<1x1x16xf32> to vector<16xf32>
        %swap3A_1459 = vector.shape_cast %get3A_1452 : vector<16xf32> to vector<1x1x16xf32>
        tpu.vector_store %arg7[%swap3A_1454, %swap3A_1455, %swap3A_1456], %swap3A_1459 {strides = array<i32>} : memref<3x77x512xf32, #tpu.memory_space<vmem>>, vector<1x1x16xf32>,
        %get3A_1460 = arith.constant 3 : i32
        %get3A_1461 = arith.index_cast %get3A_1460 : i32 to index
        %get3A_1462 = arith.constant 304 : index
        %get3A_1463 = tpu.vector_load %arg8[%get3A_1461, %get3A_1462] {strides = array<i32>} : memref<4x512xf32, #tpu.memory_space<vmem>>, vector<1x16xf32>,
        %get3A_1464 = vector.shape_cast %get3A_1463 : vector<1x16xf32> to vector<16xf32>
        %swap3A_1465 = arith.constant 4 : i32
        %swap3A_1466 = arith.index_cast %rem3A_67 : i32 to index
        %swap3A_1467 = arith.index_cast %swap3A_1465 : i32 to index
        %swap3A_1468 = arith.constant 304 : index
        %swap3A_1469 = tpu.vector_load %arg7[%swap3A_1466, %swap3A_1467, %swap3A_1468] {strides = array<i32>} : memref<3x77x512xf32, #tpu.memory_space<vmem>>, vector<1x1x16xf32>,
        %swap3A_1470 = vector.shape_cast %swap3A_1469 : vector<1x1x16xf32> to vector<16xf32>
        %swap3A_1471 = vector.shape_cast %get3A_1464 : vector<16xf32> to vector<1x1x16xf32>
        tpu.vector_store %arg7[%swap3A_1466, %swap3A_1467, %swap3A_1468], %swap3A_1471 {strides = array<i32>} : memref<3x77x512xf32, #tpu.memory_space<vmem>>, vector<1x1x16xf32>,
        %get3A_1472 = arith.constant 3 : i32
        %get3A_1473 = arith.index_cast %get3A_1472 : i32 to index
        %get3A_1474 = arith.constant 320 : index
        %get3A_1475 = tpu.vector_load %arg8[%get3A_1473, %get3A_1474] {strides = array<i32>} : memref<4x512xf32, #tpu.memory_space<vmem>>, vector<1x16xf32>,
        %get3A_1476 = vector.shape_cast %get3A_1475 : vector<1x16xf32> to vector<16xf32>
        %swap3A_1477 = arith.constant 4 : i32
        %swap3A_1478 = arith.index_cast %rem3A_67 : i32 to index
        %swap3A_1479 = arith.index_cast %swap3A_1477 : i32 to index
        %swap3A_1480 = arith.constant 320 : index
        %swap3A_1481 = tpu.vector_load %arg7[%swap3A_1478, %swap3A_1479, %swap3A_1480] {strides = array<i32>} : memref<3x77x512xf32, #tpu.memory_space<vmem>>, vector<1x1x16xf32>,
        %swap3A_1482 = vector.shape_cast %swap3A_1481 : vector<1x1x16xf32> to vector<16xf32>
        %swap3A_1483 = vector.shape_cast %get3A_1476 : vector<16xf32> to vector<1x1x16xf32>
        tpu.vector_store %arg7[%swap3A_1478, %swap3A_1479, %swap3A_1480], %swap3A_1483 {strides = array<i32>} : memref<3x77x512xf32, #tpu.memory_space<vmem>>, vector<1x1x16xf32>,
        %get3A_1484 = arith.constant 3 : i32
        %get3A_1485 = arith.index_cast %get3A_1484 : i32 to index
        %get3A_1486 = arith.constant 336 : index
        %get3A_1487 = tpu.vector_load %arg8[%get3A_1485, %get3A_1486] {strides = array<i32>} : memref<4x512xf32, #tpu.memory_space<vmem>>, vector<1x16xf32>,
        %get3A_1488 = vector.shape_cast %get3A_1487 : vector<1x16xf32> to vector<16xf32>
        %swap3A_1489 = arith.constant 4 : i32
        %swap3A_1490 = arith.index_cast %rem3A_67 : i32 to index
        %swap3A_1491 = arith.index_cast %swap3A_1489 : i32 to index
        %swap3A_1492 = arith.constant 336 : index
        %swap3A_1493 = tpu.vector_load %arg7[%swap3A_1490, %swap3A_1491, %swap3A_1492] {strides = array<i32>} : memref<3x77x512xf32, #tpu.memory_space<vmem>>, vector<1x1x16xf32>,
        %swap3A_1494 = vector.shape_cast %swap3A_1493 : vector<1x1x16xf32> to vector<16xf32>
        %swap3A_1495 = vector.shape_cast %get3A_1488 : vector<16xf32> to vector<1x1x16xf32>
        tpu.vector_store %arg7[%swap3A_1490, %swap3A_1491, %swap3A_1492], %swap3A_1495 {strides = array<i32>} : memref<3x77x512xf32, #tpu.memory_space<vmem>>, vector<1x1x16xf32>,
        %get3A_1496 = arith.constant 3 : i32
        %get3A_1497 = arith.index_cast %get3A_1496 : i32 to index
        %get3A_1498 = arith.constant 352 : index
        %get3A_1499 = tpu.vector_load %arg8[%get3A_1497, %get3A_1498] {strides = array<i32>} : memref<4x512xf32, #tpu.memory_space<vmem>>, vector<1x16xf32>,
        %get3A_1500 = vector.shape_cast %get3A_1499 : vector<1x16xf32> to vector<16xf32>
        %swap3A_1501 = arith.constant 4 : i32
        %swap3A_1502 = arith.index_cast %rem3A_67 : i32 to index
        %swap3A_1503 = arith.index_cast %swap3A_1501 : i32 to index
        %swap3A_1504 = arith.constant 352 : index
        %swap3A_1505 = tpu.vector_load %arg7[%swap3A_1502, %swap3A_1503, %swap3A_1504] {strides = array<i32>} : memref<3x77x512xf32, #tpu.memory_space<vmem>>, vector<1x1x16xf32>,
        %swap3A_1506 = vector.shape_cast %swap3A_1505 : vector<1x1x16xf32> to vector<16xf32>
        %swap3A_1507 = vector.shape_cast %get3A_1500 : vector<16xf32> to vector<1x1x16xf32>
        tpu.vector_store %arg7[%swap3A_1502, %swap3A_1503, %swap3A_1504], %swap3A_1507 {strides = array<i32>} : memref<3x77x512xf32, #tpu.memory_space<vmem>>, vector<1x1x16xf32>,
        %get3A_1508 = arith.constant 3 : i32
        %get3A_1509 = arith.index_cast %get3A_1508 : i32 to index
        %get3A_1510 = arith.constant 368 : index
        %get3A_1511 = tpu.vector_load %arg8[%get3A_1509, %get3A_1510] {strides = array<i32>} : memref<4x512xf32, #tpu.memory_space<vmem>>, vector<1x16xf32>,
        %get3A_1512 = vector.shape_cast %get3A_1511 : vector<1x16xf32> to vector<16xf32>
        %swap3A_1513 = arith.constant 4 : i32
        %swap3A_1514 = arith.index_cast %rem3A_67 : i32 to index
        %swap3A_1515 = arith.index_cast %swap3A_1513 : i32 to index
        %swap3A_1516 = arith.constant 368 : index
        %swap3A_1517 = tpu.vector_load %arg7[%swap3A_1514, %swap3A_1515, %swap3A_1516] {strides = array<i32>} : memref<3x77x512xf32, #tpu.memory_space<vmem>>, vector<1x1x16xf32>,
        %swap3A_1518 = vector.shape_cast %swap3A_1517 : vector<1x1x16xf32> to vector<16xf32>
        %swap3A_1519 = vector.shape_cast %get3A_1512 : vector<16xf32> to vector<1x1x16xf32>
        tpu.vector_store %arg7[%swap3A_1514, %swap3A_1515, %swap3A_1516], %swap3A_1519 {strides = array<i32>} : memref<3x77x512xf32, #tpu.memory_space<vmem>>, vector<1x1x16xf32>,
        %get3A_1520 = arith.constant 3 : i32
        %get3A_1521 = arith.index_cast %get3A_1520 : i32 to index
        %get3A_1522 = arith.constant 384 : index
        %get3A_1523 = tpu.vector_load %arg8[%get3A_1521, %get3A_1522] {strides = array<i32>} : memref<4x512xf32, #tpu.memory_space<vmem>>, vector<1x16xf32>,
        %get3A_1524 = vector.shape_cast %get3A_1523 : vector<1x16xf32> to vector<16xf32>
        %swap3A_1525 = arith.constant 4 : i32
        %swap3A_1526 = arith.index_cast %rem3A_67 : i32 to index
        %swap3A_1527 = arith.index_cast %swap3A_1525 : i32 to index
        %swap3A_1528 = arith.constant 384 : index
        %swap3A_1529 = tpu.vector_load %arg7[%swap3A_1526, %swap3A_1527, %swap3A_1528] {strides = array<i32>} : memref<3x77x512xf32, #tpu.memory_space<vmem>>, vector<1x1x16xf32>,
        %swap3A_1530 = vector.shape_cast %swap3A_1529 : vector<1x1x16xf32> to vector<16xf32>
        %swap3A_1531 = vector.shape_cast %get3A_1524 : vector<16xf32> to vector<1x1x16xf32>
        tpu.vector_store %arg7[%swap3A_1526, %swap3A_1527, %swap3A_1528], %swap3A_1531 {strides = array<i32>} : memref<3x77x512xf32, #tpu.memory_space<vmem>>, vector<1x1x16xf32>,
        %get3A_1532 = arith.constant 3 : i32
        %get3A_1533 = arith.index_cast %get3A_1532 : i32 to index
        %get3A_1534 = arith.constant 400 : index
        %get3A_1535 = tpu.vector_load %arg8[%get3A_1533, %get3A_1534] {strides = array<i32>} : memref<4x512xf32, #tpu.memory_space<vmem>>, vector<1x16xf32>,
        %get3A_1536 = vector.shape_cast %get3A_1535 : vector<1x16xf32> to vector<16xf32>
        %swap3A_1537 = arith.constant 4 : i32
        %swap3A_1538 = arith.index_cast %rem3A_67 : i32 to index
        %swap3A_1539 = arith.index_cast %swap3A_1537 : i32 to index
        %swap3A_1540 = arith.constant 400 : index
        %swap3A_1541 = tpu.vector_load %arg7[%swap3A_1538, %swap3A_1539, %swap3A_1540] {strides = array<i32>} : memref<3x77x512xf32, #tpu.memory_space<vmem>>, vector<1x1x16xf32>,
        %swap3A_1542 = vector.shape_cast %swap3A_1541 : vector<1x1x16xf32> to vector<16xf32>
        %swap3A_1543 = vector.shape_cast %get3A_1536 : vector<16xf32> to vector<1x1x16xf32>
        tpu.vector_store %arg7[%swap3A_1538, %swap3A_1539, %swap3A_1540], %swap3A_1543 {strides = array<i32>} : memref<3x77x512xf32, #tpu.memory_space<vmem>>, vector<1x1x16xf32>,
        %get3A_1544 = arith.constant 3 : i32
        %get3A_1545 = arith.index_cast %get3A_1544 : i32 to index
        %get3A_1546 = arith.constant 416 : index
        %get3A_1547 = tpu.vector_load %arg8[%get3A_1545, %get3A_1546] {strides = array<i32>} : memref<4x512xf32, #tpu.memory_space<vmem>>, vector<1x16xf32>,
        %get3A_1548 = vector.shape_cast %get3A_1547 : vector<1x16xf32> to vector<16xf32>
        %swap3A_1549 = arith.constant 4 : i32
        %swap3A_1550 = arith.index_cast %rem3A_67 : i32 to index
        %swap3A_1551 = arith.index_cast %swap3A_1549 : i32 to index
        %swap3A_1552 = arith.constant 416 : index
        %swap3A_1553 = tpu.vector_load %arg7[%swap3A_1550, %swap3A_1551, %swap3A_1552] {strides = array<i32>} : memref<3x77x512xf32, #tpu.memory_space<vmem>>, vector<1x1x16xf32>,
        %swap3A_1554 = vector.shape_cast %swap3A_1553 : vector<1x1x16xf32> to vector<16xf32>
        %swap3A_1555 = vector.shape_cast %get3A_1548 : vector<16xf32> to vector<1x1x16xf32>
        tpu.vector_store %arg7[%swap3A_1550, %swap3A_1551, %swap3A_1552], %swap3A_1555 {strides = array<i32>} : memref<3x77x512xf32, #tpu.memory_space<vmem>>, vector<1x1x16xf32>,
        %get3A_1556 = arith.constant 3 : i32
        %get3A_1557 = arith.index_cast %get3A_1556 : i32 to index
        %get3A_1558 = arith.constant 432 : index
        %get3A_1559 = tpu.vector_load %arg8[%get3A_1557, %get3A_1558] {strides = array<i32>} : memref<4x512xf32, #tpu.memory_space<vmem>>, vector<1x16xf32>,
        %get3A_1560 = vector.shape_cast %get3A_1559 : vector<1x16xf32> to vector<16xf32>
        %swap3A_1561 = arith.constant 4 : i32
        %swap3A_1562 = arith.index_cast %rem3A_67 : i32 to index
        %swap3A_1563 = arith.index_cast %swap3A_1561 : i32 to index
        %swap3A_1564 = arith.constant 432 : index
        %swap3A_1565 = tpu.vector_load %arg7[%swap3A_1562, %swap3A_1563, %swap3A_1564] {strides = array<i32>} : memref<3x77x512xf32, #tpu.memory_space<vmem>>, vector<1x1x16xf32>,
        %swap3A_1566 = vector.shape_cast %swap3A_1565 : vector<1x1x16xf32> to vector<16xf32>
        %swap3A_1567 = vector.shape_cast %get3A_1560 : vector<16xf32> to vector<1x1x16xf32>
        tpu.vector_store %arg7[%swap3A_1562, %swap3A_1563, %swap3A_1564], %swap3A_1567 {strides = array<i32>} : memref<3x77x512xf32, #tpu.memory_space<vmem>>, vector<1x1x16xf32>,
        %get3A_1568 = arith.constant 3 : i32
        %get3A_1569 = arith.index_cast %get3A_1568 : i32 to index
        %get3A_1570 = arith.constant 448 : index
        %get3A_1571 = tpu.vector_load %arg8[%get3A_1569, %get3A_1570] {strides = array<i32>} : memref<4x512xf32, #tpu.memory_space<vmem>>, vector<1x16xf32>,
        %get3A_1572 = vector.shape_cast %get3A_1571 : vector<1x16xf32> to vector<16xf32>
        %swap3A_1573 = arith.constant 4 : i32
        %swap3A_1574 = arith.index_cast %rem3A_67 : i32 to index
        %swap3A_1575 = arith.index_cast %swap3A_1573 : i32 to index
        %swap3A_1576 = arith.constant 448 : index
        %swap3A_1577 = tpu.vector_load %arg7[%swap3A_1574, %swap3A_1575, %swap3A_1576] {strides = array<i32>} : memref<3x77x512xf32, #tpu.memory_space<vmem>>, vector<1x1x16xf32>,
        %swap3A_1578 = vector.shape_cast %swap3A_1577 : vector<1x1x16xf32> to vector<16xf32>
        %swap3A_1579 = vector.shape_cast %get3A_1572 : vector<16xf32> to vector<1x1x16xf32>
        tpu.vector_store %arg7[%swap3A_1574, %swap3A_1575, %swap3A_1576], %swap3A_1579 {strides = array<i32>} : memref<3x77x512xf32, #tpu.memory_space<vmem>>, vector<1x1x16xf32>,
        %get3A_1580 = arith.constant 3 : i32
        %get3A_1581 = arith.index_cast %get3A_1580 : i32 to index
        %get3A_1582 = arith.constant 464 : index
        %get3A_1583 = tpu.vector_load %arg8[%get3A_1581, %get3A_1582] {strides = array<i32>} : memref<4x512xf32, #tpu.memory_space<vmem>>, vector<1x16xf32>,
        %get3A_1584 = vector.shape_cast %get3A_1583 : vector<1x16xf32> to vector<16xf32>
        %swap3A_1585 = arith.constant 4 : i32
        %swap3A_1586 = arith.index_cast %rem3A_67 : i32 to index
        %swap3A_1587 = arith.index_cast %swap3A_1585 : i32 to index
        %swap3A_1588 = arith.constant 464 : index
        %swap3A_1589 = tpu.vector_load %arg7[%swap3A_1586, %swap3A_1587, %swap3A_1588] {strides = array<i32>} : memref<3x77x512xf32, #tpu.memory_space<vmem>>, vector<1x1x16xf32>,
        %swap3A_1590 = vector.shape_cast %swap3A_1589 : vector<1x1x16xf32> to vector<16xf32>
        %swap3A_1591 = vector.shape_cast %get3A_1584 : vector<16xf32> to vector<1x1x16xf32>
        tpu.vector_store %arg7[%swap3A_1586, %swap3A_1587, %swap3A_1588], %swap3A_1591 {strides = array<i32>} : memref<3x77x512xf32, #tpu.memory_space<vmem>>, vector<1x1x16xf32>,
        %get3A_1592 = arith.constant 3 : i32
        %get3A_1593 = arith.index_cast %get3A_1592 : i32 to index
        %get3A_1594 = arith.constant 480 : index
        %get3A_1595 = tpu.vector_load %arg8[%get3A_1593, %get3A_1594] {strides = array<i32>} : memref<4x512xf32, #tpu.memory_space<vmem>>, vector<1x16xf32>,
        %get3A_1596 = vector.shape_cast %get3A_1595 : vector<1x16xf32> to vector<16xf32>
        %swap3A_1597 = arith.constant 4 : i32
        %swap3A_1598 = arith.index_cast %rem3A_67 : i32 to index
        %swap3A_1599 = arith.index_cast %swap3A_1597 : i32 to index
        %swap3A_1600 = arith.constant 480 : index
        %swap3A_1601 = tpu.vector_load %arg7[%swap3A_1598, %swap3A_1599, %swap3A_1600] {strides = array<i32>} : memref<3x77x512xf32, #tpu.memory_space<vmem>>, vector<1x1x16xf32>,
        %swap3A_1602 = vector.shape_cast %swap3A_1601 : vector<1x1x16xf32> to vector<16xf32>
        %swap3A_1603 = vector.shape_cast %get3A_1596 : vector<16xf32> to vector<1x1x16xf32>
        tpu.vector_store %arg7[%swap3A_1598, %swap3A_1599, %swap3A_1600], %swap3A_1603 {strides = array<i32>} : memref<3x77x512xf32, #tpu.memory_space<vmem>>, vector<1x1x16xf32>,
        %get3A_1604 = arith.constant 3 : i32
        %get3A_1605 = arith.index_cast %get3A_1604 : i32 to index
        %get3A_1606 = arith.constant 496 : index
        %get3A_1607 = tpu.vector_load %arg8[%get3A_1605, %get3A_1606] {strides = array<i32>} : memref<4x512xf32, #tpu.memory_space<vmem>>, vector<1x16xf32>,
        %get3A_1608 = vector.shape_cast %get3A_1607 : vector<1x16xf32> to vector<16xf32>
        %swap3A_1609 = arith.constant 4 : i32
        %swap3A_1610 = arith.index_cast %rem3A_67 : i32 to index
        %swap3A_1611 = arith.index_cast %swap3A_1609 : i32 to index
        %swap3A_1612 = arith.constant 496 : index
        %swap3A_1613 = tpu.vector_load %arg7[%swap3A_1610, %swap3A_1611, %swap3A_1612] {strides = array<i32>} : memref<3x77x512xf32, #tpu.memory_space<vmem>>, vector<1x1x16xf32>,
        %swap3A_1614 = vector.shape_cast %swap3A_1613 : vector<1x1x16xf32> to vector<16xf32>
        %swap3A_1615 = vector.shape_cast %get3A_1608 : vector<16xf32> to vector<1x1x16xf32>
        tpu.vector_store %arg7[%swap3A_1610, %swap3A_1611, %swap3A_1612], %swap3A_1615 {strides = array<i32>} : memref<3x77x512xf32, #tpu.memory_space<vmem>>, vector<1x1x16xf32>,
        %add3A_1616 = arith.constant 0 : i32
        %add3A_1617 = vector.broadcast %add3A_1616 : i32 to vector<16xi32>
        %add3A_1618 = arith.addi %add3A_1617, %iota3A : vector<16xi32>
        %mul3A_1619 = arith.constant 1000 : i32
        %mul3A_1620 = vector.broadcast %mul3A_1619 : i32 to vector<16xi32>
        %mul3A_1621 = arith.muli %add3A_1618, %mul3A_1620 : vector<16xi32>
        %add3A_1622 = vector.broadcast %add3A_68 : i32 to vector<16xi32>
        %add3A_1623 = arith.addi %mul3A_1621, %add3A_1622 : vector<16xi32>
        %swap3A_1624 = arith.index_cast %rem3A_67 : i32 to index
        %swap3A_1625 = arith.constant 0 : index
        %swap3A_1626 = tpu.vector_load %arg9[%swap3A_1624, %swap3A_1625] {strides = array<i32>} : memref<3x77xi32, #tpu.memory_space<vmem>>, vector<1x16xi32>,
        %swap3A_1627 = vector.shape_cast %swap3A_1626 : vector<1x16xi32> to vector<16xi32>
        %swap3A_1628 = vector.shape_cast %add3A_1623 : vector<16xi32> to vector<1x16xi32>
        tpu.vector_store %arg9[%swap3A_1624, %swap3A_1625], %swap3A_1628 {strides = array<i32>} : memref<3x77xi32, #tpu.memory_space<vmem>>, vector<1x16xi32>,
        %add3A_1629 = arith.constant 16 : i32
        %add3A_1630 = vector.broadcast %add3A_1629 : i32 to vector<16xi32>
        %add3A_1631 = arith.addi %add3A_1630, %iota3A : vector<16xi32>
        %mul3A_1632 = arith.constant 1000 : i32
        %mul3A_1633 = vector.broadcast %mul3A_1632 : i32 to vector<16xi32>
        %mul3A_1634 = arith.muli %add3A_1631, %mul3A_1633 : vector<16xi32>
        %add3A_1635 = vector.broadcast %add3A_68 : i32 to vector<16xi32>
        %add3A_1636 = arith.addi %mul3A_1634, %add3A_1635 : vector<16xi32>
        %swap3A_1637 = arith.index_cast %rem3A_67 : i32 to index
        %swap3A_1638 = arith.constant 16 : index
        %swap3A_1639 = tpu.vector_load %arg9[%swap3A_1637, %swap3A_1638] {strides = array<i32>} : memref<3x77xi32, #tpu.memory_space<vmem>>, vector<1x16xi32>,
        %swap3A_1640 = vector.shape_cast %swap3A_1639 : vector<1x16xi32> to vector<16xi32>
        %swap3A_1641 = vector.shape_cast %add3A_1636 : vector<16xi32> to vector<1x16xi32>
        tpu.vector_store %arg9[%swap3A_1637, %swap3A_1638], %swap3A_1641 {strides = array<i32>} : memref<3x77xi32, #tpu.memory_space<vmem>>, vector<1x16xi32>,
        %add3A_1642 = arith.constant 32 : i32
        %add3A_1643 = vector.broadcast %add3A_1642 : i32 to vector<16xi32>
        %add3A_1644 = arith.addi %add3A_1643, %iota3A : vector<16xi32>
        %mul3A_1645 = arith.constant 1000 : i32
        %mul3A_1646 = vector.broadcast %mul3A_1645 : i32 to vector<16xi32>
        %mul3A_1647 = arith.muli %add3A_1644, %mul3A_1646 : vector<16xi32>
        %add3A_1648 = vector.broadcast %add3A_68 : i32 to vector<16xi32>
        %add3A_1649 = arith.addi %mul3A_1647, %add3A_1648 : vector<16xi32>
        %swap3A_1650 = arith.index_cast %rem3A_67 : i32 to index
        %swap3A_1651 = arith.constant 32 : index
        %swap3A_1652 = tpu.vector_load %arg9[%swap3A_1650, %swap3A_1651] {strides = array<i32>} : memref<3x77xi32, #tpu.memory_space<vmem>>, vector<1x16xi32>,
        %swap3A_1653 = vector.shape_cast %swap3A_1652 : vector<1x16xi32> to vector<16xi32>
        %swap3A_1654 = vector.shape_cast %add3A_1649 : vector<16xi32> to vector<1x16xi32>
        tpu.vector_store %arg9[%swap3A_1650, %swap3A_1651], %swap3A_1654 {strides = array<i32>} : memref<3x77xi32, #tpu.memory_space<vmem>>, vector<1x16xi32>,
        %add3A_1655 = arith.constant 48 : i32
        %add3A_1656 = vector.broadcast %add3A_1655 : i32 to vector<16xi32>
        %add3A_1657 = arith.addi %add3A_1656, %iota3A : vector<16xi32>
        %mul3A_1658 = arith.constant 1000 : i32
        %mul3A_1659 = vector.broadcast %mul3A_1658 : i32 to vector<16xi32>
        %mul3A_1660 = arith.muli %add3A_1657, %mul3A_1659 : vector<16xi32>
        %add3A_1661 = vector.broadcast %add3A_68 : i32 to vector<16xi32>
        %add3A_1662 = arith.addi %mul3A_1660, %add3A_1661 : vector<16xi32>
        %swap3A_1663 = arith.index_cast %rem3A_67 : i32 to index
        %swap3A_1664 = arith.constant 48 : index
        %swap3A_1665 = tpu.vector_load %arg9[%swap3A_1663, %swap3A_1664] {strides = array<i32>} : memref<3x77xi32, #tpu.memory_space<vmem>>, vector<1x16xi32>,
        %swap3A_1666 = vector.shape_cast %swap3A_1665 : vector<1x16xi32> to vector<16xi32>
        %swap3A_1667 = vector.shape_cast %add3A_1662 : vector<16xi32> to vector<1x16xi32>
        tpu.vector_store %arg9[%swap3A_1663, %swap3A_1664], %swap3A_1667 {strides = array<i32>} : memref<3x77xi32, #tpu.memory_space<vmem>>, vector<1x16xi32>,
        %add3A_1668 = arith.constant 61 : i32
        %add3A_1669 = vector.broadcast %add3A_1668 : i32 to vector<16xi32>
        %add3A_1670 = arith.addi %add3A_1669, %iota3A : vector<16xi32>
        %mul3A_1671 = arith.constant 1000 : i32
        %mul3A_1672 = vector.broadcast %mul3A_1671 : i32 to vector<16xi32>
        %mul3A_1673 = arith.muli %add3A_1670, %mul3A_1672 : vector<16xi32>
        %add3A_1674 = vector.broadcast %add3A_68 : i32 to vector<16xi32>
        %add3A_1675 = arith.addi %mul3A_1673, %add3A_1674 : vector<16xi32>
        %swap3A_1676 = arith.index_cast %rem3A_67 : i32 to index
        %swap3A_1677 = arith.constant 61 : index
        %swap3A_1678 = tpu.vector_load %arg9[%swap3A_1676, %swap3A_1677] {strides = array<i32>} : memref<3x77xi32, #tpu.memory_space<vmem>>, vector<1x16xi32>,
        %swap3A_1679 = vector.shape_cast %swap3A_1678 : vector<1x16xi32> to vector<16xi32>
        %swap3A_1680 = vector.shape_cast %add3A_1675 : vector<16xi32> to vector<1x16xi32>
        tpu.vector_store %arg9[%swap3A_1676, %swap3A_1677], %swap3A_1680 {strides = array<i32>} : memref<3x77xi32, #tpu.memory_space<vmem>>, vector<1x16xi32>,
        %dma_start3A_1681 = arith.constant 0 : i32
        %dma_start3A_1682 = arith.constant 0 : i32
        %dma_start3A_1683 = tpu.memref_slice %arg7[%rem3A_67, %dma_start3A_1681, %dma_start3A_1682] : memref<3x77x512xf32, #tpu.memory_space<vmem>> -> memref<1x77x512xf32, #tpu.memory_space<vmem>>
        %dma_start3A_1684 = tpu.memref_squeeze %dma_start3A_1683 : memref<1x77x512xf32, #tpu.memory_space<vmem>> -> memref<77x512xf32, #tpu.memory_space<vmem>>
        %dma_start3A_1685 = arith.constant 0 : i32
        %dma_start3A_1686 = tpu.memref_slice %arg9[%rem3A_67, %dma_start3A_1685] : memref<3x77xi32, #tpu.memory_space<vmem>> -> memref<1x77xi32, #tpu.memory_space<vmem>>
        %dma_start3A_1687 = tpu.memref_squeeze %dma_start3A_1686 : memref<1x77xi32, #tpu.memory_space<vmem>> -> memref<77xi32, #tpu.memory_space<vmem>>
        %dma_start3A_1688 = arith.constant 0 : i32
        %dma_start3A_1689 = arith.constant 0 : i32
        %dma_start3A_1690 = tpu.memref_slice %arg5[%dma_start3A_1688, %dma_start3A_1689] : memref<77000x512xf32, #tpu.memory_space<hbm>> -> memref<77000x512xf32, #tpu.memory_space<hbm>>
        %dma_start3A_1691 = tpu.memref_slice %arg11[%rem3A_67] : memref<3x!tpu.dma_semaphore, #tpu.memory_space<semaphore_mem>> -> memref<1x!tpu.dma_semaphore, #tpu.memory_space<semaphore_mem>>
        %dma_start3A_1692 = tpu.memref_squeeze %dma_start3A_1691 : memref<1x!tpu.dma_semaphore, #tpu.memory_space<semaphore_mem>> -> memref<!tpu.dma_semaphore, #tpu.memory_space<semaphore_mem>>
        tpu.enqueue_indirect_dma source(%dma_start3A_1684 : memref<77x512xf32, #tpu.memory_space<vmem>>) target(%dma_start3A_1690 : memref<77000x512xf32, #tpu.memory_space<hbm>>) offsets(%dma_start3A_1687 : memref<77xi32, #tpu.memory_space<vmem>>) semaphore(%dma_start3A_1692 : memref<!tpu.dma_semaphore, #tpu.memory_space<semaphore_mem>>)
        %add3A_1693 = arith.constant 2 : i32
        %add3A_1694 = arith.addi %while3A_65, %add3A_1693 : i32
        %lt3A = arith.cmpi slt, %add3A_1694, %min3A : i32
        %convert_element_type3A_1695 = arith.extui %lt3A : i1 to i32
        %cond3A_1696 = arith.constant 0 : i32
        %cond3A_1697 = arith.cmpi ne, %convert_element_type3A_1695, %cond3A_1696 : i32
        scf.if %cond3A_1697 {
          %add3A_1698 = arith.constant 2 : i32
          %add3A_1699 = arith.addi %while3A_65, %add3A_1698 : i32
          %rem3A_1700 = arith.constant 3 : i32
          %rem3A_1701 = arith.remsi %add3A_1699, %rem3A_1700 : i32
          %gt3A_1702 = arith.constant 0 : i32
          %gt3A_1703 = arith.cmpi sgt, %while3A_65, %gt3A_1702 : i32
          %convert_element_type3A_1704 = arith.extui %gt3A_1703 : i1 to i32
          %cond3A_1705 = arith.constant 0 : i32
          %cond3A_1706 = arith.cmpi ne, %convert_element_type3A_1704, %cond3A_1705 : i32
          scf.if %cond3A_1706 {
            %sub3A_1722 = arith.constant 1 : i32
            %sub3A_1723 = arith.subi %while3A_65, %sub3A_1722 : i32
            %dma_wait3A_1724 = arith.constant 0 : i32
            %dma_wait3A_1725 = arith.constant 0 : i32
            %dma_wait3A_1726 = tpu.memref_slice %arg7[%rem3A_1701, %dma_wait3A_1724, %dma_wait3A_1725] : memref<3x77x512xf32, #tpu.memory_space<vmem>> -> memref<1x77x512xf32, #tpu.memory_space<vmem>>
            %dma_wait3A_1727 = tpu.memref_squeeze %dma_wait3A_1726 : memref<1x77x512xf32, #tpu.memory_space<vmem>> -> memref<77x512xf32, #tpu.memory_space<vmem>>
            %dma_wait3A_1728 = arith.constant 0 : i32
            %dma_wait3A_1729 = tpu.memref_slice %arg9[%rem3A_1701, %dma_wait3A_1728] : memref<3x77xi32, #tpu.memory_space<vmem>> -> memref<1x77xi32, #tpu.memory_space<vmem>>
            %dma_wait3A_1730 = tpu.memref_squeeze %dma_wait3A_1729 : memref<1x77xi32, #tpu.memory_space<vmem>> -> memref<77xi32, #tpu.memory_space<vmem>>
            %dma_wait3A_1731 = arith.constant 0 : i32
            %dma_wait3A_1732 = arith.constant 0 : i32
            %dma_wait3A_1733 = tpu.memref_slice %arg5[%dma_wait3A_1731, %dma_wait3A_1732] : memref<77000x512xf32, #tpu.memory_space<hbm>> -> memref<77000x512xf32, #tpu.memory_space<hbm>>
            %dma_wait3A_1734 = tpu.memref_slice %arg11[%rem3A_1701] : memref<3x!tpu.dma_semaphore, #tpu.memory_space<semaphore_mem>> -> memref<1x!tpu.dma_semaphore, #tpu.memory_space<semaphore_mem>>
            %dma_wait3A_1735 = tpu.memref_squeeze %dma_wait3A_1734 : memref<1x!tpu.dma_semaphore, #tpu.memory_space<semaphore_mem>> -> memref<!tpu.dma_semaphore, #tpu.memory_space<semaphore_mem>>
            tpu.wait_indirect_dma semaphore(%dma_wait3A_1735 : memref<!tpu.dma_semaphore, #tpu.memory_space<semaphore_mem>>) src(%dma_wait3A_1727 : memref<77x512xf32, #tpu.memory_space<vmem>>) dst(%dma_wait3A_1733 : memref<77000x512xf32, #tpu.memory_space<hbm>>)
          } else {
          }
          %add3A_1707 = arith.constant 2 : i32
          %add3A_1708 = arith.addi %while3A_65, %add3A_1707 : i32
          %add3A_1709 = arith.addi %sub3A_7, %add3A_1708 : i32
          %dma_start3A_1710 = arith.constant 0 : i32
          %dma_start3A_1711 = arith.constant 0 : i32
          %dma_start3A_1712 = tpu.memref_slice %arg7[%rem3A_1701, %dma_start3A_1710, %dma_start3A_1711] : memref<3x77x512xf32, #tpu.memory_space<vmem>> -> memref<1x77x512xf32, #tpu.memory_space<vmem>>
          %dma_start3A_1713 = tpu.memref_squeeze %dma_start3A_1712 : memref<1x77x512xf32, #tpu.memory_space<vmem>> -> memref<77x512xf32, #tpu.memory_space<vmem>>
          %dma_start3A_1714 = arith.constant 0 : i32
          %dma_start3A_1715 = tpu.memref_slice %arg6[%add3A_1709, %dma_start3A_1714] : memref<32x77xi32, #tpu.memory_space<vmem>> -> memref<1x77xi32, #tpu.memory_space<vmem>>
          %dma_start3A_1716 = tpu.memref_squeeze %dma_start3A_1715 : memref<1x77xi32, #tpu.memory_space<vmem>> -> memref<77xi32, #tpu.memory_space<vmem>>
          %dma_start3A_1717 = arith.constant 0 : i32
          %dma_start3A_1718 = arith.constant 0 : i32
          %dma_start3A_1719 = tpu.memref_slice %arg3[%dma_start3A_1717, %dma_start3A_1718] : memref<49408x512xf32, #tpu.memory_space<hbm>> -> memref<49408x512xf32, #tpu.memory_space<hbm>>
          %dma_start3A_1720 = tpu.memref_slice %arg10[%rem3A_1701] : memref<3x!tpu.dma_semaphore, #tpu.memory_space<semaphore_mem>> -> memref<1x!tpu.dma_semaphore, #tpu.memory_space<semaphore_mem>>
          %dma_start3A_1721 = tpu.memref_squeeze %dma_start3A_1720 : memref<1x!tpu.dma_semaphore, #tpu.memory_space<semaphore_mem>> -> memref<!tpu.dma_semaphore, #tpu.memory_space<semaphore_mem>>
          tpu.enqueue_indirect_dma source(%dma_start3A_1719 : memref<49408x512xf32, #tpu.memory_space<hbm>>) target(%dma_start3A_1713 : memref<77x512xf32, #tpu.memory_space<vmem>>) offsets(%dma_start3A_1716 : memref<77xi32, #tpu.memory_space<vmem>>) semaphore(%dma_start3A_1721 : memref<!tpu.dma_semaphore, #tpu.memory_space<semaphore_mem>>)
        } else {
        }
      }
      %while3A_38 = arith.constant 1 : i32
      scf.for %while3A_65 = %while3A_36 to %while3A_32 step %while3A_38  : i32 {
        %rem3A_66 = arith.constant 3 : i32
        %rem3A_67 = arith.remsi %while3A_65, %rem3A_66 : i32
        %add3A_68 = arith.addi %mul3A_2, %while3A_65 : i32
        %add3A_69 = arith.addi %sub3A_7, %while3A_65 : i32
        %dma_wait3A_70 = arith.constant 0 : i32
        %dma_wait3A_71 = arith.constant 0 : i32
        %dma_wait3A_72 = tpu.memref_slice %arg7[%rem3A_67, %dma_wait3A_70, %dma_wait3A_71] : memref<3x77x512xf32, #tpu.memory_space<vmem>> -> memref<1x77x512xf32, #tpu.memory_space<vmem>>
        %dma_wait3A_73 = tpu.memref_squeeze %dma_wait3A_72 : memref<1x77x512xf32, #tpu.memory_space<vmem>> -> memref<77x512xf32, #tpu.memory_space<vmem>>
        %dma_wait3A_74 = arith.constant 0 : i32
        %dma_wait3A_75 = tpu.memref_slice %arg6[%add3A_69, %dma_wait3A_74] : memref<32x77xi32, #tpu.memory_space<vmem>> -> memref<1x77xi32, #tpu.memory_space<vmem>>
        %dma_wait3A_76 = tpu.memref_squeeze %dma_wait3A_75 : memref<1x77xi32, #tpu.memory_space<vmem>> -> memref<77xi32, #tpu.memory_space<vmem>>
        %dma_wait3A_77 = arith.constant 0 : i32
        %dma_wait3A_78 = arith.constant 0 : i32
        %dma_wait3A_79 = tpu.memref_slice %arg3[%dma_wait3A_77, %dma_wait3A_78] : memref<49408x512xf32, #tpu.memory_space<hbm>> -> memref<49408x512xf32, #tpu.memory_space<hbm>>
        %dma_wait3A_80 = tpu.memref_slice %arg10[%rem3A_67] : memref<3x!tpu.dma_semaphore, #tpu.memory_space<semaphore_mem>> -> memref<1x!tpu.dma_semaphore, #tpu.memory_space<semaphore_mem>>
        %dma_wait3A_81 = tpu.memref_squeeze %dma_wait3A_80 : memref<1x!tpu.dma_semaphore, #tpu.memory_space<semaphore_mem>> -> memref<!tpu.dma_semaphore, #tpu.memory_space<semaphore_mem>>
        tpu.wait_indirect_dma semaphore(%dma_wait3A_81 : memref<!tpu.dma_semaphore, #tpu.memory_space<semaphore_mem>>) src(%dma_wait3A_79 : memref<49408x512xf32, #tpu.memory_space<hbm>>) dst(%dma_wait3A_73 : memref<77x512xf32, #tpu.memory_space<vmem>>)
        %get3A = arith.constant 0 : i32
        %get3A_82 = arith.index_cast %get3A : i32 to index
        %get3A_83 = arith.constant 0 : index
        %get3A_84 = tpu.vector_load %arg8[%get3A_82, %get3A_83] {strides = array<i32>} : memref<4x512xf32, #tpu.memory_space<vmem>>, vector<1x16xf32>,
        %get3A_85 = vector.shape_cast %get3A_84 : vector<1x16xf32> to vector<16xf32>
        %swap3A = arith.constant 1 : i32
        %swap3A_86 = arith.index_cast %rem3A_67 : i32 to index
        %swap3A_87 = arith.index_cast %swap3A : i32 to index
        %swap3A_88 = arith.constant 0 : index
        %swap3A_89 = tpu.vector_load %arg7[%swap3A_86, %swap3A_87, %swap3A_88] {strides = array<i32>} : memref<3x77x512xf32, #tpu.memory_space<vmem>>, vector<1x1x16xf32>,
        %swap3A_90 = vector.shape_cast %swap3A_89 : vector<1x1x16xf32> to vector<16xf32>
        %swap3A_91 = vector.shape_cast %get3A_85 : vector<16xf32> to vector<1x1x16xf32>
        tpu.vector_store %arg7[%swap3A_86, %swap3A_87, %swap3A_88], %swap3A_91 {strides = array<i32>} : memref<3x77x512xf32, #tpu.memory_space<vmem>>, vector<1x1x16xf32>,
        %get3A_92 = arith.constant 0 : i32
        %get3A_93 = arith.index_cast %get3A_92 : i32 to index
        %get3A_94 = arith.constant 16 : index
        %get3A_95 = tpu.vector_load %arg8[%get3A_93, %get3A_94] {strides = array<i32>} : memref<4x512xf32, #tpu.memory_space<vmem>>, vector<1x16xf32>,
        %get3A_96 = vector.shape_cast %get3A_95 : vector<1x16xf32> to vector<16xf32>
        %swap3A_97 = arith.constant 1 : i32
        %swap3A_98 = arith.index_cast %rem3A_67 : i32 to index
        %swap3A_99 = arith.index_cast %swap3A_97 : i32 to index
        %swap3A_100 = arith.constant 16 : index
        %swap3A_101 = tpu.vector_load %arg7[%swap3A_98, %swap3A_99, %swap3A_100] {strides = array<i32>} : memref<3x77x512xf32, #tpu.memory_space<vmem>>, vector<1x1x16xf32>,
        %swap3A_102 = vector.shape_cast %swap3A_101 : vector<1x1x16xf32> to vector<16xf32>
        %swap3A_103 = vector.shape_cast %get3A_96 : vector<16xf32> to vector<1x1x16xf32>
        tpu.vector_store %arg7[%swap3A_98, %swap3A_99, %swap3A_100], %swap3A_103 {strides = array<i32>} : memref<3x77x512xf32, #tpu.memory_space<vmem>>, vector<1x1x16xf32>,
        %get3A_104 = arith.constant 0 : i32
        %get3A_105 = arith.index_cast %get3A_104 : i32 to index
        %get3A_106 = arith.constant 32 : index
        %get3A_107 = tpu.vector_load %arg8[%get3A_105, %get3A_106] {strides = array<i32>} : memref<4x512xf32, #tpu.memory_space<vmem>>, vector<1x16xf32>,
        %get3A_108 = vector.shape_cast %get3A_107 : vector<1x16xf32> to vector<16xf32>
        %swap3A_109 = arith.constant 1 : i32
        %swap3A_110 = arith.index_cast %rem3A_67 : i32 to index
        %swap3A_111 = arith.index_cast %swap3A_109 : i32 to index
        %swap3A_112 = arith.constant 32 : index
        %swap3A_113 = tpu.vector_load %arg7[%swap3A_110, %swap3A_111, %swap3A_112] {strides = array<i32>} : memref<3x77x512xf32, #tpu.memory_space<vmem>>, vector<1x1x16xf32>,
        %swap3A_114 = vector.shape_cast %swap3A_113 : vector<1x1x16xf32> to vector<16xf32>
        %swap3A_115 = vector.shape_cast %get3A_108 : vector<16xf32> to vector<1x1x16xf32>
        tpu.vector_store %arg7[%swap3A_110, %swap3A_111, %swap3A_112], %swap3A_115 {strides = array<i32>} : memref<3x77x512xf32, #tpu.memory_space<vmem>>, vector<1x1x16xf32>,
        %get3A_116 = arith.constant 0 : i32
        %get3A_117 = arith.index_cast %get3A_116 : i32 to index
        %get3A_118 = arith.constant 48 : index
        %get3A_119 = tpu.vector_load %arg8[%get3A_117, %get3A_118] {strides = array<i32>} : memref<4x512xf32, #tpu.memory_space<vmem>>, vector<1x16xf32>,
        %get3A_120 = vector.shape_cast %get3A_119 : vector<1x16xf32> to vector<16xf32>
        %swap3A_121 = arith.constant 1 : i32
        %swap3A_122 = arith.index_cast %rem3A_67 : i32 to index
        %swap3A_123 = arith.index_cast %swap3A_121 : i32 to index
        %swap3A_124 = arith.constant 48 : index
        %swap3A_125 = tpu.vector_load %arg7[%swap3A_122, %swap3A_123, %swap3A_124] {strides = array<i32>} : memref<3x77x512xf32, #tpu.memory_space<vmem>>, vector<1x1x16xf32>,
        %swap3A_126 = vector.shape_cast %swap3A_125 : vector<1x1x16xf32> to vector<16xf32>
        %swap3A_127 = vector.shape_cast %get3A_120 : vector<16xf32> to vector<1x1x16xf32>
        tpu.vector_store %arg7[%swap3A_122, %swap3A_123, %swap3A_124], %swap3A_127 {strides = array<i32>} : memref<3x77x512xf32, #tpu.memory_space<vmem>>, vector<1x1x16xf32>,
        %get3A_128 = arith.constant 0 : i32
        %get3A_129 = arith.index_cast %get3A_128 : i32 to index
        %get3A_130 = arith.constant 64 : index
        %get3A_131 = tpu.vector_load %arg8[%get3A_129, %get3A_130] {strides = array<i32>} : memref<4x512xf32, #tpu.memory_space<vmem>>, vector<1x16xf32>,
        %get3A_132 = vector.shape_cast %get3A_131 : vector<1x16xf32> to vector<16xf32>
        %swap3A_133 = arith.constant 1 : i32
        %swap3A_134 = arith.index_cast %rem3A_67 : i32 to index
        %swap3A_135 = arith.index_cast %swap3A_133 : i32 to index
        %swap3A_136 = arith.constant 64 : index
        %swap3A_137 = tpu.vector_load %arg7[%swap3A_134, %swap3A_135, %swap3A_136] {strides = array<i32>} : memref<3x77x512xf32, #tpu.memory_space<vmem>>, vector<1x1x16xf32>,
        %swap3A_138 = vector.shape_cast %swap3A_137 : vector<1x1x16xf32> to vector<16xf32>
        %swap3A_139 = vector.shape_cast %get3A_132 : vector<16xf32> to vector<1x1x16xf32>
        tpu.vector_store %arg7[%swap3A_134, %swap3A_135, %swap3A_136], %swap3A_139 {strides = array<i32>} : memref<3x77x512xf32, #tpu.memory_space<vmem>>, vector<1x1x16xf32>,
        %get3A_140 = arith.constant 0 : i32
        %get3A_141 = arith.index_cast %get3A_140 : i32 to index
        %get3A_142 = arith.constant 80 : index
        %get3A_143 = tpu.vector_load %arg8[%get3A_141, %get3A_142] {strides = array<i32>} : memref<4x512xf32, #tpu.memory_space<vmem>>, vector<1x16xf32>,
        %get3A_144 = vector.shape_cast %get3A_143 : vector<1x16xf32> to vector<16xf32>
        %swap3A_145 = arith.constant 1 : i32
        %swap3A_146 = arith.index_cast %rem3A_67 : i32 to index
        %swap3A_147 = arith.index_cast %swap3A_145 : i32 to index
        %swap3A_148 = arith.constant 80 : index
        %swap3A_149 = tpu.vector_load %arg7[%swap3A_146, %swap3A_147, %swap3A_148] {strides = array<i32>} : memref<3x77x512xf32, #tpu.memory_space<vmem>>, vector<1x1x16xf32>,
        %swap3A_150 = vector.shape_cast %swap3A_149 : vector<1x1x16xf32> to vector<16xf32>
        %swap3A_151 = vector.shape_cast %get3A_144 : vector<16xf32> to vector<1x1x16xf32>
        tpu.vector_store %arg7[%swap3A_146, %swap3A_147, %swap3A_148], %swap3A_151 {strides = array<i32>} : memref<3x77x512xf32, #tpu.memory_space<vmem>>, vector<1x1x16xf32>,
        %get3A_152 = arith.constant 0 : i32
        %get3A_153 = arith.index_cast %get3A_152 : i32 to index
        %get3A_154 = arith.constant 96 : index
        %get3A_155 = tpu.vector_load %arg8[%get3A_153, %get3A_154] {strides = array<i32>} : memref<4x512xf32, #tpu.memory_space<vmem>>, vector<1x16xf32>,
        %get3A_156 = vector.shape_cast %get3A_155 : vector<1x16xf32> to vector<16xf32>
        %swap3A_157 = arith.constant 1 : i32
        %swap3A_158 = arith.index_cast %rem3A_67 : i32 to index
        %swap3A_159 = arith.index_cast %swap3A_157 : i32 to index
        %swap3A_160 = arith.constant 96 : index
        %swap3A_161 = tpu.vector_load %arg7[%swap3A_158, %swap3A_159, %swap3A_160] {strides = array<i32>} : memref<3x77x512xf32, #tpu.memory_space<vmem>>, vector<1x1x16xf32>,
        %swap3A_162 = vector.shape_cast %swap3A_161 : vector<1x1x16xf32> to vector<16xf32>
        %swap3A_163 = vector.shape_cast %get3A_156 : vector<16xf32> to vector<1x1x16xf32>
        tpu.vector_store %arg7[%swap3A_158, %swap3A_159, %swap3A_160], %swap3A_163 {strides = array<i32>} : memref<3x77x512xf32, #tpu.memory_space<vmem>>, vector<1x1x16xf32>,
        %get3A_164 = arith.constant 0 : i32
        %get3A_165 = arith.index_cast %get3A_164 : i32 to index
        %get3A_166 = arith.constant 112 : index
        %get3A_167 = tpu.vector_load %arg8[%get3A_165, %get3A_166] {strides = array<i32>} : memref<4x512xf32, #tpu.memory_space<vmem>>, vector<1x16xf32>,
        %get3A_168 = vector.shape_cast %get3A_167 : vector<1x16xf32> to vector<16xf32>
        %swap3A_169 = arith.constant 1 : i32
        %swap3A_170 = arith.index_cast %rem3A_67 : i32 to index
        %swap3A_171 = arith.index_cast %swap3A_169 : i32 to index
        %swap3A_172 = arith.constant 112 : index
        %swap3A_173 = tpu.vector_load %arg7[%swap3A_170, %swap3A_171, %swap3A_172] {strides = array<i32>} : memref<3x77x512xf32, #tpu.memory_space<vmem>>, vector<1x1x16xf32>,
        %swap3A_174 = vector.shape_cast %swap3A_173 : vector<1x1x16xf32> to vector<16xf32>
        %swap3A_175 = vector.shape_cast %get3A_168 : vector<16xf32> to vector<1x1x16xf32>
        tpu.vector_store %arg7[%swap3A_170, %swap3A_171, %swap3A_172], %swap3A_175 {strides = array<i32>} : memref<3x77x512xf32, #tpu.memory_space<vmem>>, vector<1x1x16xf32>,
        %get3A_176 = arith.constant 0 : i32
        %get3A_177 = arith.index_cast %get3A_176 : i32 to index
        %get3A_178 = arith.constant 128 : index
        %get3A_179 = tpu.vector_load %arg8[%get3A_177, %get3A_178] {strides = array<i32>} : memref<4x512xf32, #tpu.memory_space<vmem>>, vector<1x16xf32>,
        %get3A_180 = vector.shape_cast %get3A_179 : vector<1x16xf32> to vector<16xf32>
        %swap3A_181 = arith.constant 1 : i32
        %swap3A_182 = arith.index_cast %rem3A_67 : i32 to index
        %swap3A_183 = arith.index_cast %swap3A_181 : i32 to index
        %swap3A_184 = arith.constant 128 : index
        %swap3A_185 = tpu.vector_load %arg7[%swap3A_182, %swap3A_183, %swap3A_184] {strides = array<i32>} : memref<3x77x512xf32, #tpu.memory_space<vmem>>, vector<1x1x16xf32>,
        %swap3A_186 = vector.shape_cast %swap3A_185 : vector<1x1x16xf32> to vector<16xf32>
        %swap3A_187 = vector.shape_cast %get3A_180 : vector<16xf32> to vector<1x1x16xf32>
        tpu.vector_store %arg7[%swap3A_182, %swap3A_183, %swap3A_184], %swap3A_187 {strides = array<i32>} : memref<3x77x512xf32, #tpu.memory_space<vmem>>, vector<1x1x16xf32>,
        %get3A_188 = arith.constant 0 : i32
        %get3A_189 = arith.index_cast %get3A_188 : i32 to index
        %get3A_190 = arith.constant 144 : index
        %get3A_191 = tpu.vector_load %arg8[%get3A_189, %get3A_190] {strides = array<i32>} : memref<4x512xf32, #tpu.memory_space<vmem>>, vector<1x16xf32>,
        %get3A_192 = vector.shape_cast %get3A_191 : vector<1x16xf32> to vector<16xf32>
        %swap3A_193 = arith.constant 1 : i32
        %swap3A_194 = arith.index_cast %rem3A_67 : i32 to index
        %swap3A_195 = arith.index_cast %swap3A_193 : i32 to index
        %swap3A_196 = arith.constant 144 : index
        %swap3A_197 = tpu.vector_load %arg7[%swap3A_194, %swap3A_195, %swap3A_196] {strides = array<i32>} : memref<3x77x512xf32, #tpu.memory_space<vmem>>, vector<1x1x16xf32>,
        %swap3A_198 = vector.shape_cast %swap3A_197 : vector<1x1x16xf32> to vector<16xf32>
        %swap3A_199 = vector.shape_cast %get3A_192 : vector<16xf32> to vector<1x1x16xf32>
        tpu.vector_store %arg7[%swap3A_194, %swap3A_195, %swap3A_196], %swap3A_199 {strides = array<i32>} : memref<3x77x512xf32, #tpu.memory_space<vmem>>, vector<1x1x16xf32>,
        %get3A_200 = arith.constant 0 : i32
        %get3A_201 = arith.index_cast %get3A_200 : i32 to index
        %get3A_202 = arith.constant 160 : index
        %get3A_203 = tpu.vector_load %arg8[%get3A_201, %get3A_202] {strides = array<i32>} : memref<4x512xf32, #tpu.memory_space<vmem>>, vector<1x16xf32>,
        %get3A_204 = vector.shape_cast %get3A_203 : vector<1x16xf32> to vector<16xf32>
        %swap3A_205 = arith.constant 1 : i32
        %swap3A_206 = arith.index_cast %rem3A_67 : i32 to index
        %swap3A_207 = arith.index_cast %swap3A_205 : i32 to index
        %swap3A_208 = arith.constant 160 : index
        %swap3A_209 = tpu.vector_load %arg7[%swap3A_206, %swap3A_207, %swap3A_208] {strides = array<i32>} : memref<3x77x512xf32, #tpu.memory_space<vmem>>, vector<1x1x16xf32>,
        %swap3A_210 = vector.shape_cast %swap3A_209 : vector<1x1x16xf32> to vector<16xf32>
        %swap3A_211 = vector.shape_cast %get3A_204 : vector<16xf32> to vector<1x1x16xf32>
        tpu.vector_store %arg7[%swap3A_206, %swap3A_207, %swap3A_208], %swap3A_211 {strides = array<i32>} : memref<3x77x512xf32, #tpu.memory_space<vmem>>, vector<1x1x16xf32>,
        %get3A_212 = arith.constant 0 : i32
        %get3A_213 = arith.index_cast %get3A_212 : i32 to index
        %get3A_214 = arith.constant 176 : index
        %get3A_215 = tpu.vector_load %arg8[%get3A_213, %get3A_214] {strides = array<i32>} : memref<4x512xf32, #tpu.memory_space<vmem>>, vector<1x16xf32>,
        %get3A_216 = vector.shape_cast %get3A_215 : vector<1x16xf32> to vector<16xf32>
        %swap3A_217 = arith.constant 1 : i32
        %swap3A_218 = arith.index_cast %rem3A_67 : i32 to index
        %swap3A_219 = arith.index_cast %swap3A_217 : i32 to index
        %swap3A_220 = arith.constant 176 : index
        %swap3A_221 = tpu.vector_load %arg7[%swap3A_218, %swap3A_219, %swap3A_220] {strides = array<i32>} : memref<3x77x512xf32, #tpu.memory_space<vmem>>, vector<1x1x16xf32>,
        %swap3A_222 = vector.shape_cast %swap3A_221 : vector<1x1x16xf32> to vector<16xf32>
        %swap3A_223 = vector.shape_cast %get3A_216 : vector<16xf32> to vector<1x1x16xf32>
        tpu.vector_store %arg7[%swap3A_218, %swap3A_219, %swap3A_220], %swap3A_223 {strides = array<i32>} : memref<3x77x512xf32, #tpu.memory_space<vmem>>, vector<1x1x16xf32>,
        %get3A_224 = arith.constant 0 : i32
        %get3A_225 = arith.index_cast %get3A_224 : i32 to index
        %get3A_226 = arith.constant 192 : index
        %get3A_227 = tpu.vector_load %arg8[%get3A_225, %get3A_226] {strides = array<i32>} : memref<4x512xf32, #tpu.memory_space<vmem>>, vector<1x16xf32>,
        %get3A_228 = vector.shape_cast %get3A_227 : vector<1x16xf32> to vector<16xf32>
        %swap3A_229 = arith.constant 1 : i32
        %swap3A_230 = arith.index_cast %rem3A_67 : i32 to index
        %swap3A_231 = arith.index_cast %swap3A_229 : i32 to index
        %swap3A_232 = arith.constant 192 : index
        %swap3A_233 = tpu.vector_load %arg7[%swap3A_230, %swap3A_231, %swap3A_232] {strides = array<i32>} : memref<3x77x512xf32, #tpu.memory_space<vmem>>, vector<1x1x16xf32>,
        %swap3A_234 = vector.shape_cast %swap3A_233 : vector<1x1x16xf32> to vector<16xf32>
        %swap3A_235 = vector.shape_cast %get3A_228 : vector<16xf32> to vector<1x1x16xf32>
        tpu.vector_store %arg7[%swap3A_230, %swap3A_231, %swap3A_232], %swap3A_235 {strides = array<i32>} : memref<3x77x512xf32, #tpu.memory_space<vmem>>, vector<1x1x16xf32>,
        %get3A_236 = arith.constant 0 : i32
        %get3A_237 = arith.index_cast %get3A_236 : i32 to index
        %get3A_238 = arith.constant 208 : index
        %get3A_239 = tpu.vector_load %arg8[%get3A_237, %get3A_238] {strides = array<i32>} : memref<4x512xf32, #tpu.memory_space<vmem>>, vector<1x16xf32>,
        %get3A_240 = vector.shape_cast %get3A_239 : vector<1x16xf32> to vector<16xf32>
        %swap3A_241 = arith.constant 1 : i32
        %swap3A_242 = arith.index_cast %rem3A_67 : i32 to index
        %swap3A_243 = arith.index_cast %swap3A_241 : i32 to index
        %swap3A_244 = arith.constant 208 : index
        %swap3A_245 = tpu.vector_load %arg7[%swap3A_242, %swap3A_243, %swap3A_244] {strides = array<i32>} : memref<3x77x512xf32, #tpu.memory_space<vmem>>, vector<1x1x16xf32>,
        %swap3A_246 = vector.shape_cast %swap3A_245 : vector<1x1x16xf32> to vector<16xf32>
        %swap3A_247 = vector.shape_cast %get3A_240 : vector<16xf32> to vector<1x1x16xf32>
        tpu.vector_store %arg7[%swap3A_242, %swap3A_243, %swap3A_244], %swap3A_247 {strides = array<i32>} : memref<3x77x512xf32, #tpu.memory_space<vmem>>, vector<1x1x16xf32>,
        %get3A_248 = arith.constant 0 : i32
        %get3A_249 = arith.index_cast %get3A_248 : i32 to index
        %get3A_250 = arith.constant 224 : index
        %get3A_251 = tpu.vector_load %arg8[%get3A_249, %get3A_250] {strides = array<i32>} : memref<4x512xf32, #tpu.memory_space<vmem>>, vector<1x16xf32>,
        %get3A_252 = vector.shape_cast %get3A_251 : vector<1x16xf32> to vector<16xf32>
        %swap3A_253 = arith.constant 1 : i32
        %swap3A_254 = arith.index_cast %rem3A_67 : i32 to index
        %swap3A_255 = arith.index_cast %swap3A_253 : i32 to index
        %swap3A_256 = arith.constant 224 : index
        %swap3A_257 = tpu.vector_load %arg7[%swap3A_254, %swap3A_255, %swap3A_256] {strides = array<i32>} : memref<3x77x512xf32, #tpu.memory_space<vmem>>, vector<1x1x16xf32>,
        %swap3A_258 = vector.shape_cast %swap3A_257 : vector<1x1x16xf32> to vector<16xf32>
        %swap3A_259 = vector.shape_cast %get3A_252 : vector<16xf32> to vector<1x1x16xf32>
        tpu.vector_store %arg7[%swap3A_254, %swap3A_255, %swap3A_256], %swap3A_259 {strides = array<i32>} : memref<3x77x512xf32, #tpu.memory_space<vmem>>, vector<1x1x16xf32>,
        %get3A_260 = arith.constant 0 : i32
        %get3A_261 = arith.index_cast %get3A_260 : i32 to index
        %get3A_262 = arith.constant 240 : index
        %get3A_263 = tpu.vector_load %arg8[%get3A_261, %get3A_262] {strides = array<i32>} : memref<4x512xf32, #tpu.memory_space<vmem>>, vector<1x16xf32>,
        %get3A_264 = vector.shape_cast %get3A_263 : vector<1x16xf32> to vector<16xf32>
        %swap3A_265 = arith.constant 1 : i32
        %swap3A_266 = arith.index_cast %rem3A_67 : i32 to index
        %swap3A_267 = arith.index_cast %swap3A_265 : i32 to index
        %swap3A_268 = arith.constant 240 : index
        %swap3A_269 = tpu.vector_load %arg7[%swap3A_266, %swap3A_267, %swap3A_268] {strides = array<i32>} : memref<3x77x512xf32, #tpu.memory_space<vmem>>, vector<1x1x16xf32>,
        %swap3A_270 = vector.shape_cast %swap3A_269 : vector<1x1x16xf32> to vector<16xf32>
        %swap3A_271 = vector.shape_cast %get3A_264 : vector<16xf32> to vector<1x1x16xf32>
        tpu.vector_store %arg7[%swap3A_266, %swap3A_267, %swap3A_268], %swap3A_271 {strides = array<i32>} : memref<3x77x512xf32, #tpu.memory_space<vmem>>, vector<1x1x16xf32>,
        %get3A_272 = arith.constant 0 : i32
        %get3A_273 = arith.index_cast %get3A_272 : i32 to index
        %get3A_274 = arith.constant 256 : index
        %get3A_275 = tpu.vector_load %arg8[%get3A_273, %get3A_274] {strides = array<i32>} : memref<4x512xf32, #tpu.memory_space<vmem>>, vector<1x16xf32>,
        %get3A_276 = vector.shape_cast %get3A_275 : vector<1x16xf32> to vector<16xf32>
        %swap3A_277 = arith.constant 1 : i32
        %swap3A_278 = arith.index_cast %rem3A_67 : i32 to index
        %swap3A_279 = arith.index_cast %swap3A_277 : i32 to index
        %swap3A_280 = arith.constant 256 : index
        %swap3A_281 = tpu.vector_load %arg7[%swap3A_278, %swap3A_279, %swap3A_280] {strides = array<i32>} : memref<3x77x512xf32, #tpu.memory_space<vmem>>, vector<1x1x16xf32>,
        %swap3A_282 = vector.shape_cast %swap3A_281 : vector<1x1x16xf32> to vector<16xf32>
        %swap3A_283 = vector.shape_cast %get3A_276 : vector<16xf32> to vector<1x1x16xf32>
        tpu.vector_store %arg7[%swap3A_278, %swap3A_279, %swap3A_280], %swap3A_283 {strides = array<i32>} : memref<3x77x512xf32, #tpu.memory_space<vmem>>, vector<1x1x16xf32>,
        %get3A_284 = arith.constant 0 : i32
        %get3A_285 = arith.index_cast %get3A_284 : i32 to index
        %get3A_286 = arith.constant 272 : index
        %get3A_287 = tpu.vector_load %arg8[%get3A_285, %get3A_286] {strides = array<i32>} : memref<4x512xf32, #tpu.memory_space<vmem>>, vector<1x16xf32>,
        %get3A_288 = vector.shape_cast %get3A_287 : vector<1x16xf32> to vector<16xf32>
        %swap3A_289 = arith.constant 1 : i32
        %swap3A_290 = arith.index_cast %rem3A_67 : i32 to index
        %swap3A_291 = arith.index_cast %swap3A_289 : i32 to index
        %swap3A_292 = arith.constant 272 : index
        %swap3A_293 = tpu.vector_load %arg7[%swap3A_290, %swap3A_291, %swap3A_292] {strides = array<i32>} : memref<3x77x512xf32, #tpu.memory_space<vmem>>, vector<1x1x16xf32>,
        %swap3A_294 = vector.shape_cast %swap3A_293 : vector<1x1x16xf32> to vector<16xf32>
        %swap3A_295 = vector.shape_cast %get3A_288 : vector<16xf32> to vector<1x1x16xf32>
        tpu.vector_store %arg7[%swap3A_290, %swap3A_291, %swap3A_292], %swap3A_295 {strides = array<i32>} : memref<3x77x512xf32, #tpu.memory_space<vmem>>, vector<1x1x16xf32>,
        %get3A_296 = arith.constant 0 : i32
        %get3A_297 = arith.index_cast %get3A_296 : i32 to index
        %get3A_298 = arith.constant 288 : index
        %get3A_299 = tpu.vector_load %arg8[%get3A_297, %get3A_298] {strides = array<i32>} : memref<4x512xf32, #tpu.memory_space<vmem>>, vector<1x16xf32>,
        %get3A_300 = vector.shape_cast %get3A_299 : vector<1x16xf32> to vector<16xf32>
        %swap3A_301 = arith.constant 1 : i32
        %swap3A_302 = arith.index_cast %rem3A_67 : i32 to index
        %swap3A_303 = arith.index_cast %swap3A_301 : i32 to index
        %swap3A_304 = arith.constant 288 : index
        %swap3A_305 = tpu.vector_load %arg7[%swap3A_302, %swap3A_303, %swap3A_304] {strides = array<i32>} : memref<3x77x512xf32, #tpu.memory_space<vmem>>, vector<1x1x16xf32>,
        %swap3A_306 = vector.shape_cast %swap3A_305 : vector<1x1x16xf32> to vector<16xf32>
        %swap3A_307 = vector.shape_cast %get3A_300 : vector<16xf32> to vector<1x1x16xf32>
        tpu.vector_store %arg7[%swap3A_302, %swap3A_303, %swap3A_304], %swap3A_307 {strides = array<i32>} : memref<3x77x512xf32, #tpu.memory_space<vmem>>, vector<1x1x16xf32>,
        %get3A_308 = arith.constant 0 : i32
        %get3A_309 = arith.index_cast %get3A_308 : i32 to index
        %get3A_310 = arith.constant 304 : index
        %get3A_311 = tpu.vector_load %arg8[%get3A_309, %get3A_310] {strides = array<i32>} : memref<4x512xf32, #tpu.memory_space<vmem>>, vector<1x16xf32>,
        %get3A_312 = vector.shape_cast %get3A_311 : vector<1x16xf32> to vector<16xf32>
        %swap3A_313 = arith.constant 1 : i32
        %swap3A_314 = arith.index_cast %rem3A_67 : i32 to index
        %swap3A_315 = arith.index_cast %swap3A_313 : i32 to index
        %swap3A_316 = arith.constant 304 : index
        %swap3A_317 = tpu.vector_load %arg7[%swap3A_314, %swap3A_315, %swap3A_316] {strides = array<i32>} : memref<3x77x512xf32, #tpu.memory_space<vmem>>, vector<1x1x16xf32>,
        %swap3A_318 = vector.shape_cast %swap3A_317 : vector<1x1x16xf32> to vector<16xf32>
        %swap3A_319 = vector.shape_cast %get3A_312 : vector<16xf32> to vector<1x1x16xf32>
        tpu.vector_store %arg7[%swap3A_314, %swap3A_315, %swap3A_316], %swap3A_319 {strides = array<i32>} : memref<3x77x512xf32, #tpu.memory_space<vmem>>, vector<1x1x16xf32>,
        %get3A_320 = arith.constant 0 : i32
        %get3A_321 = arith.index_cast %get3A_320 : i32 to index
        %get3A_322 = arith.constant 320 : index
        %get3A_323 = tpu.vector_load %arg8[%get3A_321, %get3A_322] {strides = array<i32>} : memref<4x512xf32, #tpu.memory_space<vmem>>, vector<1x16xf32>,
        %get3A_324 = vector.shape_cast %get3A_323 : vector<1x16xf32> to vector<16xf32>
        %swap3A_325 = arith.constant 1 : i32
        %swap3A_326 = arith.index_cast %rem3A_67 : i32 to index
        %swap3A_327 = arith.index_cast %swap3A_325 : i32 to index
        %swap3A_328 = arith.constant 320 : index
        %swap3A_329 = tpu.vector_load %arg7[%swap3A_326, %swap3A_327, %swap3A_328] {strides = array<i32>} : memref<3x77x512xf32, #tpu.memory_space<vmem>>, vector<1x1x16xf32>,
        %swap3A_330 = vector.shape_cast %swap3A_329 : vector<1x1x16xf32> to vector<16xf32>
        %swap3A_331 = vector.shape_cast %get3A_324 : vector<16xf32> to vector<1x1x16xf32>
        tpu.vector_store %arg7[%swap3A_326, %swap3A_327, %swap3A_328], %swap3A_331 {strides = array<i32>} : memref<3x77x512xf32, #tpu.memory_space<vmem>>, vector<1x1x16xf32>,
        %get3A_332 = arith.constant 0 : i32
        %get3A_333 = arith.index_cast %get3A_332 : i32 to index
        %get3A_334 = arith.constant 336 : index
        %get3A_335 = tpu.vector_load %arg8[%get3A_333, %get3A_334] {strides = array<i32>} : memref<4x512xf32, #tpu.memory_space<vmem>>, vector<1x16xf32>,
        %get3A_336 = vector.shape_cast %get3A_335 : vector<1x16xf32> to vector<16xf32>
        %swap3A_337 = arith.constant 1 : i32
        %swap3A_338 = arith.index_cast %rem3A_67 : i32 to index
        %swap3A_339 = arith.index_cast %swap3A_337 : i32 to index
        %swap3A_340 = arith.constant 336 : index
        %swap3A_341 = tpu.vector_load %arg7[%swap3A_338, %swap3A_339, %swap3A_340] {strides = array<i32>} : memref<3x77x512xf32, #tpu.memory_space<vmem>>, vector<1x1x16xf32>,
        %swap3A_342 = vector.shape_cast %swap3A_341 : vector<1x1x16xf32> to vector<16xf32>
        %swap3A_343 = vector.shape_cast %get3A_336 : vector<16xf32> to vector<1x1x16xf32>
        tpu.vector_store %arg7[%swap3A_338, %swap3A_339, %swap3A_340], %swap3A_343 {strides = array<i32>} : memref<3x77x512xf32, #tpu.memory_space<vmem>>, vector<1x1x16xf32>,
        %get3A_344 = arith.constant 0 : i32
        %get3A_345 = arith.index_cast %get3A_344 : i32 to index
        %get3A_346 = arith.constant 352 : index
        %get3A_347 = tpu.vector_load %arg8[%get3A_345, %get3A_346] {strides = array<i32>} : memref<4x512xf32, #tpu.memory_space<vmem>>, vector<1x16xf32>,
        %get3A_348 = vector.shape_cast %get3A_347 : vector<1x16xf32> to vector<16xf32>
        %swap3A_349 = arith.constant 1 : i32
        %swap3A_350 = arith.index_cast %rem3A_67 : i32 to index
        %swap3A_351 = arith.index_cast %swap3A_349 : i32 to index
        %swap3A_352 = arith.constant 352 : index
        %swap3A_353 = tpu.vector_load %arg7[%swap3A_350, %swap3A_351, %swap3A_352] {strides = array<i32>} : memref<3x77x512xf32, #tpu.memory_space<vmem>>, vector<1x1x16xf32>,
        %swap3A_354 = vector.shape_cast %swap3A_353 : vector<1x1x16xf32> to vector<16xf32>
        %swap3A_355 = vector.shape_cast %get3A_348 : vector<16xf32> to vector<1x1x16xf32>
        tpu.vector_store %arg7[%swap3A_350, %swap3A_351, %swap3A_352], %swap3A_355 {strides = array<i32>} : memref<3x77x512xf32, #tpu.memory_space<vmem>>, vector<1x1x16xf32>,
        %get3A_356 = arith.constant 0 : i32
        %get3A_357 = arith.index_cast %get3A_356 : i32 to index
        %get3A_358 = arith.constant 368 : index
        %get3A_359 = tpu.vector_load %arg8[%get3A_357, %get3A_358] {strides = array<i32>} : memref<4x512xf32, #tpu.memory_space<vmem>>, vector<1x16xf32>,
        %get3A_360 = vector.shape_cast %get3A_359 : vector<1x16xf32> to vector<16xf32>
        %swap3A_361 = arith.constant 1 : i32
        %swap3A_362 = arith.index_cast %rem3A_67 : i32 to index
        %swap3A_363 = arith.index_cast %swap3A_361 : i32 to index
        %swap3A_364 = arith.constant 368 : index
        %swap3A_365 = tpu.vector_load %arg7[%swap3A_362, %swap3A_363, %swap3A_364] {strides = array<i32>} : memref<3x77x512xf32, #tpu.memory_space<vmem>>, vector<1x1x16xf32>,
        %swap3A_366 = vector.shape_cast %swap3A_365 : vector<1x1x16xf32> to vector<16xf32>
        %swap3A_367 = vector.shape_cast %get3A_360 : vector<16xf32> to vector<1x1x16xf32>
        tpu.vector_store %arg7[%swap3A_362, %swap3A_363, %swap3A_364], %swap3A_367 {strides = array<i32>} : memref<3x77x512xf32, #tpu.memory_space<vmem>>, vector<1x1x16xf32>,
        %get3A_368 = arith.constant 0 : i32
        %get3A_369 = arith.index_cast %get3A_368 : i32 to index
        %get3A_370 = arith.constant 384 : index
        %get3A_371 = tpu.vector_load %arg8[%get3A_369, %get3A_370] {strides = array<i32>} : memref<4x512xf32, #tpu.memory_space<vmem>>, vector<1x16xf32>,
        %get3A_372 = vector.shape_cast %get3A_371 : vector<1x16xf32> to vector<16xf32>
        %swap3A_373 = arith.constant 1 : i32
        %swap3A_374 = arith.index_cast %rem3A_67 : i32 to index
        %swap3A_375 = arith.index_cast %swap3A_373 : i32 to index
        %swap3A_376 = arith.constant 384 : index
        %swap3A_377 = tpu.vector_load %arg7[%swap3A_374, %swap3A_375, %swap3A_376] {strides = array<i32>} : memref<3x77x512xf32, #tpu.memory_space<vmem>>, vector<1x1x16xf32>,
        %swap3A_378 = vector.shape_cast %swap3A_377 : vector<1x1x16xf32> to vector<16xf32>
        %swap3A_379 = vector.shape_cast %get3A_372 : vector<16xf32> to vector<1x1x16xf32>
        tpu.vector_store %arg7[%swap3A_374, %swap3A_375, %swap3A_376], %swap3A_379 {strides = array<i32>} : memref<3x77x512xf32, #tpu.memory_space<vmem>>, vector<1x1x16xf32>,
        %get3A_380 = arith.constant 0 : i32
        %get3A_381 = arith.index_cast %get3A_380 : i32 to index
        %get3A_382 = arith.constant 400 : index
        %get3A_383 = tpu.vector_load %arg8[%get3A_381, %get3A_382] {strides = array<i32>} : memref<4x512xf32, #tpu.memory_space<vmem>>, vector<1x16xf32>,
        %get3A_384 = vector.shape_cast %get3A_383 : vector<1x16xf32> to vector<16xf32>
        %swap3A_385 = arith.constant 1 : i32
        %swap3A_386 = arith.index_cast %rem3A_67 : i32 to index
        %swap3A_387 = arith.index_cast %swap3A_385 : i32 to index
        %swap3A_388 = arith.constant 400 : index
        %swap3A_389 = tpu.vector_load %arg7[%swap3A_386, %swap3A_387, %swap3A_388] {strides = array<i32>} : memref<3x77x512xf32, #tpu.memory_space<vmem>>, vector<1x1x16xf32>,
        %swap3A_390 = vector.shape_cast %swap3A_389 : vector<1x1x16xf32> to vector<16xf32>
        %swap3A_391 = vector.shape_cast %get3A_384 : vector<16xf32> to vector<1x1x16xf32>
        tpu.vector_store %arg7[%swap3A_386, %swap3A_387, %swap3A_388], %swap3A_391 {strides = array<i32>} : memref<3x77x512xf32, #tpu.memory_space<vmem>>, vector<1x1x16xf32>,
        %get3A_392 = arith.constant 0 : i32
        %get3A_393 = arith.index_cast %get3A_392 : i32 to index
        %get3A_394 = arith.constant 416 : index
        %get3A_395 = tpu.vector_load %arg8[%get3A_393, %get3A_394] {strides = array<i32>} : memref<4x512xf32, #tpu.memory_space<vmem>>, vector<1x16xf32>,
        %get3A_396 = vector.shape_cast %get3A_395 : vector<1x16xf32> to vector<16xf32>
        %swap3A_397 = arith.constant 1 : i32
        %swap3A_398 = arith.index_cast %rem3A_67 : i32 to index
        %swap3A_399 = arith.index_cast %swap3A_397 : i32 to index
        %swap3A_400 = arith.constant 416 : index
        %swap3A_401 = tpu.vector_load %arg7[%swap3A_398, %swap3A_399, %swap3A_400] {strides = array<i32>} : memref<3x77x512xf32, #tpu.memory_space<vmem>>, vector<1x1x16xf32>,
        %swap3A_402 = vector.shape_cast %swap3A_401 : vector<1x1x16xf32> to vector<16xf32>
        %swap3A_403 = vector.shape_cast %get3A_396 : vector<16xf32> to vector<1x1x16xf32>
        tpu.vector_store %arg7[%swap3A_398, %swap3A_399, %swap3A_400], %swap3A_403 {strides = array<i32>} : memref<3x77x512xf32, #tpu.memory_space<vmem>>, vector<1x1x16xf32>,
        %get3A_404 = arith.constant 0 : i32
        %get3A_405 = arith.index_cast %get3A_404 : i32 to index
        %get3A_406 = arith.constant 432 : index
        %get3A_407 = tpu.vector_load %arg8[%get3A_405, %get3A_406] {strides = array<i32>} : memref<4x512xf32, #tpu.memory_space<vmem>>, vector<1x16xf32>,
        %get3A_408 = vector.shape_cast %get3A_407 : vector<1x16xf32> to vector<16xf32>
        %swap3A_409 = arith.constant 1 : i32
        %swap3A_410 = arith.index_cast %rem3A_67 : i32 to index
        %swap3A_411 = arith.index_cast %swap3A_409 : i32 to index
        %swap3A_412 = arith.constant 432 : index
        %swap3A_413 = tpu.vector_load %arg7[%swap3A_410, %swap3A_411, %swap3A_412] {strides = array<i32>} : memref<3x77x512xf32, #tpu.memory_space<vmem>>, vector<1x1x16xf32>,
        %swap3A_414 = vector.shape_cast %swap3A_413 : vector<1x1x16xf32> to vector<16xf32>
        %swap3A_415 = vector.shape_cast %get3A_408 : vector<16xf32> to vector<1x1x16xf32>
        tpu.vector_store %arg7[%swap3A_410, %swap3A_411, %swap3A_412], %swap3A_415 {strides = array<i32>} : memref<3x77x512xf32, #tpu.memory_space<vmem>>, vector<1x1x16xf32>,
        %get3A_416 = arith.constant 0 : i32
        %get3A_417 = arith.index_cast %get3A_416 : i32 to index
        %get3A_418 = arith.constant 448 : index
        %get3A_419 = tpu.vector_load %arg8[%get3A_417, %get3A_418] {strides = array<i32>} : memref<4x512xf32, #tpu.memory_space<vmem>>, vector<1x16xf32>,
        %get3A_420 = vector.shape_cast %get3A_419 : vector<1x16xf32> to vector<16xf32>
        %swap3A_421 = arith.constant 1 : i32
        %swap3A_422 = arith.index_cast %rem3A_67 : i32 to index
        %swap3A_423 = arith.index_cast %swap3A_421 : i32 to index
        %swap3A_424 = arith.constant 448 : index
        %swap3A_425 = tpu.vector_load %arg7[%swap3A_422, %swap3A_423, %swap3A_424] {strides = array<i32>} : memref<3x77x512xf32, #tpu.memory_space<vmem>>, vector<1x1x16xf32>,
        %swap3A_426 = vector.shape_cast %swap3A_425 : vector<1x1x16xf32> to vector<16xf32>
        %swap3A_427 = vector.shape_cast %get3A_420 : vector<16xf32> to vector<1x1x16xf32>
        tpu.vector_store %arg7[%swap3A_422, %swap3A_423, %swap3A_424], %swap3A_427 {strides = array<i32>} : memref<3x77x512xf32, #tpu.memory_space<vmem>>, vector<1x1x16xf32>,
        %get3A_428 = arith.constant 0 : i32
        %get3A_429 = arith.index_cast %get3A_428 : i32 to index
        %get3A_430 = arith.constant 464 : index
        %get3A_431 = tpu.vector_load %arg8[%get3A_429, %get3A_430] {strides = array<i32>} : memref<4x512xf32, #tpu.memory_space<vmem>>, vector<1x16xf32>,
        %get3A_432 = vector.shape_cast %get3A_431 : vector<1x16xf32> to vector<16xf32>
        %swap3A_433 = arith.constant 1 : i32
        %swap3A_434 = arith.index_cast %rem3A_67 : i32 to index
        %swap3A_435 = arith.index_cast %swap3A_433 : i32 to index
        %swap3A_436 = arith.constant 464 : index
        %swap3A_437 = tpu.vector_load %arg7[%swap3A_434, %swap3A_435, %swap3A_436] {strides = array<i32>} : memref<3x77x512xf32, #tpu.memory_space<vmem>>, vector<1x1x16xf32>,
        %swap3A_438 = vector.shape_cast %swap3A_437 : vector<1x1x16xf32> to vector<16xf32>
        %swap3A_439 = vector.shape_cast %get3A_432 : vector<16xf32> to vector<1x1x16xf32>
        tpu.vector_store %arg7[%swap3A_434, %swap3A_435, %swap3A_436], %swap3A_439 {strides = array<i32>} : memref<3x77x512xf32, #tpu.memory_space<vmem>>, vector<1x1x16xf32>,
        %get3A_440 = arith.constant 0 : i32
        %get3A_441 = arith.index_cast %get3A_440 : i32 to index
        %get3A_442 = arith.constant 480 : index
        %get3A_443 = tpu.vector_load %arg8[%get3A_441, %get3A_442] {strides = array<i32>} : memref<4x512xf32, #tpu.memory_space<vmem>>, vector<1x16xf32>,
        %get3A_444 = vector.shape_cast %get3A_443 : vector<1x16xf32> to vector<16xf32>
        %swap3A_445 = arith.constant 1 : i32
        %swap3A_446 = arith.index_cast %rem3A_67 : i32 to index
        %swap3A_447 = arith.index_cast %swap3A_445 : i32 to index
        %swap3A_448 = arith.constant 480 : index
        %swap3A_449 = tpu.vector_load %arg7[%swap3A_446, %swap3A_447, %swap3A_448] {strides = array<i32>} : memref<3x77x512xf32, #tpu.memory_space<vmem>>, vector<1x1x16xf32>,
        %swap3A_450 = vector.shape_cast %swap3A_449 : vector<1x1x16xf32> to vector<16xf32>
        %swap3A_451 = vector.shape_cast %get3A_444 : vector<16xf32> to vector<1x1x16xf32>
        tpu.vector_store %arg7[%swap3A_446, %swap3A_447, %swap3A_448], %swap3A_451 {strides = array<i32>} : memref<3x77x512xf32, #tpu.memory_space<vmem>>, vector<1x1x16xf32>,
        %get3A_452 = arith.constant 0 : i32
        %get3A_453 = arith.index_cast %get3A_452 : i32 to index
        %get3A_454 = arith.constant 496 : index
        %get3A_455 = tpu.vector_load %arg8[%get3A_453, %get3A_454] {strides = array<i32>} : memref<4x512xf32, #tpu.memory_space<vmem>>, vector<1x16xf32>,
        %get3A_456 = vector.shape_cast %get3A_455 : vector<1x16xf32> to vector<16xf32>
        %swap3A_457 = arith.constant 1 : i32
        %swap3A_458 = arith.index_cast %rem3A_67 : i32 to index
        %swap3A_459 = arith.index_cast %swap3A_457 : i32 to index
        %swap3A_460 = arith.constant 496 : index
        %swap3A_461 = tpu.vector_load %arg7[%swap3A_458, %swap3A_459, %swap3A_460] {strides = array<i32>} : memref<3x77x512xf32, #tpu.memory_space<vmem>>, vector<1x1x16xf32>,
        %swap3A_462 = vector.shape_cast %swap3A_461 : vector<1x1x16xf32> to vector<16xf32>
        %swap3A_463 = vector.shape_cast %get3A_456 : vector<16xf32> to vector<1x1x16xf32>
        tpu.vector_store %arg7[%swap3A_458, %swap3A_459, %swap3A_460], %swap3A_463 {strides = array<i32>} : memref<3x77x512xf32, #tpu.memory_space<vmem>>, vector<1x1x16xf32>,
        %get3A_464 = arith.constant 1 : i32
        %get3A_465 = arith.index_cast %get3A_464 : i32 to index
        %get3A_466 = arith.constant 0 : index
        %get3A_467 = tpu.vector_load %arg8[%get3A_465, %get3A_466] {strides = array<i32>} : memref<4x512xf32, #tpu.memory_space<vmem>>, vector<1x16xf32>,
        %get3A_468 = vector.shape_cast %get3A_467 : vector<1x16xf32> to vector<16xf32>
        %swap3A_469 = arith.constant 2 : i32
        %swap3A_470 = arith.index_cast %rem3A_67 : i32 to index
        %swap3A_471 = arith.index_cast %swap3A_469 : i32 to index
        %swap3A_472 = arith.constant 0 : index
        %swap3A_473 = tpu.vector_load %arg7[%swap3A_470, %swap3A_471, %swap3A_472] {strides = array<i32>} : memref<3x77x512xf32, #tpu.memory_space<vmem>>, vector<1x1x16xf32>,
        %swap3A_474 = vector.shape_cast %swap3A_473 : vector<1x1x16xf32> to vector<16xf32>
        %swap3A_475 = vector.shape_cast %get3A_468 : vector<16xf32> to vector<1x1x16xf32>
        tpu.vector_store %arg7[%swap3A_470, %swap3A_471, %swap3A_472], %swap3A_475 {strides = array<i32>} : memref<3x77x512xf32, #tpu.memory_space<vmem>>, vector<1x1x16xf32>,
        %get3A_476 = arith.constant 1 : i32
        %get3A_477 = arith.index_cast %get3A_476 : i32 to index
        %get3A_478 = arith.constant 16 : index
        %get3A_479 = tpu.vector_load %arg8[%get3A_477, %get3A_478] {strides = array<i32>} : memref<4x512xf32, #tpu.memory_space<vmem>>, vector<1x16xf32>,
        %get3A_480 = vector.shape_cast %get3A_479 : vector<1x16xf32> to vector<16xf32>
        %swap3A_481 = arith.constant 2 : i32
        %swap3A_482 = arith.index_cast %rem3A_67 : i32 to index
        %swap3A_483 = arith.index_cast %swap3A_481 : i32 to index
        %swap3A_484 = arith.constant 16 : index
        %swap3A_485 = tpu.vector_load %arg7[%swap3A_482, %swap3A_483, %swap3A_484] {strides = array<i32>} : memref<3x77x512xf32, #tpu.memory_space<vmem>>, vector<1x1x16xf32>,
        %swap3A_486 = vector.shape_cast %swap3A_485 : vector<1x1x16xf32> to vector<16xf32>
        %swap3A_487 = vector.shape_cast %get3A_480 : vector<16xf32> to vector<1x1x16xf32>
        tpu.vector_store %arg7[%swap3A_482, %swap3A_483, %swap3A_484], %swap3A_487 {strides = array<i32>} : memref<3x77x512xf32, #tpu.memory_space<vmem>>, vector<1x1x16xf32>,
        %get3A_488 = arith.constant 1 : i32
        %get3A_489 = arith.index_cast %get3A_488 : i32 to index
        %get3A_490 = arith.constant 32 : index
        %get3A_491 = tpu.vector_load %arg8[%get3A_489, %get3A_490] {strides = array<i32>} : memref<4x512xf32, #tpu.memory_space<vmem>>, vector<1x16xf32>,
        %get3A_492 = vector.shape_cast %get3A_491 : vector<1x16xf32> to vector<16xf32>
        %swap3A_493 = arith.constant 2 : i32
        %swap3A_494 = arith.index_cast %rem3A_67 : i32 to index
        %swap3A_495 = arith.index_cast %swap3A_493 : i32 to index
        %swap3A_496 = arith.constant 32 : index
        %swap3A_497 = tpu.vector_load %arg7[%swap3A_494, %swap3A_495, %swap3A_496] {strides = array<i32>} : memref<3x77x512xf32, #tpu.memory_space<vmem>>, vector<1x1x16xf32>,
        %swap3A_498 = vector.shape_cast %swap3A_497 : vector<1x1x16xf32> to vector<16xf32>
        %swap3A_499 = vector.shape_cast %get3A_492 : vector<16xf32> to vector<1x1x16xf32>
        tpu.vector_store %arg7[%swap3A_494, %swap3A_495, %swap3A_496], %swap3A_499 {strides = array<i32>} : memref<3x77x512xf32, #tpu.memory_space<vmem>>, vector<1x1x16xf32>,
        %get3A_500 = arith.constant 1 : i32
        %get3A_501 = arith.index_cast %get3A_500 : i32 to index
        %get3A_502 = arith.constant 48 : index
        %get3A_503 = tpu.vector_load %arg8[%get3A_501, %get3A_502] {strides = array<i32>} : memref<4x512xf32, #tpu.memory_space<vmem>>, vector<1x16xf32>,
        %get3A_504 = vector.shape_cast %get3A_503 : vector<1x16xf32> to vector<16xf32>
        %swap3A_505 = arith.constant 2 : i32
        %swap3A_506 = arith.index_cast %rem3A_67 : i32 to index
        %swap3A_507 = arith.index_cast %swap3A_505 : i32 to index
        %swap3A_508 = arith.constant 48 : index
        %swap3A_509 = tpu.vector_load %arg7[%swap3A_506, %swap3A_507, %swap3A_508] {strides = array<i32>} : memref<3x77x512xf32, #tpu.memory_space<vmem>>, vector<1x1x16xf32>,
        %swap3A_510 = vector.shape_cast %swap3A_509 : vector<1x1x16xf32> to vector<16xf32>
        %swap3A_511 = vector.shape_cast %get3A_504 : vector<16xf32> to vector<1x1x16xf32>
        tpu.vector_store %arg7[%swap3A_506, %swap3A_507, %swap3A_508], %swap3A_511 {strides = array<i32>} : memref<3x77x512xf32, #tpu.memory_space<vmem>>, vector<1x1x16xf32>,
        %get3A_512 = arith.constant 1 : i32
        %get3A_513 = arith.index_cast %get3A_512 : i32 to index
        %get3A_514 = arith.constant 64 : index
        %get3A_515 = tpu.vector_load %arg8[%get3A_513, %get3A_514] {strides = array<i32>} : memref<4x512xf32, #tpu.memory_space<vmem>>, vector<1x16xf32>,
        %get3A_516 = vector.shape_cast %get3A_515 : vector<1x16xf32> to vector<16xf32>
        %swap3A_517 = arith.constant 2 : i32
        %swap3A_518 = arith.index_cast %rem3A_67 : i32 to index
        %swap3A_519 = arith.index_cast %swap3A_517 : i32 to index
        %swap3A_520 = arith.constant 64 : index
        %swap3A_521 = tpu.vector_load %arg7[%swap3A_518, %swap3A_519, %swap3A_520] {strides = array<i32>} : memref<3x77x512xf32, #tpu.memory_space<vmem>>, vector<1x1x16xf32>,
        %swap3A_522 = vector.shape_cast %swap3A_521 : vector<1x1x16xf32> to vector<16xf32>
        %swap3A_523 = vector.shape_cast %get3A_516 : vector<16xf32> to vector<1x1x16xf32>
        tpu.vector_store %arg7[%swap3A_518, %swap3A_519, %swap3A_520], %swap3A_523 {strides = array<i32>} : memref<3x77x512xf32, #tpu.memory_space<vmem>>, vector<1x1x16xf32>,
        %get3A_524 = arith.constant 1 : i32
        %get3A_525 = arith.index_cast %get3A_524 : i32 to index
        %get3A_526 = arith.constant 80 : index
        %get3A_527 = tpu.vector_load %arg8[%get3A_525, %get3A_526] {strides = array<i32>} : memref<4x512xf32, #tpu.memory_space<vmem>>, vector<1x16xf32>,
        %get3A_528 = vector.shape_cast %get3A_527 : vector<1x16xf32> to vector<16xf32>
        %swap3A_529 = arith.constant 2 : i32
        %swap3A_530 = arith.index_cast %rem3A_67 : i32 to index
        %swap3A_531 = arith.index_cast %swap3A_529 : i32 to index
        %swap3A_532 = arith.constant 80 : index
        %swap3A_533 = tpu.vector_load %arg7[%swap3A_530, %swap3A_531, %swap3A_532] {strides = array<i32>} : memref<3x77x512xf32, #tpu.memory_space<vmem>>, vector<1x1x16xf32>,
        %swap3A_534 = vector.shape_cast %swap3A_533 : vector<1x1x16xf32> to vector<16xf32>
        %swap3A_535 = vector.shape_cast %get3A_528 : vector<16xf32> to vector<1x1x16xf32>
        tpu.vector_store %arg7[%swap3A_530, %swap3A_531, %swap3A_532], %swap3A_535 {strides = array<i32>} : memref<3x77x512xf32, #tpu.memory_space<vmem>>, vector<1x1x16xf32>,
        %get3A_536 = arith.constant 1 : i32
        %get3A_537 = arith.index_cast %get3A_536 : i32 to index
        %get3A_538 = arith.constant 96 : index
        %get3A_539 = tpu.vector_load %arg8[%get3A_537, %get3A_538] {strides = array<i32>} : memref<4x512xf32, #tpu.memory_space<vmem>>, vector<1x16xf32>,
        %get3A_540 = vector.shape_cast %get3A_539 : vector<1x16xf32> to vector<16xf32>
        %swap3A_541 = arith.constant 2 : i32
        %swap3A_542 = arith.index_cast %rem3A_67 : i32 to index
        %swap3A_543 = arith.index_cast %swap3A_541 : i32 to index
        %swap3A_544 = arith.constant 96 : index
        %swap3A_545 = tpu.vector_load %arg7[%swap3A_542, %swap3A_543, %swap3A_544] {strides = array<i32>} : memref<3x77x512xf32, #tpu.memory_space<vmem>>, vector<1x1x16xf32>,
        %swap3A_546 = vector.shape_cast %swap3A_545 : vector<1x1x16xf32> to vector<16xf32>
        %swap3A_547 = vector.shape_cast %get3A_540 : vector<16xf32> to vector<1x1x16xf32>
        tpu.vector_store %arg7[%swap3A_542, %swap3A_543, %swap3A_544], %swap3A_547 {strides = array<i32>} : memref<3x77x512xf32, #tpu.memory_space<vmem>>, vector<1x1x16xf32>,
        %get3A_548 = arith.constant 1 : i32
        %get3A_549 = arith.index_cast %get3A_548 : i32 to index
        %get3A_550 = arith.constant 112 : index
        %get3A_551 = tpu.vector_load %arg8[%get3A_549, %get3A_550] {strides = array<i32>} : memref<4x512xf32, #tpu.memory_space<vmem>>, vector<1x16xf32>,
        %get3A_552 = vector.shape_cast %get3A_551 : vector<1x16xf32> to vector<16xf32>
        %swap3A_553 = arith.constant 2 : i32
        %swap3A_554 = arith.index_cast %rem3A_67 : i32 to index
        %swap3A_555 = arith.index_cast %swap3A_553 : i32 to index
        %swap3A_556 = arith.constant 112 : index
        %swap3A_557 = tpu.vector_load %arg7[%swap3A_554, %swap3A_555, %swap3A_556] {strides = array<i32>} : memref<3x77x512xf32, #tpu.memory_space<vmem>>, vector<1x1x16xf32>,
        %swap3A_558 = vector.shape_cast %swap3A_557 : vector<1x1x16xf32> to vector<16xf32>
        %swap3A_559 = vector.shape_cast %get3A_552 : vector<16xf32> to vector<1x1x16xf32>
        tpu.vector_store %arg7[%swap3A_554, %swap3A_555, %swap3A_556], %swap3A_559 {strides = array<i32>} : memref<3x77x512xf32, #tpu.memory_space<vmem>>, vector<1x1x16xf32>,
        %get3A_560 = arith.constant 1 : i32
        %get3A_561 = arith.index_cast %get3A_560 : i32 to index
        %get3A_562 = arith.constant 128 : index
        %get3A_563 = tpu.vector_load %arg8[%get3A_561, %get3A_562] {strides = array<i32>} : memref<4x512xf32, #tpu.memory_space<vmem>>, vector<1x16xf32>,
        %get3A_564 = vector.shape_cast %get3A_563 : vector<1x16xf32> to vector<16xf32>
        %swap3A_565 = arith.constant 2 : i32
        %swap3A_566 = arith.index_cast %rem3A_67 : i32 to index
        %swap3A_567 = arith.index_cast %swap3A_565 : i32 to index
        %swap3A_568 = arith.constant 128 : index
        %swap3A_569 = tpu.vector_load %arg7[%swap3A_566, %swap3A_567, %swap3A_568] {strides = array<i32>} : memref<3x77x512xf32, #tpu.memory_space<vmem>>, vector<1x1x16xf32>,
        %swap3A_570 = vector.shape_cast %swap3A_569 : vector<1x1x16xf32> to vector<16xf32>
        %swap3A_571 = vector.shape_cast %get3A_564 : vector<16xf32> to vector<1x1x16xf32>
        tpu.vector_store %arg7[%swap3A_566, %swap3A_567, %swap3A_568], %swap3A_571 {strides = array<i32>} : memref<3x77x512xf32, #tpu.memory_space<vmem>>, vector<1x1x16xf32>,
        %get3A_572 = arith.constant 1 : i32
        %get3A_573 = arith.index_cast %get3A_572 : i32 to index
        %get3A_574 = arith.constant 144 : index
        %get3A_575 = tpu.vector_load %arg8[%get3A_573, %get3A_574] {strides = array<i32>} : memref<4x512xf32, #tpu.memory_space<vmem>>, vector<1x16xf32>,
        %get3A_576 = vector.shape_cast %get3A_575 : vector<1x16xf32> to vector<16xf32>
        %swap3A_577 = arith.constant 2 : i32
        %swap3A_578 = arith.index_cast %rem3A_67 : i32 to index
        %swap3A_579 = arith.index_cast %swap3A_577 : i32 to index
        %swap3A_580 = arith.constant 144 : index
        %swap3A_581 = tpu.vector_load %arg7[%swap3A_578, %swap3A_579, %swap3A_580] {strides = array<i32>} : memref<3x77x512xf32, #tpu.memory_space<vmem>>, vector<1x1x16xf32>,
        %swap3A_582 = vector.shape_cast %swap3A_581 : vector<1x1x16xf32> to vector<16xf32>
        %swap3A_583 = vector.shape_cast %get3A_576 : vector<16xf32> to vector<1x1x16xf32>
        tpu.vector_store %arg7[%swap3A_578, %swap3A_579, %swap3A_580], %swap3A_583 {strides = array<i32>} : memref<3x77x512xf32, #tpu.memory_space<vmem>>, vector<1x1x16xf32>,
        %get3A_584 = arith.constant 1 : i32
        %get3A_585 = arith.index_cast %get3A_584 : i32 to index
        %get3A_586 = arith.constant 160 : index
        %get3A_587 = tpu.vector_load %arg8[%get3A_585, %get3A_586] {strides = array<i32>} : memref<4x512xf32, #tpu.memory_space<vmem>>, vector<1x16xf32>,
        %get3A_588 = vector.shape_cast %get3A_587 : vector<1x16xf32> to vector<16xf32>
        %swap3A_589 = arith.constant 2 : i32
        %swap3A_590 = arith.index_cast %rem3A_67 : i32 to index
        %swap3A_591 = arith.index_cast %swap3A_589 : i32 to index
        %swap3A_592 = arith.constant 160 : index
        %swap3A_593 = tpu.vector_load %arg7[%swap3A_590, %swap3A_591, %swap3A_592] {strides = array<i32>} : memref<3x77x512xf32, #tpu.memory_space<vmem>>, vector<1x1x16xf32>,
        %swap3A_594 = vector.shape_cast %swap3A_593 : vector<1x1x16xf32> to vector<16xf32>
        %swap3A_595 = vector.shape_cast %get3A_588 : vector<16xf32> to vector<1x1x16xf32>
        tpu.vector_store %arg7[%swap3A_590, %swap3A_591, %swap3A_592], %swap3A_595 {strides = array<i32>} : memref<3x77x512xf32, #tpu.memory_space<vmem>>, vector<1x1x16xf32>,
        %get3A_596 = arith.constant 1 : i32
        %get3A_597 = arith.index_cast %get3A_596 : i32 to index
        %get3A_598 = arith.constant 176 : index
        %get3A_599 = tpu.vector_load %arg8[%get3A_597, %get3A_598] {strides = array<i32>} : memref<4x512xf32, #tpu.memory_space<vmem>>, vector<1x16xf32>,
        %get3A_600 = vector.shape_cast %get3A_599 : vector<1x16xf32> to vector<16xf32>
        %swap3A_601 = arith.constant 2 : i32
        %swap3A_602 = arith.index_cast %rem3A_67 : i32 to index
        %swap3A_603 = arith.index_cast %swap3A_601 : i32 to index
        %swap3A_604 = arith.constant 176 : index
        %swap3A_605 = tpu.vector_load %arg7[%swap3A_602, %swap3A_603, %swap3A_604] {strides = array<i32>} : memref<3x77x512xf32, #tpu.memory_space<vmem>>, vector<1x1x16xf32>,
        %swap3A_606 = vector.shape_cast %swap3A_605 : vector<1x1x16xf32> to vector<16xf32>
        %swap3A_607 = vector.shape_cast %get3A_600 : vector<16xf32> to vector<1x1x16xf32>
        tpu.vector_store %arg7[%swap3A_602, %swap3A_603, %swap3A_604], %swap3A_607 {strides = array<i32>} : memref<3x77x512xf32, #tpu.memory_space<vmem>>, vector<1x1x16xf32>,
        %get3A_608 = arith.constant 1 : i32
        %get3A_609 = arith.index_cast %get3A_608 : i32 to index
        %get3A_610 = arith.constant 192 : index
        %get3A_611 = tpu.vector_load %arg8[%get3A_609, %get3A_610] {strides = array<i32>} : memref<4x512xf32, #tpu.memory_space<vmem>>, vector<1x16xf32>,
        %get3A_612 = vector.shape_cast %get3A_611 : vector<1x16xf32> to vector<16xf32>
        %swap3A_613 = arith.constant 2 : i32
        %swap3A_614 = arith.index_cast %rem3A_67 : i32 to index
        %swap3A_615 = arith.index_cast %swap3A_613 : i32 to index
        %swap3A_616 = arith.constant 192 : index
        %swap3A_617 = tpu.vector_load %arg7[%swap3A_614, %swap3A_615, %swap3A_616] {strides = array<i32>} : memref<3x77x512xf32, #tpu.memory_space<vmem>>, vector<1x1x16xf32>,
        %swap3A_618 = vector.shape_cast %swap3A_617 : vector<1x1x16xf32> to vector<16xf32>
        %swap3A_619 = vector.shape_cast %get3A_612 : vector<16xf32> to vector<1x1x16xf32>
        tpu.vector_store %arg7[%swap3A_614, %swap3A_615, %swap3A_616], %swap3A_619 {strides = array<i32>} : memref<3x77x512xf32, #tpu.memory_space<vmem>>, vector<1x1x16xf32>,
        %get3A_620 = arith.constant 1 : i32
        %get3A_621 = arith.index_cast %get3A_620 : i32 to index
        %get3A_622 = arith.constant 208 : index
        %get3A_623 = tpu.vector_load %arg8[%get3A_621, %get3A_622] {strides = array<i32>} : memref<4x512xf32, #tpu.memory_space<vmem>>, vector<1x16xf32>,
        %get3A_624 = vector.shape_cast %get3A_623 : vector<1x16xf32> to vector<16xf32>
        %swap3A_625 = arith.constant 2 : i32
        %swap3A_626 = arith.index_cast %rem3A_67 : i32 to index
        %swap3A_627 = arith.index_cast %swap3A_625 : i32 to index
        %swap3A_628 = arith.constant 208 : index
        %swap3A_629 = tpu.vector_load %arg7[%swap3A_626, %swap3A_627, %swap3A_628] {strides = array<i32>} : memref<3x77x512xf32, #tpu.memory_space<vmem>>, vector<1x1x16xf32>,
        %swap3A_630 = vector.shape_cast %swap3A_629 : vector<1x1x16xf32> to vector<16xf32>
        %swap3A_631 = vector.shape_cast %get3A_624 : vector<16xf32> to vector<1x1x16xf32>
        tpu.vector_store %arg7[%swap3A_626, %swap3A_627, %swap3A_628], %swap3A_631 {strides = array<i32>} : memref<3x77x512xf32, #tpu.memory_space<vmem>>, vector<1x1x16xf32>,
        %get3A_632 = arith.constant 1 : i32
        %get3A_633 = arith.index_cast %get3A_632 : i32 to index
        %get3A_634 = arith.constant 224 : index
        %get3A_635 = tpu.vector_load %arg8[%get3A_633, %get3A_634] {strides = array<i32>} : memref<4x512xf32, #tpu.memory_space<vmem>>, vector<1x16xf32>,
        %get3A_636 = vector.shape_cast %get3A_635 : vector<1x16xf32> to vector<16xf32>
        %swap3A_637 = arith.constant 2 : i32
        %swap3A_638 = arith.index_cast %rem3A_67 : i32 to index
        %swap3A_639 = arith.index_cast %swap3A_637 : i32 to index
        %swap3A_640 = arith.constant 224 : index
        %swap3A_641 = tpu.vector_load %arg7[%swap3A_638, %swap3A_639, %swap3A_640] {strides = array<i32>} : memref<3x77x512xf32, #tpu.memory_space<vmem>>, vector<1x1x16xf32>,
        %swap3A_642 = vector.shape_cast %swap3A_641 : vector<1x1x16xf32> to vector<16xf32>
        %swap3A_643 = vector.shape_cast %get3A_636 : vector<16xf32> to vector<1x1x16xf32>
        tpu.vector_store %arg7[%swap3A_638, %swap3A_639, %swap3A_640], %swap3A_643 {strides = array<i32>} : memref<3x77x512xf32, #tpu.memory_space<vmem>>, vector<1x1x16xf32>,
        %get3A_644 = arith.constant 1 : i32
        %get3A_645 = arith.index_cast %get3A_644 : i32 to index
        %get3A_646 = arith.constant 240 : index
        %get3A_647 = tpu.vector_load %arg8[%get3A_645, %get3A_646] {strides = array<i32>} : memref<4x512xf32, #tpu.memory_space<vmem>>, vector<1x16xf32>,
        %get3A_648 = vector.shape_cast %get3A_647 : vector<1x16xf32> to vector<16xf32>
        %swap3A_649 = arith.constant 2 : i32
        %swap3A_650 = arith.index_cast %rem3A_67 : i32 to index
        %swap3A_651 = arith.index_cast %swap3A_649 : i32 to index
        %swap3A_652 = arith.constant 240 : index
        %swap3A_653 = tpu.vector_load %arg7[%swap3A_650, %swap3A_651, %swap3A_652] {strides = array<i32>} : memref<3x77x512xf32, #tpu.memory_space<vmem>>, vector<1x1x16xf32>,
        %swap3A_654 = vector.shape_cast %swap3A_653 : vector<1x1x16xf32> to vector<16xf32>
        %swap3A_655 = vector.shape_cast %get3A_648 : vector<16xf32> to vector<1x1x16xf32>
        tpu.vector_store %arg7[%swap3A_650, %swap3A_651, %swap3A_652], %swap3A_655 {strides = array<i32>} : memref<3x77x512xf32, #tpu.memory_space<vmem>>, vector<1x1x16xf32>,
        %get3A_656 = arith.constant 1 : i32
        %get3A_657 = arith.index_cast %get3A_656 : i32 to index
        %get3A_658 = arith.constant 256 : index
        %get3A_659 = tpu.vector_load %arg8[%get3A_657, %get3A_658] {strides = array<i32>} : memref<4x512xf32, #tpu.memory_space<vmem>>, vector<1x16xf32>,
        %get3A_660 = vector.shape_cast %get3A_659 : vector<1x16xf32> to vector<16xf32>
        %swap3A_661 = arith.constant 2 : i32
        %swap3A_662 = arith.index_cast %rem3A_67 : i32 to index
        %swap3A_663 = arith.index_cast %swap3A_661 : i32 to index
        %swap3A_664 = arith.constant 256 : index
        %swap3A_665 = tpu.vector_load %arg7[%swap3A_662, %swap3A_663, %swap3A_664] {strides = array<i32>} : memref<3x77x512xf32, #tpu.memory_space<vmem>>, vector<1x1x16xf32>,
        %swap3A_666 = vector.shape_cast %swap3A_665 : vector<1x1x16xf32> to vector<16xf32>
        %swap3A_667 = vector.shape_cast %get3A_660 : vector<16xf32> to vector<1x1x16xf32>
        tpu.vector_store %arg7[%swap3A_662, %swap3A_663, %swap3A_664], %swap3A_667 {strides = array<i32>} : memref<3x77x512xf32, #tpu.memory_space<vmem>>, vector<1x1x16xf32>,
        %get3A_668 = arith.constant 1 : i32
        %get3A_669 = arith.index_cast %get3A_668 : i32 to index
        %get3A_670 = arith.constant 272 : index
        %get3A_671 = tpu.vector_load %arg8[%get3A_669, %get3A_670] {strides = array<i32>} : memref<4x512xf32, #tpu.memory_space<vmem>>, vector<1x16xf32>,
        %get3A_672 = vector.shape_cast %get3A_671 : vector<1x16xf32> to vector<16xf32>
        %swap3A_673 = arith.constant 2 : i32
        %swap3A_674 = arith.index_cast %rem3A_67 : i32 to index
        %swap3A_675 = arith.index_cast %swap3A_673 : i32 to index
        %swap3A_676 = arith.constant 272 : index
        %swap3A_677 = tpu.vector_load %arg7[%swap3A_674, %swap3A_675, %swap3A_676] {strides = array<i32>} : memref<3x77x512xf32, #tpu.memory_space<vmem>>, vector<1x1x16xf32>,
        %swap3A_678 = vector.shape_cast %swap3A_677 : vector<1x1x16xf32> to vector<16xf32>
        %swap3A_679 = vector.shape_cast %get3A_672 : vector<16xf32> to vector<1x1x16xf32>
        tpu.vector_store %arg7[%swap3A_674, %swap3A_675, %swap3A_676], %swap3A_679 {strides = array<i32>} : memref<3x77x512xf32, #tpu.memory_space<vmem>>, vector<1x1x16xf32>,
        %get3A_680 = arith.constant 1 : i32
        %get3A_681 = arith.index_cast %get3A_680 : i32 to index
        %get3A_682 = arith.constant 288 : index
        %get3A_683 = tpu.vector_load %arg8[%get3A_681, %get3A_682] {strides = array<i32>} : memref<4x512xf32, #tpu.memory_space<vmem>>, vector<1x16xf32>,
        %get3A_684 = vector.shape_cast %get3A_683 : vector<1x16xf32> to vector<16xf32>
        %swap3A_685 = arith.constant 2 : i32
        %swap3A_686 = arith.index_cast %rem3A_67 : i32 to index
        %swap3A_687 = arith.index_cast %swap3A_685 : i32 to index
        %swap3A_688 = arith.constant 288 : index
        %swap3A_689 = tpu.vector_load %arg7[%swap3A_686, %swap3A_687, %swap3A_688] {strides = array<i32>} : memref<3x77x512xf32, #tpu.memory_space<vmem>>, vector<1x1x16xf32>,
        %swap3A_690 = vector.shape_cast %swap3A_689 : vector<1x1x16xf32> to vector<16xf32>
        %swap3A_691 = vector.shape_cast %get3A_684 : vector<16xf32> to vector<1x1x16xf32>
        tpu.vector_store %arg7[%swap3A_686, %swap3A_687, %swap3A_688], %swap3A_691 {strides = array<i32>} : memref<3x77x512xf32, #tpu.memory_space<vmem>>, vector<1x1x16xf32>,
        %get3A_692 = arith.constant 1 : i32
        %get3A_693 = arith.index_cast %get3A_692 : i32 to index
        %get3A_694 = arith.constant 304 : index
        %get3A_695 = tpu.vector_load %arg8[%get3A_693, %get3A_694] {strides = array<i32>} : memref<4x512xf32, #tpu.memory_space<vmem>>, vector<1x16xf32>,
        %get3A_696 = vector.shape_cast %get3A_695 : vector<1x16xf32> to vector<16xf32>
        %swap3A_697 = arith.constant 2 : i32
        %swap3A_698 = arith.index_cast %rem3A_67 : i32 to index
        %swap3A_699 = arith.index_cast %swap3A_697 : i32 to index
        %swap3A_700 = arith.constant 304 : index
        %swap3A_701 = tpu.vector_load %arg7[%swap3A_698, %swap3A_699, %swap3A_700] {strides = array<i32>} : memref<3x77x512xf32, #tpu.memory_space<vmem>>, vector<1x1x16xf32>,
        %swap3A_702 = vector.shape_cast %swap3A_701 : vector<1x1x16xf32> to vector<16xf32>
        %swap3A_703 = vector.shape_cast %get3A_696 : vector<16xf32> to vector<1x1x16xf32>
        tpu.vector_store %arg7[%swap3A_698, %swap3A_699, %swap3A_700], %swap3A_703 {strides = array<i32>} : memref<3x77x512xf32, #tpu.memory_space<vmem>>, vector<1x1x16xf32>,
        %get3A_704 = arith.constant 1 : i32
        %get3A_705 = arith.index_cast %get3A_704 : i32 to index
        %get3A_706 = arith.constant 320 : index
        %get3A_707 = tpu.vector_load %arg8[%get3A_705, %get3A_706] {strides = array<i32>} : memref<4x512xf32, #tpu.memory_space<vmem>>, vector<1x16xf32>,
        %get3A_708 = vector.shape_cast %get3A_707 : vector<1x16xf32> to vector<16xf32>
        %swap3A_709 = arith.constant 2 : i32
        %swap3A_710 = arith.index_cast %rem3A_67 : i32 to index
        %swap3A_711 = arith.index_cast %swap3A_709 : i32 to index
        %swap3A_712 = arith.constant 320 : index
        %swap3A_713 = tpu.vector_load %arg7[%swap3A_710, %swap3A_711, %swap3A_712] {strides = array<i32>} : memref<3x77x512xf32, #tpu.memory_space<vmem>>, vector<1x1x16xf32>,
        %swap3A_714 = vector.shape_cast %swap3A_713 : vector<1x1x16xf32> to vector<16xf32>
        %swap3A_715 = vector.shape_cast %get3A_708 : vector<16xf32> to vector<1x1x16xf32>
        tpu.vector_store %arg7[%swap3A_710, %swap3A_711, %swap3A_712], %swap3A_715 {strides = array<i32>} : memref<3x77x512xf32, #tpu.memory_space<vmem>>, vector<1x1x16xf32>,
        %get3A_716 = arith.constant 1 : i32
        %get3A_717 = arith.index_cast %get3A_716 : i32 to index
        %get3A_718 = arith.constant 336 : index
        %get3A_719 = tpu.vector_load %arg8[%get3A_717, %get3A_718] {strides = array<i32>} : memref<4x512xf32, #tpu.memory_space<vmem>>, vector<1x16xf32>,
        %get3A_720 = vector.shape_cast %get3A_719 : vector<1x16xf32> to vector<16xf32>
        %swap3A_721 = arith.constant 2 : i32
        %swap3A_722 = arith.index_cast %rem3A_67 : i32 to index
        %swap3A_723 = arith.index_cast %swap3A_721 : i32 to index
        %swap3A_724 = arith.constant 336 : index
        %swap3A_725 = tpu.vector_load %arg7[%swap3A_722, %swap3A_723, %swap3A_724] {strides = array<i32>} : memref<3x77x512xf32, #tpu.memory_space<vmem>>, vector<1x1x16xf32>,
        %swap3A_726 = vector.shape_cast %swap3A_725 : vector<1x1x16xf32> to vector<16xf32>
        %swap3A_727 = vector.shape_cast %get3A_720 : vector<16xf32> to vector<1x1x16xf32>
        tpu.vector_store %arg7[%swap3A_722, %swap3A_723, %swap3A_724], %swap3A_727 {strides = array<i32>} : memref<3x77x512xf32, #tpu.memory_space<vmem>>, vector<1x1x16xf32>,
        %get3A_728 = arith.constant 1 : i32
        %get3A_729 = arith.index_cast %get3A_728 : i32 to index
        %get3A_730 = arith.constant 352 : index
        %get3A_731 = tpu.vector_load %arg8[%get3A_729, %get3A_730] {strides = array<i32>} : memref<4x512xf32, #tpu.memory_space<vmem>>, vector<1x16xf32>,
        %get3A_732 = vector.shape_cast %get3A_731 : vector<1x16xf32> to vector<16xf32>
        %swap3A_733 = arith.constant 2 : i32
        %swap3A_734 = arith.index_cast %rem3A_67 : i32 to index
        %swap3A_735 = arith.index_cast %swap3A_733 : i32 to index
        %swap3A_736 = arith.constant 352 : index
        %swap3A_737 = tpu.vector_load %arg7[%swap3A_734, %swap3A_735, %swap3A_736] {strides = array<i32>} : memref<3x77x512xf32, #tpu.memory_space<vmem>>, vector<1x1x16xf32>,
        %swap3A_738 = vector.shape_cast %swap3A_737 : vector<1x1x16xf32> to vector<16xf32>
        %swap3A_739 = vector.shape_cast %get3A_732 : vector<16xf32> to vector<1x1x16xf32>
        tpu.vector_store %arg7[%swap3A_734, %swap3A_735, %swap3A_736], %swap3A_739 {strides = array<i32>} : memref<3x77x512xf32, #tpu.memory_space<vmem>>, vector<1x1x16xf32>,
        %get3A_740 = arith.constant 1 : i32
        %get3A_741 = arith.index_cast %get3A_740 : i32 to index
        %get3A_742 = arith.constant 368 : index
        %get3A_743 = tpu.vector_load %arg8[%get3A_741, %get3A_742] {strides = array<i32>} : memref<4x512xf32, #tpu.memory_space<vmem>>, vector<1x16xf32>,
        %get3A_744 = vector.shape_cast %get3A_743 : vector<1x16xf32> to vector<16xf32>
        %swap3A_745 = arith.constant 2 : i32
        %swap3A_746 = arith.index_cast %rem3A_67 : i32 to index
        %swap3A_747 = arith.index_cast %swap3A_745 : i32 to index
        %swap3A_748 = arith.constant 368 : index
        %swap3A_749 = tpu.vector_load %arg7[%swap3A_746, %swap3A_747, %swap3A_748] {strides = array<i32>} : memref<3x77x512xf32, #tpu.memory_space<vmem>>, vector<1x1x16xf32>,
        %swap3A_750 = vector.shape_cast %swap3A_749 : vector<1x1x16xf32> to vector<16xf32>
        %swap3A_751 = vector.shape_cast %get3A_744 : vector<16xf32> to vector<1x1x16xf32>
        tpu.vector_store %arg7[%swap3A_746, %swap3A_747, %swap3A_748], %swap3A_751 {strides = array<i32>} : memref<3x77x512xf32, #tpu.memory_space<vmem>>, vector<1x1x16xf32>,
        %get3A_752 = arith.constant 1 : i32
        %get3A_753 = arith.index_cast %get3A_752 : i32 to index
        %get3A_754 = arith.constant 384 : index
        %get3A_755 = tpu.vector_load %arg8[%get3A_753, %get3A_754] {strides = array<i32>} : memref<4x512xf32, #tpu.memory_space<vmem>>, vector<1x16xf32>,
        %get3A_756 = vector.shape_cast %get3A_755 : vector<1x16xf32> to vector<16xf32>
        %swap3A_757 = arith.constant 2 : i32
        %swap3A_758 = arith.index_cast %rem3A_67 : i32 to index
        %swap3A_759 = arith.index_cast %swap3A_757 : i32 to index
        %swap3A_760 = arith.constant 384 : index
        %swap3A_761 = tpu.vector_load %arg7[%swap3A_758, %swap3A_759, %swap3A_760] {strides = array<i32>} : memref<3x77x512xf32, #tpu.memory_space<vmem>>, vector<1x1x16xf32>,
        %swap3A_762 = vector.shape_cast %swap3A_761 : vector<1x1x16xf32> to vector<16xf32>
        %swap3A_763 = vector.shape_cast %get3A_756 : vector<16xf32> to vector<1x1x16xf32>
        tpu.vector_store %arg7[%swap3A_758, %swap3A_759, %swap3A_760], %swap3A_763 {strides = array<i32>} : memref<3x77x512xf32, #tpu.memory_space<vmem>>, vector<1x1x16xf32>,
        %get3A_764 = arith.constant 1 : i32
        %get3A_765 = arith.index_cast %get3A_764 : i32 to index
        %get3A_766 = arith.constant 400 : index
        %get3A_767 = tpu.vector_load %arg8[%get3A_765, %get3A_766] {strides = array<i32>} : memref<4x512xf32, #tpu.memory_space<vmem>>, vector<1x16xf32>,
        %get3A_768 = vector.shape_cast %get3A_767 : vector<1x16xf32> to vector<16xf32>
        %swap3A_769 = arith.constant 2 : i32
        %swap3A_770 = arith.index_cast %rem3A_67 : i32 to index
        %swap3A_771 = arith.index_cast %swap3A_769 : i32 to index
        %swap3A_772 = arith.constant 400 : index
        %swap3A_773 = tpu.vector_load %arg7[%swap3A_770, %swap3A_771, %swap3A_772] {strides = array<i32>} : memref<3x77x512xf32, #tpu.memory_space<vmem>>, vector<1x1x16xf32>,
        %swap3A_774 = vector.shape_cast %swap3A_773 : vector<1x1x16xf32> to vector<16xf32>
        %swap3A_775 = vector.shape_cast %get3A_768 : vector<16xf32> to vector<1x1x16xf32>
        tpu.vector_store %arg7[%swap3A_770, %swap3A_771, %swap3A_772], %swap3A_775 {strides = array<i32>} : memref<3x77x512xf32, #tpu.memory_space<vmem>>, vector<1x1x16xf32>,
        %get3A_776 = arith.constant 1 : i32
        %get3A_777 = arith.index_cast %get3A_776 : i32 to index
        %get3A_778 = arith.constant 416 : index
        %get3A_779 = tpu.vector_load %arg8[%get3A_777, %get3A_778] {strides = array<i32>} : memref<4x512xf32, #tpu.memory_space<vmem>>, vector<1x16xf32>,
        %get3A_780 = vector.shape_cast %get3A_779 : vector<1x16xf32> to vector<16xf32>
        %swap3A_781 = arith.constant 2 : i32
        %swap3A_782 = arith.index_cast %rem3A_67 : i32 to index
        %swap3A_783 = arith.index_cast %swap3A_781 : i32 to index
        %swap3A_784 = arith.constant 416 : index
        %swap3A_785 = tpu.vector_load %arg7[%swap3A_782, %swap3A_783, %swap3A_784] {strides = array<i32>} : memref<3x77x512xf32, #tpu.memory_space<vmem>>, vector<1x1x16xf32>,
        %swap3A_786 = vector.shape_cast %swap3A_785 : vector<1x1x16xf32> to vector<16xf32>
        %swap3A_787 = vector.shape_cast %get3A_780 : vector<16xf32> to vector<1x1x16xf32>
        tpu.vector_store %arg7[%swap3A_782, %swap3A_783, %swap3A_784], %swap3A_787 {strides = array<i32>} : memref<3x77x512xf32, #tpu.memory_space<vmem>>, vector<1x1x16xf32>,
        %get3A_788 = arith.constant 1 : i32
        %get3A_789 = arith.index_cast %get3A_788 : i32 to index
        %get3A_790 = arith.constant 432 : index
        %get3A_791 = tpu.vector_load %arg8[%get3A_789, %get3A_790] {strides = array<i32>} : memref<4x512xf32, #tpu.memory_space<vmem>>, vector<1x16xf32>,
        %get3A_792 = vector.shape_cast %get3A_791 : vector<1x16xf32> to vector<16xf32>
        %swap3A_793 = arith.constant 2 : i32
        %swap3A_794 = arith.index_cast %rem3A_67 : i32 to index
        %swap3A_795 = arith.index_cast %swap3A_793 : i32 to index
        %swap3A_796 = arith.constant 432 : index
        %swap3A_797 = tpu.vector_load %arg7[%swap3A_794, %swap3A_795, %swap3A_796] {strides = array<i32>} : memref<3x77x512xf32, #tpu.memory_space<vmem>>, vector<1x1x16xf32>,
        %swap3A_798 = vector.shape_cast %swap3A_797 : vector<1x1x16xf32> to vector<16xf32>
        %swap3A_799 = vector.shape_cast %get3A_792 : vector<16xf32> to vector<1x1x16xf32>
        tpu.vector_store %arg7[%swap3A_794, %swap3A_795, %swap3A_796], %swap3A_799 {strides = array<i32>} : memref<3x77x512xf32, #tpu.memory_space<vmem>>, vector<1x1x16xf32>,
        %get3A_800 = arith.constant 1 : i32
        %get3A_801 = arith.index_cast %get3A_800 : i32 to index
        %get3A_802 = arith.constant 448 : index
        %get3A_803 = tpu.vector_load %arg8[%get3A_801, %get3A_802] {strides = array<i32>} : memref<4x512xf32, #tpu.memory_space<vmem>>, vector<1x16xf32>,
        %get3A_804 = vector.shape_cast %get3A_803 : vector<1x16xf32> to vector<16xf32>
        %swap3A_805 = arith.constant 2 : i32
        %swap3A_806 = arith.index_cast %rem3A_67 : i32 to index
        %swap3A_807 = arith.index_cast %swap3A_805 : i32 to index
        %swap3A_808 = arith.constant 448 : index
        %swap3A_809 = tpu.vector_load %arg7[%swap3A_806, %swap3A_807, %swap3A_808] {strides = array<i32>} : memref<3x77x512xf32, #tpu.memory_space<vmem>>, vector<1x1x16xf32>,
        %swap3A_810 = vector.shape_cast %swap3A_809 : vector<1x1x16xf32> to vector<16xf32>
        %swap3A_811 = vector.shape_cast %get3A_804 : vector<16xf32> to vector<1x1x16xf32>
        tpu.vector_store %arg7[%swap3A_806, %swap3A_807, %swap3A_808], %swap3A_811 {strides = array<i32>} : memref<3x77x512xf32, #tpu.memory_space<vmem>>, vector<1x1x16xf32>,
        %get3A_812 = arith.constant 1 : i32
        %get3A_813 = arith.index_cast %get3A_812 : i32 to index
        %get3A_814 = arith.constant 464 : index
        %get3A_815 = tpu.vector_load %arg8[%get3A_813, %get3A_814] {strides = array<i32>} : memref<4x512xf32, #tpu.memory_space<vmem>>, vector<1x16xf32>,
        %get3A_816 = vector.shape_cast %get3A_815 : vector<1x16xf32> to vector<16xf32>
        %swap3A_817 = arith.constant 2 : i32
        %swap3A_818 = arith.index_cast %rem3A_67 : i32 to index
        %swap3A_819 = arith.index_cast %swap3A_817 : i32 to index
        %swap3A_820 = arith.constant 464 : index
        %swap3A_821 = tpu.vector_load %arg7[%swap3A_818, %swap3A_819, %swap3A_820] {strides = array<i32>} : memref<3x77x512xf32, #tpu.memory_space<vmem>>, vector<1x1x16xf32>,
        %swap3A_822 = vector.shape_cast %swap3A_821 : vector<1x1x16xf32> to vector<16xf32>
        %swap3A_823 = vector.shape_cast %get3A_816 : vector<16xf32> to vector<1x1x16xf32>
        tpu.vector_store %arg7[%swap3A_818, %swap3A_819, %swap3A_820], %swap3A_823 {strides = array<i32>} : memref<3x77x512xf32, #tpu.memory_space<vmem>>, vector<1x1x16xf32>,
        %get3A_824 = arith.constant 1 : i32
        %get3A_825 = arith.index_cast %get3A_824 : i32 to index
        %get3A_826 = arith.constant 480 : index
        %get3A_827 = tpu.vector_load %arg8[%get3A_825, %get3A_826] {strides = array<i32>} : memref<4x512xf32, #tpu.memory_space<vmem>>, vector<1x16xf32>,
        %get3A_828 = vector.shape_cast %get3A_827 : vector<1x16xf32> to vector<16xf32>
        %swap3A_829 = arith.constant 2 : i32
        %swap3A_830 = arith.index_cast %rem3A_67 : i32 to index
        %swap3A_831 = arith.index_cast %swap3A_829 : i32 to index
        %swap3A_832 = arith.constant 480 : index
        %swap3A_833 = tpu.vector_load %arg7[%swap3A_830, %swap3A_831, %swap3A_832] {strides = array<i32>} : memref<3x77x512xf32, #tpu.memory_space<vmem>>, vector<1x1x16xf32>,
        %swap3A_834 = vector.shape_cast %swap3A_833 : vector<1x1x16xf32> to vector<16xf32>
        %swap3A_835 = vector.shape_cast %get3A_828 : vector<16xf32> to vector<1x1x16xf32>
        tpu.vector_store %arg7[%swap3A_830, %swap3A_831, %swap3A_832], %swap3A_835 {strides = array<i32>} : memref<3x77x512xf32, #tpu.memory_space<vmem>>, vector<1x1x16xf32>,
        %get3A_836 = arith.constant 1 : i32
        %get3A_837 = arith.index_cast %get3A_836 : i32 to index
        %get3A_838 = arith.constant 496 : index
        %get3A_839 = tpu.vector_load %arg8[%get3A_837, %get3A_838] {strides = array<i32>} : memref<4x512xf32, #tpu.memory_space<vmem>>, vector<1x16xf32>,
        %get3A_840 = vector.shape_cast %get3A_839 : vector<1x16xf32> to vector<16xf32>
        %swap3A_841 = arith.constant 2 : i32
        %swap3A_842 = arith.index_cast %rem3A_67 : i32 to index
        %swap3A_843 = arith.index_cast %swap3A_841 : i32 to index
        %swap3A_844 = arith.constant 496 : index
        %swap3A_845 = tpu.vector_load %arg7[%swap3A_842, %swap3A_843, %swap3A_844] {strides = array<i32>} : memref<3x77x512xf32, #tpu.memory_space<vmem>>, vector<1x1x16xf32>,
        %swap3A_846 = vector.shape_cast %swap3A_845 : vector<1x1x16xf32> to vector<16xf32>
        %swap3A_847 = vector.shape_cast %get3A_840 : vector<16xf32> to vector<1x1x16xf32>
        tpu.vector_store %arg7[%swap3A_842, %swap3A_843, %swap3A_844], %swap3A_847 {strides = array<i32>} : memref<3x77x512xf32, #tpu.memory_space<vmem>>, vector<1x1x16xf32>,
        %get3A_848 = arith.constant 2 : i32
        %get3A_849 = arith.index_cast %get3A_848 : i32 to index
        %get3A_850 = arith.constant 0 : index
        %get3A_851 = tpu.vector_load %arg8[%get3A_849, %get3A_850] {strides = array<i32>} : memref<4x512xf32, #tpu.memory_space<vmem>>, vector<1x16xf32>,
        %get3A_852 = vector.shape_cast %get3A_851 : vector<1x16xf32> to vector<16xf32>
        %swap3A_853 = arith.constant 3 : i32
        %swap3A_854 = arith.index_cast %rem3A_67 : i32 to index
        %swap3A_855 = arith.index_cast %swap3A_853 : i32 to index
        %swap3A_856 = arith.constant 0 : index
        %swap3A_857 = tpu.vector_load %arg7[%swap3A_854, %swap3A_855, %swap3A_856] {strides = array<i32>} : memref<3x77x512xf32, #tpu.memory_space<vmem>>, vector<1x1x16xf32>,
        %swap3A_858 = vector.shape_cast %swap3A_857 : vector<1x1x16xf32> to vector<16xf32>
        %swap3A_859 = vector.shape_cast %get3A_852 : vector<16xf32> to vector<1x1x16xf32>
        tpu.vector_store %arg7[%swap3A_854, %swap3A_855, %swap3A_856], %swap3A_859 {strides = array<i32>} : memref<3x77x512xf32, #tpu.memory_space<vmem>>, vector<1x1x16xf32>,
        %get3A_860 = arith.constant 2 : i32
        %get3A_861 = arith.index_cast %get3A_860 : i32 to index
        %get3A_862 = arith.constant 16 : index
        %get3A_863 = tpu.vector_load %arg8[%get3A_861, %get3A_862] {strides = array<i32>} : memref<4x512xf32, #tpu.memory_space<vmem>>, vector<1x16xf32>,
        %get3A_864 = vector.shape_cast %get3A_863 : vector<1x16xf32> to vector<16xf32>
        %swap3A_865 = arith.constant 3 : i32
        %swap3A_866 = arith.index_cast %rem3A_67 : i32 to index
        %swap3A_867 = arith.index_cast %swap3A_865 : i32 to index
        %swap3A_868 = arith.constant 16 : index
        %swap3A_869 = tpu.vector_load %arg7[%swap3A_866, %swap3A_867, %swap3A_868] {strides = array<i32>} : memref<3x77x512xf32, #tpu.memory_space<vmem>>, vector<1x1x16xf32>,
        %swap3A_870 = vector.shape_cast %swap3A_869 : vector<1x1x16xf32> to vector<16xf32>
        %swap3A_871 = vector.shape_cast %get3A_864 : vector<16xf32> to vector<1x1x16xf32>
        tpu.vector_store %arg7[%swap3A_866, %swap3A_867, %swap3A_868], %swap3A_871 {strides = array<i32>} : memref<3x77x512xf32, #tpu.memory_space<vmem>>, vector<1x1x16xf32>,
        %get3A_872 = arith.constant 2 : i32
        %get3A_873 = arith.index_cast %get3A_872 : i32 to index
        %get3A_874 = arith.constant 32 : index
        %get3A_875 = tpu.vector_load %arg8[%get3A_873, %get3A_874] {strides = array<i32>} : memref<4x512xf32, #tpu.memory_space<vmem>>, vector<1x16xf32>,
        %get3A_876 = vector.shape_cast %get3A_875 : vector<1x16xf32> to vector<16xf32>
        %swap3A_877 = arith.constant 3 : i32
        %swap3A_878 = arith.index_cast %rem3A_67 : i32 to index
        %swap3A_879 = arith.index_cast %swap3A_877 : i32 to index
        %swap3A_880 = arith.constant 32 : index
        %swap3A_881 = tpu.vector_load %arg7[%swap3A_878, %swap3A_879, %swap3A_880] {strides = array<i32>} : memref<3x77x512xf32, #tpu.memory_space<vmem>>, vector<1x1x16xf32>,
        %swap3A_882 = vector.shape_cast %swap3A_881 : vector<1x1x16xf32> to vector<16xf32>
        %swap3A_883 = vector.shape_cast %get3A_876 : vector<16xf32> to vector<1x1x16xf32>
        tpu.vector_store %arg7[%swap3A_878, %swap3A_879, %swap3A_880], %swap3A_883 {strides = array<i32>} : memref<3x77x512xf32, #tpu.memory_space<vmem>>, vector<1x1x16xf32>,
        %get3A_884 = arith.constant 2 : i32
        %get3A_885 = arith.index_cast %get3A_884 : i32 to index
        %get3A_886 = arith.constant 48 : index
        %get3A_887 = tpu.vector_load %arg8[%get3A_885, %get3A_886] {strides = array<i32>} : memref<4x512xf32, #tpu.memory_space<vmem>>, vector<1x16xf32>,
        %get3A_888 = vector.shape_cast %get3A_887 : vector<1x16xf32> to vector<16xf32>
        %swap3A_889 = arith.constant 3 : i32
        %swap3A_890 = arith.index_cast %rem3A_67 : i32 to index
        %swap3A_891 = arith.index_cast %swap3A_889 : i32 to index
        %swap3A_892 = arith.constant 48 : index
        %swap3A_893 = tpu.vector_load %arg7[%swap3A_890, %swap3A_891, %swap3A_892] {strides = array<i32>} : memref<3x77x512xf32, #tpu.memory_space<vmem>>, vector<1x1x16xf32>,
        %swap3A_894 = vector.shape_cast %swap3A_893 : vector<1x1x16xf32> to vector<16xf32>
        %swap3A_895 = vector.shape_cast %get3A_888 : vector<16xf32> to vector<1x1x16xf32>
        tpu.vector_store %arg7[%swap3A_890, %swap3A_891, %swap3A_892], %swap3A_895 {strides = array<i32>} : memref<3x77x512xf32, #tpu.memory_space<vmem>>, vector<1x1x16xf32>,
        %get3A_896 = arith.constant 2 : i32
        %get3A_897 = arith.index_cast %get3A_896 : i32 to index
        %get3A_898 = arith.constant 64 : index
        %get3A_899 = tpu.vector_load %arg8[%get3A_897, %get3A_898] {strides = array<i32>} : memref<4x512xf32, #tpu.memory_space<vmem>>, vector<1x16xf32>,
        %get3A_900 = vector.shape_cast %get3A_899 : vector<1x16xf32> to vector<16xf32>
        %swap3A_901 = arith.constant 3 : i32
        %swap3A_902 = arith.index_cast %rem3A_67 : i32 to index
        %swap3A_903 = arith.index_cast %swap3A_901 : i32 to index
        %swap3A_904 = arith.constant 64 : index
        %swap3A_905 = tpu.vector_load %arg7[%swap3A_902, %swap3A_903, %swap3A_904] {strides = array<i32>} : memref<3x77x512xf32, #tpu.memory_space<vmem>>, vector<1x1x16xf32>,
        %swap3A_906 = vector.shape_cast %swap3A_905 : vector<1x1x16xf32> to vector<16xf32>
        %swap3A_907 = vector.shape_cast %get3A_900 : vector<16xf32> to vector<1x1x16xf32>
        tpu.vector_store %arg7[%swap3A_902, %swap3A_903, %swap3A_904], %swap3A_907 {strides = array<i32>} : memref<3x77x512xf32, #tpu.memory_space<vmem>>, vector<1x1x16xf32>,
        %get3A_908 = arith.constant 2 : i32
        %get3A_909 = arith.index_cast %get3A_908 : i32 to index
        %get3A_910 = arith.constant 80 : index
        %get3A_911 = tpu.vector_load %arg8[%get3A_909, %get3A_910] {strides = array<i32>} : memref<4x512xf32, #tpu.memory_space<vmem>>, vector<1x16xf32>,
        %get3A_912 = vector.shape_cast %get3A_911 : vector<1x16xf32> to vector<16xf32>
        %swap3A_913 = arith.constant 3 : i32
        %swap3A_914 = arith.index_cast %rem3A_67 : i32 to index
        %swap3A_915 = arith.index_cast %swap3A_913 : i32 to index
        %swap3A_916 = arith.constant 80 : index
        %swap3A_917 = tpu.vector_load %arg7[%swap3A_914, %swap3A_915, %swap3A_916] {strides = array<i32>} : memref<3x77x512xf32, #tpu.memory_space<vmem>>, vector<1x1x16xf32>,
        %swap3A_918 = vector.shape_cast %swap3A_917 : vector<1x1x16xf32> to vector<16xf32>
        %swap3A_919 = vector.shape_cast %get3A_912 : vector<16xf32> to vector<1x1x16xf32>
        tpu.vector_store %arg7[%swap3A_914, %swap3A_915, %swap3A_916], %swap3A_919 {strides = array<i32>} : memref<3x77x512xf32, #tpu.memory_space<vmem>>, vector<1x1x16xf32>,
        %get3A_920 = arith.constant 2 : i32
        %get3A_921 = arith.index_cast %get3A_920 : i32 to index
        %get3A_922 = arith.constant 96 : index
        %get3A_923 = tpu.vector_load %arg8[%get3A_921, %get3A_922] {strides = array<i32>} : memref<4x512xf32, #tpu.memory_space<vmem>>, vector<1x16xf32>,
        %get3A_924 = vector.shape_cast %get3A_923 : vector<1x16xf32> to vector<16xf32>
        %swap3A_925 = arith.constant 3 : i32
        %swap3A_926 = arith.index_cast %rem3A_67 : i32 to index
        %swap3A_927 = arith.index_cast %swap3A_925 : i32 to index
        %swap3A_928 = arith.constant 96 : index
        %swap3A_929 = tpu.vector_load %arg7[%swap3A_926, %swap3A_927, %swap3A_928] {strides = array<i32>} : memref<3x77x512xf32, #tpu.memory_space<vmem>>, vector<1x1x16xf32>,
        %swap3A_930 = vector.shape_cast %swap3A_929 : vector<1x1x16xf32> to vector<16xf32>
        %swap3A_931 = vector.shape_cast %get3A_924 : vector<16xf32> to vector<1x1x16xf32>
        tpu.vector_store %arg7[%swap3A_926, %swap3A_927, %swap3A_928], %swap3A_931 {strides = array<i32>} : memref<3x77x512xf32, #tpu.memory_space<vmem>>, vector<1x1x16xf32>,
        %get3A_932 = arith.constant 2 : i32
        %get3A_933 = arith.index_cast %get3A_932 : i32 to index
        %get3A_934 = arith.constant 112 : index
        %get3A_935 = tpu.vector_load %arg8[%get3A_933, %get3A_934] {strides = array<i32>} : memref<4x512xf32, #tpu.memory_space<vmem>>, vector<1x16xf32>,
        %get3A_936 = vector.shape_cast %get3A_935 : vector<1x16xf32> to vector<16xf32>
        %swap3A_937 = arith.constant 3 : i32
        %swap3A_938 = arith.index_cast %rem3A_67 : i32 to index
        %swap3A_939 = arith.index_cast %swap3A_937 : i32 to index
        %swap3A_940 = arith.constant 112 : index
        %swap3A_941 = tpu.vector_load %arg7[%swap3A_938, %swap3A_939, %swap3A_940] {strides = array<i32>} : memref<3x77x512xf32, #tpu.memory_space<vmem>>, vector<1x1x16xf32>,
        %swap3A_942 = vector.shape_cast %swap3A_941 : vector<1x1x16xf32> to vector<16xf32>
        %swap3A_943 = vector.shape_cast %get3A_936 : vector<16xf32> to vector<1x1x16xf32>
        tpu.vector_store %arg7[%swap3A_938, %swap3A_939, %swap3A_940], %swap3A_943 {strides = array<i32>} : memref<3x77x512xf32, #tpu.memory_space<vmem>>, vector<1x1x16xf32>,
        %get3A_944 = arith.constant 2 : i32
        %get3A_945 = arith.index_cast %get3A_944 : i32 to index
        %get3A_946 = arith.constant 128 : index
        %get3A_947 = tpu.vector_load %arg8[%get3A_945, %get3A_946] {strides = array<i32>} : memref<4x512xf32, #tpu.memory_space<vmem>>, vector<1x16xf32>,
        %get3A_948 = vector.shape_cast %get3A_947 : vector<1x16xf32> to vector<16xf32>
        %swap3A_949 = arith.constant 3 : i32
        %swap3A_950 = arith.index_cast %rem3A_67 : i32 to index
        %swap3A_951 = arith.index_cast %swap3A_949 : i32 to index
        %swap3A_952 = arith.constant 128 : index
        %swap3A_953 = tpu.vector_load %arg7[%swap3A_950, %swap3A_951, %swap3A_952] {strides = array<i32>} : memref<3x77x512xf32, #tpu.memory_space<vmem>>, vector<1x1x16xf32>,
        %swap3A_954 = vector.shape_cast %swap3A_953 : vector<1x1x16xf32> to vector<16xf32>
        %swap3A_955 = vector.shape_cast %get3A_948 : vector<16xf32> to vector<1x1x16xf32>
        tpu.vector_store %arg7[%swap3A_950, %swap3A_951, %swap3A_952], %swap3A_955 {strides = array<i32>} : memref<3x77x512xf32, #tpu.memory_space<vmem>>, vector<1x1x16xf32>,
        %get3A_956 = arith.constant 2 : i32
        %get3A_957 = arith.index_cast %get3A_956 : i32 to index
        %get3A_958 = arith.constant 144 : index
        %get3A_959 = tpu.vector_load %arg8[%get3A_957, %get3A_958] {strides = array<i32>} : memref<4x512xf32, #tpu.memory_space<vmem>>, vector<1x16xf32>,
        %get3A_960 = vector.shape_cast %get3A_959 : vector<1x16xf32> to vector<16xf32>
        %swap3A_961 = arith.constant 3 : i32
        %swap3A_962 = arith.index_cast %rem3A_67 : i32 to index
        %swap3A_963 = arith.index_cast %swap3A_961 : i32 to index
        %swap3A_964 = arith.constant 144 : index
        %swap3A_965 = tpu.vector_load %arg7[%swap3A_962, %swap3A_963, %swap3A_964] {strides = array<i32>} : memref<3x77x512xf32, #tpu.memory_space<vmem>>, vector<1x1x16xf32>,
        %swap3A_966 = vector.shape_cast %swap3A_965 : vector<1x1x16xf32> to vector<16xf32>
        %swap3A_967 = vector.shape_cast %get3A_960 : vector<16xf32> to vector<1x1x16xf32>
        tpu.vector_store %arg7[%swap3A_962, %swap3A_963, %swap3A_964], %swap3A_967 {strides = array<i32>} : memref<3x77x512xf32, #tpu.memory_space<vmem>>, vector<1x1x16xf32>,
        %get3A_968 = arith.constant 2 : i32
        %get3A_969 = arith.index_cast %get3A_968 : i32 to index
        %get3A_970 = arith.constant 160 : index
        %get3A_971 = tpu.vector_load %arg8[%get3A_969, %get3A_970] {strides = array<i32>} : memref<4x512xf32, #tpu.memory_space<vmem>>, vector<1x16xf32>,
        %get3A_972 = vector.shape_cast %get3A_971 : vector<1x16xf32> to vector<16xf32>
        %swap3A_973 = arith.constant 3 : i32
        %swap3A_974 = arith.index_cast %rem3A_67 : i32 to index
        %swap3A_975 = arith.index_cast %swap3A_973 : i32 to index
        %swap3A_976 = arith.constant 160 : index
        %swap3A_977 = tpu.vector_load %arg7[%swap3A_974, %swap3A_975, %swap3A_976] {strides = array<i32>} : memref<3x77x512xf32, #tpu.memory_space<vmem>>, vector<1x1x16xf32>,
        %swap3A_978 = vector.shape_cast %swap3A_977 : vector<1x1x16xf32> to vector<16xf32>
        %swap3A_979 = vector.shape_cast %get3A_972 : vector<16xf32> to vector<1x1x16xf32>
        tpu.vector_store %arg7[%swap3A_974, %swap3A_975, %swap3A_976], %swap3A_979 {strides = array<i32>} : memref<3x77x512xf32, #tpu.memory_space<vmem>>, vector<1x1x16xf32>,
        %get3A_980 = arith.constant 2 : i32
        %get3A_981 = arith.index_cast %get3A_980 : i32 to index
        %get3A_982 = arith.constant 176 : index
        %get3A_983 = tpu.vector_load %arg8[%get3A_981, %get3A_982] {strides = array<i32>} : memref<4x512xf32, #tpu.memory_space<vmem>>, vector<1x16xf32>,
        %get3A_984 = vector.shape_cast %get3A_983 : vector<1x16xf32> to vector<16xf32>
        %swap3A_985 = arith.constant 3 : i32
        %swap3A_986 = arith.index_cast %rem3A_67 : i32 to index
        %swap3A_987 = arith.index_cast %swap3A_985 : i32 to index
        %swap3A_988 = arith.constant 176 : index
        %swap3A_989 = tpu.vector_load %arg7[%swap3A_986, %swap3A_987, %swap3A_988] {strides = array<i32>} : memref<3x77x512xf32, #tpu.memory_space<vmem>>, vector<1x1x16xf32>,
        %swap3A_990 = vector.shape_cast %swap3A_989 : vector<1x1x16xf32> to vector<16xf32>
        %swap3A_991 = vector.shape_cast %get3A_984 : vector<16xf32> to vector<1x1x16xf32>
        tpu.vector_store %arg7[%swap3A_986, %swap3A_987, %swap3A_988], %swap3A_991 {strides = array<i32>} : memref<3x77x512xf32, #tpu.memory_space<vmem>>, vector<1x1x16xf32>,
        %get3A_992 = arith.constant 2 : i32
        %get3A_993 = arith.index_cast %get3A_992 : i32 to index
        %get3A_994 = arith.constant 192 : index
        %get3A_995 = tpu.vector_load %arg8[%get3A_993, %get3A_994] {strides = array<i32>} : memref<4x512xf32, #tpu.memory_space<vmem>>, vector<1x16xf32>,
        %get3A_996 = vector.shape_cast %get3A_995 : vector<1x16xf32> to vector<16xf32>
        %swap3A_997 = arith.constant 3 : i32
        %swap3A_998 = arith.index_cast %rem3A_67 : i32 to index
        %swap3A_999 = arith.index_cast %swap3A_997 : i32 to index
        %swap3A_1000 = arith.constant 192 : index
        %swap3A_1001 = tpu.vector_load %arg7[%swap3A_998, %swap3A_999, %swap3A_1000] {strides = array<i32>} : memref<3x77x512xf32, #tpu.memory_space<vmem>>, vector<1x1x16xf32>,
        %swap3A_1002 = vector.shape_cast %swap3A_1001 : vector<1x1x16xf32> to vector<16xf32>
        %swap3A_1003 = vector.shape_cast %get3A_996 : vector<16xf32> to vector<1x1x16xf32>
        tpu.vector_store %arg7[%swap3A_998, %swap3A_999, %swap3A_1000], %swap3A_1003 {strides = array<i32>} : memref<3x77x512xf32, #tpu.memory_space<vmem>>, vector<1x1x16xf32>,
        %get3A_1004 = arith.constant 2 : i32
        %get3A_1005 = arith.index_cast %get3A_1004 : i32 to index
        %get3A_1006 = arith.constant 208 : index
        %get3A_1007 = tpu.vector_load %arg8[%get3A_1005, %get3A_1006] {strides = array<i32>} : memref<4x512xf32, #tpu.memory_space<vmem>>, vector<1x16xf32>,
        %get3A_1008 = vector.shape_cast %get3A_1007 : vector<1x16xf32> to vector<16xf32>
        %swap3A_1009 = arith.constant 3 : i32
        %swap3A_1010 = arith.index_cast %rem3A_67 : i32 to index
        %swap3A_1011 = arith.index_cast %swap3A_1009 : i32 to index
        %swap3A_1012 = arith.constant 208 : index
        %swap3A_1013 = tpu.vector_load %arg7[%swap3A_1010, %swap3A_1011, %swap3A_1012] {strides = array<i32>} : memref<3x77x512xf32, #tpu.memory_space<vmem>>, vector<1x1x16xf32>,
        %swap3A_1014 = vector.shape_cast %swap3A_1013 : vector<1x1x16xf32> to vector<16xf32>
        %swap3A_1015 = vector.shape_cast %get3A_1008 : vector<16xf32> to vector<1x1x16xf32>
        tpu.vector_store %arg7[%swap3A_1010, %swap3A_1011, %swap3A_1012], %swap3A_1015 {strides = array<i32>} : memref<3x77x512xf32, #tpu.memory_space<vmem>>, vector<1x1x16xf32>,
        %get3A_1016 = arith.constant 2 : i32
        %get3A_1017 = arith.index_cast %get3A_1016 : i32 to index
        %get3A_1018 = arith.constant 224 : index
        %get3A_1019 = tpu.vector_load %arg8[%get3A_1017, %get3A_1018] {strides = array<i32>} : memref<4x512xf32, #tpu.memory_space<vmem>>, vector<1x16xf32>,
        %get3A_1020 = vector.shape_cast %get3A_1019 : vector<1x16xf32> to vector<16xf32>
        %swap3A_1021 = arith.constant 3 : i32
        %swap3A_1022 = arith.index_cast %rem3A_67 : i32 to index
        %swap3A_1023 = arith.index_cast %swap3A_1021 : i32 to index
        %swap3A_1024 = arith.constant 224 : index
        %swap3A_1025 = tpu.vector_load %arg7[%swap3A_1022, %swap3A_1023, %swap3A_1024] {strides = array<i32>} : memref<3x77x512xf32, #tpu.memory_space<vmem>>, vector<1x1x16xf32>,
        %swap3A_1026 = vector.shape_cast %swap3A_1025 : vector<1x1x16xf32> to vector<16xf32>
        %swap3A_1027 = vector.shape_cast %get3A_1020 : vector<16xf32> to vector<1x1x16xf32>
        tpu.vector_store %arg7[%swap3A_1022, %swap3A_1023, %swap3A_1024], %swap3A_1027 {strides = array<i32>} : memref<3x77x512xf32, #tpu.memory_space<vmem>>, vector<1x1x16xf32>,
        %get3A_1028 = arith.constant 2 : i32
        %get3A_1029 = arith.index_cast %get3A_1028 : i32 to index
        %get3A_1030 = arith.constant 240 : index
        %get3A_1031 = tpu.vector_load %arg8[%get3A_1029, %get3A_1030] {strides = array<i32>} : memref<4x512xf32, #tpu.memory_space<vmem>>, vector<1x16xf32>,
        %get3A_1032 = vector.shape_cast %get3A_1031 : vector<1x16xf32> to vector<16xf32>
        %swap3A_1033 = arith.constant 3 : i32
        %swap3A_1034 = arith.index_cast %rem3A_67 : i32 to index
        %swap3A_1035 = arith.index_cast %swap3A_1033 : i32 to index
        %swap3A_1036 = arith.constant 240 : index
        %swap3A_1037 = tpu.vector_load %arg7[%swap3A_1034, %swap3A_1035, %swap3A_1036] {strides = array<i32>} : memref<3x77x512xf32, #tpu.memory_space<vmem>>, vector<1x1x16xf32>,
        %swap3A_1038 = vector.shape_cast %swap3A_1037 : vector<1x1x16xf32> to vector<16xf32>
        %swap3A_1039 = vector.shape_cast %get3A_1032 : vector<16xf32> to vector<1x1x16xf32>
        tpu.vector_store %arg7[%swap3A_1034, %swap3A_1035, %swap3A_1036], %swap3A_1039 {strides = array<i32>} : memref<3x77x512xf32, #tpu.memory_space<vmem>>, vector<1x1x16xf32>,
        %get3A_1040 = arith.constant 2 : i32
        %get3A_1041 = arith.index_cast %get3A_1040 : i32 to index
        %get3A_1042 = arith.constant 256 : index
        %get3A_1043 = tpu.vector_load %arg8[%get3A_1041, %get3A_1042] {strides = array<i32>} : memref<4x512xf32, #tpu.memory_space<vmem>>, vector<1x16xf32>,
        %get3A_1044 = vector.shape_cast %get3A_1043 : vector<1x16xf32> to vector<16xf32>
        %swap3A_1045 = arith.constant 3 : i32
        %swap3A_1046 = arith.index_cast %rem3A_67 : i32 to index
        %swap3A_1047 = arith.index_cast %swap3A_1045 : i32 to index
        %swap3A_1048 = arith.constant 256 : index
        %swap3A_1049 = tpu.vector_load %arg7[%swap3A_1046, %swap3A_1047, %swap3A_1048] {strides = array<i32>} : memref<3x77x512xf32, #tpu.memory_space<vmem>>, vector<1x1x16xf32>,
        %swap3A_1050 = vector.shape_cast %swap3A_1049 : vector<1x1x16xf32> to vector<16xf32>
        %swap3A_1051 = vector.shape_cast %get3A_1044 : vector<16xf32> to vector<1x1x16xf32>
        tpu.vector_store %arg7[%swap3A_1046, %swap3A_1047, %swap3A_1048], %swap3A_1051 {strides = array<i32>} : memref<3x77x512xf32, #tpu.memory_space<vmem>>, vector<1x1x16xf32>,
        %get3A_1052 = arith.constant 2 : i32
        %get3A_1053 = arith.index_cast %get3A_1052 : i32 to index
        %get3A_1054 = arith.constant 272 : index
        %get3A_1055 = tpu.vector_load %arg8[%get3A_1053, %get3A_1054] {strides = array<i32>} : memref<4x512xf32, #tpu.memory_space<vmem>>, vector<1x16xf32>,
        %get3A_1056 = vector.shape_cast %get3A_1055 : vector<1x16xf32> to vector<16xf32>
        %swap3A_1057 = arith.constant 3 : i32
        %swap3A_1058 = arith.index_cast %rem3A_67 : i32 to index
        %swap3A_1059 = arith.index_cast %swap3A_1057 : i32 to index
        %swap3A_1060 = arith.constant 272 : index
        %swap3A_1061 = tpu.vector_load %arg7[%swap3A_1058, %swap3A_1059, %swap3A_1060] {strides = array<i32>} : memref<3x77x512xf32, #tpu.memory_space<vmem>>, vector<1x1x16xf32>,
        %swap3A_1062 = vector.shape_cast %swap3A_1061 : vector<1x1x16xf32> to vector<16xf32>
        %swap3A_1063 = vector.shape_cast %get3A_1056 : vector<16xf32> to vector<1x1x16xf32>
        tpu.vector_store %arg7[%swap3A_1058, %swap3A_1059, %swap3A_1060], %swap3A_1063 {strides = array<i32>} : memref<3x77x512xf32, #tpu.memory_space<vmem>>, vector<1x1x16xf32>,
        %get3A_1064 = arith.constant 2 : i32
        %get3A_1065 = arith.index_cast %get3A_1064 : i32 to index
        %get3A_1066 = arith.constant 288 : index
        %get3A_1067 = tpu.vector_load %arg8[%get3A_1065, %get3A_1066] {strides = array<i32>} : memref<4x512xf32, #tpu.memory_space<vmem>>, vector<1x16xf32>,
        %get3A_1068 = vector.shape_cast %get3A_1067 : vector<1x16xf32> to vector<16xf32>
        %swap3A_1069 = arith.constant 3 : i32
        %swap3A_1070 = arith.index_cast %rem3A_67 : i32 to index
        %swap3A_1071 = arith.index_cast %swap3A_1069 : i32 to index
        %swap3A_1072 = arith.constant 288 : index
        %swap3A_1073 = tpu.vector_load %arg7[%swap3A_1070, %swap3A_1071, %swap3A_1072] {strides = array<i32>} : memref<3x77x512xf32, #tpu.memory_space<vmem>>, vector<1x1x16xf32>,
        %swap3A_1074 = vector.shape_cast %swap3A_1073 : vector<1x1x16xf32> to vector<16xf32>
        %swap3A_1075 = vector.shape_cast %get3A_1068 : vector<16xf32> to vector<1x1x16xf32>
        tpu.vector_store %arg7[%swap3A_1070, %swap3A_1071, %swap3A_1072], %swap3A_1075 {strides = array<i32>} : memref<3x77x512xf32, #tpu.memory_space<vmem>>, vector<1x1x16xf32>,
        %get3A_1076 = arith.constant 2 : i32
        %get3A_1077 = arith.index_cast %get3A_1076 : i32 to index
        %get3A_1078 = arith.constant 304 : index
        %get3A_1079 = tpu.vector_load %arg8[%get3A_1077, %get3A_1078] {strides = array<i32>} : memref<4x512xf32, #tpu.memory_space<vmem>>, vector<1x16xf32>,
        %get3A_1080 = vector.shape_cast %get3A_1079 : vector<1x16xf32> to vector<16xf32>
        %swap3A_1081 = arith.constant 3 : i32
        %swap3A_1082 = arith.index_cast %rem3A_67 : i32 to index
        %swap3A_1083 = arith.index_cast %swap3A_1081 : i32 to index
        %swap3A_1084 = arith.constant 304 : index
        %swap3A_1085 = tpu.vector_load %arg7[%swap3A_1082, %swap3A_1083, %swap3A_1084] {strides = array<i32>} : memref<3x77x512xf32, #tpu.memory_space<vmem>>, vector<1x1x16xf32>,
        %swap3A_1086 = vector.shape_cast %swap3A_1085 : vector<1x1x16xf32> to vector<16xf32>
        %swap3A_1087 = vector.shape_cast %get3A_1080 : vector<16xf32> to vector<1x1x16xf32>
        tpu.vector_store %arg7[%swap3A_1082, %swap3A_1083, %swap3A_1084], %swap3A_1087 {strides = array<i32>} : memref<3x77x512xf32, #tpu.memory_space<vmem>>, vector<1x1x16xf32>,
        %get3A_1088 = arith.constant 2 : i32
        %get3A_1089 = arith.index_cast %get3A_1088 : i32 to index
        %get3A_1090 = arith.constant 320 : index
        %get3A_1091 = tpu.vector_load %arg8[%get3A_1089, %get3A_1090] {strides = array<i32>} : memref<4x512xf32, #tpu.memory_space<vmem>>, vector<1x16xf32>,
        %get3A_1092 = vector.shape_cast %get3A_1091 : vector<1x16xf32> to vector<16xf32>
        %swap3A_1093 = arith.constant 3 : i32
        %swap3A_1094 = arith.index_cast %rem3A_67 : i32 to index
        %swap3A_1095 = arith.index_cast %swap3A_1093 : i32 to index
        %swap3A_1096 = arith.constant 320 : index
        %swap3A_1097 = tpu.vector_load %arg7[%swap3A_1094, %swap3A_1095, %swap3A_1096] {strides = array<i32>} : memref<3x77x512xf32, #tpu.memory_space<vmem>>, vector<1x1x16xf32>,
        %swap3A_1098 = vector.shape_cast %swap3A_1097 : vector<1x1x16xf32> to vector<16xf32>
        %swap3A_1099 = vector.shape_cast %get3A_1092 : vector<16xf32> to vector<1x1x16xf32>
        tpu.vector_store %arg7[%swap3A_1094, %swap3A_1095, %swap3A_1096], %swap3A_1099 {strides = array<i32>} : memref<3x77x512xf32, #tpu.memory_space<vmem>>, vector<1x1x16xf32>,
        %get3A_1100 = arith.constant 2 : i32
        %get3A_1101 = arith.index_cast %get3A_1100 : i32 to index
        %get3A_1102 = arith.constant 336 : index
        %get3A_1103 = tpu.vector_load %arg8[%get3A_1101, %get3A_1102] {strides = array<i32>} : memref<4x512xf32, #tpu.memory_space<vmem>>, vector<1x16xf32>,
        %get3A_1104 = vector.shape_cast %get3A_1103 : vector<1x16xf32> to vector<16xf32>
        %swap3A_1105 = arith.constant 3 : i32
        %swap3A_1106 = arith.index_cast %rem3A_67 : i32 to index
        %swap3A_1107 = arith.index_cast %swap3A_1105 : i32 to index
        %swap3A_1108 = arith.constant 336 : index
        %swap3A_1109 = tpu.vector_load %arg7[%swap3A_1106, %swap3A_1107, %swap3A_1108] {strides = array<i32>} : memref<3x77x512xf32, #tpu.memory_space<vmem>>, vector<1x1x16xf32>,
        %swap3A_1110 = vector.shape_cast %swap3A_1109 : vector<1x1x16xf32> to vector<16xf32>
        %swap3A_1111 = vector.shape_cast %get3A_1104 : vector<16xf32> to vector<1x1x16xf32>
        tpu.vector_store %arg7[%swap3A_1106, %swap3A_1107, %swap3A_1108], %swap3A_1111 {strides = array<i32>} : memref<3x77x512xf32, #tpu.memory_space<vmem>>, vector<1x1x16xf32>,
        %get3A_1112 = arith.constant 2 : i32
        %get3A_1113 = arith.index_cast %get3A_1112 : i32 to index
        %get3A_1114 = arith.constant 352 : index
        %get3A_1115 = tpu.vector_load %arg8[%get3A_1113, %get3A_1114] {strides = array<i32>} : memref<4x512xf32, #tpu.memory_space<vmem>>, vector<1x16xf32>,
        %get3A_1116 = vector.shape_cast %get3A_1115 : vector<1x16xf32> to vector<16xf32>
        %swap3A_1117 = arith.constant 3 : i32
        %swap3A_1118 = arith.index_cast %rem3A_67 : i32 to index
        %swap3A_1119 = arith.index_cast %swap3A_1117 : i32 to index
        %swap3A_1120 = arith.constant 352 : index
        %swap3A_1121 = tpu.vector_load %arg7[%swap3A_1118, %swap3A_1119, %swap3A_1120] {strides = array<i32>} : memref<3x77x512xf32, #tpu.memory_space<vmem>>, vector<1x1x16xf32>,
        %swap3A_1122 = vector.shape_cast %swap3A_1121 : vector<1x1x16xf32> to vector<16xf32>
        %swap3A_1123 = vector.shape_cast %get3A_1116 : vector<16xf32> to vector<1x1x16xf32>
        tpu.vector_store %arg7[%swap3A_1118, %swap3A_1119, %swap3A_1120], %swap3A_1123 {strides = array<i32>} : memref<3x77x512xf32, #tpu.memory_space<vmem>>, vector<1x1x16xf32>,
        %get3A_1124 = arith.constant 2 : i32
        %get3A_1125 = arith.index_cast %get3A_1124 : i32 to index
        %get3A_1126 = arith.constant 368 : index
        %get3A_1127 = tpu.vector_load %arg8[%get3A_1125, %get3A_1126] {strides = array<i32>} : memref<4x512xf32, #tpu.memory_space<vmem>>, vector<1x16xf32>,
        %get3A_1128 = vector.shape_cast %get3A_1127 : vector<1x16xf32> to vector<16xf32>
        %swap3A_1129 = arith.constant 3 : i32
        %swap3A_1130 = arith.index_cast %rem3A_67 : i32 to index
        %swap3A_1131 = arith.index_cast %swap3A_1129 : i32 to index
        %swap3A_1132 = arith.constant 368 : index
        %swap3A_1133 = tpu.vector_load %arg7[%swap3A_1130, %swap3A_1131, %swap3A_1132] {strides = array<i32>} : memref<3x77x512xf32, #tpu.memory_space<vmem>>, vector<1x1x16xf32>,
        %swap3A_1134 = vector.shape_cast %swap3A_1133 : vector<1x1x16xf32> to vector<16xf32>
        %swap3A_1135 = vector.shape_cast %get3A_1128 : vector<16xf32> to vector<1x1x16xf32>
        tpu.vector_store %arg7[%swap3A_1130, %swap3A_1131, %swap3A_1132], %swap3A_1135 {strides = array<i32>} : memref<3x77x512xf32, #tpu.memory_space<vmem>>, vector<1x1x16xf32>,
        %get3A_1136 = arith.constant 2 : i32
        %get3A_1137 = arith.index_cast %get3A_1136 : i32 to index
        %get3A_1138 = arith.constant 384 : index
        %get3A_1139 = tpu.vector_load %arg8[%get3A_1137, %get3A_1138] {strides = array<i32>} : memref<4x512xf32, #tpu.memory_space<vmem>>, vector<1x16xf32>,
        %get3A_1140 = vector.shape_cast %get3A_1139 : vector<1x16xf32> to vector<16xf32>
        %swap3A_1141 = arith.constant 3 : i32
        %swap3A_1142 = arith.index_cast %rem3A_67 : i32 to index
        %swap3A_1143 = arith.index_cast %swap3A_1141 : i32 to index
        %swap3A_1144 = arith.constant 384 : index
        %swap3A_1145 = tpu.vector_load %arg7[%swap3A_1142, %swap3A_1143, %swap3A_1144] {strides = array<i32>} : memref<3x77x512xf32, #tpu.memory_space<vmem>>, vector<1x1x16xf32>,
        %swap3A_1146 = vector.shape_cast %swap3A_1145 : vector<1x1x16xf32> to vector<16xf32>
        %swap3A_1147 = vector.shape_cast %get3A_1140 : vector<16xf32> to vector<1x1x16xf32>
        tpu.vector_store %arg7[%swap3A_1142, %swap3A_1143, %swap3A_1144], %swap3A_1147 {strides = array<i32>} : memref<3x77x512xf32, #tpu.memory_space<vmem>>, vector<1x1x16xf32>,
        %get3A_1148 = arith.constant 2 : i32
        %get3A_1149 = arith.index_cast %get3A_1148 : i32 to index
        %get3A_1150 = arith.constant 400 : index
        %get3A_1151 = tpu.vector_load %arg8[%get3A_1149, %get3A_1150] {strides = array<i32>} : memref<4x512xf32, #tpu.memory_space<vmem>>, vector<1x16xf32>,
        %get3A_1152 = vector.shape_cast %get3A_1151 : vector<1x16xf32> to vector<16xf32>
        %swap3A_1153 = arith.constant 3 : i32
        %swap3A_1154 = arith.index_cast %rem3A_67 : i32 to index
        %swap3A_1155 = arith.index_cast %swap3A_1153 : i32 to index
        %swap3A_1156 = arith.constant 400 : index
        %swap3A_1157 = tpu.vector_load %arg7[%swap3A_1154, %swap3A_1155, %swap3A_1156] {strides = array<i32>} : memref<3x77x512xf32, #tpu.memory_space<vmem>>, vector<1x1x16xf32>,
        %swap3A_1158 = vector.shape_cast %swap3A_1157 : vector<1x1x16xf32> to vector<16xf32>
        %swap3A_1159 = vector.shape_cast %get3A_1152 : vector<16xf32> to vector<1x1x16xf32>
        tpu.vector_store %arg7[%swap3A_1154, %swap3A_1155, %swap3A_1156], %swap3A_1159 {strides = array<i32>} : memref<3x77x512xf32, #tpu.memory_space<vmem>>, vector<1x1x16xf32>,
        %get3A_1160 = arith.constant 2 : i32
        %get3A_1161 = arith.index_cast %get3A_1160 : i32 to index
        %get3A_1162 = arith.constant 416 : index
        %get3A_1163 = tpu.vector_load %arg8[%get3A_1161, %get3A_1162] {strides = array<i32>} : memref<4x512xf32, #tpu.memory_space<vmem>>, vector<1x16xf32>,
        %get3A_1164 = vector.shape_cast %get3A_1163 : vector<1x16xf32> to vector<16xf32>
        %swap3A_1165 = arith.constant 3 : i32
        %swap3A_1166 = arith.index_cast %rem3A_67 : i32 to index
        %swap3A_1167 = arith.index_cast %swap3A_1165 : i32 to index
        %swap3A_1168 = arith.constant 416 : index
        %swap3A_1169 = tpu.vector_load %arg7[%swap3A_1166, %swap3A_1167, %swap3A_1168] {strides = array<i32>} : memref<3x77x512xf32, #tpu.memory_space<vmem>>, vector<1x1x16xf32>,
        %swap3A_1170 = vector.shape_cast %swap3A_1169 : vector<1x1x16xf32> to vector<16xf32>
        %swap3A_1171 = vector.shape_cast %get3A_1164 : vector<16xf32> to vector<1x1x16xf32>
        tpu.vector_store %arg7[%swap3A_1166, %swap3A_1167, %swap3A_1168], %swap3A_1171 {strides = array<i32>} : memref<3x77x512xf32, #tpu.memory_space<vmem>>, vector<1x1x16xf32>,
        %get3A_1172 = arith.constant 2 : i32
        %get3A_1173 = arith.index_cast %get3A_1172 : i32 to index
        %get3A_1174 = arith.constant 432 : index
        %get3A_1175 = tpu.vector_load %arg8[%get3A_1173, %get3A_1174] {strides = array<i32>} : memref<4x512xf32, #tpu.memory_space<vmem>>, vector<1x16xf32>,
        %get3A_1176 = vector.shape_cast %get3A_1175 : vector<1x16xf32> to vector<16xf32>
        %swap3A_1177 = arith.constant 3 : i32
        %swap3A_1178 = arith.index_cast %rem3A_67 : i32 to index
        %swap3A_1179 = arith.index_cast %swap3A_1177 : i32 to index
        %swap3A_1180 = arith.constant 432 : index
        %swap3A_1181 = tpu.vector_load %arg7[%swap3A_1178, %swap3A_1179, %swap3A_1180] {strides = array<i32>} : memref<3x77x512xf32, #tpu.memory_space<vmem>>, vector<1x1x16xf32>,
        %swap3A_1182 = vector.shape_cast %swap3A_1181 : vector<1x1x16xf32> to vector<16xf32>
        %swap3A_1183 = vector.shape_cast %get3A_1176 : vector<16xf32> to vector<1x1x16xf32>
        tpu.vector_store %arg7[%swap3A_1178, %swap3A_1179, %swap3A_1180], %swap3A_1183 {strides = array<i32>} : memref<3x77x512xf32, #tpu.memory_space<vmem>>, vector<1x1x16xf32>,
        %get3A_1184 = arith.constant 2 : i32
        %get3A_1185 = arith.index_cast %get3A_1184 : i32 to index
        %get3A_1186 = arith.constant 448 : index
        %get3A_1187 = tpu.vector_load %arg8[%get3A_1185, %get3A_1186] {strides = array<i32>} : memref<4x512xf32, #tpu.memory_space<vmem>>, vector<1x16xf32>,
        %get3A_1188 = vector.shape_cast %get3A_1187 : vector<1x16xf32> to vector<16xf32>
        %swap3A_1189 = arith.constant 3 : i32
        %swap3A_1190 = arith.index_cast %rem3A_67 : i32 to index
        %swap3A_1191 = arith.index_cast %swap3A_1189 : i32 to index
        %swap3A_1192 = arith.constant 448 : index
        %swap3A_1193 = tpu.vector_load %arg7[%swap3A_1190, %swap3A_1191, %swap3A_1192] {strides = array<i32>} : memref<3x77x512xf32, #tpu.memory_space<vmem>>, vector<1x1x16xf32>,
        %swap3A_1194 = vector.shape_cast %swap3A_1193 : vector<1x1x16xf32> to vector<16xf32>
        %swap3A_1195 = vector.shape_cast %get3A_1188 : vector<16xf32> to vector<1x1x16xf32>
        tpu.vector_store %arg7[%swap3A_1190, %swap3A_1191, %swap3A_1192], %swap3A_1195 {strides = array<i32>} : memref<3x77x512xf32, #tpu.memory_space<vmem>>, vector<1x1x16xf32>,
        %get3A_1196 = arith.constant 2 : i32
        %get3A_1197 = arith.index_cast %get3A_1196 : i32 to index
        %get3A_1198 = arith.constant 464 : index
        %get3A_1199 = tpu.vector_load %arg8[%get3A_1197, %get3A_1198] {strides = array<i32>} : memref<4x512xf32, #tpu.memory_space<vmem>>, vector<1x16xf32>,
        %get3A_1200 = vector.shape_cast %get3A_1199 : vector<1x16xf32> to vector<16xf32>
        %swap3A_1201 = arith.constant 3 : i32
        %swap3A_1202 = arith.index_cast %rem3A_67 : i32 to index
        %swap3A_1203 = arith.index_cast %swap3A_1201 : i32 to index
        %swap3A_1204 = arith.constant 464 : index
        %swap3A_1205 = tpu.vector_load %arg7[%swap3A_1202, %swap3A_1203, %swap3A_1204] {strides = array<i32>} : memref<3x77x512xf32, #tpu.memory_space<vmem>>, vector<1x1x16xf32>,
        %swap3A_1206 = vector.shape_cast %swap3A_1205 : vector<1x1x16xf32> to vector<16xf32>
        %swap3A_1207 = vector.shape_cast %get3A_1200 : vector<16xf32> to vector<1x1x16xf32>
        tpu.vector_store %arg7[%swap3A_1202, %swap3A_1203, %swap3A_1204], %swap3A_1207 {strides = array<i32>} : memref<3x77x512xf32, #tpu.memory_space<vmem>>, vector<1x1x16xf32>,
        %get3A_1208 = arith.constant 2 : i32
        %get3A_1209 = arith.index_cast %get3A_1208 : i32 to index
        %get3A_1210 = arith.constant 480 : index
        %get3A_1211 = tpu.vector_load %arg8[%get3A_1209, %get3A_1210] {strides = array<i32>} : memref<4x512xf32, #tpu.memory_space<vmem>>, vector<1x16xf32>,
        %get3A_1212 = vector.shape_cast %get3A_1211 : vector<1x16xf32> to vector<16xf32>
        %swap3A_1213 = arith.constant 3 : i32
        %swap3A_1214 = arith.index_cast %rem3A_67 : i32 to index
        %swap3A_1215 = arith.index_cast %swap3A_1213 : i32 to index
        %swap3A_1216 = arith.constant 480 : index
        %swap3A_1217 = tpu.vector_load %arg7[%swap3A_1214, %swap3A_1215, %swap3A_1216] {strides = array<i32>} : memref<3x77x512xf32, #tpu.memory_space<vmem>>, vector<1x1x16xf32>,
        %swap3A_1218 = vector.shape_cast %swap3A_1217 : vector<1x1x16xf32> to vector<16xf32>
        %swap3A_1219 = vector.shape_cast %get3A_1212 : vector<16xf32> to vector<1x1x16xf32>
        tpu.vector_store %arg7[%swap3A_1214, %swap3A_1215, %swap3A_1216], %swap3A_1219 {strides = array<i32>} : memref<3x77x512xf32, #tpu.memory_space<vmem>>, vector<1x1x16xf32>,
        %get3A_1220 = arith.constant 2 : i32
        %get3A_1221 = arith.index_cast %get3A_1220 : i32 to index
        %get3A_1222 = arith.constant 496 : index
        %get3A_1223 = tpu.vector_load %arg8[%get3A_1221, %get3A_1222] {strides = array<i32>} : memref<4x512xf32, #tpu.memory_space<vmem>>, vector<1x16xf32>,
        %get3A_1224 = vector.shape_cast %get3A_1223 : vector<1x16xf32> to vector<16xf32>
        %swap3A_1225 = arith.constant 3 : i32
        %swap3A_1226 = arith.index_cast %rem3A_67 : i32 to index
        %swap3A_1227 = arith.index_cast %swap3A_1225 : i32 to index
        %swap3A_1228 = arith.constant 496 : index
        %swap3A_1229 = tpu.vector_load %arg7[%swap3A_1226, %swap3A_1227, %swap3A_1228] {strides = array<i32>} : memref<3x77x512xf32, #tpu.memory_space<vmem>>, vector<1x1x16xf32>,
        %swap3A_1230 = vector.shape_cast %swap3A_1229 : vector<1x1x16xf32> to vector<16xf32>
        %swap3A_1231 = vector.shape_cast %get3A_1224 : vector<16xf32> to vector<1x1x16xf32>
        tpu.vector_store %arg7[%swap3A_1226, %swap3A_1227, %swap3A_1228], %swap3A_1231 {strides = array<i32>} : memref<3x77x512xf32, #tpu.memory_space<vmem>>, vector<1x1x16xf32>,
        %get3A_1232 = arith.constant 3 : i32
        %get3A_1233 = arith.index_cast %get3A_1232 : i32 to index
        %get3A_1234 = arith.constant 0 : index
        %get3A_1235 = tpu.vector_load %arg8[%get3A_1233, %get3A_1234] {strides = array<i32>} : memref<4x512xf32, #tpu.memory_space<vmem>>, vector<1x16xf32>,
        %get3A_1236 = vector.shape_cast %get3A_1235 : vector<1x16xf32> to vector<16xf32>
        %swap3A_1237 = arith.constant 4 : i32
        %swap3A_1238 = arith.index_cast %rem3A_67 : i32 to index
        %swap3A_1239 = arith.index_cast %swap3A_1237 : i32 to index
        %swap3A_1240 = arith.constant 0 : index
        %swap3A_1241 = tpu.vector_load %arg7[%swap3A_1238, %swap3A_1239, %swap3A_1240] {strides = array<i32>} : memref<3x77x512xf32, #tpu.memory_space<vmem>>, vector<1x1x16xf32>,
        %swap3A_1242 = vector.shape_cast %swap3A_1241 : vector<1x1x16xf32> to vector<16xf32>
        %swap3A_1243 = vector.shape_cast %get3A_1236 : vector<16xf32> to vector<1x1x16xf32>
        tpu.vector_store %arg7[%swap3A_1238, %swap3A_1239, %swap3A_1240], %swap3A_1243 {strides = array<i32>} : memref<3x77x512xf32, #tpu.memory_space<vmem>>, vector<1x1x16xf32>,
        %get3A_1244 = arith.constant 3 : i32
        %get3A_1245 = arith.index_cast %get3A_1244 : i32 to index
        %get3A_1246 = arith.constant 16 : index
        %get3A_1247 = tpu.vector_load %arg8[%get3A_1245, %get3A_1246] {strides = array<i32>} : memref<4x512xf32, #tpu.memory_space<vmem>>, vector<1x16xf32>,
        %get3A_1248 = vector.shape_cast %get3A_1247 : vector<1x16xf32> to vector<16xf32>
        %swap3A_1249 = arith.constant 4 : i32
        %swap3A_1250 = arith.index_cast %rem3A_67 : i32 to index
        %swap3A_1251 = arith.index_cast %swap3A_1249 : i32 to index
        %swap3A_1252 = arith.constant 16 : index
        %swap3A_1253 = tpu.vector_load %arg7[%swap3A_1250, %swap3A_1251, %swap3A_1252] {strides = array<i32>} : memref<3x77x512xf32, #tpu.memory_space<vmem>>, vector<1x1x16xf32>,
        %swap3A_1254 = vector.shape_cast %swap3A_1253 : vector<1x1x16xf32> to vector<16xf32>
        %swap3A_1255 = vector.shape_cast %get3A_1248 : vector<16xf32> to vector<1x1x16xf32>
        tpu.vector_store %arg7[%swap3A_1250, %swap3A_1251, %swap3A_1252], %swap3A_1255 {strides = array<i32>} : memref<3x77x512xf32, #tpu.memory_space<vmem>>, vector<1x1x16xf32>,
        %get3A_1256 = arith.constant 3 : i32
        %get3A_1257 = arith.index_cast %get3A_1256 : i32 to index
        %get3A_1258 = arith.constant 32 : index
        %get3A_1259 = tpu.vector_load %arg8[%get3A_1257, %get3A_1258] {strides = array<i32>} : memref<4x512xf32, #tpu.memory_space<vmem>>, vector<1x16xf32>,
        %get3A_1260 = vector.shape_cast %get3A_1259 : vector<1x16xf32> to vector<16xf32>
        %swap3A_1261 = arith.constant 4 : i32
        %swap3A_1262 = arith.index_cast %rem3A_67 : i32 to index
        %swap3A_1263 = arith.index_cast %swap3A_1261 : i32 to index
        %swap3A_1264 = arith.constant 32 : index
        %swap3A_1265 = tpu.vector_load %arg7[%swap3A_1262, %swap3A_1263, %swap3A_1264] {strides = array<i32>} : memref<3x77x512xf32, #tpu.memory_space<vmem>>, vector<1x1x16xf32>,
        %swap3A_1266 = vector.shape_cast %swap3A_1265 : vector<1x1x16xf32> to vector<16xf32>
        %swap3A_1267 = vector.shape_cast %get3A_1260 : vector<16xf32> to vector<1x1x16xf32>
        tpu.vector_store %arg7[%swap3A_1262, %swap3A_1263, %swap3A_1264], %swap3A_1267 {strides = array<i32>} : memref<3x77x512xf32, #tpu.memory_space<vmem>>, vector<1x1x16xf32>,
        %get3A_1268 = arith.constant 3 : i32
        %get3A_1269 = arith.index_cast %get3A_1268 : i32 to index
        %get3A_1270 = arith.constant 48 : index
        %get3A_1271 = tpu.vector_load %arg8[%get3A_1269, %get3A_1270] {strides = array<i32>} : memref<4x512xf32, #tpu.memory_space<vmem>>, vector<1x16xf32>,
        %get3A_1272 = vector.shape_cast %get3A_1271 : vector<1x16xf32> to vector<16xf32>
        %swap3A_1273 = arith.constant 4 : i32
        %swap3A_1274 = arith.index_cast %rem3A_67 : i32 to index
        %swap3A_1275 = arith.index_cast %swap3A_1273 : i32 to index
        %swap3A_1276 = arith.constant 48 : index
        %swap3A_1277 = tpu.vector_load %arg7[%swap3A_1274, %swap3A_1275, %swap3A_1276] {strides = array<i32>} : memref<3x77x512xf32, #tpu.memory_space<vmem>>, vector<1x1x16xf32>,
        %swap3A_1278 = vector.shape_cast %swap3A_1277 : vector<1x1x16xf32> to vector<16xf32>
        %swap3A_1279 = vector.shape_cast %get3A_1272 : vector<16xf32> to vector<1x1x16xf32>
        tpu.vector_store %arg7[%swap3A_1274, %swap3A_1275, %swap3A_1276], %swap3A_1279 {strides = array<i32>} : memref<3x77x512xf32, #tpu.memory_space<vmem>>, vector<1x1x16xf32>,
        %get3A_1280 = arith.constant 3 : i32
        %get3A_1281 = arith.index_cast %get3A_1280 : i32 to index
        %get3A_1282 = arith.constant 64 : index
        %get3A_1283 = tpu.vector_load %arg8[%get3A_1281, %get3A_1282] {strides = array<i32>} : memref<4x512xf32, #tpu.memory_space<vmem>>, vector<1x16xf32>,
        %get3A_1284 = vector.shape_cast %get3A_1283 : vector<1x16xf32> to vector<16xf32>
        %swap3A_1285 = arith.constant 4 : i32
        %swap3A_1286 = arith.index_cast %rem3A_67 : i32 to index
        %swap3A_1287 = arith.index_cast %swap3A_1285 : i32 to index
        %swap3A_1288 = arith.constant 64 : index
        %swap3A_1289 = tpu.vector_load %arg7[%swap3A_1286, %swap3A_1287, %swap3A_1288] {strides = array<i32>} : memref<3x77x512xf32, #tpu.memory_space<vmem>>, vector<1x1x16xf32>,
        %swap3A_1290 = vector.shape_cast %swap3A_1289 : vector<1x1x16xf32> to vector<16xf32>
        %swap3A_1291 = vector.shape_cast %get3A_1284 : vector<16xf32> to vector<1x1x16xf32>
        tpu.vector_store %arg7[%swap3A_1286, %swap3A_1287, %swap3A_1288], %swap3A_1291 {strides = array<i32>} : memref<3x77x512xf32, #tpu.memory_space<vmem>>, vector<1x1x16xf32>,
        %get3A_1292 = arith.constant 3 : i32
        %get3A_1293 = arith.index_cast %get3A_1292 : i32 to index
        %get3A_1294 = arith.constant 80 : index
        %get3A_1295 = tpu.vector_load %arg8[%get3A_1293, %get3A_1294] {strides = array<i32>} : memref<4x512xf32, #tpu.memory_space<vmem>>, vector<1x16xf32>,
        %get3A_1296 = vector.shape_cast %get3A_1295 : vector<1x16xf32> to vector<16xf32>
        %swap3A_1297 = arith.constant 4 : i32
        %swap3A_1298 = arith.index_cast %rem3A_67 : i32 to index
        %swap3A_1299 = arith.index_cast %swap3A_1297 : i32 to index
        %swap3A_1300 = arith.constant 80 : index
        %swap3A_1301 = tpu.vector_load %arg7[%swap3A_1298, %swap3A_1299, %swap3A_1300] {strides = array<i32>} : memref<3x77x512xf32, #tpu.memory_space<vmem>>, vector<1x1x16xf32>,
        %swap3A_1302 = vector.shape_cast %swap3A_1301 : vector<1x1x16xf32> to vector<16xf32>
        %swap3A_1303 = vector.shape_cast %get3A_1296 : vector<16xf32> to vector<1x1x16xf32>
        tpu.vector_store %arg7[%swap3A_1298, %swap3A_1299, %swap3A_1300], %swap3A_1303 {strides = array<i32>} : memref<3x77x512xf32, #tpu.memory_space<vmem>>, vector<1x1x16xf32>,
        %get3A_1304 = arith.constant 3 : i32
        %get3A_1305 = arith.index_cast %get3A_1304 : i32 to index
        %get3A_1306 = arith.constant 96 : index
        %get3A_1307 = tpu.vector_load %arg8[%get3A_1305, %get3A_1306] {strides = array<i32>} : memref<4x512xf32, #tpu.memory_space<vmem>>, vector<1x16xf32>,
        %get3A_1308 = vector.shape_cast %get3A_1307 : vector<1x16xf32> to vector<16xf32>
        %swap3A_1309 = arith.constant 4 : i32
        %swap3A_1310 = arith.index_cast %rem3A_67 : i32 to index
        %swap3A_1311 = arith.index_cast %swap3A_1309 : i32 to index
        %swap3A_1312 = arith.constant 96 : index
        %swap3A_1313 = tpu.vector_load %arg7[%swap3A_1310, %swap3A_1311, %swap3A_1312] {strides = array<i32>} : memref<3x77x512xf32, #tpu.memory_space<vmem>>, vector<1x1x16xf32>,
        %swap3A_1314 = vector.shape_cast %swap3A_1313 : vector<1x1x16xf32> to vector<16xf32>
        %swap3A_1315 = vector.shape_cast %get3A_1308 : vector<16xf32> to vector<1x1x16xf32>
        tpu.vector_store %arg7[%swap3A_1310, %swap3A_1311, %swap3A_1312], %swap3A_1315 {strides = array<i32>} : memref<3x77x512xf32, #tpu.memory_space<vmem>>, vector<1x1x16xf32>,
        %get3A_1316 = arith.constant 3 : i32
        %get3A_1317 = arith.index_cast %get3A_1316 : i32 to index
        %get3A_1318 = arith.constant 112 : index
        %get3A_1319 = tpu.vector_load %arg8[%get3A_1317, %get3A_1318] {strides = array<i32>} : memref<4x512xf32, #tpu.memory_space<vmem>>, vector<1x16xf32>,
        %get3A_1320 = vector.shape_cast %get3A_1319 : vector<1x16xf32> to vector<16xf32>
        %swap3A_1321 = arith.constant 4 : i32
        %swap3A_1322 = arith.index_cast %rem3A_67 : i32 to index
        %swap3A_1323 = arith.index_cast %swap3A_1321 : i32 to index
        %swap3A_1324 = arith.constant 112 : index
        %swap3A_1325 = tpu.vector_load %arg7[%swap3A_1322, %swap3A_1323, %swap3A_1324] {strides = array<i32>} : memref<3x77x512xf32, #tpu.memory_space<vmem>>, vector<1x1x16xf32>,
        %swap3A_1326 = vector.shape_cast %swap3A_1325 : vector<1x1x16xf32> to vector<16xf32>
        %swap3A_1327 = vector.shape_cast %get3A_1320 : vector<16xf32> to vector<1x1x16xf32>
        tpu.vector_store %arg7[%swap3A_1322, %swap3A_1323, %swap3A_1324], %swap3A_1327 {strides = array<i32>} : memref<3x77x512xf32, #tpu.memory_space<vmem>>, vector<1x1x16xf32>,
        %get3A_1328 = arith.constant 3 : i32
        %get3A_1329 = arith.index_cast %get3A_1328 : i32 to index
        %get3A_1330 = arith.constant 128 : index
        %get3A_1331 = tpu.vector_load %arg8[%get3A_1329, %get3A_1330] {strides = array<i32>} : memref<4x512xf32, #tpu.memory_space<vmem>>, vector<1x16xf32>,
        %get3A_1332 = vector.shape_cast %get3A_1331 : vector<1x16xf32> to vector<16xf32>
        %swap3A_1333 = arith.constant 4 : i32
        %swap3A_1334 = arith.index_cast %rem3A_67 : i32 to index
        %swap3A_1335 = arith.index_cast %swap3A_1333 : i32 to index
        %swap3A_1336 = arith.constant 128 : index
        %swap3A_1337 = tpu.vector_load %arg7[%swap3A_1334, %swap3A_1335, %swap3A_1336] {strides = array<i32>} : memref<3x77x512xf32, #tpu.memory_space<vmem>>, vector<1x1x16xf32>,
        %swap3A_1338 = vector.shape_cast %swap3A_1337 : vector<1x1x16xf32> to vector<16xf32>
        %swap3A_1339 = vector.shape_cast %get3A_1332 : vector<16xf32> to vector<1x1x16xf32>
        tpu.vector_store %arg7[%swap3A_1334, %swap3A_1335, %swap3A_1336], %swap3A_1339 {strides = array<i32>} : memref<3x77x512xf32, #tpu.memory_space<vmem>>, vector<1x1x16xf32>,
        %get3A_1340 = arith.constant 3 : i32
        %get3A_1341 = arith.index_cast %get3A_1340 : i32 to index
        %get3A_1342 = arith.constant 144 : index
        %get3A_1343 = tpu.vector_load %arg8[%get3A_1341, %get3A_1342] {strides = array<i32>} : memref<4x512xf32, #tpu.memory_space<vmem>>, vector<1x16xf32>,
        %get3A_1344 = vector.shape_cast %get3A_1343 : vector<1x16xf32> to vector<16xf32>
        %swap3A_1345 = arith.constant 4 : i32
        %swap3A_1346 = arith.index_cast %rem3A_67 : i32 to index
        %swap3A_1347 = arith.index_cast %swap3A_1345 : i32 to index
        %swap3A_1348 = arith.constant 144 : index
        %swap3A_1349 = tpu.vector_load %arg7[%swap3A_1346, %swap3A_1347, %swap3A_1348] {strides = array<i32>} : memref<3x77x512xf32, #tpu.memory_space<vmem>>, vector<1x1x16xf32>,
        %swap3A_1350 = vector.shape_cast %swap3A_1349 : vector<1x1x16xf32> to vector<16xf32>
        %swap3A_1351 = vector.shape_cast %get3A_1344 : vector<16xf32> to vector<1x1x16xf32>
        tpu.vector_store %arg7[%swap3A_1346, %swap3A_1347, %swap3A_1348], %swap3A_1351 {strides = array<i32>} : memref<3x77x512xf32, #tpu.memory_space<vmem>>, vector<1x1x16xf32>,
        %get3A_1352 = arith.constant 3 : i32
        %get3A_1353 = arith.index_cast %get3A_1352 : i32 to index
        %get3A_1354 = arith.constant 160 : index
        %get3A_1355 = tpu.vector_load %arg8[%get3A_1353, %get3A_1354] {strides = array<i32>} : memref<4x512xf32, #tpu.memory_space<vmem>>, vector<1x16xf32>,
        %get3A_1356 = vector.shape_cast %get3A_1355 : vector<1x16xf32> to vector<16xf32>
        %swap3A_1357 = arith.constant 4 : i32
        %swap3A_1358 = arith.index_cast %rem3A_67 : i32 to index
        %swap3A_1359 = arith.index_cast %swap3A_1357 : i32 to index
        %swap3A_1360 = arith.constant 160 : index
        %swap3A_1361 = tpu.vector_load %arg7[%swap3A_1358, %swap3A_1359, %swap3A_1360] {strides = array<i32>} : memref<3x77x512xf32, #tpu.memory_space<vmem>>, vector<1x1x16xf32>,
        %swap3A_1362 = vector.shape_cast %swap3A_1361 : vector<1x1x16xf32> to vector<16xf32>
        %swap3A_1363 = vector.shape_cast %get3A_1356 : vector<16xf32> to vector<1x1x16xf32>
        tpu.vector_store %arg7[%swap3A_1358, %swap3A_1359, %swap3A_1360], %swap3A_1363 {strides = array<i32>} : memref<3x77x512xf32, #tpu.memory_space<vmem>>, vector<1x1x16xf32>,
        %get3A_1364 = arith.constant 3 : i32
        %get3A_1365 = arith.index_cast %get3A_1364 : i32 to index
        %get3A_1366 = arith.constant 176 : index
        %get3A_1367 = tpu.vector_load %arg8[%get3A_1365, %get3A_1366] {strides = array<i32>} : memref<4x512xf32, #tpu.memory_space<vmem>>, vector<1x16xf32>,
        %get3A_1368 = vector.shape_cast %get3A_1367 : vector<1x16xf32> to vector<16xf32>
        %swap3A_1369 = arith.constant 4 : i32
        %swap3A_1370 = arith.index_cast %rem3A_67 : i32 to index
        %swap3A_1371 = arith.index_cast %swap3A_1369 : i32 to index
        %swap3A_1372 = arith.constant 176 : index
        %swap3A_1373 = tpu.vector_load %arg7[%swap3A_1370, %swap3A_1371, %swap3A_1372] {strides = array<i32>} : memref<3x77x512xf32, #tpu.memory_space<vmem>>, vector<1x1x16xf32>,
        %swap3A_1374 = vector.shape_cast %swap3A_1373 : vector<1x1x16xf32> to vector<16xf32>
        %swap3A_1375 = vector.shape_cast %get3A_1368 : vector<16xf32> to vector<1x1x16xf32>
        tpu.vector_store %arg7[%swap3A_1370, %swap3A_1371, %swap3A_1372], %swap3A_1375 {strides = array<i32>} : memref<3x77x512xf32, #tpu.memory_space<vmem>>, vector<1x1x16xf32>,
        %get3A_1376 = arith.constant 3 : i32
        %get3A_1377 = arith.index_cast %get3A_1376 : i32 to index
        %get3A_1378 = arith.constant 192 : index
        %get3A_1379 = tpu.vector_load %arg8[%get3A_1377, %get3A_1378] {strides = array<i32>} : memref<4x512xf32, #tpu.memory_space<vmem>>, vector<1x16xf32>,
        %get3A_1380 = vector.shape_cast %get3A_1379 : vector<1x16xf32> to vector<16xf32>
        %swap3A_1381 = arith.constant 4 : i32
        %swap3A_1382 = arith.index_cast %rem3A_67 : i32 to index
        %swap3A_1383 = arith.index_cast %swap3A_1381 : i32 to index
        %swap3A_1384 = arith.constant 192 : index
        %swap3A_1385 = tpu.vector_load %arg7[%swap3A_1382, %swap3A_1383, %swap3A_1384] {strides = array<i32>} : memref<3x77x512xf32, #tpu.memory_space<vmem>>, vector<1x1x16xf32>,
        %swap3A_1386 = vector.shape_cast %swap3A_1385 : vector<1x1x16xf32> to vector<16xf32>
        %swap3A_1387 = vector.shape_cast %get3A_1380 : vector<16xf32> to vector<1x1x16xf32>
        tpu.vector_store %arg7[%swap3A_1382, %swap3A_1383, %swap3A_1384], %swap3A_1387 {strides = array<i32>} : memref<3x77x512xf32, #tpu.memory_space<vmem>>, vector<1x1x16xf32>,
        %get3A_1388 = arith.constant 3 : i32
        %get3A_1389 = arith.index_cast %get3A_1388 : i32 to index
        %get3A_1390 = arith.constant 208 : index
        %get3A_1391 = tpu.vector_load %arg8[%get3A_1389, %get3A_1390] {strides = array<i32>} : memref<4x512xf32, #tpu.memory_space<vmem>>, vector<1x16xf32>,
        %get3A_1392 = vector.shape_cast %get3A_1391 : vector<1x16xf32> to vector<16xf32>
        %swap3A_1393 = arith.constant 4 : i32
        %swap3A_1394 = arith.index_cast %rem3A_67 : i32 to index
        %swap3A_1395 = arith.index_cast %swap3A_1393 : i32 to index
        %swap3A_1396 = arith.constant 208 : index
        %swap3A_1397 = tpu.vector_load %arg7[%swap3A_1394, %swap3A_1395, %swap3A_1396] {strides = array<i32>} : memref<3x77x512xf32, #tpu.memory_space<vmem>>, vector<1x1x16xf32>,
        %swap3A_1398 = vector.shape_cast %swap3A_1397 : vector<1x1x16xf32> to vector<16xf32>
        %swap3A_1399 = vector.shape_cast %get3A_1392 : vector<16xf32> to vector<1x1x16xf32>
        tpu.vector_store %arg7[%swap3A_1394, %swap3A_1395, %swap3A_1396], %swap3A_1399 {strides = array<i32>} : memref<3x77x512xf32, #tpu.memory_space<vmem>>, vector<1x1x16xf32>,
        %get3A_1400 = arith.constant 3 : i32
        %get3A_1401 = arith.index_cast %get3A_1400 : i32 to index
        %get3A_1402 = arith.constant 224 : index
        %get3A_1403 = tpu.vector_load %arg8[%get3A_1401, %get3A_1402] {strides = array<i32>} : memref<4x512xf32, #tpu.memory_space<vmem>>, vector<1x16xf32>,
        %get3A_1404 = vector.shape_cast %get3A_1403 : vector<1x16xf32> to vector<16xf32>
        %swap3A_1405 = arith.constant 4 : i32
        %swap3A_1406 = arith.index_cast %rem3A_67 : i32 to index
        %swap3A_1407 = arith.index_cast %swap3A_1405 : i32 to index
        %swap3A_1408 = arith.constant 224 : index
        %swap3A_1409 = tpu.vector_load %arg7[%swap3A_1406, %swap3A_1407, %swap3A_1408] {strides = array<i32>} : memref<3x77x512xf32, #tpu.memory_space<vmem>>, vector<1x1x16xf32>,
        %swap3A_1410 = vector.shape_cast %swap3A_1409 : vector<1x1x16xf32> to vector<16xf32>
        %swap3A_1411 = vector.shape_cast %get3A_1404 : vector<16xf32> to vector<1x1x16xf32>
        tpu.vector_store %arg7[%swap3A_1406, %swap3A_1407, %swap3A_1408], %swap3A_1411 {strides = array<i32>} : memref<3x77x512xf32, #tpu.memory_space<vmem>>, vector<1x1x16xf32>,
        %get3A_1412 = arith.constant 3 : i32
        %get3A_1413 = arith.index_cast %get3A_1412 : i32 to index
        %get3A_1414 = arith.constant 240 : index
        %get3A_1415 = tpu.vector_load %arg8[%get3A_1413, %get3A_1414] {strides = array<i32>} : memref<4x512xf32, #tpu.memory_space<vmem>>, vector<1x16xf32>,
        %get3A_1416 = vector.shape_cast %get3A_1415 : vector<1x16xf32> to vector<16xf32>
        %swap3A_1417 = arith.constant 4 : i32
        %swap3A_1418 = arith.index_cast %rem3A_67 : i32 to index
        %swap3A_1419 = arith.index_cast %swap3A_1417 : i32 to index
        %swap3A_1420 = arith.constant 240 : index
        %swap3A_1421 = tpu.vector_load %arg7[%swap3A_1418, %swap3A_1419, %swap3A_1420] {strides = array<i32>} : memref<3x77x512xf32, #tpu.memory_space<vmem>>, vector<1x1x16xf32>,
        %swap3A_1422 = vector.shape_cast %swap3A_1421 : vector<1x1x16xf32> to vector<16xf32>
        %swap3A_1423 = vector.shape_cast %get3A_1416 : vector<16xf32> to vector<1x1x16xf32>
        tpu.vector_store %arg7[%swap3A_1418, %swap3A_1419, %swap3A_1420], %swap3A_1423 {strides = array<i32>} : memref<3x77x512xf32, #tpu.memory_space<vmem>>, vector<1x1x16xf32>,
        %get3A_1424 = arith.constant 3 : i32
        %get3A_1425 = arith.index_cast %get3A_1424 : i32 to index
        %get3A_1426 = arith.constant 256 : index
        %get3A_1427 = tpu.vector_load %arg8[%get3A_1425, %get3A_1426] {strides = array<i32>} : memref<4x512xf32, #tpu.memory_space<vmem>>, vector<1x16xf32>,
        %get3A_1428 = vector.shape_cast %get3A_1427 : vector<1x16xf32> to vector<16xf32>
        %swap3A_1429 = arith.constant 4 : i32
        %swap3A_1430 = arith.index_cast %rem3A_67 : i32 to index
        %swap3A_1431 = arith.index_cast %swap3A_1429 : i32 to index
        %swap3A_1432 = arith.constant 256 : index
        %swap3A_1433 = tpu.vector_load %arg7[%swap3A_1430, %swap3A_1431, %swap3A_1432] {strides = array<i32>} : memref<3x77x512xf32, #tpu.memory_space<vmem>>, vector<1x1x16xf32>,
        %swap3A_1434 = vector.shape_cast %swap3A_1433 : vector<1x1x16xf32> to vector<16xf32>
        %swap3A_1435 = vector.shape_cast %get3A_1428 : vector<16xf32> to vector<1x1x16xf32>
        tpu.vector_store %arg7[%swap3A_1430, %swap3A_1431, %swap3A_1432], %swap3A_1435 {strides = array<i32>} : memref<3x77x512xf32, #tpu.memory_space<vmem>>, vector<1x1x16xf32>,
        %get3A_1436 = arith.constant 3 : i32
        %get3A_1437 = arith.index_cast %get3A_1436 : i32 to index
        %get3A_1438 = arith.constant 272 : index
        %get3A_1439 = tpu.vector_load %arg8[%get3A_1437, %get3A_1438] {strides = array<i32>} : memref<4x512xf32, #tpu.memory_space<vmem>>, vector<1x16xf32>,
        %get3A_1440 = vector.shape_cast %get3A_1439 : vector<1x16xf32> to vector<16xf32>
        %swap3A_1441 = arith.constant 4 : i32
        %swap3A_1442 = arith.index_cast %rem3A_67 : i32 to index
        %swap3A_1443 = arith.index_cast %swap3A_1441 : i32 to index
        %swap3A_1444 = arith.constant 272 : index
        %swap3A_1445 = tpu.vector_load %arg7[%swap3A_1442, %swap3A_1443, %swap3A_1444] {strides = array<i32>} : memref<3x77x512xf32, #tpu.memory_space<vmem>>, vector<1x1x16xf32>,
        %swap3A_1446 = vector.shape_cast %swap3A_1445 : vector<1x1x16xf32> to vector<16xf32>
        %swap3A_1447 = vector.shape_cast %get3A_1440 : vector<16xf32> to vector<1x1x16xf32>
        tpu.vector_store %arg7[%swap3A_1442, %swap3A_1443, %swap3A_1444], %swap3A_1447 {strides = array<i32>} : memref<3x77x512xf32, #tpu.memory_space<vmem>>, vector<1x1x16xf32>,
        %get3A_1448 = arith.constant 3 : i32
        %get3A_1449 = arith.index_cast %get3A_1448 : i32 to index
        %get3A_1450 = arith.constant 288 : index
        %get3A_1451 = tpu.vector_load %arg8[%get3A_1449, %get3A_1450] {strides = array<i32>} : memref<4x512xf32, #tpu.memory_space<vmem>>, vector<1x16xf32>,
        %get3A_1452 = vector.shape_cast %get3A_1451 : vector<1x16xf32> to vector<16xf32>
        %swap3A_1453 = arith.constant 4 : i32
        %swap3A_1454 = arith.index_cast %rem3A_67 : i32 to index
        %swap3A_1455 = arith.index_cast %swap3A_1453 : i32 to index
        %swap3A_1456 = arith.constant 288 : index
        %swap3A_1457 = tpu.vector_load %arg7[%swap3A_1454, %swap3A_1455, %swap3A_1456] {strides = array<i32>} : memref<3x77x512xf32, #tpu.memory_space<vmem>>, vector<1x1x16xf32>,
        %swap3A_1458 = vector.shape_cast %swap3A_1457 : vector<1x1x16xf32> to vector<16xf32>
        %swap3A_1459 = vector.shape_cast %get3A_1452 : vector<16xf32> to vector<1x1x16xf32>
        tpu.vector_store %arg7[%swap3A_1454, %swap3A_1455, %swap3A_1456], %swap3A_1459 {strides = array<i32>} : memref<3x77x512xf32, #tpu.memory_space<vmem>>, vector<1x1x16xf32>,
        %get3A_1460 = arith.constant 3 : i32
        %get3A_1461 = arith.index_cast %get3A_1460 : i32 to index
        %get3A_1462 = arith.constant 304 : index
        %get3A_1463 = tpu.vector_load %arg8[%get3A_1461, %get3A_1462] {strides = array<i32>} : memref<4x512xf32, #tpu.memory_space<vmem>>, vector<1x16xf32>,
        %get3A_1464 = vector.shape_cast %get3A_1463 : vector<1x16xf32> to vector<16xf32>
        %swap3A_1465 = arith.constant 4 : i32
        %swap3A_1466 = arith.index_cast %rem3A_67 : i32 to index
        %swap3A_1467 = arith.index_cast %swap3A_1465 : i32 to index
        %swap3A_1468 = arith.constant 304 : index
        %swap3A_1469 = tpu.vector_load %arg7[%swap3A_1466, %swap3A_1467, %swap3A_1468] {strides = array<i32>} : memref<3x77x512xf32, #tpu.memory_space<vmem>>, vector<1x1x16xf32>,
        %swap3A_1470 = vector.shape_cast %swap3A_1469 : vector<1x1x16xf32> to vector<16xf32>
        %swap3A_1471 = vector.shape_cast %get3A_1464 : vector<16xf32> to vector<1x1x16xf32>
        tpu.vector_store %arg7[%swap3A_1466, %swap3A_1467, %swap3A_1468], %swap3A_1471 {strides = array<i32>} : memref<3x77x512xf32, #tpu.memory_space<vmem>>, vector<1x1x16xf32>,
        %get3A_1472 = arith.constant 3 : i32
        %get3A_1473 = arith.index_cast %get3A_1472 : i32 to index
        %get3A_1474 = arith.constant 320 : index
        %get3A_1475 = tpu.vector_load %arg8[%get3A_1473, %get3A_1474] {strides = array<i32>} : memref<4x512xf32, #tpu.memory_space<vmem>>, vector<1x16xf32>,
        %get3A_1476 = vector.shape_cast %get3A_1475 : vector<1x16xf32> to vector<16xf32>
        %swap3A_1477 = arith.constant 4 : i32
        %swap3A_1478 = arith.index_cast %rem3A_67 : i32 to index
        %swap3A_1479 = arith.index_cast %swap3A_1477 : i32 to index
        %swap3A_1480 = arith.constant 320 : index
        %swap3A_1481 = tpu.vector_load %arg7[%swap3A_1478, %swap3A_1479, %swap3A_1480] {strides = array<i32>} : memref<3x77x512xf32, #tpu.memory_space<vmem>>, vector<1x1x16xf32>,
        %swap3A_1482 = vector.shape_cast %swap3A_1481 : vector<1x1x16xf32> to vector<16xf32>
        %swap3A_1483 = vector.shape_cast %get3A_1476 : vector<16xf32> to vector<1x1x16xf32>
        tpu.vector_store %arg7[%swap3A_1478, %swap3A_1479, %swap3A_1480], %swap3A_1483 {strides = array<i32>} : memref<3x77x512xf32, #tpu.memory_space<vmem>>, vector<1x1x16xf32>,
        %get3A_1484 = arith.constant 3 : i32
        %get3A_1485 = arith.index_cast %get3A_1484 : i32 to index
        %get3A_1486 = arith.constant 336 : index
        %get3A_1487 = tpu.vector_load %arg8[%get3A_1485, %get3A_1486] {strides = array<i32>} : memref<4x512xf32, #tpu.memory_space<vmem>>, vector<1x16xf32>,
        %get3A_1488 = vector.shape_cast %get3A_1487 : vector<1x16xf32> to vector<16xf32>
        %swap3A_1489 = arith.constant 4 : i32
        %swap3A_1490 = arith.index_cast %rem3A_67 : i32 to index
        %swap3A_1491 = arith.index_cast %swap3A_1489 : i32 to index
        %swap3A_1492 = arith.constant 336 : index
        %swap3A_1493 = tpu.vector_load %arg7[%swap3A_1490, %swap3A_1491, %swap3A_1492] {strides = array<i32>} : memref<3x77x512xf32, #tpu.memory_space<vmem>>, vector<1x1x16xf32>,
        %swap3A_1494 = vector.shape_cast %swap3A_1493 : vector<1x1x16xf32> to vector<16xf32>
        %swap3A_1495 = vector.shape_cast %get3A_1488 : vector<16xf32> to vector<1x1x16xf32>
        tpu.vector_store %arg7[%swap3A_1490, %swap3A_1491, %swap3A_1492], %swap3A_1495 {strides = array<i32>} : memref<3x77x512xf32, #tpu.memory_space<vmem>>, vector<1x1x16xf32>,
        %get3A_1496 = arith.constant 3 : i32
        %get3A_1497 = arith.index_cast %get3A_1496 : i32 to index
        %get3A_1498 = arith.constant 352 : index
        %get3A_1499 = tpu.vector_load %arg8[%get3A_1497, %get3A_1498] {strides = array<i32>} : memref<4x512xf32, #tpu.memory_space<vmem>>, vector<1x16xf32>,
        %get3A_1500 = vector.shape_cast %get3A_1499 : vector<1x16xf32> to vector<16xf32>
        %swap3A_1501 = arith.constant 4 : i32
        %swap3A_1502 = arith.index_cast %rem3A_67 : i32 to index
        %swap3A_1503 = arith.index_cast %swap3A_1501 : i32 to index
        %swap3A_1504 = arith.constant 352 : index
        %swap3A_1505 = tpu.vector_load %arg7[%swap3A_1502, %swap3A_1503, %swap3A_1504] {strides = array<i32>} : memref<3x77x512xf32, #tpu.memory_space<vmem>>, vector<1x1x16xf32>,
        %swap3A_1506 = vector.shape_cast %swap3A_1505 : vector<1x1x16xf32> to vector<16xf32>
        %swap3A_1507 = vector.shape_cast %get3A_1500 : vector<16xf32> to vector<1x1x16xf32>
        tpu.vector_store %arg7[%swap3A_1502, %swap3A_1503, %swap3A_1504], %swap3A_1507 {strides = array<i32>} : memref<3x77x512xf32, #tpu.memory_space<vmem>>, vector<1x1x16xf32>,
        %get3A_1508 = arith.constant 3 : i32
        %get3A_1509 = arith.index_cast %get3A_1508 : i32 to index
        %get3A_1510 = arith.constant 368 : index
        %get3A_1511 = tpu.vector_load %arg8[%get3A_1509, %get3A_1510] {strides = array<i32>} : memref<4x512xf32, #tpu.memory_space<vmem>>, vector<1x16xf32>,
        %get3A_1512 = vector.shape_cast %get3A_1511 : vector<1x16xf32> to vector<16xf32>
        %swap3A_1513 = arith.constant 4 : i32
        %swap3A_1514 = arith.index_cast %rem3A_67 : i32 to index
        %swap3A_1515 = arith.index_cast %swap3A_1513 : i32 to index
        %swap3A_1516 = arith.constant 368 : index
        %swap3A_1517 = tpu.vector_load %arg7[%swap3A_1514, %swap3A_1515, %swap3A_1516] {strides = array<i32>} : memref<3x77x512xf32, #tpu.memory_space<vmem>>, vector<1x1x16xf32>,
        %swap3A_1518 = vector.shape_cast %swap3A_1517 : vector<1x1x16xf32> to vector<16xf32>
        %swap3A_1519 = vector.shape_cast %get3A_1512 : vector<16xf32> to vector<1x1x16xf32>
        tpu.vector_store %arg7[%swap3A_1514, %swap3A_1515, %swap3A_1516], %swap3A_1519 {strides = array<i32>} : memref<3x77x512xf32, #tpu.memory_space<vmem>>, vector<1x1x16xf32>,
        %get3A_1520 = arith.constant 3 : i32
        %get3A_1521 = arith.index_cast %get3A_1520 : i32 to index
        %get3A_1522 = arith.constant 384 : index
        %get3A_1523 = tpu.vector_load %arg8[%get3A_1521, %get3A_1522] {strides = array<i32>} : memref<4x512xf32, #tpu.memory_space<vmem>>, vector<1x16xf32>,
        %get3A_1524 = vector.shape_cast %get3A_1523 : vector<1x16xf32> to vector<16xf32>
        %swap3A_1525 = arith.constant 4 : i32
        %swap3A_1526 = arith.index_cast %rem3A_67 : i32 to index
        %swap3A_1527 = arith.index_cast %swap3A_1525 : i32 to index
        %swap3A_1528 = arith.constant 384 : index
        %swap3A_1529 = tpu.vector_load %arg7[%swap3A_1526, %swap3A_1527, %swap3A_1528] {strides = array<i32>} : memref<3x77x512xf32, #tpu.memory_space<vmem>>, vector<1x1x16xf32>,
        %swap3A_1530 = vector.shape_cast %swap3A_1529 : vector<1x1x16xf32> to vector<16xf32>
        %swap3A_1531 = vector.shape_cast %get3A_1524 : vector<16xf32> to vector<1x1x16xf32>
        tpu.vector_store %arg7[%swap3A_1526, %swap3A_1527, %swap3A_1528], %swap3A_1531 {strides = array<i32>} : memref<3x77x512xf32, #tpu.memory_space<vmem>>, vector<1x1x16xf32>,
        %get3A_1532 = arith.constant 3 : i32
        %get3A_1533 = arith.index_cast %get3A_1532 : i32 to index
        %get3A_1534 = arith.constant 400 : index
        %get3A_1535 = tpu.vector_load %arg8[%get3A_1533, %get3A_1534] {strides = array<i32>} : memref<4x512xf32, #tpu.memory_space<vmem>>, vector<1x16xf32>,
        %get3A_1536 = vector.shape_cast %get3A_1535 : vector<1x16xf32> to vector<16xf32>
        %swap3A_1537 = arith.constant 4 : i32
        %swap3A_1538 = arith.index_cast %rem3A_67 : i32 to index
        %swap3A_1539 = arith.index_cast %swap3A_1537 : i32 to index
        %swap3A_1540 = arith.constant 400 : index
        %swap3A_1541 = tpu.vector_load %arg7[%swap3A_1538, %swap3A_1539, %swap3A_1540] {strides = array<i32>} : memref<3x77x512xf32, #tpu.memory_space<vmem>>, vector<1x1x16xf32>,
        %swap3A_1542 = vector.shape_cast %swap3A_1541 : vector<1x1x16xf32> to vector<16xf32>
        %swap3A_1543 = vector.shape_cast %get3A_1536 : vector<16xf32> to vector<1x1x16xf32>
        tpu.vector_store %arg7[%swap3A_1538, %swap3A_1539, %swap3A_1540], %swap3A_1543 {strides = array<i32>} : memref<3x77x512xf32, #tpu.memory_space<vmem>>, vector<1x1x16xf32>,
        %get3A_1544 = arith.constant 3 : i32
        %get3A_1545 = arith.index_cast %get3A_1544 : i32 to index
        %get3A_1546 = arith.constant 416 : index
        %get3A_1547 = tpu.vector_load %arg8[%get3A_1545, %get3A_1546] {strides = array<i32>} : memref<4x512xf32, #tpu.memory_space<vmem>>, vector<1x16xf32>,
        %get3A_1548 = vector.shape_cast %get3A_1547 : vector<1x16xf32> to vector<16xf32>
        %swap3A_1549 = arith.constant 4 : i32
        %swap3A_1550 = arith.index_cast %rem3A_67 : i32 to index
        %swap3A_1551 = arith.index_cast %swap3A_1549 : i32 to index
        %swap3A_1552 = arith.constant 416 : index
        %swap3A_1553 = tpu.vector_load %arg7[%swap3A_1550, %swap3A_1551, %swap3A_1552] {strides = array<i32>} : memref<3x77x512xf32, #tpu.memory_space<vmem>>, vector<1x1x16xf32>,
        %swap3A_1554 = vector.shape_cast %swap3A_1553 : vector<1x1x16xf32> to vector<16xf32>
        %swap3A_1555 = vector.shape_cast %get3A_1548 : vector<16xf32> to vector<1x1x16xf32>
        tpu.vector_store %arg7[%swap3A_1550, %swap3A_1551, %swap3A_1552], %swap3A_1555 {strides = array<i32>} : memref<3x77x512xf32, #tpu.memory_space<vmem>>, vector<1x1x16xf32>,
        %get3A_1556 = arith.constant 3 : i32
        %get3A_1557 = arith.index_cast %get3A_1556 : i32 to index
        %get3A_1558 = arith.constant 432 : index
        %get3A_1559 = tpu.vector_load %arg8[%get3A_1557, %get3A_1558] {strides = array<i32>} : memref<4x512xf32, #tpu.memory_space<vmem>>, vector<1x16xf32>,
        %get3A_1560 = vector.shape_cast %get3A_1559 : vector<1x16xf32> to vector<16xf32>
        %swap3A_1561 = arith.constant 4 : i32
        %swap3A_1562 = arith.index_cast %rem3A_67 : i32 to index
        %swap3A_1563 = arith.index_cast %swap3A_1561 : i32 to index
        %swap3A_1564 = arith.constant 432 : index
        %swap3A_1565 = tpu.vector_load %arg7[%swap3A_1562, %swap3A_1563, %swap3A_1564] {strides = array<i32>} : memref<3x77x512xf32, #tpu.memory_space<vmem>>, vector<1x1x16xf32>,
        %swap3A_1566 = vector.shape_cast %swap3A_1565 : vector<1x1x16xf32> to vector<16xf32>
        %swap3A_1567 = vector.shape_cast %get3A_1560 : vector<16xf32> to vector<1x1x16xf32>
        tpu.vector_store %arg7[%swap3A_1562, %swap3A_1563, %swap3A_1564], %swap3A_1567 {strides = array<i32>} : memref<3x77x512xf32, #tpu.memory_space<vmem>>, vector<1x1x16xf32>,
        %get3A_1568 = arith.constant 3 : i32
        %get3A_1569 = arith.index_cast %get3A_1568 : i32 to index
        %get3A_1570 = arith.constant 448 : index
        %get3A_1571 = tpu.vector_load %arg8[%get3A_1569, %get3A_1570] {strides = array<i32>} : memref<4x512xf32, #tpu.memory_space<vmem>>, vector<1x16xf32>,
        %get3A_1572 = vector.shape_cast %get3A_1571 : vector<1x16xf32> to vector<16xf32>
        %swap3A_1573 = arith.constant 4 : i32
        %swap3A_1574 = arith.index_cast %rem3A_67 : i32 to index
        %swap3A_1575 = arith.index_cast %swap3A_1573 : i32 to index
        %swap3A_1576 = arith.constant 448 : index
        %swap3A_1577 = tpu.vector_load %arg7[%swap3A_1574, %swap3A_1575, %swap3A_1576] {strides = array<i32>} : memref<3x77x512xf32, #tpu.memory_space<vmem>>, vector<1x1x16xf32>,
        %swap3A_1578 = vector.shape_cast %swap3A_1577 : vector<1x1x16xf32> to vector<16xf32>
        %swap3A_1579 = vector.shape_cast %get3A_1572 : vector<16xf32> to vector<1x1x16xf32>
        tpu.vector_store %arg7[%swap3A_1574, %swap3A_1575, %swap3A_1576], %swap3A_1579 {strides = array<i32>} : memref<3x77x512xf32, #tpu.memory_space<vmem>>, vector<1x1x16xf32>,
        %get3A_1580 = arith.constant 3 : i32
        %get3A_1581 = arith.index_cast %get3A_1580 : i32 to index
        %get3A_1582 = arith.constant 464 : index
        %get3A_1583 = tpu.vector_load %arg8[%get3A_1581, %get3A_1582] {strides = array<i32>} : memref<4x512xf32, #tpu.memory_space<vmem>>, vector<1x16xf32>,
        %get3A_1584 = vector.shape_cast %get3A_1583 : vector<1x16xf32> to vector<16xf32>
        %swap3A_1585 = arith.constant 4 : i32
        %swap3A_1586 = arith.index_cast %rem3A_67 : i32 to index
        %swap3A_1587 = arith.index_cast %swap3A_1585 : i32 to index
        %swap3A_1588 = arith.constant 464 : index
        %swap3A_1589 = tpu.vector_load %arg7[%swap3A_1586, %swap3A_1587, %swap3A_1588] {strides = array<i32>} : memref<3x77x512xf32, #tpu.memory_space<vmem>>, vector<1x1x16xf32>,
        %swap3A_1590 = vector.shape_cast %swap3A_1589 : vector<1x1x16xf32> to vector<16xf32>
        %swap3A_1591 = vector.shape_cast %get3A_1584 : vector<16xf32> to vector<1x1x16xf32>
        tpu.vector_store %arg7[%swap3A_1586, %swap3A_1587, %swap3A_1588], %swap3A_1591 {strides = array<i32>} : memref<3x77x512xf32, #tpu.memory_space<vmem>>, vector<1x1x16xf32>,
        %get3A_1592 = arith.constant 3 : i32
        %get3A_1593 = arith.index_cast %get3A_1592 : i32 to index
        %get3A_1594 = arith.constant 480 : index
        %get3A_1595 = tpu.vector_load %arg8[%get3A_1593, %get3A_1594] {strides = array<i32>} : memref<4x512xf32, #tpu.memory_space<vmem>>, vector<1x16xf32>,
        %get3A_1596 = vector.shape_cast %get3A_1595 : vector<1x16xf32> to vector<16xf32>
        %swap3A_1597 = arith.constant 4 : i32
        %swap3A_1598 = arith.index_cast %rem3A_67 : i32 to index
        %swap3A_1599 = arith.index_cast %swap3A_1597 : i32 to index
        %swap3A_1600 = arith.constant 480 : index
        %swap3A_1601 = tpu.vector_load %arg7[%swap3A_1598, %swap3A_1599, %swap3A_1600] {strides = array<i32>} : memref<3x77x512xf32, #tpu.memory_space<vmem>>, vector<1x1x16xf32>,
        %swap3A_1602 = vector.shape_cast %swap3A_1601 : vector<1x1x16xf32> to vector<16xf32>
        %swap3A_1603 = vector.shape_cast %get3A_1596 : vector<16xf32> to vector<1x1x16xf32>
        tpu.vector_store %arg7[%swap3A_1598, %swap3A_1599, %swap3A_1600], %swap3A_1603 {strides = array<i32>} : memref<3x77x512xf32, #tpu.memory_space<vmem>>, vector<1x1x16xf32>,
        %get3A_1604 = arith.constant 3 : i32
        %get3A_1605 = arith.index_cast %get3A_1604 : i32 to index
        %get3A_1606 = arith.constant 496 : index
        %get3A_1607 = tpu.vector_load %arg8[%get3A_1605, %get3A_1606] {strides = array<i32>} : memref<4x512xf32, #tpu.memory_space<vmem>>, vector<1x16xf32>,
        %get3A_1608 = vector.shape_cast %get3A_1607 : vector<1x16xf32> to vector<16xf32>
        %swap3A_1609 = arith.constant 4 : i32
        %swap3A_1610 = arith.index_cast %rem3A_67 : i32 to index
        %swap3A_1611 = arith.index_cast %swap3A_1609 : i32 to index
        %swap3A_1612 = arith.constant 496 : index
        %swap3A_1613 = tpu.vector_load %arg7[%swap3A_1610, %swap3A_1611, %swap3A_1612] {strides = array<i32>} : memref<3x77x512xf32, #tpu.memory_space<vmem>>, vector<1x1x16xf32>,
        %swap3A_1614 = vector.shape_cast %swap3A_1613 : vector<1x1x16xf32> to vector<16xf32>
        %swap3A_1615 = vector.shape_cast %get3A_1608 : vector<16xf32> to vector<1x1x16xf32>
        tpu.vector_store %arg7[%swap3A_1610, %swap3A_1611, %swap3A_1612], %swap3A_1615 {strides = array<i32>} : memref<3x77x512xf32, #tpu.memory_space<vmem>>, vector<1x1x16xf32>,
        %add3A_1616 = arith.constant 0 : i32
        %add3A_1617 = vector.broadcast %add3A_1616 : i32 to vector<16xi32>
        %add3A_1618 = arith.addi %add3A_1617, %iota3A : vector<16xi32>
        %mul3A_1619 = arith.constant 1000 : i32
        %mul3A_1620 = vector.broadcast %mul3A_1619 : i32 to vector<16xi32>
        %mul3A_1621 = arith.muli %add3A_1618, %mul3A_1620 : vector<16xi32>
        %add3A_1622 = vector.broadcast %add3A_68 : i32 to vector<16xi32>
        %add3A_1623 = arith.addi %mul3A_1621, %add3A_1622 : vector<16xi32>
        %swap3A_1624 = arith.index_cast %rem3A_67 : i32 to index
        %swap3A_1625 = arith.constant 0 : index
        %swap3A_1626 = tpu.vector_load %arg9[%swap3A_1624, %swap3A_1625] {strides = array<i32>} : memref<3x77xi32, #tpu.memory_space<vmem>>, vector<1x16xi32>,
        %swap3A_1627 = vector.shape_cast %swap3A_1626 : vector<1x16xi32> to vector<16xi32>
        %swap3A_1628 = vector.shape_cast %add3A_1623 : vector<16xi32> to vector<1x16xi32>
        tpu.vector_store %arg9[%swap3A_1624, %swap3A_1625], %swap3A_1628 {strides = array<i32>} : memref<3x77xi32, #tpu.memory_space<vmem>>, vector<1x16xi32>,
        %add3A_1629 = arith.constant 16 : i32
        %add3A_1630 = vector.broadcast %add3A_1629 : i32 to vector<16xi32>
        %add3A_1631 = arith.addi %add3A_1630, %iota3A : vector<16xi32>
        %mul3A_1632 = arith.constant 1000 : i32
        %mul3A_1633 = vector.broadcast %mul3A_1632 : i32 to vector<16xi32>
        %mul3A_1634 = arith.muli %add3A_1631, %mul3A_1633 : vector<16xi32>
        %add3A_1635 = vector.broadcast %add3A_68 : i32 to vector<16xi32>
        %add3A_1636 = arith.addi %mul3A_1634, %add3A_1635 : vector<16xi32>
        %swap3A_1637 = arith.index_cast %rem3A_67 : i32 to index
        %swap3A_1638 = arith.constant 16 : index
        %swap3A_1639 = tpu.vector_load %arg9[%swap3A_1637, %swap3A_1638] {strides = array<i32>} : memref<3x77xi32, #tpu.memory_space<vmem>>, vector<1x16xi32>,
        %swap3A_1640 = vector.shape_cast %swap3A_1639 : vector<1x16xi32> to vector<16xi32>
        %swap3A_1641 = vector.shape_cast %add3A_1636 : vector<16xi32> to vector<1x16xi32>
        tpu.vector_store %arg9[%swap3A_1637, %swap3A_1638], %swap3A_1641 {strides = array<i32>} : memref<3x77xi32, #tpu.memory_space<vmem>>, vector<1x16xi32>,
        %add3A_1642 = arith.constant 32 : i32
        %add3A_1643 = vector.broadcast %add3A_1642 : i32 to vector<16xi32>
        %add3A_1644 = arith.addi %add3A_1643, %iota3A : vector<16xi32>
        %mul3A_1645 = arith.constant 1000 : i32
        %mul3A_1646 = vector.broadcast %mul3A_1645 : i32 to vector<16xi32>
        %mul3A_1647 = arith.muli %add3A_1644, %mul3A_1646 : vector<16xi32>
        %add3A_1648 = vector.broadcast %add3A_68 : i32 to vector<16xi32>
        %add3A_1649 = arith.addi %mul3A_1647, %add3A_1648 : vector<16xi32>
        %swap3A_1650 = arith.index_cast %rem3A_67 : i32 to index
        %swap3A_1651 = arith.constant 32 : index
        %swap3A_1652 = tpu.vector_load %arg9[%swap3A_1650, %swap3A_1651] {strides = array<i32>} : memref<3x77xi32, #tpu.memory_space<vmem>>, vector<1x16xi32>,
        %swap3A_1653 = vector.shape_cast %swap3A_1652 : vector<1x16xi32> to vector<16xi32>
        %swap3A_1654 = vector.shape_cast %add3A_1649 : vector<16xi32> to vector<1x16xi32>
        tpu.vector_store %arg9[%swap3A_1650, %swap3A_1651], %swap3A_1654 {strides = array<i32>} : memref<3x77xi32, #tpu.memory_space<vmem>>, vector<1x16xi32>,
        %add3A_1655 = arith.constant 48 : i32
        %add3A_1656 = vector.broadcast %add3A_1655 : i32 to vector<16xi32>
        %add3A_1657 = arith.addi %add3A_1656, %iota3A : vector<16xi32>
        %mul3A_1658 = arith.constant 1000 : i32
        %mul3A_1659 = vector.broadcast %mul3A_1658 : i32 to vector<16xi32>
        %mul3A_1660 = arith.muli %add3A_1657, %mul3A_1659 : vector<16xi32>
        %add3A_1661 = vector.broadcast %add3A_68 : i32 to vector<16xi32>
        %add3A_1662 = arith.addi %mul3A_1660, %add3A_1661 : vector<16xi32>
        %swap3A_1663 = arith.index_cast %rem3A_67 : i32 to index
        %swap3A_1664 = arith.constant 48 : index
        %swap3A_1665 = tpu.vector_load %arg9[%swap3A_1663, %swap3A_1664] {strides = array<i32>} : memref<3x77xi32, #tpu.memory_space<vmem>>, vector<1x16xi32>,
        %swap3A_1666 = vector.shape_cast %swap3A_1665 : vector<1x16xi32> to vector<16xi32>
        %swap3A_1667 = vector.shape_cast %add3A_1662 : vector<16xi32> to vector<1x16xi32>
        tpu.vector_store %arg9[%swap3A_1663, %swap3A_1664], %swap3A_1667 {strides = array<i32>} : memref<3x77xi32, #tpu.memory_space<vmem>>, vector<1x16xi32>,
        %add3A_1668 = arith.constant 61 : i32
        %add3A_1669 = vector.broadcast %add3A_1668 : i32 to vector<16xi32>
        %add3A_1670 = arith.addi %add3A_1669, %iota3A : vector<16xi32>
        %mul3A_1671 = arith.constant 1000 : i32
        %mul3A_1672 = vector.broadcast %mul3A_1671 : i32 to vector<16xi32>
        %mul3A_1673 = arith.muli %add3A_1670, %mul3A_1672 : vector<16xi32>
        %add3A_1674 = vector.broadcast %add3A_68 : i32 to vector<16xi32>
        %add3A_1675 = arith.addi %mul3A_1673, %add3A_1674 : vector<16xi32>
        %swap3A_1676 = arith.index_cast %rem3A_67 : i32 to index
        %swap3A_1677 = arith.constant 61 : index
        %swap3A_1678 = tpu.vector_load %arg9[%swap3A_1676, %swap3A_1677] {strides = array<i32>} : memref<3x77xi32, #tpu.memory_space<vmem>>, vector<1x16xi32>,
        %swap3A_1679 = vector.shape_cast %swap3A_1678 : vector<1x16xi32> to vector<16xi32>
        %swap3A_1680 = vector.shape_cast %add3A_1675 : vector<16xi32> to vector<1x16xi32>
        tpu.vector_store %arg9[%swap3A_1676, %swap3A_1677], %swap3A_1680 {strides = array<i32>} : memref<3x77xi32, #tpu.memory_space<vmem>>, vector<1x16xi32>,
        %dma_start3A_1681 = arith.constant 0 : i32
        %dma_start3A_1682 = arith.constant 0 : i32
        %dma_start3A_1683 = tpu.memref_slice %arg7[%rem3A_67, %dma_start3A_1681, %dma_start3A_1682] : memref<3x77x512xf32, #tpu.memory_space<vmem>> -> memref<1x77x512xf32, #tpu.memory_space<vmem>>
        %dma_start3A_1684 = tpu.memref_squeeze %dma_start3A_1683 : memref<1x77x512xf32, #tpu.memory_space<vmem>> -> memref<77x512xf32, #tpu.memory_space<vmem>>
        %dma_start3A_1685 = arith.constant 0 : i32
        %dma_start3A_1686 = tpu.memref_slice %arg9[%rem3A_67, %dma_start3A_1685] : memref<3x77xi32, #tpu.memory_space<vmem>> -> memref<1x77xi32, #tpu.memory_space<vmem>>
        %dma_start3A_1687 = tpu.memref_squeeze %dma_start3A_1686 : memref<1x77xi32, #tpu.memory_space<vmem>> -> memref<77xi32, #tpu.memory_space<vmem>>
        %dma_start3A_1688 = arith.constant 0 : i32
        %dma_start3A_1689 = arith.constant 0 : i32
        %dma_start3A_1690 = tpu.memref_slice %arg5[%dma_start3A_1688, %dma_start3A_1689] : memref<77000x512xf32, #tpu.memory_space<hbm>> -> memref<77000x512xf32, #tpu.memory_space<hbm>>
        %dma_start3A_1691 = tpu.memref_slice %arg11[%rem3A_67] : memref<3x!tpu.dma_semaphore, #tpu.memory_space<semaphore_mem>> -> memref<1x!tpu.dma_semaphore, #tpu.memory_space<semaphore_mem>>
        %dma_start3A_1692 = tpu.memref_squeeze %dma_start3A_1691 : memref<1x!tpu.dma_semaphore, #tpu.memory_space<semaphore_mem>> -> memref<!tpu.dma_semaphore, #tpu.memory_space<semaphore_mem>>
        tpu.enqueue_indirect_dma source(%dma_start3A_1684 : memref<77x512xf32, #tpu.memory_space<vmem>>) target(%dma_start3A_1690 : memref<77000x512xf32, #tpu.memory_space<hbm>>) offsets(%dma_start3A_1687 : memref<77xi32, #tpu.memory_space<vmem>>) semaphore(%dma_start3A_1692 : memref<!tpu.dma_semaphore, #tpu.memory_space<semaphore_mem>>)
        %add3A_1693 = arith.constant 2 : i32
        %add3A_1694 = arith.addi %while3A_65, %add3A_1693 : i32
        %lt3A = arith.cmpi slt, %add3A_1694, %min3A : i32
        %convert_element_type3A_1695 = arith.extui %lt3A : i1 to i32
        %cond3A_1696 = arith.constant 0 : i32
        %cond3A_1697 = arith.cmpi ne, %convert_element_type3A_1695, %cond3A_1696 : i32
        scf.if %cond3A_1697 {
          %add3A_1698 = arith.constant 2 : i32
          %add3A_1699 = arith.addi %while3A_65, %add3A_1698 : i32
          %rem3A_1700 = arith.constant 3 : i32
          %rem3A_1701 = arith.remsi %add3A_1699, %rem3A_1700 : i32
          %gt3A_1702 = arith.constant 0 : i32
          %gt3A_1703 = arith.cmpi sgt, %while3A_65, %gt3A_1702 : i32
          %convert_element_type3A_1704 = arith.extui %gt3A_1703 : i1 to i32
          %cond3A_1705 = arith.constant 0 : i32
          %cond3A_1706 = arith.cmpi ne, %convert_element_type3A_1704, %cond3A_1705 : i32
          scf.if %cond3A_1706 {
            %sub3A_1722 = arith.constant 1 : i32
            %sub3A_1723 = arith.subi %while3A_65, %sub3A_1722 : i32
            %dma_wait3A_1724 = arith.constant 0 : i32
            %dma_wait3A_1725 = arith.constant 0 : i32
            %dma_wait3A_1726 = tpu.memref_slice %arg7[%rem3A_1701, %dma_wait3A_1724, %dma_wait3A_1725] : memref<3x77x512xf32, #tpu.memory_space<vmem>> -> memref<1x77x512xf32, #tpu.memory_space<vmem>>
            %dma_wait3A_1727 = tpu.memref_squeeze %dma_wait3A_1726 : memref<1x77x512xf32, #tpu.memory_space<vmem>> -> memref<77x512xf32, #tpu.memory_space<vmem>>
            %dma_wait3A_1728 = arith.constant 0 : i32
            %dma_wait3A_1729 = tpu.memref_slice %arg9[%rem3A_1701, %dma_wait3A_1728] : memref<3x77xi32, #tpu.memory_space<vmem>> -> memref<1x77xi32, #tpu.memory_space<vmem>>
            %dma_wait3A_1730 = tpu.memref_squeeze %dma_wait3A_1729 : memref<1x77xi32, #tpu.memory_space<vmem>> -> memref<77xi32, #tpu.memory_space<vmem>>
            %dma_wait3A_1731 = arith.constant 0 : i32
            %dma_wait3A_1732 = arith.constant 0 : i32
            %dma_wait3A_1733 = tpu.memref_slice %arg5[%dma_wait3A_1731, %dma_wait3A_1732] : memref<77000x512xf32, #tpu.memory_space<hbm>> -> memref<77000x512xf32, #tpu.memory_space<hbm>>
            %dma_wait3A_1734 = tpu.memref_slice %arg11[%rem3A_1701] : memref<3x!tpu.dma_semaphore, #tpu.memory_space<semaphore_mem>> -> memref<1x!tpu.dma_semaphore, #tpu.memory_space<semaphore_mem>>
            %dma_wait3A_1735 = tpu.memref_squeeze %dma_wait3A_1734 : memref<1x!tpu.dma_semaphore, #tpu.memory_space<semaphore_mem>> -> memref<!tpu.dma_semaphore, #tpu.memory_space<semaphore_mem>>
            tpu.wait_indirect_dma semaphore(%dma_wait3A_1735 : memref<!tpu.dma_semaphore, #tpu.memory_space<semaphore_mem>>) src(%dma_wait3A_1727 : memref<77x512xf32, #tpu.memory_space<vmem>>) dst(%dma_wait3A_1733 : memref<77000x512xf32, #tpu.memory_space<hbm>>)
          } else {
          }
          %add3A_1707 = arith.constant 2 : i32
          %add3A_1708 = arith.addi %while3A_65, %add3A_1707 : i32
          %add3A_1709 = arith.addi %sub3A_7, %add3A_1708 : i32
          %dma_start3A_1710 = arith.constant 0 : i32
          %dma_start3A_1711 = arith.constant 0 : i32
          %dma_start3A_1712 = tpu.memref_slice %arg7[%rem3A_1701, %dma_start3A_1710, %dma_start3A_1711] : memref<3x77x512xf32, #tpu.memory_space<vmem>> -> memref<1x77x512xf32, #tpu.memory_space<vmem>>
          %dma_start3A_1713 = tpu.memref_squeeze %dma_start3A_1712 : memref<1x77x512xf32, #tpu.memory_space<vmem>> -> memref<77x512xf32, #tpu.memory_space<vmem>>
          %dma_start3A_1714 = arith.constant 0 : i32
          %dma_start3A_1715 = tpu.memref_slice %arg6[%add3A_1709, %dma_start3A_1714] : memref<32x77xi32, #tpu.memory_space<vmem>> -> memref<1x77xi32, #tpu.memory_space<vmem>>
          %dma_start3A_1716 = tpu.memref_squeeze %dma_start3A_1715 : memref<1x77xi32, #tpu.memory_space<vmem>> -> memref<77xi32, #tpu.memory_space<vmem>>
          %dma_start3A_1717 = arith.constant 0 : i32
          %dma_start3A_1718 = arith.constant 0 : i32
          %dma_start3A_1719 = tpu.memref_slice %arg3[%dma_start3A_1717, %dma_start3A_1718] : memref<49408x512xf32, #tpu.memory_space<hbm>> -> memref<49408x512xf32, #tpu.memory_space<hbm>>
          %dma_start3A_1720 = tpu.memref_slice %arg10[%rem3A_1701] : memref<3x!tpu.dma_semaphore, #tpu.memory_space<semaphore_mem>> -> memref<1x!tpu.dma_semaphore, #tpu.memory_space<semaphore_mem>>
          %dma_start3A_1721 = tpu.memref_squeeze %dma_start3A_1720 : memref<1x!tpu.dma_semaphore, #tpu.memory_space<semaphore_mem>> -> memref<!tpu.dma_semaphore, #tpu.memory_space<semaphore_mem>>
          tpu.enqueue_indirect_dma source(%dma_start3A_1719 : memref<49408x512xf32, #tpu.memory_space<hbm>>) target(%dma_start3A_1713 : memref<77x512xf32, #tpu.memory_space<vmem>>) offsets(%dma_start3A_1716 : memref<77xi32, #tpu.memory_space<vmem>>) semaphore(%dma_start3A_1721 : memref<!tpu.dma_semaphore, #tpu.memory_space<semaphore_mem>>)
        } else {
        }
      }
      %gt3A_39 = arith.constant 2 : i32
      %gt3A_40 = arith.cmpi sgt, %min3A, %gt3A_39 : i32
      %convert_element_type3A_41 = arith.extui %gt3A_40 : i1 to i32
      %cond3A_42 = arith.constant 0 : i32
      %cond3A_43 = arith.cmpi ne, %convert_element_type3A_41, %cond3A_42 : i32
      scf.if %cond3A_43 {
        %sub3A_65 = arith.constant 3 : i32
        %sub3A_66 = arith.subi %min3A, %sub3A_65 : i32
        %sub3A_67 = arith.constant 3 : i32
        %sub3A_68 = arith.subi %min3A, %sub3A_67 : i32
        %rem3A_69 = arith.constant 3 : i32
        %rem3A_70 = arith.remsi %sub3A_68, %rem3A_69 : i32
        %dma_wait3A_71 = arith.constant 0 : i32
        %dma_wait3A_72 = arith.constant 0 : i32
        %dma_wait3A_73 = tpu.memref_slice %arg7[%rem3A_70, %dma_wait3A_71, %dma_wait3A_72] : memref<3x77x512xf32, #tpu.memory_space<vmem>> -> memref<1x77x512xf32, #tpu.memory_space<vmem>>
        %dma_wait3A_74 = tpu.memref_squeeze %dma_wait3A_73 : memref<1x77x512xf32, #tpu.memory_space<vmem>> -> memref<77x512xf32, #tpu.memory_space<vmem>>
        %dma_wait3A_75 = arith.constant 0 : i32
        %dma_wait3A_76 = tpu.memref_slice %arg9[%rem3A_70, %dma_wait3A_75] : memref<3x77xi32, #tpu.memory_space<vmem>> -> memref<1x77xi32, #tpu.memory_space<vmem>>
        %dma_wait3A_77 = tpu.memref_squeeze %dma_wait3A_76 : memref<1x77xi32, #tpu.memory_space<vmem>> -> memref<77xi32, #tpu.memory_space<vmem>>
        %dma_wait3A_78 = arith.constant 0 : i32
        %dma_wait3A_79 = arith.constant 0 : i32
        %dma_wait3A_80 = tpu.memref_slice %arg5[%dma_wait3A_78, %dma_wait3A_79] : memref<77000x512xf32, #tpu.memory_space<hbm>> -> memref<77000x512xf32, #tpu.memory_space<hbm>>
        %dma_wait3A_81 = tpu.memref_slice %arg11[%rem3A_70] : memref<3x!tpu.dma_semaphore, #tpu.memory_space<semaphore_mem>> -> memref<1x!tpu.dma_semaphore, #tpu.memory_space<semaphore_mem>>
        %dma_wait3A_82 = tpu.memref_squeeze %dma_wait3A_81 : memref<1x!tpu.dma_semaphore, #tpu.memory_space<semaphore_mem>> -> memref<!tpu.dma_semaphore, #tpu.memory_space<semaphore_mem>>
        tpu.wait_indirect_dma semaphore(%dma_wait3A_82 : memref<!tpu.dma_semaphore, #tpu.memory_space<semaphore_mem>>) src(%dma_wait3A_74 : memref<77x512xf32, #tpu.memory_space<vmem>>) dst(%dma_wait3A_80 : memref<77000x512xf32, #tpu.memory_space<hbm>>)
      } else {
      }
      %gt3A_44 = arith.constant 1 : i32
      %gt3A_45 = arith.cmpi sgt, %min3A, %gt3A_44 : i32
      %convert_element_type3A_46 = arith.extui %gt3A_45 : i1 to i32
      %cond3A_47 = arith.constant 0 : i32
      %cond3A_48 = arith.cmpi ne, %convert_element_type3A_46, %cond3A_47 : i32
      scf.if %cond3A_48 {
        %sub3A_65 = arith.constant 2 : i32
        %sub3A_66 = arith.subi %min3A, %sub3A_65 : i32
        %sub3A_67 = arith.constant 2 : i32
        %sub3A_68 = arith.subi %min3A, %sub3A_67 : i32
        %rem3A_69 = arith.constant 3 : i32
        %rem3A_70 = arith.remsi %sub3A_68, %rem3A_69 : i32
        %dma_wait3A_71 = arith.constant 0 : i32
        %dma_wait3A_72 = arith.constant 0 : i32
        %dma_wait3A_73 = tpu.memref_slice %arg7[%rem3A_70, %dma_wait3A_71, %dma_wait3A_72] : memref<3x77x512xf32, #tpu.memory_space<vmem>> -> memref<1x77x512xf32, #tpu.memory_space<vmem>>
        %dma_wait3A_74 = tpu.memref_squeeze %dma_wait3A_73 : memref<1x77x512xf32, #tpu.memory_space<vmem>> -> memref<77x512xf32, #tpu.memory_space<vmem>>
        %dma_wait3A_75 = arith.constant 0 : i32
        %dma_wait3A_76 = tpu.memref_slice %arg9[%rem3A_70, %dma_wait3A_75] : memref<3x77xi32, #tpu.memory_space<vmem>> -> memref<1x77xi32, #tpu.memory_space<vmem>>
        %dma_wait3A_77 = tpu.memref_squeeze %dma_wait3A_76 : memref<1x77xi32, #tpu.memory_space<vmem>> -> memref<77xi32, #tpu.memory_space<vmem>>
        %dma_wait3A_78 = arith.constant 0 : i32
        %dma_wait3A_79 = arith.constant 0 : i32
        %dma_wait3A_80 = tpu.memref_slice %arg5[%dma_wait3A_78, %dma_wait3A_79] : memref<77000x512xf32, #tpu.memory_space<hbm>> -> memref<77000x512xf32, #tpu.memory_space<hbm>>
        %dma_wait3A_81 = tpu.memref_slice %arg11[%rem3A_70] : memref<3x!tpu.dma_semaphore, #tpu.memory_space<semaphore_mem>> -> memref<1x!tpu.dma_semaphore, #tpu.memory_space<semaphore_mem>>
        %dma_wait3A_82 = tpu.memref_squeeze %dma_wait3A_81 : memref<1x!tpu.dma_semaphore, #tpu.memory_space<semaphore_mem>> -> memref<!tpu.dma_semaphore, #tpu.memory_space<semaphore_mem>>
        tpu.wait_indirect_dma semaphore(%dma_wait3A_82 : memref<!tpu.dma_semaphore, #tpu.memory_space<semaphore_mem>>) src(%dma_wait3A_74 : memref<77x512xf32, #tpu.memory_space<vmem>>) dst(%dma_wait3A_80 : memref<77000x512xf32, #tpu.memory_space<hbm>>)
      } else {
      }
      %sub3A_49 = arith.constant 1 : i32
      %sub3A_50 = arith.subi %min3A, %sub3A_49 : i32
      %sub3A_51 = arith.constant 1 : i32
      %sub3A_52 = arith.subi %min3A, %sub3A_51 : i32
      %rem3A = arith.constant 3 : i32
      %rem3A_53 = arith.remsi %sub3A_52, %rem3A : i32
      %dma_wait3A = arith.constant 0 : i32
      %dma_wait3A_54 = arith.constant 0 : i32
      %dma_wait3A_55 = tpu.memref_slice %arg7[%rem3A_53, %dma_wait3A, %dma_wait3A_54] : memref<3x77x512xf32, #tpu.memory_space<vmem>> -> memref<1x77x512xf32, #tpu.memory_space<vmem>>
      %dma_wait3A_56 = tpu.memref_squeeze %dma_wait3A_55 : memref<1x77x512xf32, #tpu.memory_space<vmem>> -> memref<77x512xf32, #tpu.memory_space<vmem>>
      %dma_wait3A_57 = arith.constant 0 : i32
      %dma_wait3A_58 = tpu.memref_slice %arg9[%rem3A_53, %dma_wait3A_57] : memref<3x77xi32, #tpu.memory_space<vmem>> -> memref<1x77xi32, #tpu.memory_space<vmem>>
      %dma_wait3A_59 = tpu.memref_squeeze %dma_wait3A_58 : memref<1x77xi32, #tpu.memory_space<vmem>> -> memref<77xi32, #tpu.memory_space<vmem>>
      %dma_wait3A_60 = arith.constant 0 : i32
      %dma_wait3A_61 = arith.constant 0 : i32
      %dma_wait3A_62 = tpu.memref_slice %arg5[%dma_wait3A_60, %dma_wait3A_61] : memref<77000x512xf32, #tpu.memory_space<hbm>> -> memref<77000x512xf32, #tpu.memory_space<hbm>>
      %dma_wait3A_63 = tpu.memref_slice %arg11[%rem3A_53] : memref<3x!tpu.dma_semaphore, #tpu.memory_space<semaphore_mem>> -> memref<1x!tpu.dma_semaphore, #tpu.memory_space<semaphore_mem>>
      %dma_wait3A_64 = tpu.memref_squeeze %dma_wait3A_63 : memref<1x!tpu.dma_semaphore, #tpu.memory_space<semaphore_mem>> -> memref<!tpu.dma_semaphore, #tpu.memory_space<semaphore_mem>>
      tpu.wait_indirect_dma semaphore(%dma_wait3A_64 : memref<!tpu.dma_semaphore, #tpu.memory_space<semaphore_mem>>) src(%dma_wait3A_56 : memref<77x512xf32, #tpu.memory_space<vmem>>) dst(%dma_wait3A_62 : memref<77000x512xf32, #tpu.memory_space<hbm>>)
    } else {
    }
    return
  }
}

</mosaic_0001>

<sc_bundles>
// kernel: kernel.3.cloned.1.call-start
scs
__scs_entry_jumppad:
0x0: {  	(pc) =	sbr.rel $0x88, $3  }
0x1: {  	(tag) =	ssettag $0x0;
	lr =	simm.s32 $0x1  }
0x2: {  	[smem:$0x3F9E] =	sst lr;
	_ =	strace $0xD0000000  }
0x3: {  	_ = 	snop  }
0x4: {  	_ = 	snop  }
0x5: {  	_ = 	snop  }
0x6: {  	_ = 	snop  }
0x7: {  	_ = 	snop  }
__scs_overlays_trampoline_lowered:
0x8: {  	[smem:$0x3FAD] =	sst s0  }
0x9: {  	[smem:$0x3FAE] =	sst s1  }
0xa: {  	[smem:$0x3FAF] =	sst s2  }
0xb: {  	[smem:$0x3FB0] =	sst s3  }
0xc: {  	[smem:$0x3FB1] =	sst s4  }
0xd: {  	[smem:$0x3FB2] =	sst s5  }
0xe: {  	[smem:$0x3FB3] =	sst s6  }
0xf: {  	[smem:$0x3FB4] =	sst s7  }
0x10: {  	[smem:$0x3FB5] =	sst s8  }
0x11: {  	[smem:$0x3FB6] =	sst s9;
	s0 =	simm.s32 @!p0 $0x0  }
0x12: {  	s1 =	sld [smem:$0x3F9C];
	s0 =	simm.s32 @p0 $0x1  }
0x13: {  	[smem:$0x3FB7] =	sst s0;
	s0 =	simm.s32 @!p1 $0x0  }
0x14: {  	s2 =	sld [smem:$0x3F9B];
	s0 =	simm.s32 @p1 $0x1  }
0x15: {  	[smem:$0x3FB8] =	sst s0;
	s0 =	simm.s32 @!p2 $0x0  }
0x16: {  	s3 =	sld [smem:$0x3FDB];
	s0 =	simm.s32 @p2 $0x1  }
0x17: {  	s4 =	simm.s32 $0x1BF5;
	[smem:$0x3FBA] =	sst s0  }
0x18: {  	s0 =	sld [smem:$0x3F9D];
	_ =	swait.ge [sflag:s4], $0x0  }
0x19: {  	s7 =	sld [smem:$0x3F9E]  }
0x1a: {  	s8 =	sadd.s32 $0xFFFFE003, lr  }
0x1b: {  	s9 =	sadd.s32 $0xFFFFFEF7, lr;
	s5 =	simm.s32 $0xFFFFFFFF;
	p2 =	slt.u32 s8, $0xFFFFF086  }
0x1c: {  	p1 =	slt.u32 s9, $0xF7A;
	s5 =	simm.s32 @!p2 $0x0  }
0x1d: {  	s5 =	simm.s32 @p1 $0x1;
	p0 =	seq.s32 s7, s2  }
0x1e: {  	s7 =	smul.u32 @!p0 $0xF7A, s2;
	p2 =	seq.s32 @!p0 s5, $0x0  }
0x1f: {  	s9 =	smul.u32 $0xF7A, s1;
	s8 =	simm.s32 @!p0 $0x1BF5;
	p2 =	por !p2, p0  }
0x20: {  	[sflag:s8] =	ssyncset.s32 @!p0 $0xFFFFF086;
	s6 =	sadd.s32 @!p0 s3, s7;
	s7 =	simm.s32 @!p0 $0x108  }
0x21: {  	s3 =	sadd.s32 s3, s9;
	s6 =	sadd.s32 @!p0 $0x88, s6;
	s7 =	simm.s32 @p2 $0x1082  }
0x22: {  	[simem:s7], [sflag:s8] =	dma.local @!p0 [hbm:s6], $0xF7A  }
0x23: {  	s9 =	sor.u32 $0xD0000000, s2;
	s6 =	simm.s32 $0x108;
	_ =	swait.ge @!p0 [sflag:s8], $0x0  }
0x24: {  	s3 =	sadd.s32 $0x88, s3;
	s6 =	simm.s32 @!p1 $0x1082;
	[sflag:s4] =	ssyncset.s32 $0xFFFFF086  }
0x25: {  	[simem:s6], [sflag:s4] =	dma.local [hbm:s3], $0xF7A  }
0x26: {  	[smem:$0x3F9E] =	sst s1;
	(tag) =	ssettag s2;
	_ =	strace s9  }
0x27: {  	s1 =	sld [smem:$0x3FAE]  }
0x28: {  	s2 =	sld [smem:$0x3FAF]  }
0x29: {  	s4 =	sld [smem:$0x3FB1]  }
0x2a: {  	p0 =	seq.s32 s5, $0x0;
	s5 =	sld [smem:$0x3FB2]  }
0x2b: {  	s6 =	sld [smem:$0x3FB3]  }
0x2c: {  	s7 =	sld [smem:$0x3FB4]  }
0x2d: {  	s3 =	simm.s32 $0x108;
	s8 =	sld [smem:$0x3FB5]  }
0x2e: {  	s3 =	simm.s32 @!p0 $0x1082;
	s9 =	sld [smem:$0x3FB6]  }
0x2f: {  	lr =	sadd.s32 s0, s3;
	s0 =	sld [smem:$0x3FAD]  }
0x30: {  	s3 =	sld [smem:$0x3FB0]  }
0x31: {  	[smem:$0x3FB9] =	sst s10  }
0x32: {  	s10 =	sld [smem:$0x3FB7];
	_ =	sdelay $0x3  }
0x33: {  	p0 =	seq.s32 s10, $0x1;
	s10 =	sld [smem:$0x3FB9];
	_ =	sdelay $0x3  }
0x34: {  	[smem:$0x3FB9] =	sst s10  }
0x35: {  	s10 =	sld [smem:$0x3FB8];
	_ =	sdelay $0x3  }
0x36: {  	p1 =	seq.s32 s10, $0x1;
	s10 =	sld [smem:$0x3FB9];
	_ =	sdelay $0x3  }
0x37: {  	[smem:$0x3FB9] =	sst s10  }
0x38: {  	s10 =	sld [smem:$0x3FBA]  }
0x39: {  	_ = 	snop;
	(pc) =	sbr.ind lr, $3  }
0x3a: {  	_ = 	snop  }
0x3b: {  	_ = 	snop  }
0x3c: {  	p2 =	seq.s32 s10, $0x1;
	s10 =	sld [smem:$0x3FB9]  }
0x3d: {  	_ =	shalt  }
0x3e: {  	_ =	shalt  }
0x3f: {  	_ =	shalt  }
0x40: {  	_ =	shalt  }
0x41: {  	_ =	shalt  }
0x42: {  	_ =	shalt  }
0x43: {  	_ =	shalt  }
0x44: {  	_ =	shalt  }
0x45: {  	_ =	shalt  }
0x46: {  	_ =	shalt  }
0x47: {  	_ =	shalt  }
0x48: {  	_ =	shalt  }
0x49: {  	_ =	shalt  }
0x4a: {  	_ =	shalt  }
0x4b: {  	_ =	shalt  }
0x4c: {  	_ =	shalt  }
0x4d: {  	_ =	shalt  }
0x4e: {  	_ =	shalt  }
0x4f: {  	_ =	shalt  }
0x50: {  	_ =	shalt  }
0x51: {  	_ =	shalt  }
0x52: {  	_ =	shalt  }
0x53: {  	_ =	shalt  }
0x54: {  	_ =	shalt  }
0x55: {  	_ =	shalt  }
0x56: {  	_ =	shalt  }
0x57: {  	_ =	shalt  }
0x58: {  	_ =	shalt  }
0x59: {  	_ =	shalt  }
0x5a: {  	_ =	shalt  }
0x5b: {  	_ =	shalt  }
0x5c: {  	_ =	shalt  }
0x5d: {  	_ =	shalt  }
0x5e: {  	_ =	shalt  }
0x5f: {  	_ =	shalt  }
0x60: {  	_ =	shalt  }
0x61: {  	_ =	shalt  }
0x62: {  	_ =	shalt  }
0x63: {  	_ =	shalt  }
0x64: {  	_ =	shalt  }
0x65: {  	_ =	shalt  }
0x66: {  	_ =	shalt  }
0x67: {  	_ =	shalt  }
0x68: {  	_ =	shalt  }
0x69: {  	_ =	shalt  }
0x6a: {  	_ =	shalt  }
0x6b: {  	_ =	shalt  }
0x6c: {  	_ =	shalt  }
0x6d: {  	_ =	shalt  }
0x6e: {  	_ =	shalt  }
0x6f: {  	_ =	shalt  }
0x70: {  	_ =	shalt  }
0x71: {  	_ =	shalt  }
0x72: {  	_ =	shalt  }
0x73: {  	_ =	shalt  }
0x74: {  	_ =	shalt  }
0x75: {  	_ =	shalt  }
0x76: {  	_ =	shalt  }
0x77: {  	_ =	shalt  }
0x78: {  	_ =	shalt  }
0x79: {  	_ =	shalt  }
0x7a: {  	_ =	shalt  }
0x7b: {  	_ =	shalt  }
0x7c: {  	_ =	shalt  }
0x7d: {  	_ =	shalt  }
0x7e: {  	_ =	shalt  }
0x7f: {  	_ =	shalt  }
0x80: {  	_ =	shalt  }
0x81: {  	_ =	shalt  }
0x82: {  	_ =	shalt  }
0x83: {  	_ =	shalt  }
0x84: {  	_ =	shalt  }
0x85: {  	_ =	shalt  }
0x86: {  	_ =	shalt  }
0x87: {  	_ =	shalt  }
.Lfunc_end0:
.L_simem_size_0:
called_computation_lowered:
.L_overlay_start_0:
0x88: {  	s2 =	sld [smem:$0x3FD9]  }
0x89: {  	s3 =	sld [smem:$0x3FFE];
	_ =	sdelay $0x1  }
0x8a: {  	s1 =	srdreg.scid  }
0x8b: {  	s0 =	sand.u32 $0x1, s1  }
0x8c: {  	s17 =	sshll.u32 s0, $0xA;
	s2 =	sadd.s32 s3, s2  }
0x8d: {  	s2 =	sadd.s32 s2, s17  }
0x8e: {  	[smem:$0x3FC5] =	sst s2  }
0x8f: {  	_ = 	snop  }
0x90: {  	s2 =	sld [smem:$0x3FC8]  }
0x91: {  	s18 =	sld [smem:$0x3FC7]  }
0x92: {  	s4 =	sld [smem:$0x3FD0];
	(tm) =	ssettm $0x1  }
0x93: {  	s5 =	sld [smem:$0x3FFB];
	_ =	sdelay $0x3  }
0x94: {  	_ =	strace s5  }
0x95: {  	s5 =	sld [smem:$0x3FFC];
	_ =	sdelay $0x3  }
0x96: {  	_ =	strace s5  }
0x97: {  	s5 =	sld [smem:$0x3FFD];
	_ =	sdelay $0x3  }
0x98: {  	_ =	strace s5  }
0x99: {  	_ =	strace $0x8FFFFFFF  }
0x9a: {  	s19 =	sld [smem:$0x3FDB];
	_ =	sdelay $0x1  }
0x9b: {  	s6 =	simm.s32 $_scs_section_size  }
0x9c: {  	s7 =	simm.s32 $_size__tile_overlayer_lowered;
	s8 =	simm.s32 $_tile_overlayer_lowered  }
0x9d: {  	s22 =	simm.s32 $0x1BFF;
	s21 =	sshll.u32 s8, $0x1;
	s5 =	sadd.s32 s6, s19  }
0x9e: {  	s9 =	simm.s32 $0x0;
	s20 =	sshll.u32 s7, $0x1;
	s7 =	sadd.s32 s21, s5  }
0x9f: {  	[timem:s9], [sflag:s22] =	dma.local [hbm:s7], s20  }
0xa0: {  	_ =	swait.ge [sflag:s22], s20  }
0xa1: {  	s6 =	ssub.s32 $0x0, s20;
	[sflag:s22] =	ssyncset.done $0x0  }
0xa2: {  	[sflag:s22] =	ssyncadd.s32 s6;
	_ =	sdelay $0x1  }
0xa3: {  	s23 =	simm.s32 $0x1B8B  }
0xa4: {  	_ =	swait.ge [sflag:s23], $0x1  }
0xa5: {  	[sflag:s23] =	ssyncset.done $0x0  }
0xa6: {  	s25 =	simm.s32 $0x1B8E;
	s24 =	sld [smem:$0x3FFE];
	[sflag:s23] =	ssyncadd.s32 $0xFFFFFFFF  }
0xa7: {  	s26 =	simm.s32 $execute0_lowered;
	[smem:$0x3FD2] =	sst s25  }
0xa8: {  	s7 =	sshll.u32 s26, $0x1;
	_ =	strace $0x80000046;
	[dreg:$0x1] =	wrdreg $0xFFFFFFFF  }
0xa9: {  	s28 =	simm.s32 $_size_execute0_lowered;
	s5 =	sadd.s32 s5, s7;
	[dreg:$0x0] =	wrdreg $0x0  }
0xaa: {  	s7 =	sshll.u32 s28, $0x1;
	[dreg:$0x2] =	wrdreg s5  }
0xab: {  	[dreg:$0x3] =	wrdreg s7  }
0xac: {  	[dreg:$0x4] =	wrdreg $0xC0  }
0xad: {  	_ =	task [dreg:s9], $0x5FFFF  }
0xae: {  	[dreg:$0x1] =	wrdreg $0xFFFFFFFF  }
0xaf: {  	[dreg:$0x0] =	wrdreg $0x60  }
0xb0: {  	[dreg:$0x2] =	wrdreg s24  }
0xb1: {  	[dreg:$0x3] =	wrdreg s2  }
0xb2: {  	[dreg:$0x4] =	wrdreg s18  }
0xb3: {  	[dreg:$0x5] =	wrdreg s4  }
0xb4: {  	[dreg:$0x6] =	wrdreg $0x9  }
0xb5: {  	_ =	task.clear_ibuf [dreg:s9], $0x7FFFF;
	_ =	strace $0x90000046  }
0xb6: {  	s29 =	simm.s32 $0x9;
	_ =	strace $0x80000048  }
0xb7: {  	_ =	swait.ge [sflag:s29], $0x1  }
0xb8: {  	[sflag:s29] =	ssyncadd.s32 $0xFFFFFFFF  }
0xb9: {  	_ =	strace $0x90000048  }
0xba: {  	_ =	sfence  }
0xbb: {  	s30 =	sld [smem:$0x0];
	_ =	sdelay $0x2  }
0xbc: {  	s31 =	sshll.u32 s1, $0xD;
	s1 =	sshrl.u32 s1, $0x2  }
0xbd: {  	s3 =	sand.u32 $0x4000, s31;
	s1 =	sadd.s32 s1, s30  }
0xbe: {  	s0 =	sor.u32 s3, s0;
	s1 =	sshll.u32 s1, $0x11  }
0xbf: {  	s0 =	sor.u32 s1, s0  }
0xc0: {  	s0 =	sadd.s32 $0x8F2B, s0  }
0xc1: {  	[sflag:s0] =	ssyncadd.remote.s32 $0x1  }
0xc2: {  	_ =	sfence.sel $0xFFFF  }
0xc3: {  	[dreg:$0x0] =	wrdreg $0xFFFFFFFF;
	(pc) =	sbr.abs _section_cstart, $3  }
0xc4: {  	[dreg:$0x1] =	wrdreg $0xFFFFFFFF  }
0xc5: {  	_ =	task.clear_ibuf [dreg:s9], $0x2FFFF;
	_ =	strace $0x9FFFFFFF  }
0xc6: {  	(tm) =	ssettm $0x7FFFFFFF  }
0xc7: {  	_ =	shalt  }
tec
execute0_lowered:
.L_overlay_start_1:
0x0: {  	(tag) =	ssettag $0x1  }
0x1: {  	s0 =	rddreg [dreg:$0x0]  }
0x2: {  	s1 =	rddreg [dreg:$0x1];
	s2 =	srdreg.scid  }
0x3: {  	s4 =	rddreg [dreg:$0x3];
	s3 =	stileid.u32;
	s2 =	sand.u32 $0x1, s2  }
0x4: {  	s5 =	simm.s32 $0x0;
	s3 =	sshll.u32 s3, $0x6;
	s6 =	sshll.u32 s2, $0x5  }
0x5: {  	s20 =	simm.s32 $0x7;
	s30 =	simm.s32 $0x13000;
	s6 =	sor.u32 s6, s3  }
0x6: {  	s31 =	simm.s32 $0x13800;
	s2 =	ssub.s32 $0x2, s2;
	s7 =	sxor.u32 $0x3E8, s6  }
0x7: {  	[smem:$0x7FF] =	sst s5;
	s9 =	sshrl.u32 s2, $0x1;
	s7 =	smin.u32 s7, $0x20  }
0x8: {  	s3 =	smin.u32 s6, $0x3C8;
	s2 =	ssub.s32 s2, s9;
	s15 =	sadd.s32 $0xFFFFFFFD, s7  }
0x9: {  	s8 =	sshll.u32 s3, $0x4;
	s16 =	sadd.s32 $0xFFFFFFFE, s7;
	s26 =	smulhi.u32 $0xAAAAAAAB, s15  }
0xa: {  	s0 =	sadd.s32 s8, s0;
	s17 =	sadd.s32 $0xFFFFFFFF, s7;
	s28 =	smulhi.u32 $0xAAAAAAAB, s16  }
0xb: {  	s8 =	ssub.s32 s6, s3;
	s12 =	smulhi.u32 $0xAAAAAAAB, s17;
	s3 =	sshrl.u32 s26, $0x1  }
0xc: {  	s9 =	sadd.s32 $0x400, s0;
	s0 =	sshrl.u32 s28, $0x1;
	s3 =	smul.u32 $0x3, s3  }
0xd: {  	s10 =	sshll.u32 s8, $0x9;
	s14 =	sshrl.u32 s12, $0x1;
	s0 =	smul.u32 $0x3, s0  }
0xe: {  	s11 =	sadd.s32 $0x100, s1;
	s10 =	sshra.s32 s10, $0x2;
	s18 =	smul.u32 $0x3, s14  }
.Ltmp0:
0xf: {  	v3 =	vlaneseq.u32;
	vm0 =	vmmov $0xffff;
	_ =	strace $0x80000047;
	s12 =	sor.u32 $0x40, s10;
	(pc) =	sbr.rel .LBB2_1-.Ltmp0, $4  }
0x10: {  	vm1 =	vcmask $0x3320;
	vm2 =	vcmask $0x1300;
	v2 =	vmul.u32 $0x3E8, v3;
	s13 =	sor.u32 $0xC0, s10;
	s14 =	sadd.s32 $0x100, s4;
	s3 =	ssub.s32 s15, s3  }
0x11: {  	v1 =	vshrl.u32 v3, $0x3;
	v0 =	vand.u32 $0x7, v3;
	v3 =	vor.u32 $0x8, v3;
	s0 =	ssub.s32 s16, s0;
	s29 =	ssub.s32 s17, s18;
	s18 =	smax.u32 s2, $0x1  }
0x12: {  	vm1 =	vmor vm2, vm1;
	v1 =	vmul.u32 $0x8, v1;
	v4 =	vadd.s32 $0x3E80, v2;
	s2 =	simm.s32 $0x0;
	s15 =	sor.u32 $0x4, s3;
	s16 =	sor.u32 $0x4, s0  }
0x13: {  	v5 =	vadd.s32 $0x7D00, v2;
	v6 =	vadd.s32 $0xBB80, v2;
	v7 =	vadd.s32 $0xEE48, v2;
	s17 =	sor.u32 $0x4, s29;
	s0 =	simm.s32 $0x14000;
	s3 =	simm.s32 $0x14800  }
.LBB2_5:
0x14: {  	_ =	swait.ge [sflag:s15], $0x9A00  }
0x15: {  	[sflag:s15] =	ssyncset.done $0x0  }
0x16: {  	s2 =	sadd.s32 $0x1, s2;
	[sflag:s15] =	ssyncadd.s32 $0xFFFF6600  }
0x17: {  	p0 =	sne.s32 s2, s18;
	_ =	swait.ge [sflag:s16], $0x9A00  }
.Ltmp1:
0x18: {  	[sflag:s16] =	ssyncset.done $0x0;
	(pc) =	sbr.rel @!p0 .LBB2_6-.Ltmp1, $4  }
0x19: {  	[sflag:s16] =	ssyncadd.s32 $0xFFFF6600  }
0x1a: {  	_ =	swait.ge [sflag:s17], $0x9A00  }
0x1b: {  	[sflag:s17] =	ssyncset.done $0x0  }
0x1c: {  	[sflag:s17] =	ssyncadd.s32 $0xFFFF6600  }
.LBB2_1:
0x1d: {  	s19 =	rddreg [dreg:$0x2];
	s21 =	simm.s32 $0x1F000  }
0x1e: {  	[tilespmem:s21], [sflag:$0x7] =	stream.linear.gather [hbm4b:s19+s5], $0x800, $0x38;
	[tilespmem:$0x1FA00] =	vst v63  }
0x1f: {  	_ =	swait.ge [sflag:s20], $0x800  }
0x20: {  	[sflag:s20] =	ssyncset.done $0x0  }
0x21: {  	[sflag:s20] =	ssyncadd.s32 $0xFFFFF800  }
0x22: {  	[tilespmem:s5], [sflag:$0x7] =	stream.linear.gather [hbm4b:s9+s5], $0x1000, $0x38;
	[tilespmem:$0x1FA00] =	vst v63  }
0x23: {  	_ =	swait.ge [sflag:s20], $0x1000  }
0x24: {  	[sflag:s20] =	ssyncset.done $0x0  }
0x25: {  	[sflag:s20] =	ssyncadd.s32 $0xFFFFF000  }
0x26: {  	v8 =	vld [tilespmem:s10+$0x0];
	_ =	sdelay $0x4  }
0x27: {  	v9 =	vshll.u32 v8, $0x2  }
0x28: {  	v8 =	vand.u32 $0x7, v8;
	v9 =	vand.u32 $0xFFFFFFE0, v9  }
0x29: {  	v8 =	vor.u32 v8, v9  }
0x2a: {  	v9 =	vperm.xlane v8, v0;
	_ =	sdelay $0x1  }
0x2b: {  	v9 =	vadd.s32 v1, v9;
	_ =	sdelay $0x1  }
0x2c: {  	v8 =	vperm.xlane v8, v3;
	_ =	sdelay $0x1  }
0x2d: {  	s25 =	simm.s32 $0x1000;
	v8 =	vadd.s32 v1, v8  }
0x2e: {  	[tilespmem:s25], [sflag:$0x1] =	stream.indirect_vreg.gather [hbm4b:s1+s5], $0x80, v9, vm0, $0xb8;
	[tilespmem:$0x1FA00] =	vst v63  }
0x2f: {  	s26 =	simm.s32 $0x1800  }
0x30: {  	[tilespmem:s26], [sflag:$0x1] =	stream.indirect_vreg.gather [hbm4b:s11+s5], $0x80, v9, vm0, $0xb8;
	[tilespmem:$0x1FA00] =	vst v63  }
0x31: {  	s28 =	simm.s32 $0x2000  }
0x32: {  	[tilespmem:s28], [sflag:$0x1] =	stream.indirect_vreg.gather [hbm4b:s1+s5], $0x80, v8, vm0, $0xb8;
	[tilespmem:$0x1FA00] =	vst v63  }
0x33: {  	s29 =	simm.s32 $0x2800  }
0x34: {  	[tilespmem:s29], [sflag:$0x1] =	stream.indirect_vreg.gather [hbm4b:s11+s5], $0x80, v8, vm0, $0xb8;
	[tilespmem:$0x1FA00] =	vst v63  }
0x35: {  	v8 =	vld [tilespmem:s10+$0x10];
	_ =	sdelay $0x4  }
0x36: {  	v55 =	vshll.u32 v8, $0x2  }
0x37: {  	v8 =	vand.u32 $0x7, v8;
	v9 =	vand.u32 $0xFFFFFFE0, v55  }
0x38: {  	v8 =	vor.u32 v8, v9  }
0x39: {  	v9 =	vperm.xlane v8, v0;
	_ =	sdelay $0x1  }
0x3a: {  	v9 =	vadd.s32 v1, v9;
	_ =	sdelay $0x1  }
0x3b: {  	v8 =	vperm.xlane v8, v3;
	_ =	sdelay $0x1  }
0x3c: {  	s21 =	simm.s32 $0x3000;
	v8 =	vadd.s32 v1, v8  }
0x3d: {  	[tilespmem:s21], [sflag:$0x1] =	stream.indirect_vreg.gather [hbm4b:s1+s5], $0x80, v9, vm0, $0xb8;
	[tilespmem:$0x1FA00] =	vst v63  }
0x3e: {  	s22 =	simm.s32 $0x3800  }
0x3f: {  	[tilespmem:s22], [sflag:$0x1] =	stream.indirect_vreg.gather [hbm4b:s11+s5], $0x80, v9, vm0, $0xb8;
	[tilespmem:$0x1FA00] =	vst v63  }
0x40: {  	s23 =	simm.s32 $0x4000  }
0x41: {  	[tilespmem:s23], [sflag:$0x1] =	stream.indirect_vreg.gather [hbm4b:s1+s5], $0x80, v8, vm0, $0xb8;
	[tilespmem:$0x1FA00] =	vst v63  }
0x42: {  	s24 =	simm.s32 $0x4800  }
0x43: {  	[tilespmem:s24], [sflag:$0x1] =	stream.indirect_vreg.gather [hbm4b:s11+s5], $0x80, v8, vm0, $0xb8;
	[tilespmem:$0x1FA00] =	vst v63  }
0x44: {  	v8 =	vld [tilespmem:s10+$0x20];
	_ =	sdelay $0x4  }
0x45: {  	v56 =	vshll.u32 v8, $0x2  }
0x46: {  	v8 =	vand.u32 $0x7, v8;
	v9 =	vand.u32 $0xFFFFFFE0, v56  }
0x47: {  	v8 =	vor.u32 v8, v9  }
0x48: {  	v9 =	vperm.xlane v8, v0;
	_ =	sdelay $0x1  }
0x49: {  	v9 =	vadd.s32 v1, v9;
	_ =	sdelay $0x1  }
0x4a: {  	v8 =	vperm.xlane v8, v3;
	_ =	sdelay $0x1  }
0x4b: {  	s25 =	simm.s32 $0x5000;
	v8 =	vadd.s32 v1, v8  }
0x4c: {  	[tilespmem:s25], [sflag:$0x1] =	stream.indirect_vreg.gather [hbm4b:s1+s5], $0x80, v9, vm0, $0xb8;
	[tilespmem:$0x1FA00] =	vst v63  }
0x4d: {  	s26 =	simm.s32 $0x5800  }
0x4e: {  	[tilespmem:s26], [sflag:$0x1] =	stream.indirect_vreg.gather [hbm4b:s11+s5], $0x80, v9, vm0, $0xb8;
	[tilespmem:$0x1FA00] =	vst v63  }
0x4f: {  	s28 =	simm.s32 $0x6000  }
0x50: {  	[tilespmem:s28], [sflag:$0x1] =	stream.indirect_vreg.gather [hbm4b:s1+s5], $0x80, v8, vm0, $0xb8;
	[tilespmem:$0x1FA00] =	vst v63  }
0x51: {  	s29 =	simm.s32 $0x6800  }
0x52: {  	[tilespmem:s29], [sflag:$0x1] =	stream.indirect_vreg.gather [hbm4b:s11+s5], $0x80, v8, vm0, $0xb8;
	[tilespmem:$0x1FA00] =	vst v63  }
0x53: {  	v8 =	vld [tilespmem:s10+$0x30];
	_ =	sdelay $0x4  }
0x54: {  	v57 =	vshll.u32 v8, $0x2  }
0x55: {  	v8 =	vand.u32 $0x7, v8;
	v9 =	vand.u32 $0xFFFFFFE0, v57  }
0x56: {  	v8 =	vor.u32 v8, v9  }
0x57: {  	v9 =	vperm.xlane v8, v0;
	_ =	sdelay $0x1  }
0x58: {  	v9 =	vadd.s32 v1, v9;
	_ =	sdelay $0x1  }
0x59: {  	v8 =	vperm.xlane v8, v3;
	_ =	sdelay $0x1  }
0x5a: {  	s21 =	simm.s32 $0x7000;
	v8 =	vadd.s32 v1, v8  }
0x5b: {  	[tilespmem:s21], [sflag:$0x1] =	stream.indirect_vreg.gather [hbm4b:s1+s5], $0x80, v9, vm0, $0xb8;
	[tilespmem:$0x1FA00] =	vst v63  }
0x5c: {  	s22 =	simm.s32 $0x7800  }
0x5d: {  	[tilespmem:s22], [sflag:$0x1] =	stream.indirect_vreg.gather [hbm4b:s11+s5], $0x80, v9, vm0, $0xb8;
	[tilespmem:$0x1FA00] =	vst v63  }
0x5e: {  	s23 =	simm.s32 $0x8000  }
0x5f: {  	[tilespmem:s23], [sflag:$0x1] =	stream.indirect_vreg.gather [hbm4b:s1+s5], $0x80, v8, vm0, $0xb8;
	[tilespmem:$0x1FA00] =	vst v63  }
0x60: {  	s24 =	simm.s32 $0x8800  }
0x61: {  	[tilespmem:s24], [sflag:$0x1] =	stream.indirect_vreg.gather [hbm4b:s11+s5], $0x80, v8, vm0, $0xb8;
	[tilespmem:$0x1FA00] =	vst v63  }
0x62: {  	v8 =	vld.msk [tilespmem:s12+$0x0], $0x1fff;
	_ =	sdelay $0x4  }
0x63: {  	v58 =	vshll.u32 v8, $0x2  }
0x64: {  	v8 =	vand.u32 $0x7, v8;
	v9 =	vand.u32 $0xFFFFFFE0, v58  }
0x65: {  	v8 =	vor.u32 v8, v9  }
0x66: {  	v9 =	vperm.xlane v8, v0;
	_ =	sdelay $0x1  }
0x67: {  	v9 =	vadd.s32 v1, v9;
	_ =	sdelay $0x1  }
0x68: {  	v8 =	vperm.xlane v8, v3;
	_ =	sdelay $0x1  }
0x69: {  	s25 =	simm.s32 $0x9000;
	v8 =	vadd.s32 v1, v8  }
0x6a: {  	[tilespmem:s25], [sflag:$0x1] =	stream.indirect_vreg.gather [hbm4b:s1+s5], $0x80, v9, vm0, $0xb8;
	[tilespmem:$0x1FA00] =	vst v63  }
0x6b: {  	s26 =	simm.s32 $0x9800  }
0x6c: {  	[tilespmem:s26], [sflag:$0x1] =	stream.indirect_vreg.gather [hbm4b:s11+s5], $0x80, v9, vm0, $0xb8;
	[tilespmem:$0x1FA00] =	vst v63  }
0x6d: {  	s28 =	simm.s32 $0xA000  }
0x6e: {  	[tilespmem:s28], [sflag:$0x1] =	stream.indirect_vreg.gather [hbm4b:s1+s5], $0x80, v8, vm1, $0xb8;
	[tilespmem:$0x1FA00] =	vst v63  }
0x6f: {  	s29 =	simm.s32 $0xA800  }
0x70: {  	[tilespmem:s29], [sflag:$0x1] =	stream.indirect_vreg.gather [hbm4b:s11+s5], $0x80, v8, vm1, $0xb8;
	[tilespmem:$0x1FA00] =	vst v63  }
0x71: {  	v8 =	vld [tilespmem:s10+$0x80];
	_ =	sdelay $0x4  }
0x72: {  	v59 =	vshll.u32 v8, $0x2  }
0x73: {  	v8 =	vand.u32 $0x7, v8;
	v9 =	vand.u32 $0xFFFFFFE0, v59  }
0x74: {  	v8 =	vor.u32 v8, v9  }
0x75: {  	v9 =	vperm.xlane v8, v0;
	_ =	sdelay $0x1  }
0x76: {  	v9 =	vadd.s32 v1, v9;
	_ =	sdelay $0x1  }
0x77: {  	v8 =	vperm.xlane v8, v3;
	_ =	sdelay $0x1  }
0x78: {  	s21 =	simm.s32 $0xB000;
	v8 =	vadd.s32 v1, v8  }
0x79: {  	[tilespmem:s21], [sflag:$0x2] =	stream.indirect_vreg.gather [hbm4b:s1+s5], $0x80, v9, vm0, $0xb8;
	[tilespmem:$0x1FA00] =	vst v63  }
0x7a: {  	s22 =	simm.s32 $0xB800  }
0x7b: {  	[tilespmem:s22], [sflag:$0x2] =	stream.indirect_vreg.gather [hbm4b:s11+s5], $0x80, v9, vm0, $0xb8;
	[tilespmem:$0x1FA00] =	vst v63  }
0x7c: {  	s23 =	simm.s32 $0xC000  }
0x7d: {  	[tilespmem:s23], [sflag:$0x2] =	stream.indirect_vreg.gather [hbm4b:s1+s5], $0x80, v8, vm0, $0xb8;
	[tilespmem:$0x1FA00] =	vst v63  }
0x7e: {  	s24 =	simm.s32 $0xC800  }
0x7f: {  	[tilespmem:s24], [sflag:$0x2] =	stream.indirect_vreg.gather [hbm4b:s11+s5], $0x80, v8, vm0, $0xb8;
	[tilespmem:$0x1FA00] =	vst v63  }
0x80: {  	v8 =	vld [tilespmem:s10+$0x90];
	_ =	sdelay $0x4  }
0x81: {  	v60 =	vshll.u32 v8, $0x2  }
0x82: {  	v8 =	vand.u32 $0x7, v8;
	v9 =	vand.u32 $0xFFFFFFE0, v60  }
0x83: {  	v8 =	vor.u32 v8, v9  }
0x84: {  	v9 =	vperm.xlane v8, v0;
	_ =	sdelay $0x1  }
0x85: {  	v9 =	vadd.s32 v1, v9;
	_ =	sdelay $0x1  }
0x86: {  	v8 =	vperm.xlane v8, v3;
	_ =	sdelay $0x1  }
0x87: {  	s25 =	simm.s32 $0xD000;
	v8 =	vadd.s32 v1, v8  }
0x88: {  	[tilespmem:s25], [sflag:$0x2] =	stream.indirect_vreg.gather [hbm4b:s1+s5], $0x80, v9, vm0, $0xb8;
	[tilespmem:$0x1FA00] =	vst v63  }
0x89: {  	s26 =	simm.s32 $0xD800  }
0x8a: {  	[tilespmem:s26], [sflag:$0x2] =	stream.indirect_vreg.gather [hbm4b:s11+s5], $0x80, v9, vm0, $0xb8;
	[tilespmem:$0x1FA00] =	vst v63  }
0x8b: {  	s28 =	simm.s32 $0xE000  }
0x8c: {  	[tilespmem:s28], [sflag:$0x2] =	stream.indirect_vreg.gather [hbm4b:s1+s5], $0x80, v8, vm0, $0xb8;
	[tilespmem:$0x1FA00] =	vst v63  }
0x8d: {  	s29 =	simm.s32 $0xE800  }
0x8e: {  	[tilespmem:s29], [sflag:$0x2] =	stream.indirect_vreg.gather [hbm4b:s11+s5], $0x80, v8, vm0, $0xb8;
	[tilespmem:$0x1FA00] =	vst v63  }
0x8f: {  	v8 =	vld [tilespmem:s10+$0xA0];
	_ =	sdelay $0x4  }
0x90: {  	v61 =	vshll.u32 v8, $0x2  }
0x91: {  	v8 =	vand.u32 $0x7, v8;
	v9 =	vand.u32 $0xFFFFFFE0, v61  }
0x92: {  	v8 =	vor.u32 v8, v9  }
0x93: {  	v9 =	vperm.xlane v8, v0;
	_ =	sdelay $0x1  }
0x94: {  	v9 =	vadd.s32 v1, v9;
	_ =	sdelay $0x1  }
0x95: {  	v8 =	vperm.xlane v8, v3;
	_ =	sdelay $0x1  }
0x96: {  	s21 =	simm.s32 $0xF000;
	v8 =	vadd.s32 v1, v8  }
0x97: {  	[tilespmem:s21], [sflag:$0x2] =	stream.indirect_vreg.gather [hbm4b:s1+s5], $0x80, v9, vm0, $0xb8;
	[tilespmem:$0x1FA00] =	vst v63  }
0x98: {  	s22 =	simm.s32 $0xF800  }
0x99: {  	[tilespmem:s22], [sflag:$0x2] =	stream.indirect_vreg.gather [hbm4b:s11+s5], $0x80, v9, vm0, $0xb8;
	[tilespmem:$0x1FA00] =	vst v63  }
0x9a: {  	s23 =	simm.s32 $0x10000  }
0x9b: {  	[tilespmem:s23], [sflag:$0x2] =	stream.indirect_vreg.gather [hbm4b:s1+s5], $0x80, v8, vm0, $0xb8;
	[tilespmem:$0x1FA00] =	vst v63  }
0x9c: {  	s24 =	simm.s32 $0x10800  }
0x9d: {  	[tilespmem:s24], [sflag:$0x2] =	stream.indirect_vreg.gather [hbm4b:s11+s5], $0x80, v8, vm0, $0xb8;
	[tilespmem:$0x1FA00] =	vst v63  }
0x9e: {  	v8 =	vld [tilespmem:s10+$0xB0];
	_ =	sdelay $0x4  }
0x9f: {  	v62 =	vshll.u32 v8, $0x2  }
0xa0: {  	v8 =	vand.u32 $0x7, v8;
	v9 =	vand.u32 $0xFFFFFFE0, v62  }
0xa1: {  	v8 =	vor.u32 v8, v9  }
0xa2: {  	v9 =	vperm.xlane v8, v0;
	_ =	sdelay $0x1  }
0xa3: {  	v9 =	vadd.s32 v1, v9;
	_ =	sdelay $0x1  }
0xa4: {  	v8 =	vperm.xlane v8, v3;
	_ =	sdelay $0x1  }
0xa5: {  	s25 =	simm.s32 $0x11000;
	v8 =	vadd.s32 v1, v8  }
0xa6: {  	[tilespmem:s25], [sflag:$0x2] =	stream.indirect_vreg.gather [hbm4b:s1+s5], $0x80, v9, vm0, $0xb8;
	[tilespmem:$0x1FA00] =	vst v63  }
0xa7: {  	s26 =	simm.s32 $0x11800  }
0xa8: {  	[tilespmem:s26], [sflag:$0x2] =	stream.indirect_vreg.gather [hbm4b:s11+s5], $0x80, v9, vm0, $0xb8;
	[tilespmem:$0x1FA00] =	vst v63  }
0xa9: {  	s28 =	simm.s32 $0x12000  }
0xaa: {  	[tilespmem:s28], [sflag:$0x2] =	stream.indirect_vreg.gather [hbm4b:s1+s5], $0x80, v8, vm0, $0xb8;
	[tilespmem:$0x1FA00] =	vst v63  }
0xab: {  	s29 =	simm.s32 $0x12800  }
0xac: {  	[tilespmem:s29], [sflag:$0x2] =	stream.indirect_vreg.gather [hbm4b:s11+s5], $0x80, v8, vm0, $0xb8;
	[tilespmem:$0x1FA00] =	vst v63  }
0xad: {  	v8 =	vld.msk [tilespmem:s13+$0x0], $0x1fff;
	_ =	sdelay $0x4  }
0xae: {  	v63 =	vshll.u32 v8, $0x2  }
0xaf: {  	v8 =	vand.u32 $0x7, v8;
	v9 =	vand.u32 $0xFFFFFFE0, v63  }
0xb0: {  	v8 =	vor.u32 v8, v9  }
0xb1: {  	v9 =	vperm.xlane v8, v0;
	_ =	sdelay $0x1  }
0xb2: {  	v9 =	vadd.s32 v1, v9;
	_ =	sdelay $0x2  }
0xb3: {  	v8 =	vperm.xlane v8, v3;
	_ =	sdelay $0x1  }
0xb4: {  	v8 =	vadd.s32 v1, v8;
	[tilespmem:s30], [sflag:$0x2] =	stream.indirect_vreg.gather [hbm4b:s1+s5], $0x80, v9, vm0, $0xb8;
	[tilespmem:$0x1FA00] =	vst v63  }
0xb5: {  	_ = 	snop  }
0xb6: {  	[tilespmem:s31], [sflag:$0x2] =	stream.indirect_vreg.gather [hbm4b:s11+s5], $0x80, v9, vm0, $0xb8;
	[tilespmem:$0x1FA00] =	vst v63  }
.Ltmp2:
0xb7: {  	_ = 	snop;
	(pc) =	sbr.rel .LBB2_2-.Ltmp2, $4  }
0xb8: {  	_ = 	snop  }
0xb9: {  	[tilespmem:s0], [sflag:$0x2] =	stream.indirect_vreg.gather [hbm4b:s1+s5], $0x80, v8, vm1, $0xb8;
	[tilespmem:$0x1FA00] =	vst v63  }
0xba: {  	s19 =	simm.s32 $0x0  }
0xbb: {  	[tilespmem:s3], [sflag:$0x2] =	stream.indirect_vreg.gather [hbm4b:s11+s5], $0x80, v8, vm1, $0xb8;
	[tilespmem:$0x1FA00] =	vst v63  }
.LBB2_4:
0xbc: {  	s19 =	sadd.s32 $0x1, s19  }
0xbd: {  	p0 =	sne.s32 s19, s7  }
.Ltmp3:
0xbe: {  	_ = 	snop;
	(pc) =	sbr.rel @!p0 .LBB2_5-.Ltmp3, $1  }
0xbf: {  	_ =	sdelay $0x3  }
.LBB2_2:
0xc0: {  	s21 =	smulhi.u32 $0xAAAAAAAB, s19;
	_ =	sdelay $0x1  }
0xc1: {  	s21 =	sshrl.u32 s21, $0x1  }
0xc2: {  	s21 =	smul.u32 $0x3, s21;
	_ =	sdelay $0x1  }
0xc3: {  	s22 =	ssub.s32 s19, s21  }
0xc4: {  	s21 =	sadd.s32 $0x1, s22  }
0xc5: {  	_ =	swait.ge [sflag:s21], $0x9A00  }
0xc6: {  	[sflag:s21] =	ssyncset.done $0x0  }
0xc7: {  	[sflag:s21] =	ssyncadd.s32 $0xFFFF6600  }
0xc8: {  	v8 =	vld [tilespmem:$0x1F000];
	_ =	sdelay $0x1  }
0xc9: {  	s28 =	smul.u32 $0x28000, s22;
	_ =	sdelay $0x1  }
0xca: {  	s21 =	sshrl.u32 s28, $0x2  }
0xcb: {  	[tilespmem:s21+$0x1080] =	vst v8  }
0xcc: {  	v8 =	vld [tilespmem:$0x1F010];
	_ =	sdelay $0x4  }
0xcd: {  	[tilespmem:s21+$0x1090] =	vst v8  }
0xce: {  	v8 =	vld [tilespmem:$0x1F020];
	_ =	sdelay $0x4  }
0xcf: {  	[tilespmem:s21+$0x10A0] =	vst v8  }
0xd0: {  	v8 =	vld [tilespmem:$0x1F030];
	_ =	sdelay $0x4  }
0xd1: {  	[tilespmem:s21+$0x10B0] =	vst v8  }
0xd2: {  	v8 =	vld [tilespmem:$0x1F040];
	_ =	sdelay $0x4  }
0xd3: {  	[tilespmem:s21+$0x10C0] =	vst v8  }
0xd4: {  	v8 =	vld [tilespmem:$0x1F050];
	_ =	sdelay $0x4  }
0xd5: {  	[tilespmem:s21+$0x10D0] =	vst v8  }
0xd6: {  	v8 =	vld [tilespmem:$0x1F060];
	_ =	sdelay $0x4  }
0xd7: {  	[tilespmem:s21+$0x10E0] =	vst v8  }
0xd8: {  	v8 =	vld [tilespmem:$0x1F070];
	_ =	sdelay $0x4  }
0xd9: {  	[tilespmem:s21+$0x10F0] =	vst v8  }
0xda: {  	v8 =	vld [tilespmem:$0x1F200];
	_ =	sdelay $0x4  }
0xdb: {  	[tilespmem:s21+$0x1480] =	vst v8  }
0xdc: {  	v8 =	vld [tilespmem:$0x1F210];
	_ =	sdelay $0x4  }
0xdd: {  	[tilespmem:s21+$0x1490] =	vst v8  }
0xde: {  	v8 =	vld [tilespmem:$0x1F220];
	_ =	sdelay $0x4  }
0xdf: {  	[tilespmem:s21+$0x14A0] =	vst v8  }
0xe0: {  	v8 =	vld [tilespmem:$0x1F230];
	_ =	sdelay $0x4  }
0xe1: {  	[tilespmem:s21+$0x14B0] =	vst v8  }
0xe2: {  	v8 =	vld [tilespmem:$0x1F240];
	_ =	sdelay $0x4  }
0xe3: {  	[tilespmem:s21+$0x14C0] =	vst v8  }
0xe4: {  	v8 =	vld [tilespmem:$0x1F250];
	_ =	sdelay $0x4  }
0xe5: {  	[tilespmem:s21+$0x14D0] =	vst v8  }
0xe6: {  	v8 =	vld [tilespmem:$0x1F260];
	_ =	sdelay $0x4  }
0xe7: {  	[tilespmem:s21+$0x14E0] =	vst v8  }
0xe8: {  	v8 =	vld [tilespmem:$0x1F270];
	_ =	sdelay $0x4  }
0xe9: {  	[tilespmem:s21+$0x14F0] =	vst v8  }
0xea: {  	v8 =	vld [tilespmem:$0x1F400];
	_ =	sdelay $0x4  }
0xeb: {  	[tilespmem:s21+$0x1880] =	vst v8  }
0xec: {  	v8 =	vld [tilespmem:$0x1F410];
	_ =	sdelay $0x4  }
0xed: {  	[tilespmem:s21+$0x1890] =	vst v8  }
0xee: {  	v8 =	vld [tilespmem:$0x1F420];
	_ =	sdelay $0x4  }
0xef: {  	[tilespmem:s21+$0x18A0] =	vst v8  }
0xf0: {  	v8 =	vld [tilespmem:$0x1F430];
	_ =	sdelay $0x4  }
0xf1: {  	[tilespmem:s21+$0x18B0] =	vst v8  }
0xf2: {  	v8 =	vld [tilespmem:$0x1F440];
	_ =	sdelay $0x4  }
0xf3: {  	[tilespmem:s21+$0x18C0] =	vst v8  }
0xf4: {  	v8 =	vld [tilespmem:$0x1F450];
	_ =	sdelay $0x4  }
0xf5: {  	[tilespmem:s21+$0x18D0] =	vst v8  }
0xf6: {  	v8 =	vld [tilespmem:$0x1F460];
	_ =	sdelay $0x4  }
0xf7: {  	[tilespmem:s21+$0x18E0] =	vst v8  }
0xf8: {  	v8 =	vld [tilespmem:$0x1F470];
	_ =	sdelay $0x4  }
0xf9: {  	[tilespmem:s21+$0x18F0] =	vst v8  }
0xfa: {  	v8 =	vld [tilespmem:$0x1F600];
	_ =	sdelay $0x4  }
0xfb: {  	[tilespmem:s21+$0x1C80] =	vst v8  }
0xfc: {  	v8 =	vld [tilespmem:$0x1F610];
	_ =	sdelay $0x4  }
0xfd: {  	[tilespmem:s21+$0x1C90] =	vst v8  }
0xfe: {  	v8 =	vld [tilespmem:$0x1F620];
	_ =	sdelay $0x4  }
0xff: {  	[tilespmem:s21+$0x1CA0] =	vst v8  }
0x100: {  	v8 =	vld [tilespmem:$0x1F630];
	_ =	sdelay $0x4  }
0x101: {  	[tilespmem:s21+$0x1CB0] =	vst v8  }
0x102: {  	v8 =	vld [tilespmem:$0x1F640];
	_ =	sdelay $0x4  }
0x103: {  	[tilespmem:s21+$0x1CC0] =	vst v8  }
0x104: {  	v8 =	vld [tilespmem:$0x1F650];
	_ =	sdelay $0x4  }
0x105: {  	[tilespmem:s21+$0x1CD0] =	vst v8  }
0x106: {  	v8 =	vld [tilespmem:$0x1F660];
	_ =	sdelay $0x4  }
0x107: {  	[tilespmem:s21+$0x1CE0] =	vst v8  }
0x108: {  	v8 =	vld [tilespmem:$0x1F670];
	_ =	sdelay $0x4  }
0x109: {  	[tilespmem:s21+$0x1CF0] =	vst v8  }
0x10a: {  	v8 =	vld [tilespmem:$0x1F080];
	_ =	sdelay $0x4  }
0x10b: {  	[tilespmem:s21+$0x1100] =	vst v8  }
0x10c: {  	v8 =	vld [tilespmem:$0x1F090];
	_ =	sdelay $0x4  }
0x10d: {  	[tilespmem:s21+$0x1110] =	vst v8  }
0x10e: {  	v8 =	vld [tilespmem:$0x1F0A0];
	_ =	sdelay $0x4  }
0x10f: {  	[tilespmem:s21+$0x1120] =	vst v8  }
0x110: {  	v8 =	vld [tilespmem:$0x1F0B0];
	_ =	sdelay $0x4  }
0x111: {  	[tilespmem:s21+$0x1130] =	vst v8  }
0x112: {  	v8 =	vld [tilespmem:$0x1F0C0];
	_ =	sdelay $0x4  }
0x113: {  	[tilespmem:s21+$0x1140] =	vst v8  }
0x114: {  	v8 =	vld [tilespmem:$0x1F0D0];
	_ =	sdelay $0x4  }
0x115: {  	[tilespmem:s21+$0x1150] =	vst v8  }
0x116: {  	v8 =	vld [tilespmem:$0x1F0E0];
	_ =	sdelay $0x4  }
0x117: {  	[tilespmem:s21+$0x1160] =	vst v8  }
0x118: {  	v8 =	vld [tilespmem:$0x1F0F0];
	_ =	sdelay $0x4  }
0x119: {  	[tilespmem:s21+$0x1170] =	vst v8  }
0x11a: {  	v8 =	vld [tilespmem:$0x1F280];
	_ =	sdelay $0x4  }
0x11b: {  	[tilespmem:s21+$0x1500] =	vst v8  }
0x11c: {  	v8 =	vld [tilespmem:$0x1F290];
	_ =	sdelay $0x4  }
0x11d: {  	[tilespmem:s21+$0x1510] =	vst v8  }
0x11e: {  	v8 =	vld [tilespmem:$0x1F2A0];
	_ =	sdelay $0x4  }
0x11f: {  	[tilespmem:s21+$0x1520] =	vst v8  }
0x120: {  	v8 =	vld [tilespmem:$0x1F2B0];
	_ =	sdelay $0x4  }
0x121: {  	[tilespmem:s21+$0x1530] =	vst v8  }
0x122: {  	v8 =	vld [tilespmem:$0x1F2C0];
	_ =	sdelay $0x4  }
0x123: {  	[tilespmem:s21+$0x1540] =	vst v8  }
0x124: {  	v8 =	vld [tilespmem:$0x1F2D0];
	_ =	sdelay $0x4  }
0x125: {  	[tilespmem:s21+$0x1550] =	vst v8  }
0x126: {  	v8 =	vld [tilespmem:$0x1F2E0];
	_ =	sdelay $0x4  }
0x127: {  	[tilespmem:s21+$0x1560] =	vst v8  }
0x128: {  	v8 =	vld [tilespmem:$0x1F2F0];
	_ =	sdelay $0x4  }
0x129: {  	[tilespmem:s21+$0x1570] =	vst v8  }
0x12a: {  	v8 =	vld [tilespmem:$0x1F480];
	_ =	sdelay $0x4  }
0x12b: {  	[tilespmem:s21+$0x1900] =	vst v8  }
0x12c: {  	v8 =	vld [tilespmem:$0x1F490];
	_ =	sdelay $0x4  }
0x12d: {  	[tilespmem:s21+$0x1910] =	vst v8  }
0x12e: {  	v8 =	vld [tilespmem:$0x1F4A0];
	_ =	sdelay $0x4  }
0x12f: {  	[tilespmem:s21+$0x1920] =	vst v8  }
0x130: {  	v8 =	vld [tilespmem:$0x1F4B0];
	_ =	sdelay $0x4  }
0x131: {  	[tilespmem:s21+$0x1930] =	vst v8  }
0x132: {  	v8 =	vld [tilespmem:$0x1F4C0];
	_ =	sdelay $0x4  }
0x133: {  	[tilespmem:s21+$0x1940] =	vst v8  }
0x134: {  	v8 =	vld [tilespmem:$0x1F4D0];
	_ =	sdelay $0x4  }
0x135: {  	[tilespmem:s21+$0x1950] =	vst v8  }
0x136: {  	v8 =	vld [tilespmem:$0x1F4E0];
	_ =	sdelay $0x4  }
0x137: {  	[tilespmem:s21+$0x1960] =	vst v8  }
0x138: {  	v8 =	vld [tilespmem:$0x1F4F0];
	_ =	sdelay $0x4  }
0x139: {  	[tilespmem:s21+$0x1970] =	vst v8  }
0x13a: {  	v8 =	vld [tilespmem:$0x1F680];
	_ =	sdelay $0x4  }
0x13b: {  	[tilespmem:s21+$0x1D00] =	vst v8  }
0x13c: {  	v8 =	vld [tilespmem:$0x1F690];
	_ =	sdelay $0x4  }
0x13d: {  	[tilespmem:s21+$0x1D10] =	vst v8  }
0x13e: {  	v8 =	vld [tilespmem:$0x1F6A0];
	_ =	sdelay $0x4  }
0x13f: {  	[tilespmem:s21+$0x1D20] =	vst v8  }
0x140: {  	v8 =	vld [tilespmem:$0x1F6B0];
	_ =	sdelay $0x4  }
0x141: {  	[tilespmem:s21+$0x1D30] =	vst v8  }
0x142: {  	v8 =	vld [tilespmem:$0x1F6C0];
	_ =	sdelay $0x4  }
0x143: {  	[tilespmem:s21+$0x1D40] =	vst v8  }
0x144: {  	v8 =	vld [tilespmem:$0x1F6D0];
	_ =	sdelay $0x4  }
0x145: {  	[tilespmem:s21+$0x1D50] =	vst v8  }
0x146: {  	v8 =	vld [tilespmem:$0x1F6E0];
	_ =	sdelay $0x4  }
0x147: {  	[tilespmem:s21+$0x1D60] =	vst v8  }
0x148: {  	v8 =	vld [tilespmem:$0x1F6F0];
	_ =	sdelay $0x4  }
0x149: {  	[tilespmem:s21+$0x1D70] =	vst v8  }
0x14a: {  	v8 =	vld [tilespmem:$0x1F100];
	_ =	sdelay $0x4  }
0x14b: {  	[tilespmem:s21+$0x1180] =	vst v8  }
0x14c: {  	v8 =	vld [tilespmem:$0x1F110];
	_ =	sdelay $0x4  }
0x14d: {  	[tilespmem:s21+$0x1190] =	vst v8  }
0x14e: {  	v8 =	vld [tilespmem:$0x1F120];
	_ =	sdelay $0x4  }
0x14f: {  	[tilespmem:s21+$0x11A0] =	vst v8  }
0x150: {  	v8 =	vld [tilespmem:$0x1F130];
	_ =	sdelay $0x4  }
0x151: {  	[tilespmem:s21+$0x11B0] =	vst v8  }
0x152: {  	v8 =	vld [tilespmem:$0x1F140];
	_ =	sdelay $0x4  }
0x153: {  	[tilespmem:s21+$0x11C0] =	vst v8  }
0x154: {  	v8 =	vld [tilespmem:$0x1F150];
	_ =	sdelay $0x4  }
0x155: {  	[tilespmem:s21+$0x11D0] =	vst v8  }
0x156: {  	v8 =	vld [tilespmem:$0x1F160];
	_ =	sdelay $0x4  }
0x157: {  	[tilespmem:s21+$0x11E0] =	vst v8  }
0x158: {  	v8 =	vld [tilespmem:$0x1F170];
	_ =	sdelay $0x4  }
0x159: {  	[tilespmem:s21+$0x11F0] =	vst v8  }
0x15a: {  	v8 =	vld [tilespmem:$0x1F300];
	_ =	sdelay $0x4  }
0x15b: {  	[tilespmem:s21+$0x1580] =	vst v8  }
0x15c: {  	v8 =	vld [tilespmem:$0x1F310];
	_ =	sdelay $0x4  }
0x15d: {  	[tilespmem:s21+$0x1590] =	vst v8  }
0x15e: {  	v8 =	vld [tilespmem:$0x1F320];
	_ =	sdelay $0x4  }
0x15f: {  	[tilespmem:s21+$0x15A0] =	vst v8  }
0x160: {  	v8 =	vld [tilespmem:$0x1F330];
	_ =	sdelay $0x4  }
0x161: {  	[tilespmem:s21+$0x15B0] =	vst v8  }
0x162: {  	v8 =	vld [tilespmem:$0x1F340];
	_ =	sdelay $0x4  }
0x163: {  	[tilespmem:s21+$0x15C0] =	vst v8  }
0x164: {  	v8 =	vld [tilespmem:$0x1F350];
	_ =	sdelay $0x4  }
0x165: {  	[tilespmem:s21+$0x15D0] =	vst v8  }
0x166: {  	v8 =	vld [tilespmem:$0x1F360];
	_ =	sdelay $0x4  }
0x167: {  	[tilespmem:s21+$0x15E0] =	vst v8  }
0x168: {  	v8 =	vld [tilespmem:$0x1F370];
	_ =	sdelay $0x4  }
0x169: {  	[tilespmem:s21+$0x15F0] =	vst v8  }
0x16a: {  	v8 =	vld [tilespmem:$0x1F500];
	_ =	sdelay $0x4  }
0x16b: {  	[tilespmem:s21+$0x1980] =	vst v8  }
0x16c: {  	v8 =	vld [tilespmem:$0x1F510];
	_ =	sdelay $0x4  }
0x16d: {  	[tilespmem:s21+$0x1990] =	vst v8  }
0x16e: {  	v8 =	vld [tilespmem:$0x1F520];
	_ =	sdelay $0x4  }
0x16f: {  	[tilespmem:s21+$0x19A0] =	vst v8  }
0x170: {  	v8 =	vld [tilespmem:$0x1F530];
	_ =	sdelay $0x4  }
0x171: {  	[tilespmem:s21+$0x19B0] =	vst v8  }
0x172: {  	v8 =	vld [tilespmem:$0x1F540];
	_ =	sdelay $0x4  }
0x173: {  	[tilespmem:s21+$0x19C0] =	vst v8  }
0x174: {  	v8 =	vld [tilespmem:$0x1F550];
	_ =	sdelay $0x4  }
0x175: {  	[tilespmem:s21+$0x19D0] =	vst v8  }
0x176: {  	v8 =	vld [tilespmem:$0x1F560];
	_ =	sdelay $0x4  }
0x177: {  	[tilespmem:s21+$0x19E0] =	vst v8  }
0x178: {  	v8 =	vld [tilespmem:$0x1F570];
	_ =	sdelay $0x4  }
0x179: {  	[tilespmem:s21+$0x19F0] =	vst v8  }
0x17a: {  	v8 =	vld [tilespmem:$0x1F700];
	_ =	sdelay $0x4  }
0x17b: {  	[tilespmem:s21+$0x1D80] =	vst v8  }
0x17c: {  	v8 =	vld [tilespmem:$0x1F710];
	_ =	sdelay $0x4  }
0x17d: {  	[tilespmem:s21+$0x1D90] =	vst v8  }
0x17e: {  	v8 =	vld [tilespmem:$0x1F720];
	_ =	sdelay $0x4  }
0x17f: {  	[tilespmem:s21+$0x1DA0] =	vst v8  }
0x180: {  	v8 =	vld [tilespmem:$0x1F730];
	_ =	sdelay $0x4  }
0x181: {  	[tilespmem:s21+$0x1DB0] =	vst v8  }
0x182: {  	v8 =	vld [tilespmem:$0x1F740];
	_ =	sdelay $0x4  }
0x183: {  	[tilespmem:s21+$0x1DC0] =	vst v8  }
0x184: {  	v8 =	vld [tilespmem:$0x1F750];
	_ =	sdelay $0x4  }
0x185: {  	[tilespmem:s21+$0x1DD0] =	vst v8  }
0x186: {  	v8 =	vld [tilespmem:$0x1F760];
	_ =	sdelay $0x4  }
0x187: {  	[tilespmem:s21+$0x1DE0] =	vst v8  }
0x188: {  	v8 =	vld [tilespmem:$0x1F770];
	_ =	sdelay $0x4  }
0x189: {  	[tilespmem:s21+$0x1DF0] =	vst v8  }
0x18a: {  	v8 =	vld [tilespmem:$0x1F180];
	_ =	sdelay $0x4  }
0x18b: {  	[tilespmem:s21+$0x1200] =	vst v8  }
0x18c: {  	v8 =	vld [tilespmem:$0x1F190];
	_ =	sdelay $0x4  }
0x18d: {  	[tilespmem:s21+$0x1210] =	vst v8  }
0x18e: {  	v8 =	vld [tilespmem:$0x1F1A0];
	_ =	sdelay $0x4  }
0x18f: {  	[tilespmem:s21+$0x1220] =	vst v8  }
0x190: {  	v8 =	vld [tilespmem:$0x1F1B0];
	_ =	sdelay $0x4  }
0x191: {  	[tilespmem:s21+$0x1230] =	vst v8  }
0x192: {  	v8 =	vld [tilespmem:$0x1F1C0];
	_ =	sdelay $0x4  }
0x193: {  	[tilespmem:s21+$0x1240] =	vst v8  }
0x194: {  	v8 =	vld [tilespmem:$0x1F1D0];
	_ =	sdelay $0x4  }
0x195: {  	[tilespmem:s21+$0x1250] =	vst v8  }
0x196: {  	v8 =	vld [tilespmem:$0x1F1E0];
	_ =	sdelay $0x4  }
0x197: {  	[tilespmem:s21+$0x1260] =	vst v8  }
0x198: {  	v8 =	vld [tilespmem:$0x1F1F0];
	_ =	sdelay $0x4  }
0x199: {  	[tilespmem:s21+$0x1270] =	vst v8  }
0x19a: {  	v8 =	vld [tilespmem:$0x1F380];
	_ =	sdelay $0x4  }
0x19b: {  	[tilespmem:s21+$0x1600] =	vst v8  }
0x19c: {  	v8 =	vld [tilespmem:$0x1F390];
	_ =	sdelay $0x4  }
0x19d: {  	[tilespmem:s21+$0x1610] =	vst v8  }
0x19e: {  	v8 =	vld [tilespmem:$0x1F3A0];
	_ =	sdelay $0x4  }
0x19f: {  	[tilespmem:s21+$0x1620] =	vst v8  }
0x1a0: {  	v8 =	vld [tilespmem:$0x1F3B0];
	_ =	sdelay $0x4  }
0x1a1: {  	[tilespmem:s21+$0x1630] =	vst v8  }
0x1a2: {  	v8 =	vld [tilespmem:$0x1F3C0];
	_ =	sdelay $0x4  }
0x1a3: {  	[tilespmem:s21+$0x1640] =	vst v8  }
0x1a4: {  	v8 =	vld [tilespmem:$0x1F3D0];
	_ =	sdelay $0x4  }
0x1a5: {  	[tilespmem:s21+$0x1650] =	vst v8  }
0x1a6: {  	v8 =	vld [tilespmem:$0x1F3E0];
	_ =	sdelay $0x4  }
0x1a7: {  	[tilespmem:s21+$0x1660] =	vst v8  }
0x1a8: {  	v8 =	vld [tilespmem:$0x1F3F0];
	_ =	sdelay $0x4  }
0x1a9: {  	[tilespmem:s21+$0x1670] =	vst v8  }
0x1aa: {  	v8 =	vld [tilespmem:$0x1F580];
	_ =	sdelay $0x4  }
0x1ab: {  	[tilespmem:s21+$0x1A00] =	vst v8  }
0x1ac: {  	v8 =	vld [tilespmem:$0x1F590];
	_ =	sdelay $0x4  }
0x1ad: {  	[tilespmem:s21+$0x1A10] =	vst v8  }
0x1ae: {  	v8 =	vld [tilespmem:$0x1F5A0];
	_ =	sdelay $0x4  }
0x1af: {  	[tilespmem:s21+$0x1A20] =	vst v8  }
0x1b0: {  	v8 =	vld [tilespmem:$0x1F5B0];
	_ =	sdelay $0x4  }
0x1b1: {  	[tilespmem:s21+$0x1A30] =	vst v8  }
0x1b2: {  	v8 =	vld [tilespmem:$0x1F5C0];
	_ =	sdelay $0x4  }
0x1b3: {  	[tilespmem:s21+$0x1A40] =	vst v8  }
0x1b4: {  	v8 =	vld [tilespmem:$0x1F5D0];
	_ =	sdelay $0x4  }
0x1b5: {  	[tilespmem:s21+$0x1A50] =	vst v8  }
0x1b6: {  	v8 =	vld [tilespmem:$0x1F5E0];
	_ =	sdelay $0x4  }
0x1b7: {  	[tilespmem:s21+$0x1A60] =	vst v8  }
0x1b8: {  	v8 =	vld [tilespmem:$0x1F5F0];
	_ =	sdelay $0x4  }
0x1b9: {  	[tilespmem:s21+$0x1A70] =	vst v8  }
0x1ba: {  	v8 =	vld [tilespmem:$0x1F780];
	_ =	sdelay $0x4  }
0x1bb: {  	[tilespmem:s21+$0x1E00] =	vst v8  }
0x1bc: {  	v8 =	vld [tilespmem:$0x1F790];
	_ =	sdelay $0x4  }
0x1bd: {  	[tilespmem:s21+$0x1E10] =	vst v8  }
0x1be: {  	v8 =	vld [tilespmem:$0x1F7A0];
	_ =	sdelay $0x4  }
0x1bf: {  	[tilespmem:s21+$0x1E20] =	vst v8  }
0x1c0: {  	v8 =	vld [tilespmem:$0x1F7B0];
	_ =	sdelay $0x4  }
0x1c1: {  	[tilespmem:s21+$0x1E30] =	vst v8  }
0x1c2: {  	v8 =	vld [tilespmem:$0x1F7C0];
	_ =	sdelay $0x4  }
0x1c3: {  	[tilespmem:s21+$0x1E40] =	vst v8  }
0x1c4: {  	v8 =	vld [tilespmem:$0x1F7D0];
	_ =	sdelay $0x4  }
0x1c5: {  	[tilespmem:s21+$0x1E50] =	vst v8  }
0x1c6: {  	v8 =	vld [tilespmem:$0x1F7E0];
	_ =	sdelay $0x4  }
0x1c7: {  	s24 =	sadd.s32 s6, s19;
	[tilespmem:s21+$0x1E60] =	vst v8  }
0x1c8: {  	v9 =	vadd.s32 s24, v2;
	v8 =	vld [tilespmem:$0x1F7F0]  }
0x1c9: {  	v10 =	vmov s24;
	v11 =	vshll.u32 v9, $0x2  }
0x1ca: {  	v10 =	vand.u32 $0x7, v10;
	v11 =	vand.u32 $0xFFFFFFE0, v11  }
0x1cb: {  	v10 =	vor.u32 v10, v11  }
0x1cc: {  	v11 =	vperm.xlane v10, v0;
	s23 =	sshll.u32 s22, $0x7  }
0x1cd: {  	s25 =	sor.u32 $0x1F800, s23;
	[tilespmem:s21+$0x1E70] =	vst v8  }
0x1ce: {  	v59 =	vadd.s32 v1, v11;
	v8 =	vadd.s32 s24, v4;
	[tilespmem:s25+$0x0] =	vst v9;
	s25 =	sor.u32 $0x1F810, s23  }
0x1cf: {  	s26 =	sor.u32 $0x1F820, s23;
	[tilespmem:s25+$0x0] =	vst v8;
	v8 =	vadd.s32 s24, v5  }
0x1d0: {  	v10 =	vperm.xlane v10, v3;
	s28 =	sor.u32 $0x1F830, s23;
	[tilespmem:s26+$0x0] =	vst v8;
	v8 =	vadd.s32 s24, v6  }
0x1d1: {  	[tilespmem:s28+$0x0] =	vst v8;
	v8 =	vadd.s32 s24, v7;
	s24 =	sor.u32 $0x1F83D, s23  }
0x1d2: {  	s22 =	sor.u32 $0x4, s22;
	s29 =	sor.u32 $0x1000, s21;
	[tilespmem:s24+$0x0] =	vst v8;
	v8 =	vadd.s32 v1, v10  }
0x1d3: {  	[hbm4b:s4+s5] =	stream.indirect_vreg.scatter [tilespmem:s29], [sflag:s22], $0x80, v59, vm0, $0xb8;
	[tilespmem:$0x1FA00] =	vst v63  }
0x1d4: {  	s29 =	sor.u32 $0x1800, s21  }
0x1d5: {  	[hbm4b:s14+s5] =	stream.indirect_vreg.scatter [tilespmem:s29], [sflag:s22], $0x80, v59, vm0, $0xb8;
	[tilespmem:$0x1FA00] =	vst v63  }
0x1d6: {  	s29 =	sadd.s32 $0x2000, s21  }
0x1d7: {  	[hbm4b:s4+s5] =	stream.indirect_vreg.scatter [tilespmem:s29], [sflag:s22], $0x80, v8, vm0, $0xb8;
	[tilespmem:$0x1FA00] =	vst v63  }
0x1d8: {  	s29 =	sadd.s32 $0x2800, s21  }
0x1d9: {  	[hbm4b:s14+s5] =	stream.indirect_vreg.scatter [tilespmem:s29], [sflag:s22], $0x80, v8, vm0, $0xb8;
	[tilespmem:$0x1FA00] =	vst v63  }
0x1da: {  	v8 =	vld [tilespmem:s25+$0x0];
	_ =	sdelay $0x4  }
0x1db: {  	v60 =	vshll.u32 v8, $0x2  }
0x1dc: {  	v8 =	vand.u32 $0x7, v8;
	v9 =	vand.u32 $0xFFFFFFE0, v60  }
0x1dd: {  	v8 =	vor.u32 v8, v9  }
0x1de: {  	v9 =	vperm.xlane v8, v0;
	_ =	sdelay $0x1  }
0x1df: {  	v9 =	vadd.s32 v1, v9;
	_ =	sdelay $0x1  }
0x1e0: {  	v8 =	vperm.xlane v8, v3;
	_ =	sdelay $0x1  }
0x1e1: {  	s25 =	sadd.s32 $0x3000, s21;
	v8 =	vadd.s32 v1, v8  }
0x1e2: {  	[hbm4b:s4+s5] =	stream.indirect_vreg.scatter [tilespmem:s25], [sflag:s22], $0x80, v9, vm0, $0xb8;
	[tilespmem:$0x1FA00] =	vst v63  }
0x1e3: {  	s29 =	sadd.s32 $0x3800, s21  }
0x1e4: {  	[hbm4b:s14+s5] =	stream.indirect_vreg.scatter [tilespmem:s29], [sflag:s22], $0x80, v9, vm0, $0xb8;
	[tilespmem:$0x1FA00] =	vst v63  }
0x1e5: {  	s25 =	sadd.s32 $0x4000, s21  }
0x1e6: {  	[hbm4b:s4+s5] =	stream.indirect_vreg.scatter [tilespmem:s25], [sflag:s22], $0x80, v8, vm0, $0xb8;
	[tilespmem:$0x1FA00] =	vst v63  }
0x1e7: {  	s29 =	sadd.s32 $0x4800, s21  }
0x1e8: {  	[hbm4b:s14+s5] =	stream.indirect_vreg.scatter [tilespmem:s29], [sflag:s22], $0x80, v8, vm0, $0xb8;
	[tilespmem:$0x1FA00] =	vst v63  }
0x1e9: {  	v8 =	vld [tilespmem:s26+$0x0];
	_ =	sdelay $0x4  }
0x1ea: {  	v61 =	vshll.u32 v8, $0x2  }
0x1eb: {  	v8 =	vand.u32 $0x7, v8;
	v9 =	vand.u32 $0xFFFFFFE0, v61  }
0x1ec: {  	v8 =	vor.u32 v8, v9  }
0x1ed: {  	v9 =	vperm.xlane v8, v0;
	_ =	sdelay $0x1  }
0x1ee: {  	v9 =	vadd.s32 v1, v9;
	_ =	sdelay $0x1  }
0x1ef: {  	v8 =	vperm.xlane v8, v3;
	_ =	sdelay $0x1  }
0x1f0: {  	s25 =	sadd.s32 $0x5000, s21;
	v8 =	vadd.s32 v1, v8  }
0x1f1: {  	[hbm4b:s4+s5] =	stream.indirect_vreg.scatter [tilespmem:s25], [sflag:s22], $0x80, v9, vm0, $0xb8;
	[tilespmem:$0x1FA00] =	vst v63  }
0x1f2: {  	s26 =	sadd.s32 $0x5800, s21  }
0x1f3: {  	[hbm4b:s14+s5] =	stream.indirect_vreg.scatter [tilespmem:s26], [sflag:s22], $0x80, v9, vm0, $0xb8;
	[tilespmem:$0x1FA00] =	vst v63  }
0x1f4: {  	s29 =	sadd.s32 $0x6000, s21  }
0x1f5: {  	[hbm4b:s4+s5] =	stream.indirect_vreg.scatter [tilespmem:s29], [sflag:s22], $0x80, v8, vm0, $0xb8;
	[tilespmem:$0x1FA00] =	vst v63  }
0x1f6: {  	s25 =	sadd.s32 $0x6800, s21  }
0x1f7: {  	[hbm4b:s14+s5] =	stream.indirect_vreg.scatter [tilespmem:s25], [sflag:s22], $0x80, v8, vm0, $0xb8;
	[tilespmem:$0x1FA00] =	vst v63  }
0x1f8: {  	v8 =	vld [tilespmem:s28+$0x0];
	_ =	sdelay $0x4  }
0x1f9: {  	v62 =	vshll.u32 v8, $0x2  }
0x1fa: {  	v8 =	vand.u32 $0x7, v8;
	v9 =	vand.u32 $0xFFFFFFE0, v62  }
0x1fb: {  	v8 =	vor.u32 v8, v9  }
0x1fc: {  	v9 =	vperm.xlane v8, v0;
	_ =	sdelay $0x1  }
0x1fd: {  	v9 =	vadd.s32 v1, v9;
	_ =	sdelay $0x1  }
0x1fe: {  	v8 =	vperm.xlane v8, v3;
	_ =	sdelay $0x1  }
0x1ff: {  	s26 =	sadd.s32 $0x7000, s21;
	v8 =	vadd.s32 v1, v8  }
0x200: {  	[hbm4b:s4+s5] =	stream.indirect_vreg.scatter [tilespmem:s26], [sflag:s22], $0x80, v9, vm0, $0xb8;
	[tilespmem:$0x1FA00] =	vst v63  }
0x201: {  	s28 =	sadd.s32 $0x7800, s21  }
0x202: {  	[hbm4b:s14+s5] =	stream.indirect_vreg.scatter [tilespmem:s28], [sflag:s22], $0x80, v9, vm0, $0xb8;
	[tilespmem:$0x1FA00] =	vst v63  }
0x203: {  	s29 =	sadd.s32 $0x8000, s21  }
0x204: {  	[hbm4b:s4+s5] =	stream.indirect_vreg.scatter [tilespmem:s29], [sflag:s22], $0x80, v8, vm0, $0xb8;
	[tilespmem:$0x1FA00] =	vst v63  }
0x205: {  	s23 =	sor.u32 $0x1F840, s23;
	s25 =	sadd.s32 $0x8800, s21  }
0x206: {  	[hbm4b:s14+s5] =	stream.indirect_vreg.scatter [tilespmem:s25], [sflag:s22], $0x80, v8, vm0, $0xb8;
	[tilespmem:$0x1FA00] =	vst v63  }
0x207: {  	v8 =	vld.msk [tilespmem:s23+$0x0], $0x1fff;
	_ =	sdelay $0x4  }
0x208: {  	v63 =	vshll.u32 v8, $0x2  }
0x209: {  	v8 =	vand.u32 $0x7, v8;
	v9 =	vand.u32 $0xFFFFFFE0, v63  }
0x20a: {  	v8 =	vor.u32 v8, v9  }
0x20b: {  	v9 =	vperm.xlane v8, v0;
	_ =	sdelay $0x1  }
0x20c: {  	v9 =	vadd.s32 v1, v9;
	_ =	sdelay $0x1  }
0x20d: {  	v8 =	vperm.xlane v8, v3;
	_ =	sdelay $0x1  }
0x20e: {  	s26 =	sadd.s32 $0x9000, s21;
	v8 =	vadd.s32 v1, v8  }
0x20f: {  	[hbm4b:s4+s5] =	stream.indirect_vreg.scatter [tilespmem:s26], [sflag:s22], $0x80, v9, vm0, $0xb8;
	[tilespmem:$0x1FA00] =	vst v63  }
0x210: {  	s28 =	sadd.s32 $0x9800, s21  }
0x211: {  	[hbm4b:s14+s5] =	stream.indirect_vreg.scatter [tilespmem:s28], [sflag:s22], $0x80, v9, vm0, $0xb8;
	[tilespmem:$0x1FA00] =	vst v63  }
0x212: {  	s29 =	sadd.s32 $0xA000, s21  }
0x213: {  	[hbm4b:s4+s5] =	stream.indirect_vreg.scatter [tilespmem:s29], [sflag:s22], $0x80, v8, vm1, $0xb8;
	[tilespmem:$0x1FA00] =	vst v63  }
0x214: {  	s21 =	sadd.s32 $0xA800, s21  }
0x215: {  	[hbm4b:s14+s5] =	stream.indirect_vreg.scatter [tilespmem:s21], [sflag:s22], $0x80, v8, vm1, $0xb8;
	[tilespmem:$0x1FA00] =	vst v63  }
0x216: {  	s21 =	sadd.s32 $0x2, s19  }
0x217: {  	p0 =	sge.u32 s21, s7  }
.Ltmp4:
0x218: {  	_ = 	snop;
	(pc) =	sbr.rel @p0 .LBB2_4-.Ltmp4, $1  }
0x219: {  	_ =	sdelay $0x3  }
0x21a: {  	s22 =	smulhi.u32 $0xAAAAAAAB, s21;
	_ =	sdelay $0x1  }
0x21b: {  	s22 =	sshrl.u32 s22, $0x1  }
0x21c: {  	s22 =	smul.u32 $0x3, s22;
	_ =	sdelay $0x1  }
0x21d: {  	p0 =	seq.s32 s19, $0x0;
	s22 =	ssub.s32 s21, s22  }
0x21e: {  	s23 =	sadd.s32 @!p0 $0x4, s22  }
0x21f: {  	s25 =	sadd.s32 s8, s21;
	_ =	swait.ge @!p0 [sflag:s23], $0x9A00  }
0x220: {  	s21 =	sshll.u32 s25, $0x9;
	[sflag:s23] =	ssyncset.done @!p0 $0x0  }
0x221: {  	[sflag:s23] =	ssyncadd.s32 @!p0 $0xFFFF6600;
	s23 =	sshra.s32 s21, $0x2  }
0x222: {  	v8 =	vld [tilespmem:s23+$0x0];
	_ =	sdelay $0x4  }
0x223: {  	v9 =	vshll.u32 v8, $0x2  }
0x224: {  	v8 =	vand.u32 $0x7, v8;
	v9 =	vand.u32 $0xFFFFFFE0, v9  }
0x225: {  	v8 =	vor.u32 v8, v9  }
0x226: {  	v9 =	vperm.xlane v8, v0;
	_ =	sdelay $0x1  }
0x227: {  	v9 =	vadd.s32 v1, v9  }
0x228: {  	s26 =	smul.u32 $0x28000, s22  }
0x229: {  	v8 =	vperm.xlane v8, v3  }
0x22a: {  	s21 =	sshra.s32 s26, $0x2  }
0x22b: {  	s22 =	sadd.s32 $0x1, s22;
	s24 =	sor.u32 $0x1000, s21;
	v8 =	vadd.s32 v1, v8  }
0x22c: {  	[tilespmem:s24], [sflag:s22] =	stream.indirect_vreg.gather [hbm4b:s1+s5], $0x80, v9, vm0, $0xb8;
	[tilespmem:$0x1FA00] =	vst v63  }
0x22d: {  	s28 =	sor.u32 $0x1800, s21  }
0x22e: {  	[tilespmem:s28], [sflag:s22] =	stream.indirect_vreg.gather [hbm4b:s11+s5], $0x80, v9, vm0, $0xb8;
	[tilespmem:$0x1FA00] =	vst v63  }
0x22f: {  	s29 =	sadd.s32 $0x2000, s21  }
0x230: {  	[tilespmem:s29], [sflag:s22] =	stream.indirect_vreg.gather [hbm4b:s1+s5], $0x80, v8, vm0, $0xb8;
	[tilespmem:$0x1FA00] =	vst v63  }
0x231: {  	s25 =	sadd.s32 $0x2800, s21  }
0x232: {  	[tilespmem:s25], [sflag:s22] =	stream.indirect_vreg.gather [hbm4b:s11+s5], $0x80, v8, vm0, $0xb8;
	[tilespmem:$0x1FA00] =	vst v63  }
0x233: {  	v8 =	vld [tilespmem:s23+$0x10];
	_ =	sdelay $0x4  }
0x234: {  	v60 =	vshll.u32 v8, $0x2  }
0x235: {  	v8 =	vand.u32 $0x7, v8;
	v9 =	vand.u32 $0xFFFFFFE0, v60  }
0x236: {  	v8 =	vor.u32 v8, v9  }
0x237: {  	v9 =	vperm.xlane v8, v0;
	_ =	sdelay $0x1  }
0x238: {  	v9 =	vadd.s32 v1, v9;
	_ =	sdelay $0x1  }
0x239: {  	v8 =	vperm.xlane v8, v3;
	_ =	sdelay $0x1  }
0x23a: {  	s26 =	sadd.s32 $0x3000, s21;
	v8 =	vadd.s32 v1, v8  }
0x23b: {  	[tilespmem:s26], [sflag:s22] =	stream.indirect_vreg.gather [hbm4b:s1+s5], $0x80, v9, vm0, $0xb8;
	[tilespmem:$0x1FA00] =	vst v63  }
0x23c: {  	s28 =	sadd.s32 $0x3800, s21  }
0x23d: {  	[tilespmem:s28], [sflag:s22] =	stream.indirect_vreg.gather [hbm4b:s11+s5], $0x80, v9, vm0, $0xb8;
	[tilespmem:$0x1FA00] =	vst v63  }
0x23e: {  	s29 =	sadd.s32 $0x4000, s21  }
0x23f: {  	[tilespmem:s29], [sflag:s22] =	stream.indirect_vreg.gather [hbm4b:s1+s5], $0x80, v8, vm0, $0xb8;
	[tilespmem:$0x1FA00] =	vst v63  }
0x240: {  	s25 =	sadd.s32 $0x4800, s21  }
0x241: {  	[tilespmem:s25], [sflag:s22] =	stream.indirect_vreg.gather [hbm4b:s11+s5], $0x80, v8, vm0, $0xb8;
	[tilespmem:$0x1FA00] =	vst v63  }
0x242: {  	v8 =	vld [tilespmem:s23+$0x20];
	_ =	sdelay $0x4  }
0x243: {  	v61 =	vshll.u32 v8, $0x2  }
0x244: {  	v8 =	vand.u32 $0x7, v8;
	v9 =	vand.u32 $0xFFFFFFE0, v61  }
0x245: {  	v8 =	vor.u32 v8, v9  }
0x246: {  	v9 =	vperm.xlane v8, v0;
	_ =	sdelay $0x1  }
0x247: {  	v9 =	vadd.s32 v1, v9;
	_ =	sdelay $0x1  }
0x248: {  	v8 =	vperm.xlane v8, v3;
	_ =	sdelay $0x1  }
0x249: {  	s26 =	sadd.s32 $0x5000, s21;
	v8 =	vadd.s32 v1, v8  }
0x24a: {  	[tilespmem:s26], [sflag:s22] =	stream.indirect_vreg.gather [hbm4b:s1+s5], $0x80, v9, vm0, $0xb8;
	[tilespmem:$0x1FA00] =	vst v63  }
0x24b: {  	s28 =	sadd.s32 $0x5800, s21  }
0x24c: {  	[tilespmem:s28], [sflag:s22] =	stream.indirect_vreg.gather [hbm4b:s11+s5], $0x80, v9, vm0, $0xb8;
	[tilespmem:$0x1FA00] =	vst v63  }
0x24d: {  	s29 =	sadd.s32 $0x6000, s21  }
0x24e: {  	[tilespmem:s29], [sflag:s22] =	stream.indirect_vreg.gather [hbm4b:s1+s5], $0x80, v8, vm0, $0xb8;
	[tilespmem:$0x1FA00] =	vst v63  }
0x24f: {  	s25 =	sadd.s32 $0x6800, s21  }
0x250: {  	[tilespmem:s25], [sflag:s22] =	stream.indirect_vreg.gather [hbm4b:s11+s5], $0x80, v8, vm0, $0xb8;
	[tilespmem:$0x1FA00] =	vst v63  }
0x251: {  	v8 =	vld [tilespmem:s23+$0x30];
	_ =	sdelay $0x4  }
0x252: {  	v62 =	vshll.u32 v8, $0x2  }
0x253: {  	v8 =	vand.u32 $0x7, v8;
	v9 =	vand.u32 $0xFFFFFFE0, v62  }
0x254: {  	v8 =	vor.u32 v8, v9  }
0x255: {  	v9 =	vperm.xlane v8, v0;
	_ =	sdelay $0x1  }
0x256: {  	v9 =	vadd.s32 v1, v9;
	_ =	sdelay $0x1  }
0x257: {  	v8 =	vperm.xlane v8, v3;
	_ =	sdelay $0x1  }
0x258: {  	s26 =	sadd.s32 $0x7000, s21;
	v8 =	vadd.s32 v1, v8  }
0x259: {  	[tilespmem:s26], [sflag:s22] =	stream.indirect_vreg.gather [hbm4b:s1+s5], $0x80, v9, vm0, $0xb8;
	[tilespmem:$0x1FA00] =	vst v63  }
0x25a: {  	s28 =	sadd.s32 $0x7800, s21  }
0x25b: {  	[tilespmem:s28], [sflag:s22] =	stream.indirect_vreg.gather [hbm4b:s11+s5], $0x80, v9, vm0, $0xb8;
	[tilespmem:$0x1FA00] =	vst v63  }
0x25c: {  	s29 =	sadd.s32 $0x8000, s21  }
0x25d: {  	[tilespmem:s29], [sflag:s22] =	stream.indirect_vreg.gather [hbm4b:s1+s5], $0x80, v8, vm0, $0xb8;
	[tilespmem:$0x1FA00] =	vst v63  }
0x25e: {  	s25 =	sadd.s32 $0x8800, s21;
	s23 =	sor.u32 $0x40, s23  }
0x25f: {  	[tilespmem:s25], [sflag:s22] =	stream.indirect_vreg.gather [hbm4b:s11+s5], $0x80, v8, vm0, $0xb8;
	[tilespmem:$0x1FA00] =	vst v63  }
0x260: {  	v8 =	vld.msk [tilespmem:s23+$0x0], $0x1fff;
	_ =	sdelay $0x4  }
0x261: {  	v63 =	vshll.u32 v8, $0x2  }
0x262: {  	v8 =	vand.u32 $0x7, v8;
	v9 =	vand.u32 $0xFFFFFFE0, v63  }
0x263: {  	v8 =	vor.u32 v8, v9  }
0x264: {  	v9 =	vperm.xlane v8, v0;
	_ =	sdelay $0x1  }
0x265: {  	v9 =	vadd.s32 v1, v9;
	_ =	sdelay $0x2  }
0x266: {  	v8 =	vperm.xlane v8, v3  }
0x267: {  	s26 =	sadd.s32 $0x9000, s21  }
0x268: {  	v8 =	vadd.s32 v1, v8;
	[tilespmem:s26], [sflag:s22] =	stream.indirect_vreg.gather [hbm4b:s1+s5], $0x80, v9, vm0, $0xb8;
	[tilespmem:$0x1FA00] =	vst v63  }
0x269: {  	s28 =	sadd.s32 $0x9800, s21  }
0x26a: {  	[tilespmem:s28], [sflag:s22] =	stream.indirect_vreg.gather [hbm4b:s11+s5], $0x80, v9, vm0, $0xb8;
	[tilespmem:$0x1FA00] =	vst v63  }
.Ltmp5:
0x26b: {  	_ = 	snop;
	(pc) =	sbr.rel .LBB2_4-.Ltmp5, $4  }
0x26c: {  	s29 =	sadd.s32 $0xA000, s21  }
0x26d: {  	[tilespmem:s29], [sflag:s22] =	stream.indirect_vreg.gather [hbm4b:s1+s5], $0x80, v8, vm1, $0xb8;
	[tilespmem:$0x1FA00] =	vst v63  }
0x26e: {  	s21 =	sadd.s32 $0xA800, s21  }
0x26f: {  	[tilespmem:s21], [sflag:s22] =	stream.indirect_vreg.gather [hbm4b:s11+s5], $0x80, v8, vm1, $0xb8;
	[tilespmem:$0x1FA00] =	vst v63  }
.LBB2_6:
0x270: {  	_ =	sfence.sel $0x180000  }
0x271: {  	[bflag:$0x0] =	sbarrier.arrive $0xFFFF  }
0x272: {  	_ =	strace $0x90000047  }
0x273: {  	s0 =	stileid.u32;
	[bflag:$0x2] =	sbarrier.arrive $0xFFFF  }
0x274: {  	p0 =	sne.s32 s0, $0x0;
	s0 =	rddreg [dreg:$0x4]  }
0x275: {  	s0 =	sadd.s32 @!p0 $0x100000, s0  }
0x276: {  	[sflag:s0] =	ssyncadd.tile.s32 @!p0 $0x1;
	_ =	shalt  }
.Lfunc_end2:
_tile_overlayer_lowered:
.L_overlay_start_2:
0x277: {  	(tag) =	ssettag $0x2  }
0x278: {  	s0 =	rddreg [dreg:$0x0];
	s2 =	stileid.u32  }
0x279: {  	s1 =	rddreg [dreg:$0x1];
	p0 =	sne.s32 s2, $0x0  }
0x27a: {  	s3 =	rddreg [dreg:$0x2];
	[bflag:$0x3] =	sbarrier.arrive $0xFFFF;
	s2 =	simm.s32 @!p0 $0x1C07  }
0x27b: {  	[timem:s3], [sflag:s2] =	dma.local @!p0 [hbm:s0], s1  }
0x27c: {  	s0 =	simm.s32 @!p0 $0x7  }
0x27d: {  	_ =	swait.ge @!p0 [sflag:s0], s1  }
0x27e: {  	s1 =	ssub.s32 @!p0 $0x0, s1;
	[sflag:s0] =	ssyncset.done @!p0 $0x0  }
0x27f: {  	[sflag:s0] =	ssyncadd.s32 @!p0 s1  }
0x280: {  	[bflag:$0x3] =	sbarrier.arrive $0xFFFF  }
0x281: {  	_ =	shalt  }

</sc_bundles>
